<compile_context>
chip_gen: v7x
topology: tpu7x:2x2x1
jax: 0.10.2.dev20260603
libtpu: 0.0.44.dev20260713+nightly
codegen_flags: <defaults>
</compile_context>

<pallas_src>
import functools

import jax
import jax.numpy as jnp
from jax import lax
from jax.experimental import pallas as pl
from jax.experimental.pallas import tpu as pltpu
from jax.experimental.pallas import tpu_sc as plsc

N = 10000
E = 160000
E_PAD = 163840
CHUNK = 128
N_ACC = 10240
NT = 16
RPT = 632
BM = 2000

_MESH = dict(core_axis_name="c", subcore_axis_name="s")


def _per_tile_rows(s, fn):
    @pl.when(s < NT - 1)
    def _():
        fn(s * RPT, RPT)

    @pl.when(s == NT - 1)
    def _():
        fn((NT - 1) * RPT, N - (NT - 1) * RPT)



def _deg_body(dst_hbm, vals_hbm, out_hbm, dstb, ones_v, acc, sem):
    c = lax.axis_index("c")
    s = lax.axis_index("s")
    nw = E_PAD // (2 * NT * CHUNK)
    pltpu.sync_copy(vals_hbm.at[c], ones_v)
    pltpu.sync_copy(dst_hbm.at[pl.ds((c * NT + s) * nw, nw)], dstb)
    for k in range(5):
        pltpu.sync_copy(ones_v, acc.at[pl.ds(s * 640 + k * CHUNK, CHUNK)])
    plsc.subcore_barrier()

    def fire(w, carry):
        pltpu.async_copy(ones_v, acc.at[dstb.at[w]], sem, add=True)
        return carry

    def drain(w, carry):
        pltpu.make_async_copy(ones_v, acc.at[dstb.at[w]], sem).wait()
        return carry

    lax.fori_loop(0, nw, fire, 0)
    lax.fori_loop(0, nw, drain, 0)
    plsc.subcore_barrier()

    def copy_out(off, nrows):
        pltpu.sync_copy(acc.at[pl.ds(off, nrows)],
                        out_hbm.at[pl.ds(c * N + off, nrows)])

    _per_tile_rows(s, copy_out)


@functools.partial(
    pl.kernel,
    out_type=jax.ShapeDtypeStruct((2 * N, 16), jnp.float32),
    mesh=plsc.VectorSubcoreMesh(**_MESH),
    scratch_types=[
        pltpu.VMEM((E_PAD // (2 * NT * CHUNK), CHUNK), jnp.int32),
        pltpu.VMEM((CHUNK, 16), jnp.float32),
        pltpu.VMEM_SHARED((10240, 16), jnp.float32),
        pltpu.SemaphoreType.DMA,
    ],
)
def _deg(dst_hbm, vals_hbm, out_hbm, dstb, ones_v, acc, sem):
    _deg_body(dst_hbm, vals_hbm, out_hbm, dstb, ones_v, acc, sem)


NB = 2


def _make_prop(split):
    nw = (E_PAD // (NT * CHUNK)) if split else (E_PAD // (2 * NT * CHUNK))

    phases = (40, 40) if split else (24, 16)

    def body(y_hbm, src_hbm, dst_hbm, out_hbm, srcb, dstb, r0, r1, acc,
             *sems):
        rows = (r0, r1)
        gsem = sems[:NB]
        ssem = sems[NB:]
        c = lax.axis_index("c")
        s = lax.axis_index("s")
        srow = (c * NT + s) * nw
        drow = s * nw if split else srow

        zbuf = rows[1]
        zsem = ssem[0]

        def zrow(j, cc):
            zbuf[j // 8, pl.ds((j % 8) * 16, 16)] = jnp.zeros(
                (16,), jnp.float32)
            return cc

        lax.fori_loop(0, CHUNK * 8, zrow, 0)

        def zero_in(off, nrows):
            nfull = nrows // CHUNK
            for k in range(nfull):
                pltpu.async_copy(zbuf, acc.at[pl.ds(off + k * CHUNK, CHUNK)],
                                 zsem)
            rem = nrows - nfull * CHUNK
            pltpu.async_copy(zbuf.at[pl.ds(0, rem)],
                             acc.at[pl.ds(off + nfull * CHUNK, rem)], zsem)

        def zero_drain(off, nrows):
            nfull = nrows // CHUNK
            for k in range(nfull):
                pltpu.make_async_copy(
                    zbuf, acc.at[pl.ds(off + k * CHUNK, CHUNK)],
                    zsem).wait()
            rem = nrows - nfull * CHUNK
            pltpu.make_async_copy(
                zbuf.at[pl.ds(0, rem)],
                acc.at[pl.ds(off + nfull * CHUNK, rem)], zsem).wait()

        _per_tile_rows(s, zero_in)

        def gstart(w, par):
            pltpu.async_copy(y_hbm.at[srcb.at[w]], rows[par], gsem[par])

        def gwait(w, par):
            pltpu.make_async_copy(y_hbm.at[srcb.at[w]], rows[par],
                                  gsem[par]).wait()

        def sstart(w, par):
            pltpu.async_copy(rows[par], acc.at[dstb.at[w]], ssem[par],
                             add=True)

        def swait(w, par):
            pltpu.make_async_copy(rows[par], acc.at[dstb.at[w]],
                                  ssem[par]).wait()

        def load_idx(off, cnt):
            pltpu.sync_copy(src_hbm.at[pl.ds(srow + off, cnt)],
                            srcb.at[pl.ds(0, cnt)])
            pltpu.sync_copy(dst_hbm.at[pl.ds(drow + off, cnt)],
                            dstb.at[pl.ds(0, cnt)])

        load_idx(0, phases[0])
        gstart(0, 0)
        _per_tile_rows(s, zero_drain)
        plsc.subcore_barrier()

        def run_phase(off, cnt, preloaded=False):
            if not preloaded:
                load_idx(off, cnt)
                gstart(0, 0)

            def outer(wo, cc):
                for par in range(NB):
                    w = wo * NB + par

                    @pl.when(w >= 1)
                    def _():
                        swait(w - 1, (par + 1) % NB)

                    @pl.when(w + 1 < cnt)
                    def _():
                        gstart(w + 1, (par + 1) % NB)

                    gwait(w, par)
                    sstart(w, par)
                return cc

            lax.fori_loop(0, cnt // NB, outer, 0)
            swait(cnt - 1, (cnt + 1) % NB)

        off = 0
        for i, cnt in enumerate(phases):
            run_phase(off, cnt, preloaded=(i == 0))
            off += cnt
        plsc.subcore_barrier()

        def copy_out(off, nrows):
            pltpu.sync_copy(acc.at[pl.ds(off, nrows)],
                            out_hbm.at[pl.ds(c * N + off, nrows)])

        _per_tile_rows(s, copy_out)

    return pl.kernel(
        body,
        out_type=jax.ShapeDtypeStruct((2 * N, 128), jnp.float32),
        mesh=plsc.VectorSubcoreMesh(**_MESH),
        scratch_types=(
            [pltpu.VMEM((max((40, 40) if split else (24, 16)), CHUNK),
                        jnp.int32)] * 2
            + [pltpu.VMEM((CHUNK, 128), jnp.float32)] * NB
            + [pltpu.VMEM_SHARED((N_ACC, 128), jnp.float32)]
            + [pltpu.SemaphoreType.DMA] * (2 * NB)
        ),
    )


_prop256 = _make_prop(True)
_prop128p = _make_prop(False)



def _dinv_of(p_ref):
    return lax.rsqrt(p_ref[0, :, 0:1] + p_ref[1, :, 0:1])


def _mm1_body(x_ref, w_ref, p_ref, o_ref):
    dinv = _dinv_of(p_ref)
    v = jnp.dot(x_ref[...], w_ref[...],
                preferred_element_type=jnp.float32) * dinv
    o_ref[0] = v[:, :128]
    o_ref[1] = v[:, 128:]


def _mm2_body(s1_ref, y1_ref, p_ref, b_ref, w_ref, o_ref):
    dinv = _dinv_of(p_ref)
    h = (jnp.concatenate([s1_ref[0] + y1_ref[0], s1_ref[1] + y1_ref[1]],
                         axis=1) * dinv + b_ref[...])
    h = jnp.maximum(h, 0.0)
    o_ref[...] = jnp.dot(h, w_ref[...],
                         preferred_element_type=jnp.float32) * dinv


def _z_body(s2_ref, y2_ref, p_ref, b_ref, z_ref, zs_ref):
    dinv = _dinv_of(p_ref)
    z = (s2_ref[0] + s2_ref[1] + y2_ref[...]) * dinv + b_ref[...]
    z_ref[...] = z
    zs_ref[...] = z * dinv


def _out_body(s3_ref, zs_ref, p_ref, w_ref, b_ref, o_ref):
    dinv = _dinv_of(p_ref)
    pz = (s3_ref[0] + s3_ref[1] + zs_ref[...]) * dinv
    o_ref[...] = (jnp.dot(pz, w_ref[...], preferred_element_type=jnp.float32)
                  + b_ref[...])


def _p_spec():
    return pl.BlockSpec((2, BM, 16), lambda i: (0, i, 0))


def _mm1(x, w1, p):
    return pl.pallas_call(
        _mm1_body,
        grid=(N // BM,),
        in_specs=[pl.BlockSpec((BM, 256), lambda i: (i, 0)),
                  pl.BlockSpec((256, 256), lambda i: (0, 0)),
                  _p_spec()],
        out_specs=pl.BlockSpec((2, BM, 128), lambda i: (0, i, 0)),
        out_shape=jax.ShapeDtypeStruct((2, N, 128), jnp.float32),
    )(x, w1, p)


def _mm2(s1, y1, p, b1, w2):
    return pl.pallas_call(
        _mm2_body,
        grid=(N // BM,),
        in_specs=[pl.BlockSpec((2, BM, 128), lambda i: (0, i, 0)),
                  pl.BlockSpec((2, BM, 128), lambda i: (0, i, 0)),
                  _p_spec(),
                  pl.BlockSpec((1, 256), lambda i: (0, 0)),
                  pl.BlockSpec((256, 128), lambda i: (0, 0))],
        out_specs=pl.BlockSpec((BM, 128), lambda i: (i, 0)),
        out_shape=jax.ShapeDtypeStruct((N, 128), jnp.float32),
    )(s1, y1, p, b1, w2)


def _zk(s2, y2, p, b2):
    return pl.pallas_call(
        _z_body,
        grid=(N // BM,),
        in_specs=[pl.BlockSpec((2, BM, 128), lambda i: (0, i, 0)),
                  pl.BlockSpec((BM, 128), lambda i: (i, 0)),
                  _p_spec(),
                  pl.BlockSpec((1, 128), lambda i: (0, 0))],
        out_specs=[pl.BlockSpec((BM, 128), lambda i: (i, 0)),
                   pl.BlockSpec((BM, 128), lambda i: (i, 0))],
        out_shape=[jax.ShapeDtypeStruct((N, 128), jnp.float32),
                   jax.ShapeDtypeStruct((N, 128), jnp.float32)],
    )(s2, y2, p, b2)


def _outk(s3, zs, p, w3, b3):
    return pl.pallas_call(
        _out_body,
        grid=(N // BM,),
        in_specs=[pl.BlockSpec((2, BM, 128), lambda i: (0, i, 0)),
                  pl.BlockSpec((BM, 128), lambda i: (i, 0)),
                  _p_spec(),
                  pl.BlockSpec((128, 256), lambda i: (0, 0)),
                  pl.BlockSpec((1, 256), lambda i: (0, 0))],
        out_specs=pl.BlockSpec((BM, 256), lambda i: (i, 0)),
        out_shape=jax.ShapeDtypeStruct((N, 256), jnp.float32),
    )(s3, zs, p, w3, b3)



def kernel(x, edge_index, W1, b1, W2, b2, W3, b3):
    src = edge_index[0].astype(jnp.int32)
    dst = edge_index[1].astype(jnp.int32)
    pad = E_PAD - E
    fill = jnp.arange(pad, dtype=jnp.int32)
    src_p = jnp.concatenate([src, fill % N])
    dst_p = jnp.concatenate([dst, N + fill % (N_ACC - N)])
    src2 = src_p.reshape(-1, CHUNK)
    srcB = jnp.concatenate([src_p, src_p + N]).reshape(-1, CHUNK)
    dst2 = dst_p.reshape(-1, CHUNK)
    vals = jnp.stack([jnp.ones((CHUNK, 16), jnp.float32),
                      jnp.zeros((CHUNK, 16), jnp.float32)])

    p = _deg(dst2, vals).reshape(2, N, 16)
    y1 = _mm1(x, W1, p)
    s1 = _prop256(y1.reshape(2 * N, 128), srcB, dst2).reshape(2, N, 128)
    y2 = _mm2(s1, y1, p, b1.reshape(1, -1), W2)
    s2 = _prop128p(y2, src2, dst2).reshape(2, N, 128)
    z, zs = _zk(s2, y2, p, b2.reshape(1, -1))
    s3 = _prop128p(zs, src2, dst2).reshape(2, N, 128)
    out = _outk(s3, zs, p, W3, b3.reshape(1, -1))
    return (out, z)

# --- scband reference (transcript-rebuilt; emitter-appended) ---
"""Pipeline reference for scband-gcnautoencoder-45500883534473 (READ-ONLY COPY).

The authoritative reference and input builder live on the scoring server;
editing this copy changes nothing except your own understanding.
"""

import jax, jax.numpy as jnp
import numpy as np

N_NODES = 10000
IN_CH = 256
HID_CH = 256
OUT_CH = 128
N_EDGES = 160000


def gcn_conv(x, edge_index, W, b, n_nodes):
    # PyG GCNConv: add self-loops, symmetric normalization D^{-1/2}(A+I)D^{-1/2} X W + b
    src = edge_index[0]
    dst = edge_index[1]
    loop = jnp.arange(n_nodes, dtype=edge_index.dtype)
    src = jnp.concatenate([src, loop])
    dst = jnp.concatenate([dst, loop])
    xw = x @ W
    deg = jnp.zeros((n_nodes,), dtype=x.dtype).at[dst].add(1.0)
    deg_inv_sqrt = jnp.where(deg > 0, jax.lax.rsqrt(jnp.maximum(deg, 1e-12)), 0.0)
    norm = deg_inv_sqrt[src] * deg_inv_sqrt[dst]
    msg = xw[src] * norm[:, None]
    out = jnp.zeros((n_nodes, W.shape[1]), dtype=x.dtype).at[dst].add(msg)
    return out + b


def setup_inputs(seed: int = 0) -> dict:
    key = jax.random.key(seed)
    k_x, k_e, k1, k2, k3 = jax.random.split(key, 5)
    x = jax.random.normal(k_x, (N_NODES, IN_CH), dtype=jnp.float32)
    edge_index = jax.random.randint(k_e, (2, N_EDGES), 0, N_NODES, dtype=jnp.int64)
    s1 = 1.0 / np.sqrt(IN_CH)
    s2 = 1.0 / np.sqrt(HID_CH)
    s3 = 1.0 / np.sqrt(OUT_CH)
    W1 = jax.random.uniform(k1, (IN_CH, HID_CH), jnp.float32, -s1, s1)
    b1 = jnp.zeros((HID_CH,), jnp.float32)
    W2 = jax.random.uniform(k2, (HID_CH, OUT_CH), jnp.float32, -s2, s2)
    b2 = jnp.zeros((OUT_CH,), jnp.float32)
    W3 = jax.random.uniform(k3, (OUT_CH, IN_CH), jnp.float32, -s3, s3)
    b3 = jnp.zeros((IN_CH,), jnp.float32)
    return {"x": x, "edge_index": edge_index, "W1": W1, "b1": b1, "W2": W2, "b2": b2, "W3": W3, "b3": b3}


def reference(x, edge_index, W1, b1, W2, b2, W3, b3):
    n = x.shape[0]
    # Encoder
    h = gcn_conv(x, edge_index, W1, b1, n)
    h = jax.nn.relu(h)
    z = gcn_conv(h, edge_index, W2, b2, n)
    # Decoder
    out = gcn_conv(z, edge_index, W3, b3, n)
    return (out, z)

if __name__ == "__main__":
    import jax
    _d = setup_inputs()
    print(jax.jit(kernel)(*tuple(_d.values())))

</pallas_src>

<mosaic_0001>
#map = affine_map<(d0, d1) -> (0, 0)>
module attributes {stable_mosaic.version = 14 : i64} {
  func.func @body(%arg0: i32, %arg1: i32, %arg2: memref<20000x128xf32, #tpu.memory_space<hbm>>, %arg3: memref<2560x128xi32, #tpu.memory_space<hbm>>, %arg4: memref<1280x128xi32, #tpu.memory_space<hbm>>, %arg5: memref<20000x128xf32, #tpu.memory_space<hbm>>, %arg6: memref<40x128xi32, #tpu.memory_space<vmem>>, %arg7: memref<40x128xi32, #tpu.memory_space<vmem>>, %arg8: memref<128x128xf32, #tpu.memory_space<vmem>>, %arg9: memref<128x128xf32, #tpu.memory_space<vmem>>, %arg10: memref<10240x128xf32, #tpu.memory_space<vmem_shared>>, %arg11: memref<!tpu.dma_semaphore, #tpu.memory_space<semaphore_mem>>, %arg12: memref<!tpu.dma_semaphore, #tpu.memory_space<semaphore_mem>>, %arg13: memref<!tpu.dma_semaphore, #tpu.memory_space<semaphore_mem>>, %arg14: memref<!tpu.dma_semaphore, #tpu.memory_space<semaphore_mem>>) attributes {dimension_semantics = [#tpu.dimension_semantics<core_parallel>, #tpu.dimension_semantics<subcore_parallel>], iteration_bounds = array<i64: 2, 16>, scalar_prefetch = 0 : i64, scratch_operands = 9 : i64, tpu.core_type = #tpu.core_type<sc_vector_subcore>, window_params = [{transform_indices = #map}, {transform_indices = #map}, {transform_indices = #map}, {transform_indices = #map}]} {
    %mul3A = arith.constant 16 : i32
    %mul3A_0 = arith.muli %arg0, %mul3A : i32
    %add3A = arith.addi %mul3A_0, %arg1 : i32
    %mul3A_1 = arith.constant 80 : i32
    %mul3A_2 = arith.muli %add3A, %mul3A_1 : i32
    %mul3A_3 = arith.constant 80 : i32
    %mul3A_4 = arith.muli %arg1, %mul3A_3 : i32
    %scan3A = arith.constant 0 : i32
    %scan3A_5 = arith.constant 0 : i32
    %scan3A_6 = arith.constant 1024 : i32
    %scan3A_7 = arith.addi %scan3A_5, %scan3A_6 : i32
    %scan3A_8 = arith.constant 1 : i32
    scf.for %scan3A_83 = %scan3A_5 to %scan3A_7 step %scan3A_8  : i32 {
      %broadcast_in_dim3A = arith.constant 0.000000e+00 : f32
      %broadcast_in_dim3A_84 = vector.broadcast %broadcast_in_dim3A : f32 to vector<16xf32>
      %jit3A = arith.constant 8 : i32
      %div3A = arith.divsi %scan3A_83, %jit3A : i32
      %sign3A = arith.constant 0 : i32
      %sign3A_85 = arith.cmpi sgt, %scan3A_83, %sign3A : i32
      %sign3A_86 = arith.extui %sign3A_85 : i1 to i32
      %sign3A_87 = arith.constant 0 : i32
      %sign3A_88 = arith.cmpi slt, %scan3A_83, %sign3A_87 : i32
      %sign3A_89 = arith.extui %sign3A_88 : i1 to i32
      %sign3A_90 = arith.subi %sign3A_86, %sign3A_89 : i32
      %sign3A_91 = arith.constant 0 : i32
      %sign3A_92 = arith.cmpi sgt, %jit3A, %sign3A_91 : i32
      %sign3A_93 = arith.extui %sign3A_92 : i1 to i32
      %sign3A_94 = arith.constant 0 : i32
      %sign3A_95 = arith.cmpi slt, %jit3A, %sign3A_94 : i32
      %sign3A_96 = arith.extui %sign3A_95 : i1 to i32
      %sign3A_97 = arith.subi %sign3A_93, %sign3A_96 : i32
      %ne3A = arith.cmpi ne, %sign3A_90, %sign3A_97 : i32
      %rem3A = arith.remsi %scan3A_83, %jit3A : i32
      %ne3A_98 = arith.constant 0 : i32
      %ne3A_99 = arith.cmpi ne, %rem3A, %ne3A_98 : i32
      %and3A = arith.andi %ne3A, %ne3A_99 : i1
      %sub3A = arith.constant 1 : i32
      %sub3A_100 = arith.subi %div3A, %sub3A : i32
      %select_n3A = arith.select %and3A, %sub3A_100, %div3A : i32
      %jit3A_101 = arith.constant 8 : i32
      %eq3A_102 = arith.constant 0 : i32
      %eq3A_103 = arith.cmpi eq, %jit3A_101, %eq3A_102 : i32
      %jit3A_104 = arith.constant 1 : i32
      %select_n3A_105 = arith.select %eq3A_103, %jit3A_104, %jit3A_101 : i32
      %rem3A_106 = arith.remsi %scan3A_83, %select_n3A_105 : i32
      %ne3A_107 = arith.constant 0 : i32
      %ne3A_108 = arith.cmpi ne, %rem3A_106, %ne3A_107 : i32
      %lt3A_109 = arith.constant 0 : i32
      %lt3A_110 = arith.cmpi slt, %rem3A_106, %lt3A_109 : i32
      %lt3A_111 = arith.constant 0 : i32
      %lt3A_112 = arith.cmpi slt, %select_n3A_105, %lt3A_111 : i32
      %ne3A_113 = arith.xori %lt3A_110, %lt3A_112 : i1
      %and3A_114 = arith.andi %ne3A_113, %ne3A_108 : i1
      %add3A_115 = arith.addi %rem3A_106, %select_n3A_105 : i32
      %select_n3A_116 = arith.select %and3A_114, %add3A_115, %rem3A_106 : i32
      %mul3A_117 = arith.constant 16 : i32
      %mul3A_118 = arith.muli %select_n3A_116, %mul3A_117 : i32
      %swap3A = arith.index_cast %select_n3A : i32 to index
      %swap3A_119 = arith.index_cast %mul3A_118 : i32 to index
      %swap3A_120 = tpu.vector_load %arg9[%swap3A, %swap3A_119] {strides = array<i32>} : memref<128x128xf32, #tpu.memory_space<vmem>>, vector<1x16xf32>,
      %swap3A_121 = vector.shape_cast %swap3A_120 : vector<1x16xf32> to vector<16xf32>
      %swap3A_122 = vector.shape_cast %broadcast_in_dim3A_84 : vector<16xf32> to vector<1x16xf32>
      tpu.vector_store %arg9[%swap3A, %swap3A_119], %swap3A_122 {strides = array<i32>} : memref<128x128xf32, #tpu.memory_space<vmem>>, vector<1x16xf32>,
    }
    %scan3A_9 = arith.constant 1024 : i32
    %lt3A = arith.constant 15 : i32
    %lt3A_10 = arith.cmpi slt, %arg1, %lt3A : i32
    %convert_element_type3A = arith.extui %lt3A_10 : i1 to i32
    %cond3A = arith.constant 0 : i32
    %cond3A_11 = arith.cmpi ne, %convert_element_type3A, %cond3A : i32
    scf.if %cond3A_11 {
      %mul3A_83 = arith.constant 632 : i32
      %mul3A_84 = arith.muli %arg1, %mul3A_83 : i32
      %add3A_85 = arith.constant 0 : i32
      %add3A_86 = arith.addi %mul3A_84, %add3A_85 : i32
      %dma_start3A_87 = arith.constant 0 : i32
      %dma_start3A_88 = tpu.memref_slice %arg10[%add3A_86, %dma_start3A_87] : memref<10240x128xf32, #tpu.memory_space<vmem_shared>> -> memref<128x128xf32, #tpu.memory_space<vmem_shared>>
      %dma_start3A_89 = arith.constant 0 : i32
      %dma_start3A_90 = tpu.memref_slice %arg10[%add3A_86, %dma_start3A_89] : memref<10240x128xf32, #tpu.memory_space<vmem_shared>> -> memref<128x128xf32, #tpu.memory_space<vmem_shared>>
      tpu.enqueue_dma source(%arg9 : memref<128x128xf32, #tpu.memory_space<vmem>>) target(%dma_start3A_90 : memref<128x128xf32, #tpu.memory_space<vmem_shared>>) target_semaphore(%arg13 : memref<!tpu.dma_semaphore, #tpu.memory_space<semaphore_mem>>)
      %add3A_91 = arith.constant 128 : i32
      %add3A_92 = arith.addi %mul3A_84, %add3A_91 : i32
      %dma_start3A_93 = arith.constant 0 : i32
      %dma_start3A_94 = tpu.memref_slice %arg10[%add3A_92, %dma_start3A_93] : memref<10240x128xf32, #tpu.memory_space<vmem_shared>> -> memref<128x128xf32, #tpu.memory_space<vmem_shared>>
      %dma_start3A_95 = arith.constant 0 : i32
      %dma_start3A_96 = tpu.memref_slice %arg10[%add3A_92, %dma_start3A_95] : memref<10240x128xf32, #tpu.memory_space<vmem_shared>> -> memref<128x128xf32, #tpu.memory_space<vmem_shared>>
      tpu.enqueue_dma source(%arg9 : memref<128x128xf32, #tpu.memory_space<vmem>>) target(%dma_start3A_96 : memref<128x128xf32, #tpu.memory_space<vmem_shared>>) target_semaphore(%arg13 : memref<!tpu.dma_semaphore, #tpu.memory_space<semaphore_mem>>)
      %add3A_97 = arith.constant 256 : i32
      %add3A_98 = arith.addi %mul3A_84, %add3A_97 : i32
      %dma_start3A_99 = arith.constant 0 : i32
      %dma_start3A_100 = tpu.memref_slice %arg10[%add3A_98, %dma_start3A_99] : memref<10240x128xf32, #tpu.memory_space<vmem_shared>> -> memref<128x128xf32, #tpu.memory_space<vmem_shared>>
      %dma_start3A_101 = arith.constant 0 : i32
      %dma_start3A_102 = tpu.memref_slice %arg10[%add3A_98, %dma_start3A_101] : memref<10240x128xf32, #tpu.memory_space<vmem_shared>> -> memref<128x128xf32, #tpu.memory_space<vmem_shared>>
      tpu.enqueue_dma source(%arg9 : memref<128x128xf32, #tpu.memory_space<vmem>>) target(%dma_start3A_102 : memref<128x128xf32, #tpu.memory_space<vmem_shared>>) target_semaphore(%arg13 : memref<!tpu.dma_semaphore, #tpu.memory_space<semaphore_mem>>)
      %add3A_103 = arith.constant 384 : i32
      %add3A_104 = arith.addi %mul3A_84, %add3A_103 : i32
      %dma_start3A_105 = arith.constant 0 : i32
      %dma_start3A_106 = tpu.memref_slice %arg10[%add3A_104, %dma_start3A_105] : memref<10240x128xf32, #tpu.memory_space<vmem_shared>> -> memref<128x128xf32, #tpu.memory_space<vmem_shared>>
      %dma_start3A_107 = arith.constant 0 : i32
      %dma_start3A_108 = tpu.memref_slice %arg10[%add3A_104, %dma_start3A_107] : memref<10240x128xf32, #tpu.memory_space<vmem_shared>> -> memref<128x128xf32, #tpu.memory_space<vmem_shared>>
      tpu.enqueue_dma source(%arg9 : memref<128x128xf32, #tpu.memory_space<vmem>>) target(%dma_start3A_108 : memref<128x128xf32, #tpu.memory_space<vmem_shared>>) target_semaphore(%arg13 : memref<!tpu.dma_semaphore, #tpu.memory_space<semaphore_mem>>)
      %add3A_109 = arith.constant 512 : i32
      %add3A_110 = arith.addi %mul3A_84, %add3A_109 : i32
      %dma_start3A_111 = arith.constant 0 : i32
      %dma_start3A_112 = arith.constant 0 : i32
      %dma_start3A_113 = tpu.memref_slice %arg9[%dma_start3A_111, %dma_start3A_112] : memref<128x128xf32, #tpu.memory_space<vmem>> -> memref<120x128xf32, #tpu.memory_space<vmem>>
      %dma_start3A_114 = arith.constant 0 : i32
      %dma_start3A_115 = tpu.memref_slice %arg10[%add3A_110, %dma_start3A_114] : memref<10240x128xf32, #tpu.memory_space<vmem_shared>> -> memref<120x128xf32, #tpu.memory_space<vmem_shared>>
      %dma_start3A_116 = arith.constant 0 : i32
      %dma_start3A_117 = tpu.memref_slice %arg10[%add3A_110, %dma_start3A_116] : memref<10240x128xf32, #tpu.memory_space<vmem_shared>> -> memref<120x128xf32, #tpu.memory_space<vmem_shared>>
      %dma_start3A_118 = arith.constant 0 : i32
      %dma_start3A_119 = arith.constant 0 : i32
      %dma_start3A_120 = tpu.memref_slice %arg9[%dma_start3A_118, %dma_start3A_119] : memref<128x128xf32, #tpu.memory_space<vmem>> -> memref<120x128xf32, #tpu.memory_space<vmem>>
      tpu.enqueue_dma source(%dma_start3A_120 : memref<120x128xf32, #tpu.memory_space<vmem>>) target(%dma_start3A_117 : memref<120x128xf32, #tpu.memory_space<vmem_shared>>) target_semaphore(%arg13 : memref<!tpu.dma_semaphore, #tpu.memory_space<semaphore_mem>>)
    } else {
    }
    %eq3A = arith.constant 15 : i32
    %eq3A_12 = arith.cmpi eq, %arg1, %eq3A : i32
    %convert_element_type3A_13 = arith.extui %eq3A_12 : i1 to i32
    %cond3A_14 = arith.constant 0 : i32
    %cond3A_15 = arith.cmpi ne, %convert_element_type3A_13, %cond3A_14 : i32
    scf.if %cond3A_15 {
      %dma_start3A_83 = arith.constant 9480 : i32
      %dma_start3A_84 = arith.constant 0 : i32
      %dma_start3A_85 = tpu.memref_slice %arg10[%dma_start3A_83, %dma_start3A_84] : memref<10240x128xf32, #tpu.memory_space<vmem_shared>> -> memref<128x128xf32, #tpu.memory_space<vmem_shared>>
      %dma_start3A_86 = arith.constant 9480 : i32
      %dma_start3A_87 = arith.constant 0 : i32
      %dma_start3A_88 = tpu.memref_slice %arg10[%dma_start3A_86, %dma_start3A_87] : memref<10240x128xf32, #tpu.memory_space<vmem_shared>> -> memref<128x128xf32, #tpu.memory_space<vmem_shared>>
      tpu.enqueue_dma source(%arg9 : memref<128x128xf32, #tpu.memory_space<vmem>>) target(%dma_start3A_88 : memref<128x128xf32, #tpu.memory_space<vmem_shared>>) target_semaphore(%arg13 : memref<!tpu.dma_semaphore, #tpu.memory_space<semaphore_mem>>)
      %dma_start3A_89 = arith.constant 9608 : i32
      %dma_start3A_90 = arith.constant 0 : i32
      %dma_start3A_91 = tpu.memref_slice %arg10[%dma_start3A_89, %dma_start3A_90] : memref<10240x128xf32, #tpu.memory_space<vmem_shared>> -> memref<128x128xf32, #tpu.memory_space<vmem_shared>>
      %dma_start3A_92 = arith.constant 9608 : i32
      %dma_start3A_93 = arith.constant 0 : i32
      %dma_start3A_94 = tpu.memref_slice %arg10[%dma_start3A_92, %dma_start3A_93] : memref<10240x128xf32, #tpu.memory_space<vmem_shared>> -> memref<128x128xf32, #tpu.memory_space<vmem_shared>>
      tpu.enqueue_dma source(%arg9 : memref<128x128xf32, #tpu.memory_space<vmem>>) target(%dma_start3A_94 : memref<128x128xf32, #tpu.memory_space<vmem_shared>>) target_semaphore(%arg13 : memref<!tpu.dma_semaphore, #tpu.memory_space<semaphore_mem>>)
      %dma_start3A_95 = arith.constant 9736 : i32
      %dma_start3A_96 = arith.constant 0 : i32
      %dma_start3A_97 = tpu.memref_slice %arg10[%dma_start3A_95, %dma_start3A_96] : memref<10240x128xf32, #tpu.memory_space<vmem_shared>> -> memref<128x128xf32, #tpu.memory_space<vmem_shared>>
      %dma_start3A_98 = arith.constant 9736 : i32
      %dma_start3A_99 = arith.constant 0 : i32
      %dma_start3A_100 = tpu.memref_slice %arg10[%dma_start3A_98, %dma_start3A_99] : memref<10240x128xf32, #tpu.memory_space<vmem_shared>> -> memref<128x128xf32, #tpu.memory_space<vmem_shared>>
      tpu.enqueue_dma source(%arg9 : memref<128x128xf32, #tpu.memory_space<vmem>>) target(%dma_start3A_100 : memref<128x128xf32, #tpu.memory_space<vmem_shared>>) target_semaphore(%arg13 : memref<!tpu.dma_semaphore, #tpu.memory_space<semaphore_mem>>)
      %dma_start3A_101 = arith.constant 9864 : i32
      %dma_start3A_102 = arith.constant 0 : i32
      %dma_start3A_103 = tpu.memref_slice %arg10[%dma_start3A_101, %dma_start3A_102] : memref<10240x128xf32, #tpu.memory_space<vmem_shared>> -> memref<128x128xf32, #tpu.memory_space<vmem_shared>>
      %dma_start3A_104 = arith.constant 9864 : i32
      %dma_start3A_105 = arith.constant 0 : i32
      %dma_start3A_106 = tpu.memref_slice %arg10[%dma_start3A_104, %dma_start3A_105] : memref<10240x128xf32, #tpu.memory_space<vmem_shared>> -> memref<128x128xf32, #tpu.memory_space<vmem_shared>>
      tpu.enqueue_dma source(%arg9 : memref<128x128xf32, #tpu.memory_space<vmem>>) target(%dma_start3A_106 : memref<128x128xf32, #tpu.memory_space<vmem_shared>>) target_semaphore(%arg13 : memref<!tpu.dma_semaphore, #tpu.memory_space<semaphore_mem>>)
      %dma_start3A_107 = arith.constant 0 : i32
      %dma_start3A_108 = arith.constant 0 : i32
      %dma_start3A_109 = tpu.memref_slice %arg9[%dma_start3A_107, %dma_start3A_108] : memref<128x128xf32, #tpu.memory_space<vmem>> -> memref<8x128xf32, #tpu.memory_space<vmem>>
      %dma_start3A_110 = arith.constant 9992 : i32
      %dma_start3A_111 = arith.constant 0 : i32
      %dma_start3A_112 = tpu.memref_slice %arg10[%dma_start3A_110, %dma_start3A_111] : memref<10240x128xf32, #tpu.memory_space<vmem_shared>> -> memref<8x128xf32, #tpu.memory_space<vmem_shared>>
      %dma_start3A_113 = arith.constant 9992 : i32
      %dma_start3A_114 = arith.constant 0 : i32
      %dma_start3A_115 = tpu.memref_slice %arg10[%dma_start3A_113, %dma_start3A_114] : memref<10240x128xf32, #tpu.memory_space<vmem_shared>> -> memref<8x128xf32, #tpu.memory_space<vmem_shared>>
      %dma_start3A_116 = arith.constant 0 : i32
      %dma_start3A_117 = arith.constant 0 : i32
      %dma_start3A_118 = tpu.memref_slice %arg9[%dma_start3A_116, %dma_start3A_117] : memref<128x128xf32, #tpu.memory_space<vmem>> -> memref<8x128xf32, #tpu.memory_space<vmem>>
      tpu.enqueue_dma source(%dma_start3A_118 : memref<8x128xf32, #tpu.memory_space<vmem>>) target(%dma_start3A_115 : memref<8x128xf32, #tpu.memory_space<vmem_shared>>) target_semaphore(%arg13 : memref<!tpu.dma_semaphore, #tpu.memory_space<semaphore_mem>>)
    } else {
    }
    %add3A_16 = arith.constant 0 : i32
    %add3A_17 = arith.addi %mul3A_2, %add3A_16 : i32
    "tpu.region"() ({
      %run_scoped3A = tpu.sem_alloc : memref<!tpu.dma_semaphore, #tpu.memory_space<semaphore_mem>>
      %dma_start3A_83 = arith.constant 0 : i32
      %dma_start3A_84 = arith.constant 0 : i32
      %dma_start3A_85 = tpu.memref_slice %arg6[%dma_start3A_83, %dma_start3A_84] : memref<40x128xi32, #tpu.memory_space<vmem>> -> memref<40x128xi32, #tpu.memory_space<vmem>>
      %dma_start3A_86 = arith.constant 0 : i32
      %dma_start3A_87 = tpu.memref_slice %arg3[%add3A_17, %dma_start3A_86] : memref<2560x128xi32, #tpu.memory_space<hbm>> -> memref<40x128xi32, #tpu.memory_space<hbm>>
      %dma_start3A_88 = arith.constant 0 : i32
      %dma_start3A_89 = arith.constant 0 : i32
      %dma_start3A_90 = tpu.memref_slice %arg6[%dma_start3A_88, %dma_start3A_89] : memref<40x128xi32, #tpu.memory_space<vmem>> -> memref<40x128xi32, #tpu.memory_space<vmem>>
      %dma_start3A_91 = arith.constant 0 : i32
      %dma_start3A_92 = tpu.memref_slice %arg3[%add3A_17, %dma_start3A_91] : memref<2560x128xi32, #tpu.memory_space<hbm>> -> memref<40x128xi32, #tpu.memory_space<hbm>>
      tpu.enqueue_dma source(%dma_start3A_92 : memref<40x128xi32, #tpu.memory_space<hbm>>) target(%dma_start3A_90 : memref<40x128xi32, #tpu.memory_space<vmem>>) target_semaphore(%run_scoped3A : memref<!tpu.dma_semaphore, #tpu.memory_space<semaphore_mem>>)
      %dma_wait3A_93 = arith.constant 0 : i32
      %dma_wait3A_94 = arith.constant 0 : i32
      %dma_wait3A_95 = tpu.memref_slice %arg6[%dma_wait3A_93, %dma_wait3A_94] : memref<40x128xi32, #tpu.memory_space<vmem>> -> memref<40x128xi32, #tpu.memory_space<vmem>>
      %dma_wait3A_96 = arith.constant 0 : i32
      %dma_wait3A_97 = tpu.memref_slice %arg3[%add3A_17, %dma_wait3A_96] : memref<2560x128xi32, #tpu.memory_space<hbm>> -> memref<40x128xi32, #tpu.memory_space<hbm>>
      %dma_wait3A_98 = arith.constant 0 : i32
      %dma_wait3A_99 = arith.constant 0 : i32
      %dma_wait3A_100 = tpu.memref_slice %arg6[%dma_wait3A_98, %dma_wait3A_99] : memref<40x128xi32, #tpu.memory_space<vmem>> -> memref<40x128xi32, #tpu.memory_space<vmem>>
      %dma_wait3A_101 = arith.constant 0 : i32
      %dma_wait3A_102 = tpu.memref_slice %arg3[%add3A_17, %dma_wait3A_101] : memref<2560x128xi32, #tpu.memory_space<hbm>> -> memref<40x128xi32, #tpu.memory_space<hbm>>
      tpu.wait_dma2 semaphore(%run_scoped3A : memref<!tpu.dma_semaphore, #tpu.memory_space<semaphore_mem>>) src(%dma_wait3A_102 : memref<40x128xi32, #tpu.memory_space<hbm>>) dst(%dma_wait3A_100 : memref<40x128xi32, #tpu.memory_space<vmem>>)
      tpu.yield
    }) : () -> ()
    %add3A_18 = arith.constant 0 : i32
    %add3A_19 = arith.addi %mul3A_4, %add3A_18 : i32
    "tpu.region"() ({
      %run_scoped3A = tpu.sem_alloc : memref<!tpu.dma_semaphore, #tpu.memory_space<semaphore_mem>>
      %dma_start3A_83 = arith.constant 0 : i32
      %dma_start3A_84 = arith.constant 0 : i32
      %dma_start3A_85 = tpu.memref_slice %arg7[%dma_start3A_83, %dma_start3A_84] : memref<40x128xi32, #tpu.memory_space<vmem>> -> memref<40x128xi32, #tpu.memory_space<vmem>>
      %dma_start3A_86 = arith.constant 0 : i32
      %dma_start3A_87 = tpu.memref_slice %arg4[%add3A_19, %dma_start3A_86] : memref<1280x128xi32, #tpu.memory_space<hbm>> -> memref<40x128xi32, #tpu.memory_space<hbm>>
      %dma_start3A_88 = arith.constant 0 : i32
      %dma_start3A_89 = arith.constant 0 : i32
      %dma_start3A_90 = tpu.memref_slice %arg7[%dma_start3A_88, %dma_start3A_89] : memref<40x128xi32, #tpu.memory_space<vmem>> -> memref<40x128xi32, #tpu.memory_space<vmem>>
      %dma_start3A_91 = arith.constant 0 : i32
      %dma_start3A_92 = tpu.memref_slice %arg4[%add3A_19, %dma_start3A_91] : memref<1280x128xi32, #tpu.memory_space<hbm>> -> memref<40x128xi32, #tpu.memory_space<hbm>>
      tpu.enqueue_dma source(%dma_start3A_92 : memref<40x128xi32, #tpu.memory_space<hbm>>) target(%dma_start3A_90 : memref<40x128xi32, #tpu.memory_space<vmem>>) target_semaphore(%run_scoped3A : memref<!tpu.dma_semaphore, #tpu.memory_space<semaphore_mem>>)
      %dma_wait3A_93 = arith.constant 0 : i32
      %dma_wait3A_94 = arith.constant 0 : i32
      %dma_wait3A_95 = tpu.memref_slice %arg7[%dma_wait3A_93, %dma_wait3A_94] : memref<40x128xi32, #tpu.memory_space<vmem>> -> memref<40x128xi32, #tpu.memory_space<vmem>>
      %dma_wait3A_96 = arith.constant 0 : i32
      %dma_wait3A_97 = tpu.memref_slice %arg4[%add3A_19, %dma_wait3A_96] : memref<1280x128xi32, #tpu.memory_space<hbm>> -> memref<40x128xi32, #tpu.memory_space<hbm>>
      %dma_wait3A_98 = arith.constant 0 : i32
      %dma_wait3A_99 = arith.constant 0 : i32
      %dma_wait3A_100 = tpu.memref_slice %arg7[%dma_wait3A_98, %dma_wait3A_99] : memref<40x128xi32, #tpu.memory_space<vmem>> -> memref<40x128xi32, #tpu.memory_space<vmem>>
      %dma_wait3A_101 = arith.constant 0 : i32
      %dma_wait3A_102 = tpu.memref_slice %arg4[%add3A_19, %dma_wait3A_101] : memref<1280x128xi32, #tpu.memory_space<hbm>> -> memref<40x128xi32, #tpu.memory_space<hbm>>
      tpu.wait_dma2 semaphore(%run_scoped3A : memref<!tpu.dma_semaphore, #tpu.memory_space<semaphore_mem>>) src(%dma_wait3A_102 : memref<40x128xi32, #tpu.memory_space<hbm>>) dst(%dma_wait3A_100 : memref<40x128xi32, #tpu.memory_space<vmem>>)
      tpu.yield
    }) : () -> ()
    %dma_start3A = arith.constant 0 : i32
    %dma_start3A_20 = arith.constant 0 : i32
    %dma_start3A_21 = tpu.memref_slice %arg6[%dma_start3A, %dma_start3A_20] : memref<40x128xi32, #tpu.memory_space<vmem>> -> memref<1x128xi32, #tpu.memory_space<vmem>>
    %dma_start3A_22 = tpu.memref_squeeze %dma_start3A_21 : memref<1x128xi32, #tpu.memory_space<vmem>> -> memref<128xi32, #tpu.memory_space<vmem>>
    %dma_start3A_23 = arith.constant 0 : i32
    %dma_start3A_24 = arith.constant 0 : i32
    %dma_start3A_25 = tpu.memref_slice %arg2[%dma_start3A_23, %dma_start3A_24] : memref<20000x128xf32, #tpu.memory_space<hbm>> -> memref<20000x128xf32, #tpu.memory_space<hbm>>
    tpu.enqueue_indirect_dma source(%dma_start3A_25 : memref<20000x128xf32, #tpu.memory_space<hbm>>) target(%arg8 : memref<128x128xf32, #tpu.memory_space<vmem>>) offsets(%dma_start3A_22 : memref<128xi32, #tpu.memory_space<vmem>>) semaphore(%arg11 : memref<!tpu.dma_semaphore, #tpu.memory_space<semaphore_mem>>)
    %lt3A_26 = arith.constant 15 : i32
    %lt3A_27 = arith.cmpi slt, %arg1, %lt3A_26 : i32
    %convert_element_type3A_28 = arith.extui %lt3A_27 : i1 to i32
    %cond3A_29 = arith.constant 0 : i32
    %cond3A_30 = arith.cmpi ne, %convert_element_type3A_28, %cond3A_29 : i32
    scf.if %cond3A_30 {
      %mul3A_83 = arith.constant 632 : i32
      %mul3A_84 = arith.muli %arg1, %mul3A_83 : i32
      %add3A_85 = arith.constant 0 : i32
      %add3A_86 = arith.addi %mul3A_84, %add3A_85 : i32
      %dma_wait3A_87 = arith.constant 0 : i32
      %dma_wait3A_88 = tpu.memref_slice %arg10[%add3A_86, %dma_wait3A_87] : memref<10240x128xf32, #tpu.memory_space<vmem_shared>> -> memref<128x128xf32, #tpu.memory_space<vmem_shared>>
      %dma_wait3A_89 = arith.constant 0 : i32
      %dma_wait3A_90 = tpu.memref_slice %arg10[%add3A_86, %dma_wait3A_89] : memref<10240x128xf32, #tpu.memory_space<vmem_shared>> -> memref<128x128xf32, #tpu.memory_space<vmem_shared>>
      tpu.wait_dma2 semaphore(%arg13 : memref<!tpu.dma_semaphore, #tpu.memory_space<semaphore_mem>>) src(%arg9 : memref<128x128xf32, #tpu.memory_space<vmem>>) dst(%dma_wait3A_90 : memref<128x128xf32, #tpu.memory_space<vmem_shared>>)
      %add3A_91 = arith.constant 128 : i32
      %add3A_92 = arith.addi %mul3A_84, %add3A_91 : i32
      %dma_wait3A_93 = arith.constant 0 : i32
      %dma_wait3A_94 = tpu.memref_slice %arg10[%add3A_92, %dma_wait3A_93] : memref<10240x128xf32, #tpu.memory_space<vmem_shared>> -> memref<128x128xf32, #tpu.memory_space<vmem_shared>>
      %dma_wait3A_95 = arith.constant 0 : i32
      %dma_wait3A_96 = tpu.memref_slice %arg10[%add3A_92, %dma_wait3A_95] : memref<10240x128xf32, #tpu.memory_space<vmem_shared>> -> memref<128x128xf32, #tpu.memory_space<vmem_shared>>
      tpu.wait_dma2 semaphore(%arg13 : memref<!tpu.dma_semaphore, #tpu.memory_space<semaphore_mem>>) src(%arg9 : memref<128x128xf32, #tpu.memory_space<vmem>>) dst(%dma_wait3A_96 : memref<128x128xf32, #tpu.memory_space<vmem_shared>>)
      %add3A_97 = arith.constant 256 : i32
      %add3A_98 = arith.addi %mul3A_84, %add3A_97 : i32
      %dma_wait3A_99 = arith.constant 0 : i32
      %dma_wait3A_100 = tpu.memref_slice %arg10[%add3A_98, %dma_wait3A_99] : memref<10240x128xf32, #tpu.memory_space<vmem_shared>> -> memref<128x128xf32, #tpu.memory_space<vmem_shared>>
      %dma_wait3A_101 = arith.constant 0 : i32
      %dma_wait3A_102 = tpu.memref_slice %arg10[%add3A_98, %dma_wait3A_101] : memref<10240x128xf32, #tpu.memory_space<vmem_shared>> -> memref<128x128xf32, #tpu.memory_space<vmem_shared>>
      tpu.wait_dma2 semaphore(%arg13 : memref<!tpu.dma_semaphore, #tpu.memory_space<semaphore_mem>>) src(%arg9 : memref<128x128xf32, #tpu.memory_space<vmem>>) dst(%dma_wait3A_102 : memref<128x128xf32, #tpu.memory_space<vmem_shared>>)
      %add3A_103 = arith.constant 384 : i32
      %add3A_104 = arith.addi %mul3A_84, %add3A_103 : i32
      %dma_wait3A_105 = arith.constant 0 : i32
      %dma_wait3A_106 = tpu.memref_slice %arg10[%add3A_104, %dma_wait3A_105] : memref<10240x128xf32, #tpu.memory_space<vmem_shared>> -> memref<128x128xf32, #tpu.memory_space<vmem_shared>>
      %dma_wait3A_107 = arith.constant 0 : i32
      %dma_wait3A_108 = tpu.memref_slice %arg10[%add3A_104, %dma_wait3A_107] : memref<10240x128xf32, #tpu.memory_space<vmem_shared>> -> memref<128x128xf32, #tpu.memory_space<vmem_shared>>
      tpu.wait_dma2 semaphore(%arg13 : memref<!tpu.dma_semaphore, #tpu.memory_space<semaphore_mem>>) src(%arg9 : memref<128x128xf32, #tpu.memory_space<vmem>>) dst(%dma_wait3A_108 : memref<128x128xf32, #tpu.memory_space<vmem_shared>>)
      %add3A_109 = arith.constant 512 : i32
      %add3A_110 = arith.addi %mul3A_84, %add3A_109 : i32
      %dma_wait3A_111 = arith.constant 0 : i32
      %dma_wait3A_112 = arith.constant 0 : i32
      %dma_wait3A_113 = tpu.memref_slice %arg9[%dma_wait3A_111, %dma_wait3A_112] : memref<128x128xf32, #tpu.memory_space<vmem>> -> memref<120x128xf32, #tpu.memory_space<vmem>>
      %dma_wait3A_114 = arith.constant 0 : i32
      %dma_wait3A_115 = tpu.memref_slice %arg10[%add3A_110, %dma_wait3A_114] : memref<10240x128xf32, #tpu.memory_space<vmem_shared>> -> memref<120x128xf32, #tpu.memory_space<vmem_shared>>
      %dma_wait3A_116 = arith.constant 0 : i32
      %dma_wait3A_117 = tpu.memref_slice %arg10[%add3A_110, %dma_wait3A_116] : memref<10240x128xf32, #tpu.memory_space<vmem_shared>> -> memref<120x128xf32, #tpu.memory_space<vmem_shared>>
      %dma_wait3A_118 = arith.constant 0 : i32
      %dma_wait3A_119 = arith.constant 0 : i32
      %dma_wait3A_120 = tpu.memref_slice %arg9[%dma_wait3A_118, %dma_wait3A_119] : memref<128x128xf32, #tpu.memory_space<vmem>> -> memref<120x128xf32, #tpu.memory_space<vmem>>
      tpu.wait_dma2 semaphore(%arg13 : memref<!tpu.dma_semaphore, #tpu.memory_space<semaphore_mem>>) src(%dma_wait3A_120 : memref<120x128xf32, #tpu.memory_space<vmem>>) dst(%dma_wait3A_117 : memref<120x128xf32, #tpu.memory_space<vmem_shared>>)
    } else {
    }
    %eq3A_31 = arith.constant 15 : i32
    %eq3A_32 = arith.cmpi eq, %arg1, %eq3A_31 : i32
    %convert_element_type3A_33 = arith.extui %eq3A_32 : i1 to i32
    %cond3A_34 = arith.constant 0 : i32
    %cond3A_35 = arith.cmpi ne, %convert_element_type3A_33, %cond3A_34 : i32
    scf.if %cond3A_35 {
      %dma_wait3A_83 = arith.constant 9480 : i32
      %dma_wait3A_84 = arith.constant 0 : i32
      %dma_wait3A_85 = tpu.memref_slice %arg10[%dma_wait3A_83, %dma_wait3A_84] : memref<10240x128xf32, #tpu.memory_space<vmem_shared>> -> memref<128x128xf32, #tpu.memory_space<vmem_shared>>
      %dma_wait3A_86 = arith.constant 9480 : i32
      %dma_wait3A_87 = arith.constant 0 : i32
      %dma_wait3A_88 = tpu.memref_slice %arg10[%dma_wait3A_86, %dma_wait3A_87] : memref<10240x128xf32, #tpu.memory_space<vmem_shared>> -> memref<128x128xf32, #tpu.memory_space<vmem_shared>>
      tpu.wait_dma2 semaphore(%arg13 : memref<!tpu.dma_semaphore, #tpu.memory_space<semaphore_mem>>) src(%arg9 : memref<128x128xf32, #tpu.memory_space<vmem>>) dst(%dma_wait3A_88 : memref<128x128xf32, #tpu.memory_space<vmem_shared>>)
      %dma_wait3A_89 = arith.constant 9608 : i32
      %dma_wait3A_90 = arith.constant 0 : i32
      %dma_wait3A_91 = tpu.memref_slice %arg10[%dma_wait3A_89, %dma_wait3A_90] : memref<10240x128xf32, #tpu.memory_space<vmem_shared>> -> memref<128x128xf32, #tpu.memory_space<vmem_shared>>
      %dma_wait3A_92 = arith.constant 9608 : i32
      %dma_wait3A_93 = arith.constant 0 : i32
      %dma_wait3A_94 = tpu.memref_slice %arg10[%dma_wait3A_92, %dma_wait3A_93] : memref<10240x128xf32, #tpu.memory_space<vmem_shared>> -> memref<128x128xf32, #tpu.memory_space<vmem_shared>>
      tpu.wait_dma2 semaphore(%arg13 : memref<!tpu.dma_semaphore, #tpu.memory_space<semaphore_mem>>) src(%arg9 : memref<128x128xf32, #tpu.memory_space<vmem>>) dst(%dma_wait3A_94 : memref<128x128xf32, #tpu.memory_space<vmem_shared>>)
      %dma_wait3A_95 = arith.constant 9736 : i32
      %dma_wait3A_96 = arith.constant 0 : i32
      %dma_wait3A_97 = tpu.memref_slice %arg10[%dma_wait3A_95, %dma_wait3A_96] : memref<10240x128xf32, #tpu.memory_space<vmem_shared>> -> memref<128x128xf32, #tpu.memory_space<vmem_shared>>
      %dma_wait3A_98 = arith.constant 9736 : i32
      %dma_wait3A_99 = arith.constant 0 : i32
      %dma_wait3A_100 = tpu.memref_slice %arg10[%dma_wait3A_98, %dma_wait3A_99] : memref<10240x128xf32, #tpu.memory_space<vmem_shared>> -> memref<128x128xf32, #tpu.memory_space<vmem_shared>>
      tpu.wait_dma2 semaphore(%arg13 : memref<!tpu.dma_semaphore, #tpu.memory_space<semaphore_mem>>) src(%arg9 : memref<128x128xf32, #tpu.memory_space<vmem>>) dst(%dma_wait3A_100 : memref<128x128xf32, #tpu.memory_space<vmem_shared>>)
      %dma_wait3A_101 = arith.constant 9864 : i32
      %dma_wait3A_102 = arith.constant 0 : i32
      %dma_wait3A_103 = tpu.memref_slice %arg10[%dma_wait3A_101, %dma_wait3A_102] : memref<10240x128xf32, #tpu.memory_space<vmem_shared>> -> memref<128x128xf32, #tpu.memory_space<vmem_shared>>
      %dma_wait3A_104 = arith.constant 9864 : i32
      %dma_wait3A_105 = arith.constant 0 : i32
      %dma_wait3A_106 = tpu.memref_slice %arg10[%dma_wait3A_104, %dma_wait3A_105] : memref<10240x128xf32, #tpu.memory_space<vmem_shared>> -> memref<128x128xf32, #tpu.memory_space<vmem_shared>>
      tpu.wait_dma2 semaphore(%arg13 : memref<!tpu.dma_semaphore, #tpu.memory_space<semaphore_mem>>) src(%arg9 : memref<128x128xf32, #tpu.memory_space<vmem>>) dst(%dma_wait3A_106 : memref<128x128xf32, #tpu.memory_space<vmem_shared>>)
      %dma_wait3A_107 = arith.constant 0 : i32
      %dma_wait3A_108 = arith.constant 0 : i32
      %dma_wait3A_109 = tpu.memref_slice %arg9[%dma_wait3A_107, %dma_wait3A_108] : memref<128x128xf32, #tpu.memory_space<vmem>> -> memref<8x128xf32, #tpu.memory_space<vmem>>
      %dma_wait3A_110 = arith.constant 9992 : i32
      %dma_wait3A_111 = arith.constant 0 : i32
      %dma_wait3A_112 = tpu.memref_slice %arg10[%dma_wait3A_110, %dma_wait3A_111] : memref<10240x128xf32, #tpu.memory_space<vmem_shared>> -> memref<8x128xf32, #tpu.memory_space<vmem_shared>>
      %dma_wait3A_113 = arith.constant 9992 : i32
      %dma_wait3A_114 = arith.constant 0 : i32
      %dma_wait3A_115 = tpu.memref_slice %arg10[%dma_wait3A_113, %dma_wait3A_114] : memref<10240x128xf32, #tpu.memory_space<vmem_shared>> -> memref<8x128xf32, #tpu.memory_space<vmem_shared>>
      %dma_wait3A_116 = arith.constant 0 : i32
      %dma_wait3A_117 = arith.constant 0 : i32
      %dma_wait3A_118 = tpu.memref_slice %arg9[%dma_wait3A_116, %dma_wait3A_117] : memref<128x128xf32, #tpu.memory_space<vmem>> -> memref<8x128xf32, #tpu.memory_space<vmem>>
      tpu.wait_dma2 semaphore(%arg13 : memref<!tpu.dma_semaphore, #tpu.memory_space<semaphore_mem>>) src(%dma_wait3A_118 : memref<8x128xf32, #tpu.memory_space<vmem>>) dst(%dma_wait3A_115 : memref<8x128xf32, #tpu.memory_space<vmem_shared>>)
    } else {
    }
    %barrier3A = arith.constant 0 : index
    tpu.barrier barrier_id(%barrier3A)
    %scan3A_36 = arith.constant 0 : i32
    %scan3A_37 = arith.constant 0 : i32
    %scan3A_38 = arith.constant 20 : i32
    %scan3A_39 = arith.addi %scan3A_37, %scan3A_38 : i32
    %scan3A_40 = arith.constant 1 : i32
    scf.for %scan3A_83 = %scan3A_37 to %scan3A_39 step %scan3A_40  : i32 {
      %mul3A_84 = arith.constant 2 : i32
      %mul3A_85 = arith.muli %scan3A_83, %mul3A_84 : i32
      %add3A_86 = arith.constant 0 : i32
      %add3A_87 = arith.addi %mul3A_85, %add3A_86 : i32
      %ge3A = arith.constant 1 : i32
      %ge3A_88 = arith.cmpi sge, %add3A_87, %ge3A : i32
      %convert_element_type3A_89 = arith.extui %ge3A_88 : i1 to i32
      %cond3A_90 = arith.constant 0 : i32
      %cond3A_91 = arith.cmpi ne, %convert_element_type3A_89, %cond3A_90 : i32
      scf.if %cond3A_91 {
        %sub3A = arith.constant 1 : i32
        %sub3A_139 = arith.subi %add3A_87, %sub3A : i32
        %dma_wait3A_140 = arith.constant 0 : i32
        %dma_wait3A_141 = tpu.memref_slice %arg7[%sub3A_139, %dma_wait3A_140] : memref<40x128xi32, #tpu.memory_space<vmem>> -> memref<1x128xi32, #tpu.memory_space<vmem>>
        %dma_wait3A_142 = tpu.memref_squeeze %dma_wait3A_141 : memref<1x128xi32, #tpu.memory_space<vmem>> -> memref<128xi32, #tpu.memory_space<vmem>>
        %dma_wait3A_143 = arith.constant 0 : i32
        %dma_wait3A_144 = arith.constant 0 : i32
        %dma_wait3A_145 = tpu.memref_slice %arg10[%dma_wait3A_143, %dma_wait3A_144] : memref<10240x128xf32, #tpu.memory_space<vmem_shared>> -> memref<10240x128xf32, #tpu.memory_space<vmem_shared>>
        tpu.wait_indirect_dma semaphore(%arg14 : memref<!tpu.dma_semaphore, #tpu.memory_space<semaphore_mem>>) src(%arg9 : memref<128x128xf32, #tpu.memory_space<vmem>>) dst(%dma_wait3A_145 : memref<10240x128xf32, #tpu.memory_space<vmem_shared>>)
      } else {
      }
      %add3A_92 = arith.constant 1 : i32
      %add3A_93 = arith.addi %add3A_87, %add3A_92 : i32
      %lt3A_94 = arith.constant 40 : i32
      %lt3A_95 = arith.cmpi slt, %add3A_93, %lt3A_94 : i32
      %convert_element_type3A_96 = arith.extui %lt3A_95 : i1 to i32
      %cond3A_97 = arith.constant 0 : i32
      %cond3A_98 = arith.cmpi ne, %convert_element_type3A_96, %cond3A_97 : i32
      scf.if %cond3A_98 {
        %add3A_139 = arith.constant 1 : i32
        %add3A_140 = arith.addi %add3A_87, %add3A_139 : i32
        %dma_start3A_141 = arith.constant 0 : i32
        %dma_start3A_142 = tpu.memref_slice %arg6[%add3A_140, %dma_start3A_141] : memref<40x128xi32, #tpu.memory_space<vmem>> -> memref<1x128xi32, #tpu.memory_space<vmem>>
        %dma_start3A_143 = tpu.memref_squeeze %dma_start3A_142 : memref<1x128xi32, #tpu.memory_space<vmem>> -> memref<128xi32, #tpu.memory_space<vmem>>
        %dma_start3A_144 = arith.constant 0 : i32
        %dma_start3A_145 = arith.constant 0 : i32
        %dma_start3A_146 = tpu.memref_slice %arg2[%dma_start3A_144, %dma_start3A_145] : memref<20000x128xf32, #tpu.memory_space<hbm>> -> memref<20000x128xf32, #tpu.memory_space<hbm>>
        tpu.enqueue_indirect_dma source(%dma_start3A_146 : memref<20000x128xf32, #tpu.memory_space<hbm>>) target(%arg9 : memref<128x128xf32, #tpu.memory_space<vmem>>) offsets(%dma_start3A_143 : memref<128xi32, #tpu.memory_space<vmem>>) semaphore(%arg12 : memref<!tpu.dma_semaphore, #tpu.memory_space<semaphore_mem>>)
      } else {
      }
      %dma_wait3A_99 = arith.constant 0 : i32
      %dma_wait3A_100 = tpu.memref_slice %arg6[%add3A_87, %dma_wait3A_99] : memref<40x128xi32, #tpu.memory_space<vmem>> -> memref<1x128xi32, #tpu.memory_space<vmem>>
      %dma_wait3A_101 = tpu.memref_squeeze %dma_wait3A_100 : memref<1x128xi32, #tpu.memory_space<vmem>> -> memref<128xi32, #tpu.memory_space<vmem>>
      %dma_wait3A_102 = arith.constant 0 : i32
      %dma_wait3A_103 = arith.constant 0 : i32
      %dma_wait3A_104 = tpu.memref_slice %arg2[%dma_wait3A_102, %dma_wait3A_103] : memref<20000x128xf32, #tpu.memory_space<hbm>> -> memref<20000x128xf32, #tpu.memory_space<hbm>>
      tpu.wait_indirect_dma semaphore(%arg11 : memref<!tpu.dma_semaphore, #tpu.memory_space<semaphore_mem>>) src(%dma_wait3A_104 : memref<20000x128xf32, #tpu.memory_space<hbm>>) dst(%arg8 : memref<128x128xf32, #tpu.memory_space<vmem>>)
      %dma_start3A_105 = arith.constant 0 : i32
      %dma_start3A_106 = tpu.memref_slice %arg7[%add3A_87, %dma_start3A_105] : memref<40x128xi32, #tpu.memory_space<vmem>> -> memref<1x128xi32, #tpu.memory_space<vmem>>
      %dma_start3A_107 = tpu.memref_squeeze %dma_start3A_106 : memref<1x128xi32, #tpu.memory_space<vmem>> -> memref<128xi32, #tpu.memory_space<vmem>>
      %dma_start3A_108 = arith.constant 0 : i32
      %dma_start3A_109 = arith.constant 0 : i32
      %dma_start3A_110 = tpu.memref_slice %arg10[%dma_start3A_108, %dma_start3A_109] : memref<10240x128xf32, #tpu.memory_space<vmem_shared>> -> memref<10240x128xf32, #tpu.memory_space<vmem_shared>>
      tpu.enqueue_indirect_dma source(%arg8 : memref<128x128xf32, #tpu.memory_space<vmem>>) target(%dma_start3A_110 : memref<10240x128xf32, #tpu.memory_space<vmem_shared>>) offsets(%dma_start3A_107 : memref<128xi32, #tpu.memory_space<vmem>>) semaphore(%arg13 : memref<!tpu.dma_semaphore, #tpu.memory_space<semaphore_mem>>) {add = true}
      %mul3A_111 = arith.constant 2 : i32
      %mul3A_112 = arith.muli %scan3A_83, %mul3A_111 : i32
      %add3A_113 = arith.constant 1 : i32
      %add3A_114 = arith.addi %mul3A_112, %add3A_113 : i32
      %ge3A_115 = arith.constant 1 : i32
      %ge3A_116 = arith.cmpi sge, %add3A_114, %ge3A_115 : i32
      %convert_element_type3A_117 = arith.extui %ge3A_116 : i1 to i32
      %cond3A_118 = arith.constant 0 : i32
      %cond3A_119 = arith.cmpi ne, %convert_element_type3A_117, %cond3A_118 : i32
      scf.if %cond3A_119 {
        %sub3A = arith.constant 1 : i32
        %sub3A_139 = arith.subi %add3A_114, %sub3A : i32
        %dma_wait3A_140 = arith.constant 0 : i32
        %dma_wait3A_141 = tpu.memref_slice %arg7[%sub3A_139, %dma_wait3A_140] : memref<40x128xi32, #tpu.memory_space<vmem>> -> memref<1x128xi32, #tpu.memory_space<vmem>>
        %dma_wait3A_142 = tpu.memref_squeeze %dma_wait3A_141 : memref<1x128xi32, #tpu.memory_space<vmem>> -> memref<128xi32, #tpu.memory_space<vmem>>
        %dma_wait3A_143 = arith.constant 0 : i32
        %dma_wait3A_144 = arith.constant 0 : i32
        %dma_wait3A_145 = tpu.memref_slice %arg10[%dma_wait3A_143, %dma_wait3A_144] : memref<10240x128xf32, #tpu.memory_space<vmem_shared>> -> memref<10240x128xf32, #tpu.memory_space<vmem_shared>>
        tpu.wait_indirect_dma semaphore(%arg13 : memref<!tpu.dma_semaphore, #tpu.memory_space<semaphore_mem>>) src(%arg8 : memref<128x128xf32, #tpu.memory_space<vmem>>) dst(%dma_wait3A_145 : memref<10240x128xf32, #tpu.memory_space<vmem_shared>>)
      } else {
      }
      %add3A_120 = arith.constant 1 : i32
      %add3A_121 = arith.addi %add3A_114, %add3A_120 : i32
      %lt3A_122 = arith.constant 40 : i32
      %lt3A_123 = arith.cmpi slt, %add3A_121, %lt3A_122 : i32
      %convert_element_type3A_124 = arith.extui %lt3A_123 : i1 to i32
      %cond3A_125 = arith.constant 0 : i32
      %cond3A_126 = arith.cmpi ne, %convert_element_type3A_124, %cond3A_125 : i32
      scf.if %cond3A_126 {
        %add3A_139 = arith.constant 1 : i32
        %add3A_140 = arith.addi %add3A_114, %add3A_139 : i32
        %dma_start3A_141 = arith.constant 0 : i32
        %dma_start3A_142 = tpu.memref_slice %arg6[%add3A_140, %dma_start3A_141] : memref<40x128xi32, #tpu.memory_space<vmem>> -> memref<1x128xi32, #tpu.memory_space<vmem>>
        %dma_start3A_143 = tpu.memref_squeeze %dma_start3A_142 : memref<1x128xi32, #tpu.memory_space<vmem>> -> memref<128xi32, #tpu.memory_space<vmem>>
        %dma_start3A_144 = arith.constant 0 : i32
        %dma_start3A_145 = arith.constant 0 : i32
        %dma_start3A_146 = tpu.memref_slice %arg2[%dma_start3A_144, %dma_start3A_145] : memref<20000x128xf32, #tpu.memory_space<hbm>> -> memref<20000x128xf32, #tpu.memory_space<hbm>>
        tpu.enqueue_indirect_dma source(%dma_start3A_146 : memref<20000x128xf32, #tpu.memory_space<hbm>>) target(%arg8 : memref<128x128xf32, #tpu.memory_space<vmem>>) offsets(%dma_start3A_143 : memref<128xi32, #tpu.memory_space<vmem>>) semaphore(%arg11 : memref<!tpu.dma_semaphore, #tpu.memory_space<semaphore_mem>>)
      } else {
      }
      %dma_wait3A_127 = arith.constant 0 : i32
      %dma_wait3A_128 = tpu.memref_slice %arg6[%add3A_114, %dma_wait3A_127] : memref<40x128xi32, #tpu.memory_space<vmem>> -> memref<1x128xi32, #tpu.memory_space<vmem>>
      %dma_wait3A_129 = tpu.memref_squeeze %dma_wait3A_128 : memref<1x128xi32, #tpu.memory_space<vmem>> -> memref<128xi32, #tpu.memory_space<vmem>>
      %dma_wait3A_130 = arith.constant 0 : i32
      %dma_wait3A_131 = arith.constant 0 : i32
      %dma_wait3A_132 = tpu.memref_slice %arg2[%dma_wait3A_130, %dma_wait3A_131] : memref<20000x128xf32, #tpu.memory_space<hbm>> -> memref<20000x128xf32, #tpu.memory_space<hbm>>
      tpu.wait_indirect_dma semaphore(%arg12 : memref<!tpu.dma_semaphore, #tpu.memory_space<semaphore_mem>>) src(%dma_wait3A_132 : memref<20000x128xf32, #tpu.memory_space<hbm>>) dst(%arg9 : memref<128x128xf32, #tpu.memory_space<vmem>>)
      %dma_start3A_133 = arith.constant 0 : i32
      %dma_start3A_134 = tpu.memref_slice %arg7[%add3A_114, %dma_start3A_133] : memref<40x128xi32, #tpu.memory_space<vmem>> -> memref<1x128xi32, #tpu.memory_space<vmem>>
      %dma_start3A_135 = tpu.memref_squeeze %dma_start3A_134 : memref<1x128xi32, #tpu.memory_space<vmem>> -> memref<128xi32, #tpu.memory_space<vmem>>
      %dma_start3A_136 = arith.constant 0 : i32
      %dma_start3A_137 = arith.constant 0 : i32
      %dma_start3A_138 = tpu.memref_slice %arg10[%dma_start3A_136, %dma_start3A_137] : memref<10240x128xf32, #tpu.memory_space<vmem_shared>> -> memref<10240x128xf32, #tpu.memory_space<vmem_shared>>
      tpu.enqueue_indirect_dma source(%arg9 : memref<128x128xf32, #tpu.memory_space<vmem>>) target(%dma_start3A_138 : memref<10240x128xf32, #tpu.memory_space<vmem_shared>>) offsets(%dma_start3A_135 : memref<128xi32, #tpu.memory_space<vmem>>) semaphore(%arg14 : memref<!tpu.dma_semaphore, #tpu.memory_space<semaphore_mem>>) {add = true}
    }
    %scan3A_41 = arith.constant 20 : i32
    %dma_wait3A = arith.constant 39 : i32
    %dma_wait3A_42 = arith.constant 0 : i32
    %dma_wait3A_43 = tpu.memref_slice %arg7[%dma_wait3A, %dma_wait3A_42] : memref<40x128xi32, #tpu.memory_space<vmem>> -> memref<1x128xi32, #tpu.memory_space<vmem>>
    %dma_wait3A_44 = tpu.memref_squeeze %dma_wait3A_43 : memref<1x128xi32, #tpu.memory_space<vmem>> -> memref<128xi32, #tpu.memory_space<vmem>>
    %dma_wait3A_45 = arith.constant 0 : i32
    %dma_wait3A_46 = arith.constant 0 : i32
    %dma_wait3A_47 = tpu.memref_slice %arg10[%dma_wait3A_45, %dma_wait3A_46] : memref<10240x128xf32, #tpu.memory_space<vmem_shared>> -> memref<10240x128xf32, #tpu.memory_space<vmem_shared>>
    tpu.wait_indirect_dma semaphore(%arg14 : memref<!tpu.dma_semaphore, #tpu.memory_space<semaphore_mem>>) src(%arg9 : memref<128x128xf32, #tpu.memory_space<vmem>>) dst(%dma_wait3A_47 : memref<10240x128xf32, #tpu.memory_space<vmem_shared>>)
    %add3A_48 = arith.constant 40 : i32
    %add3A_49 = arith.addi %mul3A_2, %add3A_48 : i32
    "tpu.region"() ({
      %run_scoped3A = tpu.sem_alloc : memref<!tpu.dma_semaphore, #tpu.memory_space<semaphore_mem>>
      %dma_start3A_83 = arith.constant 0 : i32
      %dma_start3A_84 = arith.constant 0 : i32
      %dma_start3A_85 = tpu.memref_slice %arg6[%dma_start3A_83, %dma_start3A_84] : memref<40x128xi32, #tpu.memory_space<vmem>> -> memref<40x128xi32, #tpu.memory_space<vmem>>
      %dma_start3A_86 = arith.constant 0 : i32
      %dma_start3A_87 = tpu.memref_slice %arg3[%add3A_49, %dma_start3A_86] : memref<2560x128xi32, #tpu.memory_space<hbm>> -> memref<40x128xi32, #tpu.memory_space<hbm>>
      %dma_start3A_88 = arith.constant 0 : i32
      %dma_start3A_89 = arith.constant 0 : i32
      %dma_start3A_90 = tpu.memref_slice %arg6[%dma_start3A_88, %dma_start3A_89] : memref<40x128xi32, #tpu.memory_space<vmem>> -> memref<40x128xi32, #tpu.memory_space<vmem>>
      %dma_start3A_91 = arith.constant 0 : i32
      %dma_start3A_92 = tpu.memref_slice %arg3[%add3A_49, %dma_start3A_91] : memref<2560x128xi32, #tpu.memory_space<hbm>> -> memref<40x128xi32, #tpu.memory_space<hbm>>
      tpu.enqueue_dma source(%dma_start3A_92 : memref<40x128xi32, #tpu.memory_space<hbm>>) target(%dma_start3A_90 : memref<40x128xi32, #tpu.memory_space<vmem>>) target_semaphore(%run_scoped3A : memref<!tpu.dma_semaphore, #tpu.memory_space<semaphore_mem>>)
      %dma_wait3A_93 = arith.constant 0 : i32
      %dma_wait3A_94 = arith.constant 0 : i32
      %dma_wait3A_95 = tpu.memref_slice %arg6[%dma_wait3A_93, %dma_wait3A_94] : memref<40x128xi32, #tpu.memory_space<vmem>> -> memref<40x128xi32, #tpu.memory_space<vmem>>
      %dma_wait3A_96 = arith.constant 0 : i32
      %dma_wait3A_97 = tpu.memref_slice %arg3[%add3A_49, %dma_wait3A_96] : memref<2560x128xi32, #tpu.memory_space<hbm>> -> memref<40x128xi32, #tpu.memory_space<hbm>>
      %dma_wait3A_98 = arith.constant 0 : i32
      %dma_wait3A_99 = arith.constant 0 : i32
      %dma_wait3A_100 = tpu.memref_slice %arg6[%dma_wait3A_98, %dma_wait3A_99] : memref<40x128xi32, #tpu.memory_space<vmem>> -> memref<40x128xi32, #tpu.memory_space<vmem>>
      %dma_wait3A_101 = arith.constant 0 : i32
      %dma_wait3A_102 = tpu.memref_slice %arg3[%add3A_49, %dma_wait3A_101] : memref<2560x128xi32, #tpu.memory_space<hbm>> -> memref<40x128xi32, #tpu.memory_space<hbm>>
      tpu.wait_dma2 semaphore(%run_scoped3A : memref<!tpu.dma_semaphore, #tpu.memory_space<semaphore_mem>>) src(%dma_wait3A_102 : memref<40x128xi32, #tpu.memory_space<hbm>>) dst(%dma_wait3A_100 : memref<40x128xi32, #tpu.memory_space<vmem>>)
      tpu.yield
    }) : () -> ()
    %add3A_50 = arith.constant 40 : i32
    %add3A_51 = arith.addi %mul3A_4, %add3A_50 : i32
    "tpu.region"() ({
      %run_scoped3A = tpu.sem_alloc : memref<!tpu.dma_semaphore, #tpu.memory_space<semaphore_mem>>
      %dma_start3A_83 = arith.constant 0 : i32
      %dma_start3A_84 = arith.constant 0 : i32
      %dma_start3A_85 = tpu.memref_slice %arg7[%dma_start3A_83, %dma_start3A_84] : memref<40x128xi32, #tpu.memory_space<vmem>> -> memref<40x128xi32, #tpu.memory_space<vmem>>
      %dma_start3A_86 = arith.constant 0 : i32
      %dma_start3A_87 = tpu.memref_slice %arg4[%add3A_51, %dma_start3A_86] : memref<1280x128xi32, #tpu.memory_space<hbm>> -> memref<40x128xi32, #tpu.memory_space<hbm>>
      %dma_start3A_88 = arith.constant 0 : i32
      %dma_start3A_89 = arith.constant 0 : i32
      %dma_start3A_90 = tpu.memref_slice %arg7[%dma_start3A_88, %dma_start3A_89] : memref<40x128xi32, #tpu.memory_space<vmem>> -> memref<40x128xi32, #tpu.memory_space<vmem>>
      %dma_start3A_91 = arith.constant 0 : i32
      %dma_start3A_92 = tpu.memref_slice %arg4[%add3A_51, %dma_start3A_91] : memref<1280x128xi32, #tpu.memory_space<hbm>> -> memref<40x128xi32, #tpu.memory_space<hbm>>
      tpu.enqueue_dma source(%dma_start3A_92 : memref<40x128xi32, #tpu.memory_space<hbm>>) target(%dma_start3A_90 : memref<40x128xi32, #tpu.memory_space<vmem>>) target_semaphore(%run_scoped3A : memref<!tpu.dma_semaphore, #tpu.memory_space<semaphore_mem>>)
      %dma_wait3A_93 = arith.constant 0 : i32
      %dma_wait3A_94 = arith.constant 0 : i32
      %dma_wait3A_95 = tpu.memref_slice %arg7[%dma_wait3A_93, %dma_wait3A_94] : memref<40x128xi32, #tpu.memory_space<vmem>> -> memref<40x128xi32, #tpu.memory_space<vmem>>
      %dma_wait3A_96 = arith.constant 0 : i32
      %dma_wait3A_97 = tpu.memref_slice %arg4[%add3A_51, %dma_wait3A_96] : memref<1280x128xi32, #tpu.memory_space<hbm>> -> memref<40x128xi32, #tpu.memory_space<hbm>>
      %dma_wait3A_98 = arith.constant 0 : i32
      %dma_wait3A_99 = arith.constant 0 : i32
      %dma_wait3A_100 = tpu.memref_slice %arg7[%dma_wait3A_98, %dma_wait3A_99] : memref<40x128xi32, #tpu.memory_space<vmem>> -> memref<40x128xi32, #tpu.memory_space<vmem>>
      %dma_wait3A_101 = arith.constant 0 : i32
      %dma_wait3A_102 = tpu.memref_slice %arg4[%add3A_51, %dma_wait3A_101] : memref<1280x128xi32, #tpu.memory_space<hbm>> -> memref<40x128xi32, #tpu.memory_space<hbm>>
      tpu.wait_dma2 semaphore(%run_scoped3A : memref<!tpu.dma_semaphore, #tpu.memory_space<semaphore_mem>>) src(%dma_wait3A_102 : memref<40x128xi32, #tpu.memory_space<hbm>>) dst(%dma_wait3A_100 : memref<40x128xi32, #tpu.memory_space<vmem>>)
      tpu.yield
    }) : () -> ()
    %dma_start3A_52 = arith.constant 0 : i32
    %dma_start3A_53 = arith.constant 0 : i32
    %dma_start3A_54 = tpu.memref_slice %arg6[%dma_start3A_52, %dma_start3A_53] : memref<40x128xi32, #tpu.memory_space<vmem>> -> memref<1x128xi32, #tpu.memory_space<vmem>>
    %dma_start3A_55 = tpu.memref_squeeze %dma_start3A_54 : memref<1x128xi32, #tpu.memory_space<vmem>> -> memref<128xi32, #tpu.memory_space<vmem>>
    %dma_start3A_56 = arith.constant 0 : i32
    %dma_start3A_57 = arith.constant 0 : i32
    %dma_start3A_58 = tpu.memref_slice %arg2[%dma_start3A_56, %dma_start3A_57] : memref<20000x128xf32, #tpu.memory_space<hbm>> -> memref<20000x128xf32, #tpu.memory_space<hbm>>
    tpu.enqueue_indirect_dma source(%dma_start3A_58 : memref<20000x128xf32, #tpu.memory_space<hbm>>) target(%arg8 : memref<128x128xf32, #tpu.memory_space<vmem>>) offsets(%dma_start3A_55 : memref<128xi32, #tpu.memory_space<vmem>>) semaphore(%arg11 : memref<!tpu.dma_semaphore, #tpu.memory_space<semaphore_mem>>)
    %scan3A_59 = arith.constant 0 : i32
    %scan3A_60 = arith.constant 0 : i32
    %scan3A_61 = arith.constant 20 : i32
    %scan3A_62 = arith.addi %scan3A_60, %scan3A_61 : i32
    %scan3A_63 = arith.constant 1 : i32
    scf.for %scan3A_83 = %scan3A_60 to %scan3A_62 step %scan3A_63  : i32 {
      %mul3A_84 = arith.constant 2 : i32
      %mul3A_85 = arith.muli %scan3A_83, %mul3A_84 : i32
      %add3A_86 = arith.constant 0 : i32
      %add3A_87 = arith.addi %mul3A_85, %add3A_86 : i32
      %ge3A = arith.constant 1 : i32
      %ge3A_88 = arith.cmpi sge, %add3A_87, %ge3A : i32
      %convert_element_type3A_89 = arith.extui %ge3A_88 : i1 to i32
      %cond3A_90 = arith.constant 0 : i32
      %cond3A_91 = arith.cmpi ne, %convert_element_type3A_89, %cond3A_90 : i32
      scf.if %cond3A_91 {
        %sub3A = arith.constant 1 : i32
        %sub3A_139 = arith.subi %add3A_87, %sub3A : i32
        %dma_wait3A_140 = arith.constant 0 : i32
        %dma_wait3A_141 = tpu.memref_slice %arg7[%sub3A_139, %dma_wait3A_140] : memref<40x128xi32, #tpu.memory_space<vmem>> -> memref<1x128xi32, #tpu.memory_space<vmem>>
        %dma_wait3A_142 = tpu.memref_squeeze %dma_wait3A_141 : memref<1x128xi32, #tpu.memory_space<vmem>> -> memref<128xi32, #tpu.memory_space<vmem>>
        %dma_wait3A_143 = arith.constant 0 : i32
        %dma_wait3A_144 = arith.constant 0 : i32
        %dma_wait3A_145 = tpu.memref_slice %arg10[%dma_wait3A_143, %dma_wait3A_144] : memref<10240x128xf32, #tpu.memory_space<vmem_shared>> -> memref<10240x128xf32, #tpu.memory_space<vmem_shared>>
        tpu.wait_indirect_dma semaphore(%arg14 : memref<!tpu.dma_semaphore, #tpu.memory_space<semaphore_mem>>) src(%arg9 : memref<128x128xf32, #tpu.memory_space<vmem>>) dst(%dma_wait3A_145 : memref<10240x128xf32, #tpu.memory_space<vmem_shared>>)
      } else {
      }
      %add3A_92 = arith.constant 1 : i32
      %add3A_93 = arith.addi %add3A_87, %add3A_92 : i32
      %lt3A_94 = arith.constant 40 : i32
      %lt3A_95 = arith.cmpi slt, %add3A_93, %lt3A_94 : i32
      %convert_element_type3A_96 = arith.extui %lt3A_95 : i1 to i32
      %cond3A_97 = arith.constant 0 : i32
      %cond3A_98 = arith.cmpi ne, %convert_element_type3A_96, %cond3A_97 : i32
      scf.if %cond3A_98 {
        %add3A_139 = arith.constant 1 : i32
        %add3A_140 = arith.addi %add3A_87, %add3A_139 : i32
        %dma_start3A_141 = arith.constant 0 : i32
        %dma_start3A_142 = tpu.memref_slice %arg6[%add3A_140, %dma_start3A_141] : memref<40x128xi32, #tpu.memory_space<vmem>> -> memref<1x128xi32, #tpu.memory_space<vmem>>
        %dma_start3A_143 = tpu.memref_squeeze %dma_start3A_142 : memref<1x128xi32, #tpu.memory_space<vmem>> -> memref<128xi32, #tpu.memory_space<vmem>>
        %dma_start3A_144 = arith.constant 0 : i32
        %dma_start3A_145 = arith.constant 0 : i32
        %dma_start3A_146 = tpu.memref_slice %arg2[%dma_start3A_144, %dma_start3A_145] : memref<20000x128xf32, #tpu.memory_space<hbm>> -> memref<20000x128xf32, #tpu.memory_space<hbm>>
        tpu.enqueue_indirect_dma source(%dma_start3A_146 : memref<20000x128xf32, #tpu.memory_space<hbm>>) target(%arg9 : memref<128x128xf32, #tpu.memory_space<vmem>>) offsets(%dma_start3A_143 : memref<128xi32, #tpu.memory_space<vmem>>) semaphore(%arg12 : memref<!tpu.dma_semaphore, #tpu.memory_space<semaphore_mem>>)
      } else {
      }
      %dma_wait3A_99 = arith.constant 0 : i32
      %dma_wait3A_100 = tpu.memref_slice %arg6[%add3A_87, %dma_wait3A_99] : memref<40x128xi32, #tpu.memory_space<vmem>> -> memref<1x128xi32, #tpu.memory_space<vmem>>
      %dma_wait3A_101 = tpu.memref_squeeze %dma_wait3A_100 : memref<1x128xi32, #tpu.memory_space<vmem>> -> memref<128xi32, #tpu.memory_space<vmem>>
      %dma_wait3A_102 = arith.constant 0 : i32
      %dma_wait3A_103 = arith.constant 0 : i32
      %dma_wait3A_104 = tpu.memref_slice %arg2[%dma_wait3A_102, %dma_wait3A_103] : memref<20000x128xf32, #tpu.memory_space<hbm>> -> memref<20000x128xf32, #tpu.memory_space<hbm>>
      tpu.wait_indirect_dma semaphore(%arg11 : memref<!tpu.dma_semaphore, #tpu.memory_space<semaphore_mem>>) src(%dma_wait3A_104 : memref<20000x128xf32, #tpu.memory_space<hbm>>) dst(%arg8 : memref<128x128xf32, #tpu.memory_space<vmem>>)
      %dma_start3A_105 = arith.constant 0 : i32
      %dma_start3A_106 = tpu.memref_slice %arg7[%add3A_87, %dma_start3A_105] : memref<40x128xi32, #tpu.memory_space<vmem>> -> memref<1x128xi32, #tpu.memory_space<vmem>>
      %dma_start3A_107 = tpu.memref_squeeze %dma_start3A_106 : memref<1x128xi32, #tpu.memory_space<vmem>> -> memref<128xi32, #tpu.memory_space<vmem>>
      %dma_start3A_108 = arith.constant 0 : i32
      %dma_start3A_109 = arith.constant 0 : i32
      %dma_start3A_110 = tpu.memref_slice %arg10[%dma_start3A_108, %dma_start3A_109] : memref<10240x128xf32, #tpu.memory_space<vmem_shared>> -> memref<10240x128xf32, #tpu.memory_space<vmem_shared>>
      tpu.enqueue_indirect_dma source(%arg8 : memref<128x128xf32, #tpu.memory_space<vmem>>) target(%dma_start3A_110 : memref<10240x128xf32, #tpu.memory_space<vmem_shared>>) offsets(%dma_start3A_107 : memref<128xi32, #tpu.memory_space<vmem>>) semaphore(%arg13 : memref<!tpu.dma_semaphore, #tpu.memory_space<semaphore_mem>>) {add = true}
      %mul3A_111 = arith.constant 2 : i32
      %mul3A_112 = arith.muli %scan3A_83, %mul3A_111 : i32
      %add3A_113 = arith.constant 1 : i32
      %add3A_114 = arith.addi %mul3A_112, %add3A_113 : i32
      %ge3A_115 = arith.constant 1 : i32
      %ge3A_116 = arith.cmpi sge, %add3A_114, %ge3A_115 : i32
      %convert_element_type3A_117 = arith.extui %ge3A_116 : i1 to i32
      %cond3A_118 = arith.constant 0 : i32
      %cond3A_119 = arith.cmpi ne, %convert_element_type3A_117, %cond3A_118 : i32
      scf.if %cond3A_119 {
        %sub3A = arith.constant 1 : i32
        %sub3A_139 = arith.subi %add3A_114, %sub3A : i32
        %dma_wait3A_140 = arith.constant 0 : i32
        %dma_wait3A_141 = tpu.memref_slice %arg7[%sub3A_139, %dma_wait3A_140] : memref<40x128xi32, #tpu.memory_space<vmem>> -> memref<1x128xi32, #tpu.memory_space<vmem>>
        %dma_wait3A_142 = tpu.memref_squeeze %dma_wait3A_141 : memref<1x128xi32, #tpu.memory_space<vmem>> -> memref<128xi32, #tpu.memory_space<vmem>>
        %dma_wait3A_143 = arith.constant 0 : i32
        %dma_wait3A_144 = arith.constant 0 : i32
        %dma_wait3A_145 = tpu.memref_slice %arg10[%dma_wait3A_143, %dma_wait3A_144] : memref<10240x128xf32, #tpu.memory_space<vmem_shared>> -> memref<10240x128xf32, #tpu.memory_space<vmem_shared>>
        tpu.wait_indirect_dma semaphore(%arg13 : memref<!tpu.dma_semaphore, #tpu.memory_space<semaphore_mem>>) src(%arg8 : memref<128x128xf32, #tpu.memory_space<vmem>>) dst(%dma_wait3A_145 : memref<10240x128xf32, #tpu.memory_space<vmem_shared>>)
      } else {
      }
      %add3A_120 = arith.constant 1 : i32
      %add3A_121 = arith.addi %add3A_114, %add3A_120 : i32
      %lt3A_122 = arith.constant 40 : i32
      %lt3A_123 = arith.cmpi slt, %add3A_121, %lt3A_122 : i32
      %convert_element_type3A_124 = arith.extui %lt3A_123 : i1 to i32
      %cond3A_125 = arith.constant 0 : i32
      %cond3A_126 = arith.cmpi ne, %convert_element_type3A_124, %cond3A_125 : i32
      scf.if %cond3A_126 {
        %add3A_139 = arith.constant 1 : i32
        %add3A_140 = arith.addi %add3A_114, %add3A_139 : i32
        %dma_start3A_141 = arith.constant 0 : i32
        %dma_start3A_142 = tpu.memref_slice %arg6[%add3A_140, %dma_start3A_141] : memref<40x128xi32, #tpu.memory_space<vmem>> -> memref<1x128xi32, #tpu.memory_space<vmem>>
        %dma_start3A_143 = tpu.memref_squeeze %dma_start3A_142 : memref<1x128xi32, #tpu.memory_space<vmem>> -> memref<128xi32, #tpu.memory_space<vmem>>
        %dma_start3A_144 = arith.constant 0 : i32
        %dma_start3A_145 = arith.constant 0 : i32
        %dma_start3A_146 = tpu.memref_slice %arg2[%dma_start3A_144, %dma_start3A_145] : memref<20000x128xf32, #tpu.memory_space<hbm>> -> memref<20000x128xf32, #tpu.memory_space<hbm>>
        tpu.enqueue_indirect_dma source(%dma_start3A_146 : memref<20000x128xf32, #tpu.memory_space<hbm>>) target(%arg8 : memref<128x128xf32, #tpu.memory_space<vmem>>) offsets(%dma_start3A_143 : memref<128xi32, #tpu.memory_space<vmem>>) semaphore(%arg11 : memref<!tpu.dma_semaphore, #tpu.memory_space<semaphore_mem>>)
      } else {
      }
      %dma_wait3A_127 = arith.constant 0 : i32
      %dma_wait3A_128 = tpu.memref_slice %arg6[%add3A_114, %dma_wait3A_127] : memref<40x128xi32, #tpu.memory_space<vmem>> -> memref<1x128xi32, #tpu.memory_space<vmem>>
      %dma_wait3A_129 = tpu.memref_squeeze %dma_wait3A_128 : memref<1x128xi32, #tpu.memory_space<vmem>> -> memref<128xi32, #tpu.memory_space<vmem>>
      %dma_wait3A_130 = arith.constant 0 : i32
      %dma_wait3A_131 = arith.constant 0 : i32
      %dma_wait3A_132 = tpu.memref_slice %arg2[%dma_wait3A_130, %dma_wait3A_131] : memref<20000x128xf32, #tpu.memory_space<hbm>> -> memref<20000x128xf32, #tpu.memory_space<hbm>>
      tpu.wait_indirect_dma semaphore(%arg12 : memref<!tpu.dma_semaphore, #tpu.memory_space<semaphore_mem>>) src(%dma_wait3A_132 : memref<20000x128xf32, #tpu.memory_space<hbm>>) dst(%arg9 : memref<128x128xf32, #tpu.memory_space<vmem>>)
      %dma_start3A_133 = arith.constant 0 : i32
      %dma_start3A_134 = tpu.memref_slice %arg7[%add3A_114, %dma_start3A_133] : memref<40x128xi32, #tpu.memory_space<vmem>> -> memref<1x128xi32, #tpu.memory_space<vmem>>
      %dma_start3A_135 = tpu.memref_squeeze %dma_start3A_134 : memref<1x128xi32, #tpu.memory_space<vmem>> -> memref<128xi32, #tpu.memory_space<vmem>>
      %dma_start3A_136 = arith.constant 0 : i32
      %dma_start3A_137 = arith.constant 0 : i32
      %dma_start3A_138 = tpu.memref_slice %arg10[%dma_start3A_136, %dma_start3A_137] : memref<10240x128xf32, #tpu.memory_space<vmem_shared>> -> memref<10240x128xf32, #tpu.memory_space<vmem_shared>>
      tpu.enqueue_indirect_dma source(%arg9 : memref<128x128xf32, #tpu.memory_space<vmem>>) target(%dma_start3A_138 : memref<10240x128xf32, #tpu.memory_space<vmem_shared>>) offsets(%dma_start3A_135 : memref<128xi32, #tpu.memory_space<vmem>>) semaphore(%arg14 : memref<!tpu.dma_semaphore, #tpu.memory_space<semaphore_mem>>) {add = true}
    }
    %scan3A_64 = arith.constant 20 : i32
    %dma_wait3A_65 = arith.constant 39 : i32
    %dma_wait3A_66 = arith.constant 0 : i32
    %dma_wait3A_67 = tpu.memref_slice %arg7[%dma_wait3A_65, %dma_wait3A_66] : memref<40x128xi32, #tpu.memory_space<vmem>> -> memref<1x128xi32, #tpu.memory_space<vmem>>
    %dma_wait3A_68 = tpu.memref_squeeze %dma_wait3A_67 : memref<1x128xi32, #tpu.memory_space<vmem>> -> memref<128xi32, #tpu.memory_space<vmem>>
    %dma_wait3A_69 = arith.constant 0 : i32
    %dma_wait3A_70 = arith.constant 0 : i32
    %dma_wait3A_71 = tpu.memref_slice %arg10[%dma_wait3A_69, %dma_wait3A_70] : memref<10240x128xf32, #tpu.memory_space<vmem_shared>> -> memref<10240x128xf32, #tpu.memory_space<vmem_shared>>
    tpu.wait_indirect_dma semaphore(%arg14 : memref<!tpu.dma_semaphore, #tpu.memory_space<semaphore_mem>>) src(%arg9 : memref<128x128xf32, #tpu.memory_space<vmem>>) dst(%dma_wait3A_71 : memref<10240x128xf32, #tpu.memory_space<vmem_shared>>)
    %barrier3A_72 = arith.constant 0 : index
    tpu.barrier barrier_id(%barrier3A_72)
    %lt3A_73 = arith.constant 15 : i32
    %lt3A_74 = arith.cmpi slt, %arg1, %lt3A_73 : i32
    %convert_element_type3A_75 = arith.extui %lt3A_74 : i1 to i32
    %cond3A_76 = arith.constant 0 : i32
    %cond3A_77 = arith.cmpi ne, %convert_element_type3A_75, %cond3A_76 : i32
    scf.if %cond3A_77 {
      %mul3A_83 = arith.constant 632 : i32
      %mul3A_84 = arith.muli %arg1, %mul3A_83 : i32
      %mul3A_85 = arith.constant 10000 : i32
      %mul3A_86 = arith.muli %arg0, %mul3A_85 : i32
      %add3A_87 = arith.addi %mul3A_86, %mul3A_84 : i32
      "tpu.region"() ({
        %run_scoped3A = tpu.sem_alloc : memref<!tpu.dma_semaphore, #tpu.memory_space<semaphore_mem>>
        %dma_start3A_88 = arith.constant 0 : i32
        %dma_start3A_89 = tpu.memref_slice %arg5[%add3A_87, %dma_start3A_88] : memref<20000x128xf32, #tpu.memory_space<hbm>> -> memref<632x128xf32, #tpu.memory_space<hbm>>
        %dma_start3A_90 = arith.constant 0 : i32
        %dma_start3A_91 = tpu.memref_slice %arg10[%mul3A_84, %dma_start3A_90] : memref<10240x128xf32, #tpu.memory_space<vmem_shared>> -> memref<632x128xf32, #tpu.memory_space<vmem_shared>>
        tpu.enqueue_dma source(%dma_start3A_91 : memref<632x128xf32, #tpu.memory_space<vmem_shared>>) target(%dma_start3A_89 : memref<632x128xf32, #tpu.memory_space<hbm>>) target_semaphore(%run_scoped3A : memref<!tpu.dma_semaphore, #tpu.memory_space<semaphore_mem>>)
        %dma_wait3A_92 = arith.constant 0 : i32
        %dma_wait3A_93 = tpu.memref_slice %arg5[%add3A_87, %dma_wait3A_92] : memref<20000x128xf32, #tpu.memory_space<hbm>> -> memref<632x128xf32, #tpu.memory_space<hbm>>
        %dma_wait3A_94 = arith.constant 0 : i32
        %dma_wait3A_95 = tpu.memref_slice %arg10[%mul3A_84, %dma_wait3A_94] : memref<10240x128xf32, #tpu.memory_space<vmem_shared>> -> memref<632x128xf32, #tpu.memory_space<vmem_shared>>
        tpu.wait_dma2 semaphore(%run_scoped3A : memref<!tpu.dma_semaphore, #tpu.memory_space<semaphore_mem>>) src(%dma_wait3A_95 : memref<632x128xf32, #tpu.memory_space<vmem_shared>>) dst(%dma_wait3A_93 : memref<632x128xf32, #tpu.memory_space<hbm>>)
        tpu.yield
      }) : () -> ()
    } else {
    }
    %eq3A_78 = arith.constant 15 : i32
    %eq3A_79 = arith.cmpi eq, %arg1, %eq3A_78 : i32
    %convert_element_type3A_80 = arith.extui %eq3A_79 : i1 to i32
    %cond3A_81 = arith.constant 0 : i32
    %cond3A_82 = arith.cmpi ne, %convert_element_type3A_80, %cond3A_81 : i32
    scf.if %cond3A_82 {
      %mul3A_83 = arith.constant 10000 : i32
      %mul3A_84 = arith.muli %arg0, %mul3A_83 : i32
      %add3A_85 = arith.constant 9480 : i32
      %add3A_86 = arith.addi %mul3A_84, %add3A_85 : i32
      "tpu.region"() ({
        %run_scoped3A = tpu.sem_alloc : memref<!tpu.dma_semaphore, #tpu.memory_space<semaphore_mem>>
        %dma_start3A_87 = arith.constant 0 : i32
        %dma_start3A_88 = tpu.memref_slice %arg5[%add3A_86, %dma_start3A_87] : memref<20000x128xf32, #tpu.memory_space<hbm>> -> memref<520x128xf32, #tpu.memory_space<hbm>>
        %dma_start3A_89 = arith.constant 9480 : i32
        %dma_start3A_90 = arith.constant 0 : i32
        %dma_start3A_91 = tpu.memref_slice %arg10[%dma_start3A_89, %dma_start3A_90] : memref<10240x128xf32, #tpu.memory_space<vmem_shared>> -> memref<520x128xf32, #tpu.memory_space<vmem_shared>>
        tpu.enqueue_dma source(%dma_start3A_91 : memref<520x128xf32, #tpu.memory_space<vmem_shared>>) target(%dma_start3A_88 : memref<520x128xf32, #tpu.memory_space<hbm>>) target_semaphore(%run_scoped3A : memref<!tpu.dma_semaphore, #tpu.memory_space<semaphore_mem>>)
        %dma_wait3A_92 = arith.constant 0 : i32
        %dma_wait3A_93 = tpu.memref_slice %arg5[%add3A_86, %dma_wait3A_92] : memref<20000x128xf32, #tpu.memory_space<hbm>> -> memref<520x128xf32, #tpu.memory_space<hbm>>
        %dma_wait3A_94 = arith.constant 9480 : i32
        %dma_wait3A_95 = arith.constant 0 : i32
        %dma_wait3A_96 = tpu.memref_slice %arg10[%dma_wait3A_94, %dma_wait3A_95] : memref<10240x128xf32, #tpu.memory_space<vmem_shared>> -> memref<520x128xf32, #tpu.memory_space<vmem_shared>>
        tpu.wait_dma2 semaphore(%run_scoped3A : memref<!tpu.dma_semaphore, #tpu.memory_space<semaphore_mem>>) src(%dma_wait3A_96 : memref<520x128xf32, #tpu.memory_space<vmem_shared>>) dst(%dma_wait3A_93 : memref<520x128xf32, #tpu.memory_space<hbm>>)
        tpu.yield
      }) : () -> ()
    } else {
    }
    return
  }
}

#map = affine_map<(d0, d1) -> (0, 0)>
#map1 = affine_map<(d0, d1) -> (0, 0, 0)>
module attributes {stable_mosaic.version = 14 : i64} {
  func.func @_deg(%arg0: i32, %arg1: i32, %arg2: memref<1280x128xi32, #tpu.memory_space<hbm>>, %arg3: memref<2x128x16xf32, #tpu.memory_space<hbm>>, %arg4: memref<20000x16xf32, #tpu.memory_space<hbm>>, %arg5: memref<40x128xi32, #tpu.memory_space<vmem>>, %arg6: memref<128x16xf32, #tpu.memory_space<vmem>>, %arg7: memref<10240x16xf32, #tpu.memory_space<vmem_shared>>, %arg8: memref<!tpu.dma_semaphore, #tpu.memory_space<semaphore_mem>>) attributes {dimension_semantics = [#tpu.dimension_semantics<core_parallel>, #tpu.dimension_semantics<subcore_parallel>], iteration_bounds = array<i64: 2, 16>, scalar_prefetch = 0 : i64, scratch_operands = 4 : i64, tpu.core_type = #tpu.core_type<sc_vector_subcore>, window_params = [{transform_indices = #map}, {transform_indices = #map1}, {transform_indices = #map}]} {
    "tpu.region"() ({
      %run_scoped3A = tpu.sem_alloc : memref<!tpu.dma_semaphore, #tpu.memory_space<semaphore_mem>>
      %dma_start3A = arith.constant 0 : i32
      %dma_start3A_41 = arith.constant 0 : i32
      %dma_start3A_42 = tpu.memref_slice %arg3[%arg0, %dma_start3A, %dma_start3A_41] : memref<2x128x16xf32, #tpu.memory_space<hbm>> -> memref<1x128x16xf32, #tpu.memory_space<hbm>>
      %dma_start3A_43 = tpu.memref_squeeze %dma_start3A_42 : memref<1x128x16xf32, #tpu.memory_space<hbm>> -> memref<128x16xf32, #tpu.memory_space<hbm>>
      %dma_start3A_44 = arith.constant 0 : i32
      %dma_start3A_45 = arith.constant 0 : i32
      %dma_start3A_46 = tpu.memref_slice %arg3[%arg0, %dma_start3A_44, %dma_start3A_45] : memref<2x128x16xf32, #tpu.memory_space<hbm>> -> memref<1x128x16xf32, #tpu.memory_space<hbm>>
      %dma_start3A_47 = tpu.memref_squeeze %dma_start3A_46 : memref<1x128x16xf32, #tpu.memory_space<hbm>> -> memref<128x16xf32, #tpu.memory_space<hbm>>
      tpu.enqueue_dma source(%dma_start3A_47 : memref<128x16xf32, #tpu.memory_space<hbm>>) target(%arg6 : memref<128x16xf32, #tpu.memory_space<vmem>>) target_semaphore(%run_scoped3A : memref<!tpu.dma_semaphore, #tpu.memory_space<semaphore_mem>>)
      %dma_wait3A = arith.constant 0 : i32
      %dma_wait3A_48 = arith.constant 0 : i32
      %dma_wait3A_49 = tpu.memref_slice %arg3[%arg0, %dma_wait3A, %dma_wait3A_48] : memref<2x128x16xf32, #tpu.memory_space<hbm>> -> memref<1x128x16xf32, #tpu.memory_space<hbm>>
      %dma_wait3A_50 = tpu.memref_squeeze %dma_wait3A_49 : memref<1x128x16xf32, #tpu.memory_space<hbm>> -> memref<128x16xf32, #tpu.memory_space<hbm>>
      %dma_wait3A_51 = arith.constant 0 : i32
      %dma_wait3A_52 = arith.constant 0 : i32
      %dma_wait3A_53 = tpu.memref_slice %arg3[%arg0, %dma_wait3A_51, %dma_wait3A_52] : memref<2x128x16xf32, #tpu.memory_space<hbm>> -> memref<1x128x16xf32, #tpu.memory_space<hbm>>
      %dma_wait3A_54 = tpu.memref_squeeze %dma_wait3A_53 : memref<1x128x16xf32, #tpu.memory_space<hbm>> -> memref<128x16xf32, #tpu.memory_space<hbm>>
      tpu.wait_dma2 semaphore(%run_scoped3A : memref<!tpu.dma_semaphore, #tpu.memory_space<semaphore_mem>>) src(%dma_wait3A_54 : memref<128x16xf32, #tpu.memory_space<hbm>>) dst(%arg6 : memref<128x16xf32, #tpu.memory_space<vmem>>)
      tpu.yield
    }) : () -> ()
    %mul3A = arith.constant 16 : i32
    %mul3A_0 = arith.muli %arg0, %mul3A : i32
    %add3A = arith.addi %mul3A_0, %arg1 : i32
    %mul3A_1 = arith.constant 40 : i32
    %mul3A_2 = arith.muli %add3A, %mul3A_1 : i32
    "tpu.region"() ({
      %run_scoped3A = tpu.sem_alloc : memref<!tpu.dma_semaphore, #tpu.memory_space<semaphore_mem>>
      %dma_start3A = arith.constant 0 : i32
      %dma_start3A_41 = tpu.memref_slice %arg2[%mul3A_2, %dma_start3A] : memref<1280x128xi32, #tpu.memory_space<hbm>> -> memref<40x128xi32, #tpu.memory_space<hbm>>
      %dma_start3A_42 = arith.constant 0 : i32
      %dma_start3A_43 = tpu.memref_slice %arg2[%mul3A_2, %dma_start3A_42] : memref<1280x128xi32, #tpu.memory_space<hbm>> -> memref<40x128xi32, #tpu.memory_space<hbm>>
      tpu.enqueue_dma source(%dma_start3A_43 : memref<40x128xi32, #tpu.memory_space<hbm>>) target(%arg5 : memref<40x128xi32, #tpu.memory_space<vmem>>) target_semaphore(%run_scoped3A : memref<!tpu.dma_semaphore, #tpu.memory_space<semaphore_mem>>)
      %dma_wait3A = arith.constant 0 : i32
      %dma_wait3A_44 = tpu.memref_slice %arg2[%mul3A_2, %dma_wait3A] : memref<1280x128xi32, #tpu.memory_space<hbm>> -> memref<40x128xi32, #tpu.memory_space<hbm>>
      %dma_wait3A_45 = arith.constant 0 : i32
      %dma_wait3A_46 = tpu.memref_slice %arg2[%mul3A_2, %dma_wait3A_45] : memref<1280x128xi32, #tpu.memory_space<hbm>> -> memref<40x128xi32, #tpu.memory_space<hbm>>
      tpu.wait_dma2 semaphore(%run_scoped3A : memref<!tpu.dma_semaphore, #tpu.memory_space<semaphore_mem>>) src(%dma_wait3A_46 : memref<40x128xi32, #tpu.memory_space<hbm>>) dst(%arg5 : memref<40x128xi32, #tpu.memory_space<vmem>>)
      tpu.yield
    }) : () -> ()
    %mul3A_3 = arith.constant 640 : i32
    %mul3A_4 = arith.muli %arg1, %mul3A_3 : i32
    %add3A_5 = arith.constant 0 : i32
    %add3A_6 = arith.addi %mul3A_4, %add3A_5 : i32
    "tpu.region"() ({
      %run_scoped3A = tpu.sem_alloc : memref<!tpu.dma_semaphore, #tpu.memory_space<semaphore_mem>>
      %dma_start3A = arith.constant 0 : i32
      %dma_start3A_41 = tpu.memref_slice %arg7[%add3A_6, %dma_start3A] : memref<10240x16xf32, #tpu.memory_space<vmem_shared>> -> memref<128x16xf32, #tpu.memory_space<vmem_shared>>
      %dma_start3A_42 = arith.constant 0 : i32
      %dma_start3A_43 = tpu.memref_slice %arg7[%add3A_6, %dma_start3A_42] : memref<10240x16xf32, #tpu.memory_space<vmem_shared>> -> memref<128x16xf32, #tpu.memory_space<vmem_shared>>
      tpu.enqueue_dma source(%arg6 : memref<128x16xf32, #tpu.memory_space<vmem>>) target(%dma_start3A_43 : memref<128x16xf32, #tpu.memory_space<vmem_shared>>) target_semaphore(%run_scoped3A : memref<!tpu.dma_semaphore, #tpu.memory_space<semaphore_mem>>)
      %dma_wait3A = arith.constant 0 : i32
      %dma_wait3A_44 = tpu.memref_slice %arg7[%add3A_6, %dma_wait3A] : memref<10240x16xf32, #tpu.memory_space<vmem_shared>> -> memref<128x16xf32, #tpu.memory_space<vmem_shared>>
      %dma_wait3A_45 = arith.constant 0 : i32
      %dma_wait3A_46 = tpu.memref_slice %arg7[%add3A_6, %dma_wait3A_45] : memref<10240x16xf32, #tpu.memory_space<vmem_shared>> -> memref<128x16xf32, #tpu.memory_space<vmem_shared>>
      tpu.wait_dma2 semaphore(%run_scoped3A : memref<!tpu.dma_semaphore, #tpu.memory_space<semaphore_mem>>) src(%arg6 : memref<128x16xf32, #tpu.memory_space<vmem>>) dst(%dma_wait3A_46 : memref<128x16xf32, #tpu.memory_space<vmem_shared>>)
      tpu.yield
    }) : () -> ()
    %mul3A_7 = arith.constant 640 : i32
    %mul3A_8 = arith.muli %arg1, %mul3A_7 : i32
    %add3A_9 = arith.constant 128 : i32
    %add3A_10 = arith.addi %mul3A_8, %add3A_9 : i32
    "tpu.region"() ({
      %run_scoped3A = tpu.sem_alloc : memref<!tpu.dma_semaphore, #tpu.memory_space<semaphore_mem>>
      %dma_start3A = arith.constant 0 : i32
      %dma_start3A_41 = tpu.memref_slice %arg7[%add3A_10, %dma_start3A] : memref<10240x16xf32, #tpu.memory_space<vmem_shared>> -> memref<128x16xf32, #tpu.memory_space<vmem_shared>>
      %dma_start3A_42 = arith.constant 0 : i32
      %dma_start3A_43 = tpu.memref_slice %arg7[%add3A_10, %dma_start3A_42] : memref<10240x16xf32, #tpu.memory_space<vmem_shared>> -> memref<128x16xf32, #tpu.memory_space<vmem_shared>>
      tpu.enqueue_dma source(%arg6 : memref<128x16xf32, #tpu.memory_space<vmem>>) target(%dma_start3A_43 : memref<128x16xf32, #tpu.memory_space<vmem_shared>>) target_semaphore(%run_scoped3A : memref<!tpu.dma_semaphore, #tpu.memory_space<semaphore_mem>>)
      %dma_wait3A = arith.constant 0 : i32
      %dma_wait3A_44 = tpu.memref_slice %arg7[%add3A_10, %dma_wait3A] : memref<10240x16xf32, #tpu.memory_space<vmem_shared>> -> memref<128x16xf32, #tpu.memory_space<vmem_shared>>
      %dma_wait3A_45 = arith.constant 0 : i32
      %dma_wait3A_46 = tpu.memref_slice %arg7[%add3A_10, %dma_wait3A_45] : memref<10240x16xf32, #tpu.memory_space<vmem_shared>> -> memref<128x16xf32, #tpu.memory_space<vmem_shared>>
      tpu.wait_dma2 semaphore(%run_scoped3A : memref<!tpu.dma_semaphore, #tpu.memory_space<semaphore_mem>>) src(%arg6 : memref<128x16xf32, #tpu.memory_space<vmem>>) dst(%dma_wait3A_46 : memref<128x16xf32, #tpu.memory_space<vmem_shared>>)
      tpu.yield
    }) : () -> ()
    %mul3A_11 = arith.constant 640 : i32
    %mul3A_12 = arith.muli %arg1, %mul3A_11 : i32
    %add3A_13 = arith.constant 256 : i32
    %add3A_14 = arith.addi %mul3A_12, %add3A_13 : i32
    "tpu.region"() ({
      %run_scoped3A = tpu.sem_alloc : memref<!tpu.dma_semaphore, #tpu.memory_space<semaphore_mem>>
      %dma_start3A = arith.constant 0 : i32
      %dma_start3A_41 = tpu.memref_slice %arg7[%add3A_14, %dma_start3A] : memref<10240x16xf32, #tpu.memory_space<vmem_shared>> -> memref<128x16xf32, #tpu.memory_space<vmem_shared>>
      %dma_start3A_42 = arith.constant 0 : i32
      %dma_start3A_43 = tpu.memref_slice %arg7[%add3A_14, %dma_start3A_42] : memref<10240x16xf32, #tpu.memory_space<vmem_shared>> -> memref<128x16xf32, #tpu.memory_space<vmem_shared>>
      tpu.enqueue_dma source(%arg6 : memref<128x16xf32, #tpu.memory_space<vmem>>) target(%dma_start3A_43 : memref<128x16xf32, #tpu.memory_space<vmem_shared>>) target_semaphore(%run_scoped3A : memref<!tpu.dma_semaphore, #tpu.memory_space<semaphore_mem>>)
      %dma_wait3A = arith.constant 0 : i32
      %dma_wait3A_44 = tpu.memref_slice %arg7[%add3A_14, %dma_wait3A] : memref<10240x16xf32, #tpu.memory_space<vmem_shared>> -> memref<128x16xf32, #tpu.memory_space<vmem_shared>>
      %dma_wait3A_45 = arith.constant 0 : i32
      %dma_wait3A_46 = tpu.memref_slice %arg7[%add3A_14, %dma_wait3A_45] : memref<10240x16xf32, #tpu.memory_space<vmem_shared>> -> memref<128x16xf32, #tpu.memory_space<vmem_shared>>
      tpu.wait_dma2 semaphore(%run_scoped3A : memref<!tpu.dma_semaphore, #tpu.memory_space<semaphore_mem>>) src(%arg6 : memref<128x16xf32, #tpu.memory_space<vmem>>) dst(%dma_wait3A_46 : memref<128x16xf32, #tpu.memory_space<vmem_shared>>)
      tpu.yield
    }) : () -> ()
    %mul3A_15 = arith.constant 640 : i32
    %mul3A_16 = arith.muli %arg1, %mul3A_15 : i32
    %add3A_17 = arith.constant 384 : i32
    %add3A_18 = arith.addi %mul3A_16, %add3A_17 : i32
    "tpu.region"() ({
      %run_scoped3A = tpu.sem_alloc : memref<!tpu.dma_semaphore, #tpu.memory_space<semaphore_mem>>
      %dma_start3A = arith.constant 0 : i32
      %dma_start3A_41 = tpu.memref_slice %arg7[%add3A_18, %dma_start3A] : memref<10240x16xf32, #tpu.memory_space<vmem_shared>> -> memref<128x16xf32, #tpu.memory_space<vmem_shared>>
      %dma_start3A_42 = arith.constant 0 : i32
      %dma_start3A_43 = tpu.memref_slice %arg7[%add3A_18, %dma_start3A_42] : memref<10240x16xf32, #tpu.memory_space<vmem_shared>> -> memref<128x16xf32, #tpu.memory_space<vmem_shared>>
      tpu.enqueue_dma source(%arg6 : memref<128x16xf32, #tpu.memory_space<vmem>>) target(%dma_start3A_43 : memref<128x16xf32, #tpu.memory_space<vmem_shared>>) target_semaphore(%run_scoped3A : memref<!tpu.dma_semaphore, #tpu.memory_space<semaphore_mem>>)
      %dma_wait3A = arith.constant 0 : i32
      %dma_wait3A_44 = tpu.memref_slice %arg7[%add3A_18, %dma_wait3A] : memref<10240x16xf32, #tpu.memory_space<vmem_shared>> -> memref<128x16xf32, #tpu.memory_space<vmem_shared>>
      %dma_wait3A_45 = arith.constant 0 : i32
      %dma_wait3A_46 = tpu.memref_slice %arg7[%add3A_18, %dma_wait3A_45] : memref<10240x16xf32, #tpu.memory_space<vmem_shared>> -> memref<128x16xf32, #tpu.memory_space<vmem_shared>>
      tpu.wait_dma2 semaphore(%run_scoped3A : memref<!tpu.dma_semaphore, #tpu.memory_space<semaphore_mem>>) src(%arg6 : memref<128x16xf32, #tpu.memory_space<vmem>>) dst(%dma_wait3A_46 : memref<128x16xf32, #tpu.memory_space<vmem_shared>>)
      tpu.yield
    }) : () -> ()
    %mul3A_19 = arith.constant 640 : i32
    %mul3A_20 = arith.muli %arg1, %mul3A_19 : i32
    %add3A_21 = arith.constant 512 : i32
    %add3A_22 = arith.addi %mul3A_20, %add3A_21 : i32
    "tpu.region"() ({
      %run_scoped3A = tpu.sem_alloc : memref<!tpu.dma_semaphore, #tpu.memory_space<semaphore_mem>>
      %dma_start3A = arith.constant 0 : i32
      %dma_start3A_41 = tpu.memref_slice %arg7[%add3A_22, %dma_start3A] : memref<10240x16xf32, #tpu.memory_space<vmem_shared>> -> memref<128x16xf32, #tpu.memory_space<vmem_shared>>
      %dma_start3A_42 = arith.constant 0 : i32
      %dma_start3A_43 = tpu.memref_slice %arg7[%add3A_22, %dma_start3A_42] : memref<10240x16xf32, #tpu.memory_space<vmem_shared>> -> memref<128x16xf32, #tpu.memory_space<vmem_shared>>
      tpu.enqueue_dma source(%arg6 : memref<128x16xf32, #tpu.memory_space<vmem>>) target(%dma_start3A_43 : memref<128x16xf32, #tpu.memory_space<vmem_shared>>) target_semaphore(%run_scoped3A : memref<!tpu.dma_semaphore, #tpu.memory_space<semaphore_mem>>)
      %dma_wait3A = arith.constant 0 : i32
      %dma_wait3A_44 = tpu.memref_slice %arg7[%add3A_22, %dma_wait3A] : memref<10240x16xf32, #tpu.memory_space<vmem_shared>> -> memref<128x16xf32, #tpu.memory_space<vmem_shared>>
      %dma_wait3A_45 = arith.constant 0 : i32
      %dma_wait3A_46 = tpu.memref_slice %arg7[%add3A_22, %dma_wait3A_45] : memref<10240x16xf32, #tpu.memory_space<vmem_shared>> -> memref<128x16xf32, #tpu.memory_space<vmem_shared>>
      tpu.wait_dma2 semaphore(%run_scoped3A : memref<!tpu.dma_semaphore, #tpu.memory_space<semaphore_mem>>) src(%arg6 : memref<128x16xf32, #tpu.memory_space<vmem>>) dst(%dma_wait3A_46 : memref<128x16xf32, #tpu.memory_space<vmem_shared>>)
      tpu.yield
    }) : () -> ()
    %barrier3A = arith.constant 0 : index
    tpu.barrier barrier_id(%barrier3A)
    %scan3A = arith.constant 0 : i32
    %scan3A_23 = arith.constant 0 : i32
    %scan3A_24 = arith.constant 40 : i32
    %scan3A_25 = arith.addi %scan3A_23, %scan3A_24 : i32
    %scan3A_26 = arith.constant 1 : i32
    scf.for %scan3A_41 = %scan3A_23 to %scan3A_25 step %scan3A_26  : i32 {
      %dma_start3A = arith.constant 0 : i32
      %dma_start3A_42 = tpu.memref_slice %arg5[%scan3A_41, %dma_start3A] : memref<40x128xi32, #tpu.memory_space<vmem>> -> memref<1x128xi32, #tpu.memory_space<vmem>>
      %dma_start3A_43 = tpu.memref_squeeze %dma_start3A_42 : memref<1x128xi32, #tpu.memory_space<vmem>> -> memref<128xi32, #tpu.memory_space<vmem>>
      %dma_start3A_44 = arith.constant 0 : i32
      %dma_start3A_45 = arith.constant 0 : i32
      %dma_start3A_46 = tpu.memref_slice %arg7[%dma_start3A_44, %dma_start3A_45] : memref<10240x16xf32, #tpu.memory_space<vmem_shared>> -> memref<10240x16xf32, #tpu.memory_space<vmem_shared>>
      tpu.enqueue_indirect_dma source(%arg6 : memref<128x16xf32, #tpu.memory_space<vmem>>) target(%dma_start3A_46 : memref<10240x16xf32, #tpu.memory_space<vmem_shared>>) offsets(%dma_start3A_43 : memref<128xi32, #tpu.memory_space<vmem>>) semaphore(%arg8 : memref<!tpu.dma_semaphore, #tpu.memory_space<semaphore_mem>>) {add = true}
    }
    %scan3A_27 = arith.constant 40 : i32
    %scan3A_28 = arith.constant 0 : i32
    %scan3A_29 = arith.constant 0 : i32
    %scan3A_30 = arith.constant 40 : i32
    %scan3A_31 = arith.addi %scan3A_29, %scan3A_30 : i32
    %scan3A_32 = arith.constant 1 : i32
    scf.for %scan3A_41 = %scan3A_29 to %scan3A_31 step %scan3A_32  : i32 {
      %dma_wait3A = arith.constant 0 : i32
      %dma_wait3A_42 = tpu.memref_slice %arg5[%scan3A_41, %dma_wait3A] : memref<40x128xi32, #tpu.memory_space<vmem>> -> memref<1x128xi32, #tpu.memory_space<vmem>>
      %dma_wait3A_43 = tpu.memref_squeeze %dma_wait3A_42 : memref<1x128xi32, #tpu.memory_space<vmem>> -> memref<128xi32, #tpu.memory_space<vmem>>
      %dma_wait3A_44 = arith.constant 0 : i32
      %dma_wait3A_45 = arith.constant 0 : i32
      %dma_wait3A_46 = tpu.memref_slice %arg7[%dma_wait3A_44, %dma_wait3A_45] : memref<10240x16xf32, #tpu.memory_space<vmem_shared>> -> memref<10240x16xf32, #tpu.memory_space<vmem_shared>>
      tpu.wait_indirect_dma semaphore(%arg8 : memref<!tpu.dma_semaphore, #tpu.memory_space<semaphore_mem>>) src(%arg6 : memref<128x16xf32, #tpu.memory_space<vmem>>) dst(%dma_wait3A_46 : memref<10240x16xf32, #tpu.memory_space<vmem_shared>>)
    }
    %scan3A_33 = arith.constant 40 : i32
    %barrier3A_34 = arith.constant 0 : index
    tpu.barrier barrier_id(%barrier3A_34)
    %lt3A = arith.constant 15 : i32
    %lt3A_35 = arith.cmpi slt, %arg1, %lt3A : i32
    %convert_element_type3A = arith.extui %lt3A_35 : i1 to i32
    %cond3A = arith.constant 0 : i32
    %cond3A_36 = arith.cmpi ne, %convert_element_type3A, %cond3A : i32
    scf.if %cond3A_36 {
      %mul3A_41 = arith.constant 632 : i32
      %mul3A_42 = arith.muli %arg1, %mul3A_41 : i32
      %mul3A_43 = arith.constant 10000 : i32
      %mul3A_44 = arith.muli %arg0, %mul3A_43 : i32
      %add3A_45 = arith.addi %mul3A_44, %mul3A_42 : i32
      "tpu.region"() ({
        %run_scoped3A = tpu.sem_alloc : memref<!tpu.dma_semaphore, #tpu.memory_space<semaphore_mem>>
        %dma_start3A = arith.constant 0 : i32
        %dma_start3A_46 = tpu.memref_slice %arg4[%add3A_45, %dma_start3A] : memref<20000x16xf32, #tpu.memory_space<hbm>> -> memref<632x16xf32, #tpu.memory_space<hbm>>
        %dma_start3A_47 = arith.constant 0 : i32
        %dma_start3A_48 = tpu.memref_slice %arg7[%mul3A_42, %dma_start3A_47] : memref<10240x16xf32, #tpu.memory_space<vmem_shared>> -> memref<632x16xf32, #tpu.memory_space<vmem_shared>>
        tpu.enqueue_dma source(%dma_start3A_48 : memref<632x16xf32, #tpu.memory_space<vmem_shared>>) target(%dma_start3A_46 : memref<632x16xf32, #tpu.memory_space<hbm>>) target_semaphore(%run_scoped3A : memref<!tpu.dma_semaphore, #tpu.memory_space<semaphore_mem>>)
        %dma_wait3A = arith.constant 0 : i32
        %dma_wait3A_49 = tpu.memref_slice %arg4[%add3A_45, %dma_wait3A] : memref<20000x16xf32, #tpu.memory_space<hbm>> -> memref<632x16xf32, #tpu.memory_space<hbm>>
        %dma_wait3A_50 = arith.constant 0 : i32
        %dma_wait3A_51 = tpu.memref_slice %arg7[%mul3A_42, %dma_wait3A_50] : memref<10240x16xf32, #tpu.memory_space<vmem_shared>> -> memref<632x16xf32, #tpu.memory_space<vmem_shared>>
        tpu.wait_dma2 semaphore(%run_scoped3A : memref<!tpu.dma_semaphore, #tpu.memory_space<semaphore_mem>>) src(%dma_wait3A_51 : memref<632x16xf32, #tpu.memory_space<vmem_shared>>) dst(%dma_wait3A_49 : memref<632x16xf32, #tpu.memory_space<hbm>>)
        tpu.yield
      }) : () -> ()
    } else {
    }
    %eq3A = arith.constant 15 : i32
    %eq3A_37 = arith.cmpi eq, %arg1, %eq3A : i32
    %convert_element_type3A_38 = arith.extui %eq3A_37 : i1 to i32
    %cond3A_39 = arith.constant 0 : i32
    %cond3A_40 = arith.cmpi ne, %convert_element_type3A_38, %cond3A_39 : i32
    scf.if %cond3A_40 {
      %mul3A_41 = arith.constant 10000 : i32
      %mul3A_42 = arith.muli %arg0, %mul3A_41 : i32
      %add3A_43 = arith.constant 9480 : i32
      %add3A_44 = arith.addi %mul3A_42, %add3A_43 : i32
      "tpu.region"() ({
        %run_scoped3A = tpu.sem_alloc : memref<!tpu.dma_semaphore, #tpu.memory_space<semaphore_mem>>
        %dma_start3A = arith.constant 0 : i32
        %dma_start3A_45 = tpu.memref_slice %arg4[%add3A_44, %dma_start3A] : memref<20000x16xf32, #tpu.memory_space<hbm>> -> memref<520x16xf32, #tpu.memory_space<hbm>>
        %dma_start3A_46 = arith.constant 9480 : i32
        %dma_start3A_47 = arith.constant 0 : i32
        %dma_start3A_48 = tpu.memref_slice %arg7[%dma_start3A_46, %dma_start3A_47] : memref<10240x16xf32, #tpu.memory_space<vmem_shared>> -> memref<520x16xf32, #tpu.memory_space<vmem_shared>>
        tpu.enqueue_dma source(%dma_start3A_48 : memref<520x16xf32, #tpu.memory_space<vmem_shared>>) target(%dma_start3A_45 : memref<520x16xf32, #tpu.memory_space<hbm>>) target_semaphore(%run_scoped3A : memref<!tpu.dma_semaphore, #tpu.memory_space<semaphore_mem>>)
        %dma_wait3A = arith.constant 0 : i32
        %dma_wait3A_49 = tpu.memref_slice %arg4[%add3A_44, %dma_wait3A] : memref<20000x16xf32, #tpu.memory_space<hbm>> -> memref<520x16xf32, #tpu.memory_space<hbm>>
        %dma_wait3A_50 = arith.constant 9480 : i32
        %dma_wait3A_51 = arith.constant 0 : i32
        %dma_wait3A_52 = tpu.memref_slice %arg7[%dma_wait3A_50, %dma_wait3A_51] : memref<10240x16xf32, #tpu.memory_space<vmem_shared>> -> memref<520x16xf32, #tpu.memory_space<vmem_shared>>
        tpu.wait_dma2 semaphore(%run_scoped3A : memref<!tpu.dma_semaphore, #tpu.memory_space<semaphore_mem>>) src(%dma_wait3A_52 : memref<520x16xf32, #tpu.memory_space<vmem_shared>>) dst(%dma_wait3A_49 : memref<520x16xf32, #tpu.memory_space<hbm>>)
        tpu.yield
      }) : () -> ()
    } else {
    }
    return
  }
}

#map = affine_map<(d0, d1) -> (0, 0)>
module attributes {stable_mosaic.version = 14 : i64} {
  func.func @body(%arg0: i32, %arg1: i32, %arg2: memref<10000x128xf32, #tpu.memory_space<hbm>>, %arg3: memref<1280x128xi32, #tpu.memory_space<hbm>>, %arg4: memref<1280x128xi32, #tpu.memory_space<hbm>>, %arg5: memref<20000x128xf32, #tpu.memory_space<hbm>>, %arg6: memref<24x128xi32, #tpu.memory_space<vmem>>, %arg7: memref<24x128xi32, #tpu.memory_space<vmem>>, %arg8: memref<128x128xf32, #tpu.memory_space<vmem>>, %arg9: memref<128x128xf32, #tpu.memory_space<vmem>>, %arg10: memref<10240x128xf32, #tpu.memory_space<vmem_shared>>, %arg11: memref<!tpu.dma_semaphore, #tpu.memory_space<semaphore_mem>>, %arg12: memref<!tpu.dma_semaphore, #tpu.memory_space<semaphore_mem>>, %arg13: memref<!tpu.dma_semaphore, #tpu.memory_space<semaphore_mem>>, %arg14: memref<!tpu.dma_semaphore, #tpu.memory_space<semaphore_mem>>) attributes {dimension_semantics = [#tpu.dimension_semantics<core_parallel>, #tpu.dimension_semantics<subcore_parallel>], iteration_bounds = array<i64: 2, 16>, scalar_prefetch = 0 : i64, scratch_operands = 9 : i64, tpu.core_type = #tpu.core_type<sc_vector_subcore>, window_params = [{transform_indices = #map}, {transform_indices = #map}, {transform_indices = #map}, {transform_indices = #map}]} {
    %mul3A = arith.constant 16 : i32
    %mul3A_0 = arith.muli %arg0, %mul3A : i32
    %add3A = arith.addi %mul3A_0, %arg1 : i32
    %mul3A_1 = arith.constant 40 : i32
    %mul3A_2 = arith.muli %add3A, %mul3A_1 : i32
    %scan3A = arith.constant 0 : i32
    %scan3A_3 = arith.constant 0 : i32
    %scan3A_4 = arith.constant 1024 : i32
    %scan3A_5 = arith.addi %scan3A_3, %scan3A_4 : i32
    %scan3A_6 = arith.constant 1 : i32
    scf.for %scan3A_81 = %scan3A_3 to %scan3A_5 step %scan3A_6  : i32 {
      %broadcast_in_dim3A = arith.constant 0.000000e+00 : f32
      %broadcast_in_dim3A_82 = vector.broadcast %broadcast_in_dim3A : f32 to vector<16xf32>
      %jit3A = arith.constant 8 : i32
      %div3A = arith.divsi %scan3A_81, %jit3A : i32
      %sign3A = arith.constant 0 : i32
      %sign3A_83 = arith.cmpi sgt, %scan3A_81, %sign3A : i32
      %sign3A_84 = arith.extui %sign3A_83 : i1 to i32
      %sign3A_85 = arith.constant 0 : i32
      %sign3A_86 = arith.cmpi slt, %scan3A_81, %sign3A_85 : i32
      %sign3A_87 = arith.extui %sign3A_86 : i1 to i32
      %sign3A_88 = arith.subi %sign3A_84, %sign3A_87 : i32
      %sign3A_89 = arith.constant 0 : i32
      %sign3A_90 = arith.cmpi sgt, %jit3A, %sign3A_89 : i32
      %sign3A_91 = arith.extui %sign3A_90 : i1 to i32
      %sign3A_92 = arith.constant 0 : i32
      %sign3A_93 = arith.cmpi slt, %jit3A, %sign3A_92 : i32
      %sign3A_94 = arith.extui %sign3A_93 : i1 to i32
      %sign3A_95 = arith.subi %sign3A_91, %sign3A_94 : i32
      %ne3A = arith.cmpi ne, %sign3A_88, %sign3A_95 : i32
      %rem3A = arith.remsi %scan3A_81, %jit3A : i32
      %ne3A_96 = arith.constant 0 : i32
      %ne3A_97 = arith.cmpi ne, %rem3A, %ne3A_96 : i32
      %and3A = arith.andi %ne3A, %ne3A_97 : i1
      %sub3A = arith.constant 1 : i32
      %sub3A_98 = arith.subi %div3A, %sub3A : i32
      %select_n3A = arith.select %and3A, %sub3A_98, %div3A : i32
      %jit3A_99 = arith.constant 8 : i32
      %eq3A_100 = arith.constant 0 : i32
      %eq3A_101 = arith.cmpi eq, %jit3A_99, %eq3A_100 : i32
      %jit3A_102 = arith.constant 1 : i32
      %select_n3A_103 = arith.select %eq3A_101, %jit3A_102, %jit3A_99 : i32
      %rem3A_104 = arith.remsi %scan3A_81, %select_n3A_103 : i32
      %ne3A_105 = arith.constant 0 : i32
      %ne3A_106 = arith.cmpi ne, %rem3A_104, %ne3A_105 : i32
      %lt3A_107 = arith.constant 0 : i32
      %lt3A_108 = arith.cmpi slt, %rem3A_104, %lt3A_107 : i32
      %lt3A_109 = arith.constant 0 : i32
      %lt3A_110 = arith.cmpi slt, %select_n3A_103, %lt3A_109 : i32
      %ne3A_111 = arith.xori %lt3A_108, %lt3A_110 : i1
      %and3A_112 = arith.andi %ne3A_111, %ne3A_106 : i1
      %add3A_113 = arith.addi %rem3A_104, %select_n3A_103 : i32
      %select_n3A_114 = arith.select %and3A_112, %add3A_113, %rem3A_104 : i32
      %mul3A_115 = arith.constant 16 : i32
      %mul3A_116 = arith.muli %select_n3A_114, %mul3A_115 : i32
      %swap3A = arith.index_cast %select_n3A : i32 to index
      %swap3A_117 = arith.index_cast %mul3A_116 : i32 to index
      %swap3A_118 = tpu.vector_load %arg9[%swap3A, %swap3A_117] {strides = array<i32>} : memref<128x128xf32, #tpu.memory_space<vmem>>, vector<1x16xf32>,
      %swap3A_119 = vector.shape_cast %swap3A_118 : vector<1x16xf32> to vector<16xf32>
      %swap3A_120 = vector.shape_cast %broadcast_in_dim3A_82 : vector<16xf32> to vector<1x16xf32>
      tpu.vector_store %arg9[%swap3A, %swap3A_117], %swap3A_120 {strides = array<i32>} : memref<128x128xf32, #tpu.memory_space<vmem>>, vector<1x16xf32>,
    }
    %scan3A_7 = arith.constant 1024 : i32
    %lt3A = arith.constant 15 : i32
    %lt3A_8 = arith.cmpi slt, %arg1, %lt3A : i32
    %convert_element_type3A = arith.extui %lt3A_8 : i1 to i32
    %cond3A = arith.constant 0 : i32
    %cond3A_9 = arith.cmpi ne, %convert_element_type3A, %cond3A : i32
    scf.if %cond3A_9 {
      %mul3A_81 = arith.constant 632 : i32
      %mul3A_82 = arith.muli %arg1, %mul3A_81 : i32
      %add3A_83 = arith.constant 0 : i32
      %add3A_84 = arith.addi %mul3A_82, %add3A_83 : i32
      %dma_start3A_85 = arith.constant 0 : i32
      %dma_start3A_86 = tpu.memref_slice %arg10[%add3A_84, %dma_start3A_85] : memref<10240x128xf32, #tpu.memory_space<vmem_shared>> -> memref<128x128xf32, #tpu.memory_space<vmem_shared>>
      %dma_start3A_87 = arith.constant 0 : i32
      %dma_start3A_88 = tpu.memref_slice %arg10[%add3A_84, %dma_start3A_87] : memref<10240x128xf32, #tpu.memory_space<vmem_shared>> -> memref<128x128xf32, #tpu.memory_space<vmem_shared>>
      tpu.enqueue_dma source(%arg9 : memref<128x128xf32, #tpu.memory_space<vmem>>) target(%dma_start3A_88 : memref<128x128xf32, #tpu.memory_space<vmem_shared>>) target_semaphore(%arg13 : memref<!tpu.dma_semaphore, #tpu.memory_space<semaphore_mem>>)
      %add3A_89 = arith.constant 128 : i32
      %add3A_90 = arith.addi %mul3A_82, %add3A_89 : i32
      %dma_start3A_91 = arith.constant 0 : i32
      %dma_start3A_92 = tpu.memref_slice %arg10[%add3A_90, %dma_start3A_91] : memref<10240x128xf32, #tpu.memory_space<vmem_shared>> -> memref<128x128xf32, #tpu.memory_space<vmem_shared>>
      %dma_start3A_93 = arith.constant 0 : i32
      %dma_start3A_94 = tpu.memref_slice %arg10[%add3A_90, %dma_start3A_93] : memref<10240x128xf32, #tpu.memory_space<vmem_shared>> -> memref<128x128xf32, #tpu.memory_space<vmem_shared>>
      tpu.enqueue_dma source(%arg9 : memref<128x128xf32, #tpu.memory_space<vmem>>) target(%dma_start3A_94 : memref<128x128xf32, #tpu.memory_space<vmem_shared>>) target_semaphore(%arg13 : memref<!tpu.dma_semaphore, #tpu.memory_space<semaphore_mem>>)
      %add3A_95 = arith.constant 256 : i32
      %add3A_96 = arith.addi %mul3A_82, %add3A_95 : i32
      %dma_start3A_97 = arith.constant 0 : i32
      %dma_start3A_98 = tpu.memref_slice %arg10[%add3A_96, %dma_start3A_97] : memref<10240x128xf32, #tpu.memory_space<vmem_shared>> -> memref<128x128xf32, #tpu.memory_space<vmem_shared>>
      %dma_start3A_99 = arith.constant 0 : i32
      %dma_start3A_100 = tpu.memref_slice %arg10[%add3A_96, %dma_start3A_99] : memref<10240x128xf32, #tpu.memory_space<vmem_shared>> -> memref<128x128xf32, #tpu.memory_space<vmem_shared>>
      tpu.enqueue_dma source(%arg9 : memref<128x128xf32, #tpu.memory_space<vmem>>) target(%dma_start3A_100 : memref<128x128xf32, #tpu.memory_space<vmem_shared>>) target_semaphore(%arg13 : memref<!tpu.dma_semaphore, #tpu.memory_space<semaphore_mem>>)
      %add3A_101 = arith.constant 384 : i32
      %add3A_102 = arith.addi %mul3A_82, %add3A_101 : i32
      %dma_start3A_103 = arith.constant 0 : i32
      %dma_start3A_104 = tpu.memref_slice %arg10[%add3A_102, %dma_start3A_103] : memref<10240x128xf32, #tpu.memory_space<vmem_shared>> -> memref<128x128xf32, #tpu.memory_space<vmem_shared>>
      %dma_start3A_105 = arith.constant 0 : i32
      %dma_start3A_106 = tpu.memref_slice %arg10[%add3A_102, %dma_start3A_105] : memref<10240x128xf32, #tpu.memory_space<vmem_shared>> -> memref<128x128xf32, #tpu.memory_space<vmem_shared>>
      tpu.enqueue_dma source(%arg9 : memref<128x128xf32, #tpu.memory_space<vmem>>) target(%dma_start3A_106 : memref<128x128xf32, #tpu.memory_space<vmem_shared>>) target_semaphore(%arg13 : memref<!tpu.dma_semaphore, #tpu.memory_space<semaphore_mem>>)
      %add3A_107 = arith.constant 512 : i32
      %add3A_108 = arith.addi %mul3A_82, %add3A_107 : i32
      %dma_start3A_109 = arith.constant 0 : i32
      %dma_start3A_110 = arith.constant 0 : i32
      %dma_start3A_111 = tpu.memref_slice %arg9[%dma_start3A_109, %dma_start3A_110] : memref<128x128xf32, #tpu.memory_space<vmem>> -> memref<120x128xf32, #tpu.memory_space<vmem>>
      %dma_start3A_112 = arith.constant 0 : i32
      %dma_start3A_113 = tpu.memref_slice %arg10[%add3A_108, %dma_start3A_112] : memref<10240x128xf32, #tpu.memory_space<vmem_shared>> -> memref<120x128xf32, #tpu.memory_space<vmem_shared>>
      %dma_start3A_114 = arith.constant 0 : i32
      %dma_start3A_115 = tpu.memref_slice %arg10[%add3A_108, %dma_start3A_114] : memref<10240x128xf32, #tpu.memory_space<vmem_shared>> -> memref<120x128xf32, #tpu.memory_space<vmem_shared>>
      %dma_start3A_116 = arith.constant 0 : i32
      %dma_start3A_117 = arith.constant 0 : i32
      %dma_start3A_118 = tpu.memref_slice %arg9[%dma_start3A_116, %dma_start3A_117] : memref<128x128xf32, #tpu.memory_space<vmem>> -> memref<120x128xf32, #tpu.memory_space<vmem>>
      tpu.enqueue_dma source(%dma_start3A_118 : memref<120x128xf32, #tpu.memory_space<vmem>>) target(%dma_start3A_115 : memref<120x128xf32, #tpu.memory_space<vmem_shared>>) target_semaphore(%arg13 : memref<!tpu.dma_semaphore, #tpu.memory_space<semaphore_mem>>)
    } else {
    }
    %eq3A = arith.constant 15 : i32
    %eq3A_10 = arith.cmpi eq, %arg1, %eq3A : i32
    %convert_element_type3A_11 = arith.extui %eq3A_10 : i1 to i32
    %cond3A_12 = arith.constant 0 : i32
    %cond3A_13 = arith.cmpi ne, %convert_element_type3A_11, %cond3A_12 : i32
    scf.if %cond3A_13 {
      %dma_start3A_81 = arith.constant 9480 : i32
      %dma_start3A_82 = arith.constant 0 : i32
      %dma_start3A_83 = tpu.memref_slice %arg10[%dma_start3A_81, %dma_start3A_82] : memref<10240x128xf32, #tpu.memory_space<vmem_shared>> -> memref<128x128xf32, #tpu.memory_space<vmem_shared>>
      %dma_start3A_84 = arith.constant 9480 : i32
      %dma_start3A_85 = arith.constant 0 : i32
      %dma_start3A_86 = tpu.memref_slice %arg10[%dma_start3A_84, %dma_start3A_85] : memref<10240x128xf32, #tpu.memory_space<vmem_shared>> -> memref<128x128xf32, #tpu.memory_space<vmem_shared>>
      tpu.enqueue_dma source(%arg9 : memref<128x128xf32, #tpu.memory_space<vmem>>) target(%dma_start3A_86 : memref<128x128xf32, #tpu.memory_space<vmem_shared>>) target_semaphore(%arg13 : memref<!tpu.dma_semaphore, #tpu.memory_space<semaphore_mem>>)
      %dma_start3A_87 = arith.constant 9608 : i32
      %dma_start3A_88 = arith.constant 0 : i32
      %dma_start3A_89 = tpu.memref_slice %arg10[%dma_start3A_87, %dma_start3A_88] : memref<10240x128xf32, #tpu.memory_space<vmem_shared>> -> memref<128x128xf32, #tpu.memory_space<vmem_shared>>
      %dma_start3A_90 = arith.constant 9608 : i32
      %dma_start3A_91 = arith.constant 0 : i32
      %dma_start3A_92 = tpu.memref_slice %arg10[%dma_start3A_90, %dma_start3A_91] : memref<10240x128xf32, #tpu.memory_space<vmem_shared>> -> memref<128x128xf32, #tpu.memory_space<vmem_shared>>
      tpu.enqueue_dma source(%arg9 : memref<128x128xf32, #tpu.memory_space<vmem>>) target(%dma_start3A_92 : memref<128x128xf32, #tpu.memory_space<vmem_shared>>) target_semaphore(%arg13 : memref<!tpu.dma_semaphore, #tpu.memory_space<semaphore_mem>>)
      %dma_start3A_93 = arith.constant 9736 : i32
      %dma_start3A_94 = arith.constant 0 : i32
      %dma_start3A_95 = tpu.memref_slice %arg10[%dma_start3A_93, %dma_start3A_94] : memref<10240x128xf32, #tpu.memory_space<vmem_shared>> -> memref<128x128xf32, #tpu.memory_space<vmem_shared>>
      %dma_start3A_96 = arith.constant 9736 : i32
      %dma_start3A_97 = arith.constant 0 : i32
      %dma_start3A_98 = tpu.memref_slice %arg10[%dma_start3A_96, %dma_start3A_97] : memref<10240x128xf32, #tpu.memory_space<vmem_shared>> -> memref<128x128xf32, #tpu.memory_space<vmem_shared>>
      tpu.enqueue_dma source(%arg9 : memref<128x128xf32, #tpu.memory_space<vmem>>) target(%dma_start3A_98 : memref<128x128xf32, #tpu.memory_space<vmem_shared>>) target_semaphore(%arg13 : memref<!tpu.dma_semaphore, #tpu.memory_space<semaphore_mem>>)
      %dma_start3A_99 = arith.constant 9864 : i32
      %dma_start3A_100 = arith.constant 0 : i32
      %dma_start3A_101 = tpu.memref_slice %arg10[%dma_start3A_99, %dma_start3A_100] : memref<10240x128xf32, #tpu.memory_space<vmem_shared>> -> memref<128x128xf32, #tpu.memory_space<vmem_shared>>
      %dma_start3A_102 = arith.constant 9864 : i32
      %dma_start3A_103 = arith.constant 0 : i32
      %dma_start3A_104 = tpu.memref_slice %arg10[%dma_start3A_102, %dma_start3A_103] : memref<10240x128xf32, #tpu.memory_space<vmem_shared>> -> memref<128x128xf32, #tpu.memory_space<vmem_shared>>
      tpu.enqueue_dma source(%arg9 : memref<128x128xf32, #tpu.memory_space<vmem>>) target(%dma_start3A_104 : memref<128x128xf32, #tpu.memory_space<vmem_shared>>) target_semaphore(%arg13 : memref<!tpu.dma_semaphore, #tpu.memory_space<semaphore_mem>>)
      %dma_start3A_105 = arith.constant 0 : i32
      %dma_start3A_106 = arith.constant 0 : i32
      %dma_start3A_107 = tpu.memref_slice %arg9[%dma_start3A_105, %dma_start3A_106] : memref<128x128xf32, #tpu.memory_space<vmem>> -> memref<8x128xf32, #tpu.memory_space<vmem>>
      %dma_start3A_108 = arith.constant 9992 : i32
      %dma_start3A_109 = arith.constant 0 : i32
      %dma_start3A_110 = tpu.memref_slice %arg10[%dma_start3A_108, %dma_start3A_109] : memref<10240x128xf32, #tpu.memory_space<vmem_shared>> -> memref<8x128xf32, #tpu.memory_space<vmem_shared>>
      %dma_start3A_111 = arith.constant 9992 : i32
      %dma_start3A_112 = arith.constant 0 : i32
      %dma_start3A_113 = tpu.memref_slice %arg10[%dma_start3A_111, %dma_start3A_112] : memref<10240x128xf32, #tpu.memory_space<vmem_shared>> -> memref<8x128xf32, #tpu.memory_space<vmem_shared>>
      %dma_start3A_114 = arith.constant 0 : i32
      %dma_start3A_115 = arith.constant 0 : i32
      %dma_start3A_116 = tpu.memref_slice %arg9[%dma_start3A_114, %dma_start3A_115] : memref<128x128xf32, #tpu.memory_space<vmem>> -> memref<8x128xf32, #tpu.memory_space<vmem>>
      tpu.enqueue_dma source(%dma_start3A_116 : memref<8x128xf32, #tpu.memory_space<vmem>>) target(%dma_start3A_113 : memref<8x128xf32, #tpu.memory_space<vmem_shared>>) target_semaphore(%arg13 : memref<!tpu.dma_semaphore, #tpu.memory_space<semaphore_mem>>)
    } else {
    }
    %add3A_14 = arith.constant 0 : i32
    %add3A_15 = arith.addi %mul3A_2, %add3A_14 : i32
    "tpu.region"() ({
      %run_scoped3A = tpu.sem_alloc : memref<!tpu.dma_semaphore, #tpu.memory_space<semaphore_mem>>
      %dma_start3A_81 = arith.constant 0 : i32
      %dma_start3A_82 = arith.constant 0 : i32
      %dma_start3A_83 = tpu.memref_slice %arg6[%dma_start3A_81, %dma_start3A_82] : memref<24x128xi32, #tpu.memory_space<vmem>> -> memref<24x128xi32, #tpu.memory_space<vmem>>
      %dma_start3A_84 = arith.constant 0 : i32
      %dma_start3A_85 = tpu.memref_slice %arg3[%add3A_15, %dma_start3A_84] : memref<1280x128xi32, #tpu.memory_space<hbm>> -> memref<24x128xi32, #tpu.memory_space<hbm>>
      %dma_start3A_86 = arith.constant 0 : i32
      %dma_start3A_87 = arith.constant 0 : i32
      %dma_start3A_88 = tpu.memref_slice %arg6[%dma_start3A_86, %dma_start3A_87] : memref<24x128xi32, #tpu.memory_space<vmem>> -> memref<24x128xi32, #tpu.memory_space<vmem>>
      %dma_start3A_89 = arith.constant 0 : i32
      %dma_start3A_90 = tpu.memref_slice %arg3[%add3A_15, %dma_start3A_89] : memref<1280x128xi32, #tpu.memory_space<hbm>> -> memref<24x128xi32, #tpu.memory_space<hbm>>
      tpu.enqueue_dma source(%dma_start3A_90 : memref<24x128xi32, #tpu.memory_space<hbm>>) target(%dma_start3A_88 : memref<24x128xi32, #tpu.memory_space<vmem>>) target_semaphore(%run_scoped3A : memref<!tpu.dma_semaphore, #tpu.memory_space<semaphore_mem>>)
      %dma_wait3A_91 = arith.constant 0 : i32
      %dma_wait3A_92 = arith.constant 0 : i32
      %dma_wait3A_93 = tpu.memref_slice %arg6[%dma_wait3A_91, %dma_wait3A_92] : memref<24x128xi32, #tpu.memory_space<vmem>> -> memref<24x128xi32, #tpu.memory_space<vmem>>
      %dma_wait3A_94 = arith.constant 0 : i32
      %dma_wait3A_95 = tpu.memref_slice %arg3[%add3A_15, %dma_wait3A_94] : memref<1280x128xi32, #tpu.memory_space<hbm>> -> memref<24x128xi32, #tpu.memory_space<hbm>>
      %dma_wait3A_96 = arith.constant 0 : i32
      %dma_wait3A_97 = arith.constant 0 : i32
      %dma_wait3A_98 = tpu.memref_slice %arg6[%dma_wait3A_96, %dma_wait3A_97] : memref<24x128xi32, #tpu.memory_space<vmem>> -> memref<24x128xi32, #tpu.memory_space<vmem>>
      %dma_wait3A_99 = arith.constant 0 : i32
      %dma_wait3A_100 = tpu.memref_slice %arg3[%add3A_15, %dma_wait3A_99] : memref<1280x128xi32, #tpu.memory_space<hbm>> -> memref<24x128xi32, #tpu.memory_space<hbm>>
      tpu.wait_dma2 semaphore(%run_scoped3A : memref<!tpu.dma_semaphore, #tpu.memory_space<semaphore_mem>>) src(%dma_wait3A_100 : memref<24x128xi32, #tpu.memory_space<hbm>>) dst(%dma_wait3A_98 : memref<24x128xi32, #tpu.memory_space<vmem>>)
      tpu.yield
    }) : () -> ()
    %add3A_16 = arith.constant 0 : i32
    %add3A_17 = arith.addi %mul3A_2, %add3A_16 : i32
    "tpu.region"() ({
      %run_scoped3A = tpu.sem_alloc : memref<!tpu.dma_semaphore, #tpu.memory_space<semaphore_mem>>
      %dma_start3A_81 = arith.constant 0 : i32
      %dma_start3A_82 = arith.constant 0 : i32
      %dma_start3A_83 = tpu.memref_slice %arg7[%dma_start3A_81, %dma_start3A_82] : memref<24x128xi32, #tpu.memory_space<vmem>> -> memref<24x128xi32, #tpu.memory_space<vmem>>
      %dma_start3A_84 = arith.constant 0 : i32
      %dma_start3A_85 = tpu.memref_slice %arg4[%add3A_17, %dma_start3A_84] : memref<1280x128xi32, #tpu.memory_space<hbm>> -> memref<24x128xi32, #tpu.memory_space<hbm>>
      %dma_start3A_86 = arith.constant 0 : i32
      %dma_start3A_87 = arith.constant 0 : i32
      %dma_start3A_88 = tpu.memref_slice %arg7[%dma_start3A_86, %dma_start3A_87] : memref<24x128xi32, #tpu.memory_space<vmem>> -> memref<24x128xi32, #tpu.memory_space<vmem>>
      %dma_start3A_89 = arith.constant 0 : i32
      %dma_start3A_90 = tpu.memref_slice %arg4[%add3A_17, %dma_start3A_89] : memref<1280x128xi32, #tpu.memory_space<hbm>> -> memref<24x128xi32, #tpu.memory_space<hbm>>
      tpu.enqueue_dma source(%dma_start3A_90 : memref<24x128xi32, #tpu.memory_space<hbm>>) target(%dma_start3A_88 : memref<24x128xi32, #tpu.memory_space<vmem>>) target_semaphore(%run_scoped3A : memref<!tpu.dma_semaphore, #tpu.memory_space<semaphore_mem>>)
      %dma_wait3A_91 = arith.constant 0 : i32
      %dma_wait3A_92 = arith.constant 0 : i32
      %dma_wait3A_93 = tpu.memref_slice %arg7[%dma_wait3A_91, %dma_wait3A_92] : memref<24x128xi32, #tpu.memory_space<vmem>> -> memref<24x128xi32, #tpu.memory_space<vmem>>
      %dma_wait3A_94 = arith.constant 0 : i32
      %dma_wait3A_95 = tpu.memref_slice %arg4[%add3A_17, %dma_wait3A_94] : memref<1280x128xi32, #tpu.memory_space<hbm>> -> memref<24x128xi32, #tpu.memory_space<hbm>>
      %dma_wait3A_96 = arith.constant 0 : i32
      %dma_wait3A_97 = arith.constant 0 : i32
      %dma_wait3A_98 = tpu.memref_slice %arg7[%dma_wait3A_96, %dma_wait3A_97] : memref<24x128xi32, #tpu.memory_space<vmem>> -> memref<24x128xi32, #tpu.memory_space<vmem>>
      %dma_wait3A_99 = arith.constant 0 : i32
      %dma_wait3A_100 = tpu.memref_slice %arg4[%add3A_17, %dma_wait3A_99] : memref<1280x128xi32, #tpu.memory_space<hbm>> -> memref<24x128xi32, #tpu.memory_space<hbm>>
      tpu.wait_dma2 semaphore(%run_scoped3A : memref<!tpu.dma_semaphore, #tpu.memory_space<semaphore_mem>>) src(%dma_wait3A_100 : memref<24x128xi32, #tpu.memory_space<hbm>>) dst(%dma_wait3A_98 : memref<24x128xi32, #tpu.memory_space<vmem>>)
      tpu.yield
    }) : () -> ()
    %dma_start3A = arith.constant 0 : i32
    %dma_start3A_18 = arith.constant 0 : i32
    %dma_start3A_19 = tpu.memref_slice %arg6[%dma_start3A, %dma_start3A_18] : memref<24x128xi32, #tpu.memory_space<vmem>> -> memref<1x128xi32, #tpu.memory_space<vmem>>
    %dma_start3A_20 = tpu.memref_squeeze %dma_start3A_19 : memref<1x128xi32, #tpu.memory_space<vmem>> -> memref<128xi32, #tpu.memory_space<vmem>>
    %dma_start3A_21 = arith.constant 0 : i32
    %dma_start3A_22 = arith.constant 0 : i32
    %dma_start3A_23 = tpu.memref_slice %arg2[%dma_start3A_21, %dma_start3A_22] : memref<10000x128xf32, #tpu.memory_space<hbm>> -> memref<10000x128xf32, #tpu.memory_space<hbm>>
    tpu.enqueue_indirect_dma source(%dma_start3A_23 : memref<10000x128xf32, #tpu.memory_space<hbm>>) target(%arg8 : memref<128x128xf32, #tpu.memory_space<vmem>>) offsets(%dma_start3A_20 : memref<128xi32, #tpu.memory_space<vmem>>) semaphore(%arg11 : memref<!tpu.dma_semaphore, #tpu.memory_space<semaphore_mem>>)
    %lt3A_24 = arith.constant 15 : i32
    %lt3A_25 = arith.cmpi slt, %arg1, %lt3A_24 : i32
    %convert_element_type3A_26 = arith.extui %lt3A_25 : i1 to i32
    %cond3A_27 = arith.constant 0 : i32
    %cond3A_28 = arith.cmpi ne, %convert_element_type3A_26, %cond3A_27 : i32
    scf.if %cond3A_28 {
      %mul3A_81 = arith.constant 632 : i32
      %mul3A_82 = arith.muli %arg1, %mul3A_81 : i32
      %add3A_83 = arith.constant 0 : i32
      %add3A_84 = arith.addi %mul3A_82, %add3A_83 : i32
      %dma_wait3A_85 = arith.constant 0 : i32
      %dma_wait3A_86 = tpu.memref_slice %arg10[%add3A_84, %dma_wait3A_85] : memref<10240x128xf32, #tpu.memory_space<vmem_shared>> -> memref<128x128xf32, #tpu.memory_space<vmem_shared>>
      %dma_wait3A_87 = arith.constant 0 : i32
      %dma_wait3A_88 = tpu.memref_slice %arg10[%add3A_84, %dma_wait3A_87] : memref<10240x128xf32, #tpu.memory_space<vmem_shared>> -> memref<128x128xf32, #tpu.memory_space<vmem_shared>>
      tpu.wait_dma2 semaphore(%arg13 : memref<!tpu.dma_semaphore, #tpu.memory_space<semaphore_mem>>) src(%arg9 : memref<128x128xf32, #tpu.memory_space<vmem>>) dst(%dma_wait3A_88 : memref<128x128xf32, #tpu.memory_space<vmem_shared>>)
      %add3A_89 = arith.constant 128 : i32
      %add3A_90 = arith.addi %mul3A_82, %add3A_89 : i32
      %dma_wait3A_91 = arith.constant 0 : i32
      %dma_wait3A_92 = tpu.memref_slice %arg10[%add3A_90, %dma_wait3A_91] : memref<10240x128xf32, #tpu.memory_space<vmem_shared>> -> memref<128x128xf32, #tpu.memory_space<vmem_shared>>
      %dma_wait3A_93 = arith.constant 0 : i32
      %dma_wait3A_94 = tpu.memref_slice %arg10[%add3A_90, %dma_wait3A_93] : memref<10240x128xf32, #tpu.memory_space<vmem_shared>> -> memref<128x128xf32, #tpu.memory_space<vmem_shared>>
      tpu.wait_dma2 semaphore(%arg13 : memref<!tpu.dma_semaphore, #tpu.memory_space<semaphore_mem>>) src(%arg9 : memref<128x128xf32, #tpu.memory_space<vmem>>) dst(%dma_wait3A_94 : memref<128x128xf32, #tpu.memory_space<vmem_shared>>)
      %add3A_95 = arith.constant 256 : i32
      %add3A_96 = arith.addi %mul3A_82, %add3A_95 : i32
      %dma_wait3A_97 = arith.constant 0 : i32
      %dma_wait3A_98 = tpu.memref_slice %arg10[%add3A_96, %dma_wait3A_97] : memref<10240x128xf32, #tpu.memory_space<vmem_shared>> -> memref<128x128xf32, #tpu.memory_space<vmem_shared>>
      %dma_wait3A_99 = arith.constant 0 : i32
      %dma_wait3A_100 = tpu.memref_slice %arg10[%add3A_96, %dma_wait3A_99] : memref<10240x128xf32, #tpu.memory_space<vmem_shared>> -> memref<128x128xf32, #tpu.memory_space<vmem_shared>>
      tpu.wait_dma2 semaphore(%arg13 : memref<!tpu.dma_semaphore, #tpu.memory_space<semaphore_mem>>) src(%arg9 : memref<128x128xf32, #tpu.memory_space<vmem>>) dst(%dma_wait3A_100 : memref<128x128xf32, #tpu.memory_space<vmem_shared>>)
      %add3A_101 = arith.constant 384 : i32
      %add3A_102 = arith.addi %mul3A_82, %add3A_101 : i32
      %dma_wait3A_103 = arith.constant 0 : i32
      %dma_wait3A_104 = tpu.memref_slice %arg10[%add3A_102, %dma_wait3A_103] : memref<10240x128xf32, #tpu.memory_space<vmem_shared>> -> memref<128x128xf32, #tpu.memory_space<vmem_shared>>
      %dma_wait3A_105 = arith.constant 0 : i32
      %dma_wait3A_106 = tpu.memref_slice %arg10[%add3A_102, %dma_wait3A_105] : memref<10240x128xf32, #tpu.memory_space<vmem_shared>> -> memref<128x128xf32, #tpu.memory_space<vmem_shared>>
      tpu.wait_dma2 semaphore(%arg13 : memref<!tpu.dma_semaphore, #tpu.memory_space<semaphore_mem>>) src(%arg9 : memref<128x128xf32, #tpu.memory_space<vmem>>) dst(%dma_wait3A_106 : memref<128x128xf32, #tpu.memory_space<vmem_shared>>)
      %add3A_107 = arith.constant 512 : i32
      %add3A_108 = arith.addi %mul3A_82, %add3A_107 : i32
      %dma_wait3A_109 = arith.constant 0 : i32
      %dma_wait3A_110 = arith.constant 0 : i32
      %dma_wait3A_111 = tpu.memref_slice %arg9[%dma_wait3A_109, %dma_wait3A_110] : memref<128x128xf32, #tpu.memory_space<vmem>> -> memref<120x128xf32, #tpu.memory_space<vmem>>
      %dma_wait3A_112 = arith.constant 0 : i32
      %dma_wait3A_113 = tpu.memref_slice %arg10[%add3A_108, %dma_wait3A_112] : memref<10240x128xf32, #tpu.memory_space<vmem_shared>> -> memref<120x128xf32, #tpu.memory_space<vmem_shared>>
      %dma_wait3A_114 = arith.constant 0 : i32
      %dma_wait3A_115 = tpu.memref_slice %arg10[%add3A_108, %dma_wait3A_114] : memref<10240x128xf32, #tpu.memory_space<vmem_shared>> -> memref<120x128xf32, #tpu.memory_space<vmem_shared>>
      %dma_wait3A_116 = arith.constant 0 : i32
      %dma_wait3A_117 = arith.constant 0 : i32
      %dma_wait3A_118 = tpu.memref_slice %arg9[%dma_wait3A_116, %dma_wait3A_117] : memref<128x128xf32, #tpu.memory_space<vmem>> -> memref<120x128xf32, #tpu.memory_space<vmem>>
      tpu.wait_dma2 semaphore(%arg13 : memref<!tpu.dma_semaphore, #tpu.memory_space<semaphore_mem>>) src(%dma_wait3A_118 : memref<120x128xf32, #tpu.memory_space<vmem>>) dst(%dma_wait3A_115 : memref<120x128xf32, #tpu.memory_space<vmem_shared>>)
    } else {
    }
    %eq3A_29 = arith.constant 15 : i32
    %eq3A_30 = arith.cmpi eq, %arg1, %eq3A_29 : i32
    %convert_element_type3A_31 = arith.extui %eq3A_30 : i1 to i32
    %cond3A_32 = arith.constant 0 : i32
    %cond3A_33 = arith.cmpi ne, %convert_element_type3A_31, %cond3A_32 : i32
    scf.if %cond3A_33 {
      %dma_wait3A_81 = arith.constant 9480 : i32
      %dma_wait3A_82 = arith.constant 0 : i32
      %dma_wait3A_83 = tpu.memref_slice %arg10[%dma_wait3A_81, %dma_wait3A_82] : memref<10240x128xf32, #tpu.memory_space<vmem_shared>> -> memref<128x128xf32, #tpu.memory_space<vmem_shared>>
      %dma_wait3A_84 = arith.constant 9480 : i32
      %dma_wait3A_85 = arith.constant 0 : i32
      %dma_wait3A_86 = tpu.memref_slice %arg10[%dma_wait3A_84, %dma_wait3A_85] : memref<10240x128xf32, #tpu.memory_space<vmem_shared>> -> memref<128x128xf32, #tpu.memory_space<vmem_shared>>
      tpu.wait_dma2 semaphore(%arg13 : memref<!tpu.dma_semaphore, #tpu.memory_space<semaphore_mem>>) src(%arg9 : memref<128x128xf32, #tpu.memory_space<vmem>>) dst(%dma_wait3A_86 : memref<128x128xf32, #tpu.memory_space<vmem_shared>>)
      %dma_wait3A_87 = arith.constant 9608 : i32
      %dma_wait3A_88 = arith.constant 0 : i32
      %dma_wait3A_89 = tpu.memref_slice %arg10[%dma_wait3A_87, %dma_wait3A_88] : memref<10240x128xf32, #tpu.memory_space<vmem_shared>> -> memref<128x128xf32, #tpu.memory_space<vmem_shared>>
      %dma_wait3A_90 = arith.constant 9608 : i32
      %dma_wait3A_91 = arith.constant 0 : i32
      %dma_wait3A_92 = tpu.memref_slice %arg10[%dma_wait3A_90, %dma_wait3A_91] : memref<10240x128xf32, #tpu.memory_space<vmem_shared>> -> memref<128x128xf32, #tpu.memory_space<vmem_shared>>
      tpu.wait_dma2 semaphore(%arg13 : memref<!tpu.dma_semaphore, #tpu.memory_space<semaphore_mem>>) src(%arg9 : memref<128x128xf32, #tpu.memory_space<vmem>>) dst(%dma_wait3A_92 : memref<128x128xf32, #tpu.memory_space<vmem_shared>>)
      %dma_wait3A_93 = arith.constant 9736 : i32
      %dma_wait3A_94 = arith.constant 0 : i32
      %dma_wait3A_95 = tpu.memref_slice %arg10[%dma_wait3A_93, %dma_wait3A_94] : memref<10240x128xf32, #tpu.memory_space<vmem_shared>> -> memref<128x128xf32, #tpu.memory_space<vmem_shared>>
      %dma_wait3A_96 = arith.constant 9736 : i32
      %dma_wait3A_97 = arith.constant 0 : i32
      %dma_wait3A_98 = tpu.memref_slice %arg10[%dma_wait3A_96, %dma_wait3A_97] : memref<10240x128xf32, #tpu.memory_space<vmem_shared>> -> memref<128x128xf32, #tpu.memory_space<vmem_shared>>
      tpu.wait_dma2 semaphore(%arg13 : memref<!tpu.dma_semaphore, #tpu.memory_space<semaphore_mem>>) src(%arg9 : memref<128x128xf32, #tpu.memory_space<vmem>>) dst(%dma_wait3A_98 : memref<128x128xf32, #tpu.memory_space<vmem_shared>>)
      %dma_wait3A_99 = arith.constant 9864 : i32
      %dma_wait3A_100 = arith.constant 0 : i32
      %dma_wait3A_101 = tpu.memref_slice %arg10[%dma_wait3A_99, %dma_wait3A_100] : memref<10240x128xf32, #tpu.memory_space<vmem_shared>> -> memref<128x128xf32, #tpu.memory_space<vmem_shared>>
      %dma_wait3A_102 = arith.constant 9864 : i32
      %dma_wait3A_103 = arith.constant 0 : i32
      %dma_wait3A_104 = tpu.memref_slice %arg10[%dma_wait3A_102, %dma_wait3A_103] : memref<10240x128xf32, #tpu.memory_space<vmem_shared>> -> memref<128x128xf32, #tpu.memory_space<vmem_shared>>
      tpu.wait_dma2 semaphore(%arg13 : memref<!tpu.dma_semaphore, #tpu.memory_space<semaphore_mem>>) src(%arg9 : memref<128x128xf32, #tpu.memory_space<vmem>>) dst(%dma_wait3A_104 : memref<128x128xf32, #tpu.memory_space<vmem_shared>>)
      %dma_wait3A_105 = arith.constant 0 : i32
      %dma_wait3A_106 = arith.constant 0 : i32
      %dma_wait3A_107 = tpu.memref_slice %arg9[%dma_wait3A_105, %dma_wait3A_106] : memref<128x128xf32, #tpu.memory_space<vmem>> -> memref<8x128xf32, #tpu.memory_space<vmem>>
      %dma_wait3A_108 = arith.constant 9992 : i32
      %dma_wait3A_109 = arith.constant 0 : i32
      %dma_wait3A_110 = tpu.memref_slice %arg10[%dma_wait3A_108, %dma_wait3A_109] : memref<10240x128xf32, #tpu.memory_space<vmem_shared>> -> memref<8x128xf32, #tpu.memory_space<vmem_shared>>
      %dma_wait3A_111 = arith.constant 9992 : i32
      %dma_wait3A_112 = arith.constant 0 : i32
      %dma_wait3A_113 = tpu.memref_slice %arg10[%dma_wait3A_111, %dma_wait3A_112] : memref<10240x128xf32, #tpu.memory_space<vmem_shared>> -> memref<8x128xf32, #tpu.memory_space<vmem_shared>>
      %dma_wait3A_114 = arith.constant 0 : i32
      %dma_wait3A_115 = arith.constant 0 : i32
      %dma_wait3A_116 = tpu.memref_slice %arg9[%dma_wait3A_114, %dma_wait3A_115] : memref<128x128xf32, #tpu.memory_space<vmem>> -> memref<8x128xf32, #tpu.memory_space<vmem>>
      tpu.wait_dma2 semaphore(%arg13 : memref<!tpu.dma_semaphore, #tpu.memory_space<semaphore_mem>>) src(%dma_wait3A_116 : memref<8x128xf32, #tpu.memory_space<vmem>>) dst(%dma_wait3A_113 : memref<8x128xf32, #tpu.memory_space<vmem_shared>>)
    } else {
    }
    %barrier3A = arith.constant 0 : index
    tpu.barrier barrier_id(%barrier3A)
    %scan3A_34 = arith.constant 0 : i32
    %scan3A_35 = arith.constant 0 : i32
    %scan3A_36 = arith.constant 12 : i32
    %scan3A_37 = arith.addi %scan3A_35, %scan3A_36 : i32
    %scan3A_38 = arith.constant 1 : i32
    scf.for %scan3A_81 = %scan3A_35 to %scan3A_37 step %scan3A_38  : i32 {
      %mul3A_82 = arith.constant 2 : i32
      %mul3A_83 = arith.muli %scan3A_81, %mul3A_82 : i32
      %add3A_84 = arith.constant 0 : i32
      %add3A_85 = arith.addi %mul3A_83, %add3A_84 : i32
      %ge3A = arith.constant 1 : i32
      %ge3A_86 = arith.cmpi sge, %add3A_85, %ge3A : i32
      %convert_element_type3A_87 = arith.extui %ge3A_86 : i1 to i32
      %cond3A_88 = arith.constant 0 : i32
      %cond3A_89 = arith.cmpi ne, %convert_element_type3A_87, %cond3A_88 : i32
      scf.if %cond3A_89 {
        %sub3A = arith.constant 1 : i32
        %sub3A_137 = arith.subi %add3A_85, %sub3A : i32
        %dma_wait3A_138 = arith.constant 0 : i32
        %dma_wait3A_139 = tpu.memref_slice %arg7[%sub3A_137, %dma_wait3A_138] : memref<24x128xi32, #tpu.memory_space<vmem>> -> memref<1x128xi32, #tpu.memory_space<vmem>>
        %dma_wait3A_140 = tpu.memref_squeeze %dma_wait3A_139 : memref<1x128xi32, #tpu.memory_space<vmem>> -> memref<128xi32, #tpu.memory_space<vmem>>
        %dma_wait3A_141 = arith.constant 0 : i32
        %dma_wait3A_142 = arith.constant 0 : i32
        %dma_wait3A_143 = tpu.memref_slice %arg10[%dma_wait3A_141, %dma_wait3A_142] : memref<10240x128xf32, #tpu.memory_space<vmem_shared>> -> memref<10240x128xf32, #tpu.memory_space<vmem_shared>>
        tpu.wait_indirect_dma semaphore(%arg14 : memref<!tpu.dma_semaphore, #tpu.memory_space<semaphore_mem>>) src(%arg9 : memref<128x128xf32, #tpu.memory_space<vmem>>) dst(%dma_wait3A_143 : memref<10240x128xf32, #tpu.memory_space<vmem_shared>>)
      } else {
      }
      %add3A_90 = arith.constant 1 : i32
      %add3A_91 = arith.addi %add3A_85, %add3A_90 : i32
      %lt3A_92 = arith.constant 24 : i32
      %lt3A_93 = arith.cmpi slt, %add3A_91, %lt3A_92 : i32
      %convert_element_type3A_94 = arith.extui %lt3A_93 : i1 to i32
      %cond3A_95 = arith.constant 0 : i32
      %cond3A_96 = arith.cmpi ne, %convert_element_type3A_94, %cond3A_95 : i32
      scf.if %cond3A_96 {
        %add3A_137 = arith.constant 1 : i32
        %add3A_138 = arith.addi %add3A_85, %add3A_137 : i32
        %dma_start3A_139 = arith.constant 0 : i32
        %dma_start3A_140 = tpu.memref_slice %arg6[%add3A_138, %dma_start3A_139] : memref<24x128xi32, #tpu.memory_space<vmem>> -> memref<1x128xi32, #tpu.memory_space<vmem>>
        %dma_start3A_141 = tpu.memref_squeeze %dma_start3A_140 : memref<1x128xi32, #tpu.memory_space<vmem>> -> memref<128xi32, #tpu.memory_space<vmem>>
        %dma_start3A_142 = arith.constant 0 : i32
        %dma_start3A_143 = arith.constant 0 : i32
        %dma_start3A_144 = tpu.memref_slice %arg2[%dma_start3A_142, %dma_start3A_143] : memref<10000x128xf32, #tpu.memory_space<hbm>> -> memref<10000x128xf32, #tpu.memory_space<hbm>>
        tpu.enqueue_indirect_dma source(%dma_start3A_144 : memref<10000x128xf32, #tpu.memory_space<hbm>>) target(%arg9 : memref<128x128xf32, #tpu.memory_space<vmem>>) offsets(%dma_start3A_141 : memref<128xi32, #tpu.memory_space<vmem>>) semaphore(%arg12 : memref<!tpu.dma_semaphore, #tpu.memory_space<semaphore_mem>>)
      } else {
      }
      %dma_wait3A_97 = arith.constant 0 : i32
      %dma_wait3A_98 = tpu.memref_slice %arg6[%add3A_85, %dma_wait3A_97] : memref<24x128xi32, #tpu.memory_space<vmem>> -> memref<1x128xi32, #tpu.memory_space<vmem>>
      %dma_wait3A_99 = tpu.memref_squeeze %dma_wait3A_98 : memref<1x128xi32, #tpu.memory_space<vmem>> -> memref<128xi32, #tpu.memory_space<vmem>>
      %dma_wait3A_100 = arith.constant 0 : i32
      %dma_wait3A_101 = arith.constant 0 : i32
      %dma_wait3A_102 = tpu.memref_slice %arg2[%dma_wait3A_100, %dma_wait3A_101] : memref<10000x128xf32, #tpu.memory_space<hbm>> -> memref<10000x128xf32, #tpu.memory_space<hbm>>
      tpu.wait_indirect_dma semaphore(%arg11 : memref<!tpu.dma_semaphore, #tpu.memory_space<semaphore_mem>>) src(%dma_wait3A_102 : memref<10000x128xf32, #tpu.memory_space<hbm>>) dst(%arg8 : memref<128x128xf32, #tpu.memory_space<vmem>>)
      %dma_start3A_103 = arith.constant 0 : i32
      %dma_start3A_104 = tpu.memref_slice %arg7[%add3A_85, %dma_start3A_103] : memref<24x128xi32, #tpu.memory_space<vmem>> -> memref<1x128xi32, #tpu.memory_space<vmem>>
      %dma_start3A_105 = tpu.memref_squeeze %dma_start3A_104 : memref<1x128xi32, #tpu.memory_space<vmem>> -> memref<128xi32, #tpu.memory_space<vmem>>
      %dma_start3A_106 = arith.constant 0 : i32
      %dma_start3A_107 = arith.constant 0 : i32
      %dma_start3A_108 = tpu.memref_slice %arg10[%dma_start3A_106, %dma_start3A_107] : memref<10240x128xf32, #tpu.memory_space<vmem_shared>> -> memref<10240x128xf32, #tpu.memory_space<vmem_shared>>
      tpu.enqueue_indirect_dma source(%arg8 : memref<128x128xf32, #tpu.memory_space<vmem>>) target(%dma_start3A_108 : memref<10240x128xf32, #tpu.memory_space<vmem_shared>>) offsets(%dma_start3A_105 : memref<128xi32, #tpu.memory_space<vmem>>) semaphore(%arg13 : memref<!tpu.dma_semaphore, #tpu.memory_space<semaphore_mem>>) {add = true}
      %mul3A_109 = arith.constant 2 : i32
      %mul3A_110 = arith.muli %scan3A_81, %mul3A_109 : i32
      %add3A_111 = arith.constant 1 : i32
      %add3A_112 = arith.addi %mul3A_110, %add3A_111 : i32
      %ge3A_113 = arith.constant 1 : i32
      %ge3A_114 = arith.cmpi sge, %add3A_112, %ge3A_113 : i32
      %convert_element_type3A_115 = arith.extui %ge3A_114 : i1 to i32
      %cond3A_116 = arith.constant 0 : i32
      %cond3A_117 = arith.cmpi ne, %convert_element_type3A_115, %cond3A_116 : i32
      scf.if %cond3A_117 {
        %sub3A = arith.constant 1 : i32
        %sub3A_137 = arith.subi %add3A_112, %sub3A : i32
        %dma_wait3A_138 = arith.constant 0 : i32
        %dma_wait3A_139 = tpu.memref_slice %arg7[%sub3A_137, %dma_wait3A_138] : memref<24x128xi32, #tpu.memory_space<vmem>> -> memref<1x128xi32, #tpu.memory_space<vmem>>
        %dma_wait3A_140 = tpu.memref_squeeze %dma_wait3A_139 : memref<1x128xi32, #tpu.memory_space<vmem>> -> memref<128xi32, #tpu.memory_space<vmem>>
        %dma_wait3A_141 = arith.constant 0 : i32
        %dma_wait3A_142 = arith.constant 0 : i32
        %dma_wait3A_143 = tpu.memref_slice %arg10[%dma_wait3A_141, %dma_wait3A_142] : memref<10240x128xf32, #tpu.memory_space<vmem_shared>> -> memref<10240x128xf32, #tpu.memory_space<vmem_shared>>
        tpu.wait_indirect_dma semaphore(%arg13 : memref<!tpu.dma_semaphore, #tpu.memory_space<semaphore_mem>>) src(%arg8 : memref<128x128xf32, #tpu.memory_space<vmem>>) dst(%dma_wait3A_143 : memref<10240x128xf32, #tpu.memory_space<vmem_shared>>)
      } else {
      }
      %add3A_118 = arith.constant 1 : i32
      %add3A_119 = arith.addi %add3A_112, %add3A_118 : i32
      %lt3A_120 = arith.constant 24 : i32
      %lt3A_121 = arith.cmpi slt, %add3A_119, %lt3A_120 : i32
      %convert_element_type3A_122 = arith.extui %lt3A_121 : i1 to i32
      %cond3A_123 = arith.constant 0 : i32
      %cond3A_124 = arith.cmpi ne, %convert_element_type3A_122, %cond3A_123 : i32
      scf.if %cond3A_124 {
        %add3A_137 = arith.constant 1 : i32
        %add3A_138 = arith.addi %add3A_112, %add3A_137 : i32
        %dma_start3A_139 = arith.constant 0 : i32
        %dma_start3A_140 = tpu.memref_slice %arg6[%add3A_138, %dma_start3A_139] : memref<24x128xi32, #tpu.memory_space<vmem>> -> memref<1x128xi32, #tpu.memory_space<vmem>>
        %dma_start3A_141 = tpu.memref_squeeze %dma_start3A_140 : memref<1x128xi32, #tpu.memory_space<vmem>> -> memref<128xi32, #tpu.memory_space<vmem>>
        %dma_start3A_142 = arith.constant 0 : i32
        %dma_start3A_143 = arith.constant 0 : i32
        %dma_start3A_144 = tpu.memref_slice %arg2[%dma_start3A_142, %dma_start3A_143] : memref<10000x128xf32, #tpu.memory_space<hbm>> -> memref<10000x128xf32, #tpu.memory_space<hbm>>
        tpu.enqueue_indirect_dma source(%dma_start3A_144 : memref<10000x128xf32, #tpu.memory_space<hbm>>) target(%arg8 : memref<128x128xf32, #tpu.memory_space<vmem>>) offsets(%dma_start3A_141 : memref<128xi32, #tpu.memory_space<vmem>>) semaphore(%arg11 : memref<!tpu.dma_semaphore, #tpu.memory_space<semaphore_mem>>)
      } else {
      }
      %dma_wait3A_125 = arith.constant 0 : i32
      %dma_wait3A_126 = tpu.memref_slice %arg6[%add3A_112, %dma_wait3A_125] : memref<24x128xi32, #tpu.memory_space<vmem>> -> memref<1x128xi32, #tpu.memory_space<vmem>>
      %dma_wait3A_127 = tpu.memref_squeeze %dma_wait3A_126 : memref<1x128xi32, #tpu.memory_space<vmem>> -> memref<128xi32, #tpu.memory_space<vmem>>
      %dma_wait3A_128 = arith.constant 0 : i32
      %dma_wait3A_129 = arith.constant 0 : i32
      %dma_wait3A_130 = tpu.memref_slice %arg2[%dma_wait3A_128, %dma_wait3A_129] : memref<10000x128xf32, #tpu.memory_space<hbm>> -> memref<10000x128xf32, #tpu.memory_space<hbm>>
      tpu.wait_indirect_dma semaphore(%arg12 : memref<!tpu.dma_semaphore, #tpu.memory_space<semaphore_mem>>) src(%dma_wait3A_130 : memref<10000x128xf32, #tpu.memory_space<hbm>>) dst(%arg9 : memref<128x128xf32, #tpu.memory_space<vmem>>)
      %dma_start3A_131 = arith.constant 0 : i32
      %dma_start3A_132 = tpu.memref_slice %arg7[%add3A_112, %dma_start3A_131] : memref<24x128xi32, #tpu.memory_space<vmem>> -> memref<1x128xi32, #tpu.memory_space<vmem>>
      %dma_start3A_133 = tpu.memref_squeeze %dma_start3A_132 : memref<1x128xi32, #tpu.memory_space<vmem>> -> memref<128xi32, #tpu.memory_space<vmem>>
      %dma_start3A_134 = arith.constant 0 : i32
      %dma_start3A_135 = arith.constant 0 : i32
      %dma_start3A_136 = tpu.memref_slice %arg10[%dma_start3A_134, %dma_start3A_135] : memref<10240x128xf32, #tpu.memory_space<vmem_shared>> -> memref<10240x128xf32, #tpu.memory_space<vmem_shared>>
      tpu.enqueue_indirect_dma source(%arg9 : memref<128x128xf32, #tpu.memory_space<vmem>>) target(%dma_start3A_136 : memref<10240x128xf32, #tpu.memory_space<vmem_shared>>) offsets(%dma_start3A_133 : memref<128xi32, #tpu.memory_space<vmem>>) semaphore(%arg14 : memref<!tpu.dma_semaphore, #tpu.memory_space<semaphore_mem>>) {add = true}
    }
    %scan3A_39 = arith.constant 12 : i32
    %dma_wait3A = arith.constant 23 : i32
    %dma_wait3A_40 = arith.constant 0 : i32
    %dma_wait3A_41 = tpu.memref_slice %arg7[%dma_wait3A, %dma_wait3A_40] : memref<24x128xi32, #tpu.memory_space<vmem>> -> memref<1x128xi32, #tpu.memory_space<vmem>>
    %dma_wait3A_42 = tpu.memref_squeeze %dma_wait3A_41 : memref<1x128xi32, #tpu.memory_space<vmem>> -> memref<128xi32, #tpu.memory_space<vmem>>
    %dma_wait3A_43 = arith.constant 0 : i32
    %dma_wait3A_44 = arith.constant 0 : i32
    %dma_wait3A_45 = tpu.memref_slice %arg10[%dma_wait3A_43, %dma_wait3A_44] : memref<10240x128xf32, #tpu.memory_space<vmem_shared>> -> memref<10240x128xf32, #tpu.memory_space<vmem_shared>>
    tpu.wait_indirect_dma semaphore(%arg14 : memref<!tpu.dma_semaphore, #tpu.memory_space<semaphore_mem>>) src(%arg9 : memref<128x128xf32, #tpu.memory_space<vmem>>) dst(%dma_wait3A_45 : memref<10240x128xf32, #tpu.memory_space<vmem_shared>>)
    %add3A_46 = arith.constant 24 : i32
    %add3A_47 = arith.addi %mul3A_2, %add3A_46 : i32
    "tpu.region"() ({
      %run_scoped3A = tpu.sem_alloc : memref<!tpu.dma_semaphore, #tpu.memory_space<semaphore_mem>>
      %dma_start3A_81 = arith.constant 0 : i32
      %dma_start3A_82 = arith.constant 0 : i32
      %dma_start3A_83 = tpu.memref_slice %arg6[%dma_start3A_81, %dma_start3A_82] : memref<24x128xi32, #tpu.memory_space<vmem>> -> memref<16x128xi32, #tpu.memory_space<vmem>>
      %dma_start3A_84 = arith.constant 0 : i32
      %dma_start3A_85 = tpu.memref_slice %arg3[%add3A_47, %dma_start3A_84] : memref<1280x128xi32, #tpu.memory_space<hbm>> -> memref<16x128xi32, #tpu.memory_space<hbm>>
      %dma_start3A_86 = arith.constant 0 : i32
      %dma_start3A_87 = arith.constant 0 : i32
      %dma_start3A_88 = tpu.memref_slice %arg6[%dma_start3A_86, %dma_start3A_87] : memref<24x128xi32, #tpu.memory_space<vmem>> -> memref<16x128xi32, #tpu.memory_space<vmem>>
      %dma_start3A_89 = arith.constant 0 : i32
      %dma_start3A_90 = tpu.memref_slice %arg3[%add3A_47, %dma_start3A_89] : memref<1280x128xi32, #tpu.memory_space<hbm>> -> memref<16x128xi32, #tpu.memory_space<hbm>>
      tpu.enqueue_dma source(%dma_start3A_90 : memref<16x128xi32, #tpu.memory_space<hbm>>) target(%dma_start3A_88 : memref<16x128xi32, #tpu.memory_space<vmem>>) target_semaphore(%run_scoped3A : memref<!tpu.dma_semaphore, #tpu.memory_space<semaphore_mem>>)
      %dma_wait3A_91 = arith.constant 0 : i32
      %dma_wait3A_92 = arith.constant 0 : i32
      %dma_wait3A_93 = tpu.memref_slice %arg6[%dma_wait3A_91, %dma_wait3A_92] : memref<24x128xi32, #tpu.memory_space<vmem>> -> memref<16x128xi32, #tpu.memory_space<vmem>>
      %dma_wait3A_94 = arith.constant 0 : i32
      %dma_wait3A_95 = tpu.memref_slice %arg3[%add3A_47, %dma_wait3A_94] : memref<1280x128xi32, #tpu.memory_space<hbm>> -> memref<16x128xi32, #tpu.memory_space<hbm>>
      %dma_wait3A_96 = arith.constant 0 : i32
      %dma_wait3A_97 = arith.constant 0 : i32
      %dma_wait3A_98 = tpu.memref_slice %arg6[%dma_wait3A_96, %dma_wait3A_97] : memref<24x128xi32, #tpu.memory_space<vmem>> -> memref<16x128xi32, #tpu.memory_space<vmem>>
      %dma_wait3A_99 = arith.constant 0 : i32
      %dma_wait3A_100 = tpu.memref_slice %arg3[%add3A_47, %dma_wait3A_99] : memref<1280x128xi32, #tpu.memory_space<hbm>> -> memref<16x128xi32, #tpu.memory_space<hbm>>
      tpu.wait_dma2 semaphore(%run_scoped3A : memref<!tpu.dma_semaphore, #tpu.memory_space<semaphore_mem>>) src(%dma_wait3A_100 : memref<16x128xi32, #tpu.memory_space<hbm>>) dst(%dma_wait3A_98 : memref<16x128xi32, #tpu.memory_space<vmem>>)
      tpu.yield
    }) : () -> ()
    %add3A_48 = arith.constant 24 : i32
    %add3A_49 = arith.addi %mul3A_2, %add3A_48 : i32
    "tpu.region"() ({
      %run_scoped3A = tpu.sem_alloc : memref<!tpu.dma_semaphore, #tpu.memory_space<semaphore_mem>>
      %dma_start3A_81 = arith.constant 0 : i32
      %dma_start3A_82 = arith.constant 0 : i32
      %dma_start3A_83 = tpu.memref_slice %arg7[%dma_start3A_81, %dma_start3A_82] : memref<24x128xi32, #tpu.memory_space<vmem>> -> memref<16x128xi32, #tpu.memory_space<vmem>>
      %dma_start3A_84 = arith.constant 0 : i32
      %dma_start3A_85 = tpu.memref_slice %arg4[%add3A_49, %dma_start3A_84] : memref<1280x128xi32, #tpu.memory_space<hbm>> -> memref<16x128xi32, #tpu.memory_space<hbm>>
      %dma_start3A_86 = arith.constant 0 : i32
      %dma_start3A_87 = arith.constant 0 : i32
      %dma_start3A_88 = tpu.memref_slice %arg7[%dma_start3A_86, %dma_start3A_87] : memref<24x128xi32, #tpu.memory_space<vmem>> -> memref<16x128xi32, #tpu.memory_space<vmem>>
      %dma_start3A_89 = arith.constant 0 : i32
      %dma_start3A_90 = tpu.memref_slice %arg4[%add3A_49, %dma_start3A_89] : memref<1280x128xi32, #tpu.memory_space<hbm>> -> memref<16x128xi32, #tpu.memory_space<hbm>>
      tpu.enqueue_dma source(%dma_start3A_90 : memref<16x128xi32, #tpu.memory_space<hbm>>) target(%dma_start3A_88 : memref<16x128xi32, #tpu.memory_space<vmem>>) target_semaphore(%run_scoped3A : memref<!tpu.dma_semaphore, #tpu.memory_space<semaphore_mem>>)
      %dma_wait3A_91 = arith.constant 0 : i32
      %dma_wait3A_92 = arith.constant 0 : i32
      %dma_wait3A_93 = tpu.memref_slice %arg7[%dma_wait3A_91, %dma_wait3A_92] : memref<24x128xi32, #tpu.memory_space<vmem>> -> memref<16x128xi32, #tpu.memory_space<vmem>>
      %dma_wait3A_94 = arith.constant 0 : i32
      %dma_wait3A_95 = tpu.memref_slice %arg4[%add3A_49, %dma_wait3A_94] : memref<1280x128xi32, #tpu.memory_space<hbm>> -> memref<16x128xi32, #tpu.memory_space<hbm>>
      %dma_wait3A_96 = arith.constant 0 : i32
      %dma_wait3A_97 = arith.constant 0 : i32
      %dma_wait3A_98 = tpu.memref_slice %arg7[%dma_wait3A_96, %dma_wait3A_97] : memref<24x128xi32, #tpu.memory_space<vmem>> -> memref<16x128xi32, #tpu.memory_space<vmem>>
      %dma_wait3A_99 = arith.constant 0 : i32
      %dma_wait3A_100 = tpu.memref_slice %arg4[%add3A_49, %dma_wait3A_99] : memref<1280x128xi32, #tpu.memory_space<hbm>> -> memref<16x128xi32, #tpu.memory_space<hbm>>
      tpu.wait_dma2 semaphore(%run_scoped3A : memref<!tpu.dma_semaphore, #tpu.memory_space<semaphore_mem>>) src(%dma_wait3A_100 : memref<16x128xi32, #tpu.memory_space<hbm>>) dst(%dma_wait3A_98 : memref<16x128xi32, #tpu.memory_space<vmem>>)
      tpu.yield
    }) : () -> ()
    %dma_start3A_50 = arith.constant 0 : i32
    %dma_start3A_51 = arith.constant 0 : i32
    %dma_start3A_52 = tpu.memref_slice %arg6[%dma_start3A_50, %dma_start3A_51] : memref<24x128xi32, #tpu.memory_space<vmem>> -> memref<1x128xi32, #tpu.memory_space<vmem>>
    %dma_start3A_53 = tpu.memref_squeeze %dma_start3A_52 : memref<1x128xi32, #tpu.memory_space<vmem>> -> memref<128xi32, #tpu.memory_space<vmem>>
    %dma_start3A_54 = arith.constant 0 : i32
    %dma_start3A_55 = arith.constant 0 : i32
    %dma_start3A_56 = tpu.memref_slice %arg2[%dma_start3A_54, %dma_start3A_55] : memref<10000x128xf32, #tpu.memory_space<hbm>> -> memref<10000x128xf32, #tpu.memory_space<hbm>>
    tpu.enqueue_indirect_dma source(%dma_start3A_56 : memref<10000x128xf32, #tpu.memory_space<hbm>>) target(%arg8 : memref<128x128xf32, #tpu.memory_space<vmem>>) offsets(%dma_start3A_53 : memref<128xi32, #tpu.memory_space<vmem>>) semaphore(%arg11 : memref<!tpu.dma_semaphore, #tpu.memory_space<semaphore_mem>>)
    %scan3A_57 = arith.constant 0 : i32
    %scan3A_58 = arith.constant 0 : i32
    %scan3A_59 = arith.constant 8 : i32
    %scan3A_60 = arith.addi %scan3A_58, %scan3A_59 : i32
    %scan3A_61 = arith.constant 1 : i32
    scf.for %scan3A_81 = %scan3A_58 to %scan3A_60 step %scan3A_61  : i32 {
      %mul3A_82 = arith.constant 2 : i32
      %mul3A_83 = arith.muli %scan3A_81, %mul3A_82 : i32
      %add3A_84 = arith.constant 0 : i32
      %add3A_85 = arith.addi %mul3A_83, %add3A_84 : i32
      %ge3A = arith.constant 1 : i32
      %ge3A_86 = arith.cmpi sge, %add3A_85, %ge3A : i32
      %convert_element_type3A_87 = arith.extui %ge3A_86 : i1 to i32
      %cond3A_88 = arith.constant 0 : i32
      %cond3A_89 = arith.cmpi ne, %convert_element_type3A_87, %cond3A_88 : i32
      scf.if %cond3A_89 {
        %sub3A = arith.constant 1 : i32
        %sub3A_137 = arith.subi %add3A_85, %sub3A : i32
        %dma_wait3A_138 = arith.constant 0 : i32
        %dma_wait3A_139 = tpu.memref_slice %arg7[%sub3A_137, %dma_wait3A_138] : memref<24x128xi32, #tpu.memory_space<vmem>> -> memref<1x128xi32, #tpu.memory_space<vmem>>
        %dma_wait3A_140 = tpu.memref_squeeze %dma_wait3A_139 : memref<1x128xi32, #tpu.memory_space<vmem>> -> memref<128xi32, #tpu.memory_space<vmem>>
        %dma_wait3A_141 = arith.constant 0 : i32
        %dma_wait3A_142 = arith.constant 0 : i32
        %dma_wait3A_143 = tpu.memref_slice %arg10[%dma_wait3A_141, %dma_wait3A_142] : memref<10240x128xf32, #tpu.memory_space<vmem_shared>> -> memref<10240x128xf32, #tpu.memory_space<vmem_shared>>
        tpu.wait_indirect_dma semaphore(%arg14 : memref<!tpu.dma_semaphore, #tpu.memory_space<semaphore_mem>>) src(%arg9 : memref<128x128xf32, #tpu.memory_space<vmem>>) dst(%dma_wait3A_143 : memref<10240x128xf32, #tpu.memory_space<vmem_shared>>)
      } else {
      }
      %add3A_90 = arith.constant 1 : i32
      %add3A_91 = arith.addi %add3A_85, %add3A_90 : i32
      %lt3A_92 = arith.constant 16 : i32
      %lt3A_93 = arith.cmpi slt, %add3A_91, %lt3A_92 : i32
      %convert_element_type3A_94 = arith.extui %lt3A_93 : i1 to i32
      %cond3A_95 = arith.constant 0 : i32
      %cond3A_96 = arith.cmpi ne, %convert_element_type3A_94, %cond3A_95 : i32
      scf.if %cond3A_96 {
        %add3A_137 = arith.constant 1 : i32
        %add3A_138 = arith.addi %add3A_85, %add3A_137 : i32
        %dma_start3A_139 = arith.constant 0 : i32
        %dma_start3A_140 = tpu.memref_slice %arg6[%add3A_138, %dma_start3A_139] : memref<24x128xi32, #tpu.memory_space<vmem>> -> memref<1x128xi32, #tpu.memory_space<vmem>>
        %dma_start3A_141 = tpu.memref_squeeze %dma_start3A_140 : memref<1x128xi32, #tpu.memory_space<vmem>> -> memref<128xi32, #tpu.memory_space<vmem>>
        %dma_start3A_142 = arith.constant 0 : i32
        %dma_start3A_143 = arith.constant 0 : i32
        %dma_start3A_144 = tpu.memref_slice %arg2[%dma_start3A_142, %dma_start3A_143] : memref<10000x128xf32, #tpu.memory_space<hbm>> -> memref<10000x128xf32, #tpu.memory_space<hbm>>
        tpu.enqueue_indirect_dma source(%dma_start3A_144 : memref<10000x128xf32, #tpu.memory_space<hbm>>) target(%arg9 : memref<128x128xf32, #tpu.memory_space<vmem>>) offsets(%dma_start3A_141 : memref<128xi32, #tpu.memory_space<vmem>>) semaphore(%arg12 : memref<!tpu.dma_semaphore, #tpu.memory_space<semaphore_mem>>)
      } else {
      }
      %dma_wait3A_97 = arith.constant 0 : i32
      %dma_wait3A_98 = tpu.memref_slice %arg6[%add3A_85, %dma_wait3A_97] : memref<24x128xi32, #tpu.memory_space<vmem>> -> memref<1x128xi32, #tpu.memory_space<vmem>>
      %dma_wait3A_99 = tpu.memref_squeeze %dma_wait3A_98 : memref<1x128xi32, #tpu.memory_space<vmem>> -> memref<128xi32, #tpu.memory_space<vmem>>
      %dma_wait3A_100 = arith.constant 0 : i32
      %dma_wait3A_101 = arith.constant 0 : i32
      %dma_wait3A_102 = tpu.memref_slice %arg2[%dma_wait3A_100, %dma_wait3A_101] : memref<10000x128xf32, #tpu.memory_space<hbm>> -> memref<10000x128xf32, #tpu.memory_space<hbm>>
      tpu.wait_indirect_dma semaphore(%arg11 : memref<!tpu.dma_semaphore, #tpu.memory_space<semaphore_mem>>) src(%dma_wait3A_102 : memref<10000x128xf32, #tpu.memory_space<hbm>>) dst(%arg8 : memref<128x128xf32, #tpu.memory_space<vmem>>)
      %dma_start3A_103 = arith.constant 0 : i32
      %dma_start3A_104 = tpu.memref_slice %arg7[%add3A_85, %dma_start3A_103] : memref<24x128xi32, #tpu.memory_space<vmem>> -> memref<1x128xi32, #tpu.memory_space<vmem>>
      %dma_start3A_105 = tpu.memref_squeeze %dma_start3A_104 : memref<1x128xi32, #tpu.memory_space<vmem>> -> memref<128xi32, #tpu.memory_space<vmem>>
      %dma_start3A_106 = arith.constant 0 : i32
      %dma_start3A_107 = arith.constant 0 : i32
      %dma_start3A_108 = tpu.memref_slice %arg10[%dma_start3A_106, %dma_start3A_107] : memref<10240x128xf32, #tpu.memory_space<vmem_shared>> -> memref<10240x128xf32, #tpu.memory_space<vmem_shared>>
      tpu.enqueue_indirect_dma source(%arg8 : memref<128x128xf32, #tpu.memory_space<vmem>>) target(%dma_start3A_108 : memref<10240x128xf32, #tpu.memory_space<vmem_shared>>) offsets(%dma_start3A_105 : memref<128xi32, #tpu.memory_space<vmem>>) semaphore(%arg13 : memref<!tpu.dma_semaphore, #tpu.memory_space<semaphore_mem>>) {add = true}
      %mul3A_109 = arith.constant 2 : i32
      %mul3A_110 = arith.muli %scan3A_81, %mul3A_109 : i32
      %add3A_111 = arith.constant 1 : i32
      %add3A_112 = arith.addi %mul3A_110, %add3A_111 : i32
      %ge3A_113 = arith.constant 1 : i32
      %ge3A_114 = arith.cmpi sge, %add3A_112, %ge3A_113 : i32
      %convert_element_type3A_115 = arith.extui %ge3A_114 : i1 to i32
      %cond3A_116 = arith.constant 0 : i32
      %cond3A_117 = arith.cmpi ne, %convert_element_type3A_115, %cond3A_116 : i32
      scf.if %cond3A_117 {
        %sub3A = arith.constant 1 : i32
        %sub3A_137 = arith.subi %add3A_112, %sub3A : i32
        %dma_wait3A_138 = arith.constant 0 : i32
        %dma_wait3A_139 = tpu.memref_slice %arg7[%sub3A_137, %dma_wait3A_138] : memref<24x128xi32, #tpu.memory_space<vmem>> -> memref<1x128xi32, #tpu.memory_space<vmem>>
        %dma_wait3A_140 = tpu.memref_squeeze %dma_wait3A_139 : memref<1x128xi32, #tpu.memory_space<vmem>> -> memref<128xi32, #tpu.memory_space<vmem>>
        %dma_wait3A_141 = arith.constant 0 : i32
        %dma_wait3A_142 = arith.constant 0 : i32
        %dma_wait3A_143 = tpu.memref_slice %arg10[%dma_wait3A_141, %dma_wait3A_142] : memref<10240x128xf32, #tpu.memory_space<vmem_shared>> -> memref<10240x128xf32, #tpu.memory_space<vmem_shared>>
        tpu.wait_indirect_dma semaphore(%arg13 : memref<!tpu.dma_semaphore, #tpu.memory_space<semaphore_mem>>) src(%arg8 : memref<128x128xf32, #tpu.memory_space<vmem>>) dst(%dma_wait3A_143 : memref<10240x128xf32, #tpu.memory_space<vmem_shared>>)
      } else {
      }
      %add3A_118 = arith.constant 1 : i32
      %add3A_119 = arith.addi %add3A_112, %add3A_118 : i32
      %lt3A_120 = arith.constant 16 : i32
      %lt3A_121 = arith.cmpi slt, %add3A_119, %lt3A_120 : i32
      %convert_element_type3A_122 = arith.extui %lt3A_121 : i1 to i32
      %cond3A_123 = arith.constant 0 : i32
      %cond3A_124 = arith.cmpi ne, %convert_element_type3A_122, %cond3A_123 : i32
      scf.if %cond3A_124 {
        %add3A_137 = arith.constant 1 : i32
        %add3A_138 = arith.addi %add3A_112, %add3A_137 : i32
        %dma_start3A_139 = arith.constant 0 : i32
        %dma_start3A_140 = tpu.memref_slice %arg6[%add3A_138, %dma_start3A_139] : memref<24x128xi32, #tpu.memory_space<vmem>> -> memref<1x128xi32, #tpu.memory_space<vmem>>
        %dma_start3A_141 = tpu.memref_squeeze %dma_start3A_140 : memref<1x128xi32, #tpu.memory_space<vmem>> -> memref<128xi32, #tpu.memory_space<vmem>>
        %dma_start3A_142 = arith.constant 0 : i32
        %dma_start3A_143 = arith.constant 0 : i32
        %dma_start3A_144 = tpu.memref_slice %arg2[%dma_start3A_142, %dma_start3A_143] : memref<10000x128xf32, #tpu.memory_space<hbm>> -> memref<10000x128xf32, #tpu.memory_space<hbm>>
        tpu.enqueue_indirect_dma source(%dma_start3A_144 : memref<10000x128xf32, #tpu.memory_space<hbm>>) target(%arg8 : memref<128x128xf32, #tpu.memory_space<vmem>>) offsets(%dma_start3A_141 : memref<128xi32, #tpu.memory_space<vmem>>) semaphore(%arg11 : memref<!tpu.dma_semaphore, #tpu.memory_space<semaphore_mem>>)
      } else {
      }
      %dma_wait3A_125 = arith.constant 0 : i32
      %dma_wait3A_126 = tpu.memref_slice %arg6[%add3A_112, %dma_wait3A_125] : memref<24x128xi32, #tpu.memory_space<vmem>> -> memref<1x128xi32, #tpu.memory_space<vmem>>
      %dma_wait3A_127 = tpu.memref_squeeze %dma_wait3A_126 : memref<1x128xi32, #tpu.memory_space<vmem>> -> memref<128xi32, #tpu.memory_space<vmem>>
      %dma_wait3A_128 = arith.constant 0 : i32
      %dma_wait3A_129 = arith.constant 0 : i32
      %dma_wait3A_130 = tpu.memref_slice %arg2[%dma_wait3A_128, %dma_wait3A_129] : memref<10000x128xf32, #tpu.memory_space<hbm>> -> memref<10000x128xf32, #tpu.memory_space<hbm>>
      tpu.wait_indirect_dma semaphore(%arg12 : memref<!tpu.dma_semaphore, #tpu.memory_space<semaphore_mem>>) src(%dma_wait3A_130 : memref<10000x128xf32, #tpu.memory_space<hbm>>) dst(%arg9 : memref<128x128xf32, #tpu.memory_space<vmem>>)
      %dma_start3A_131 = arith.constant 0 : i32
      %dma_start3A_132 = tpu.memref_slice %arg7[%add3A_112, %dma_start3A_131] : memref<24x128xi32, #tpu.memory_space<vmem>> -> memref<1x128xi32, #tpu.memory_space<vmem>>
      %dma_start3A_133 = tpu.memref_squeeze %dma_start3A_132 : memref<1x128xi32, #tpu.memory_space<vmem>> -> memref<128xi32, #tpu.memory_space<vmem>>
      %dma_start3A_134 = arith.constant 0 : i32
      %dma_start3A_135 = arith.constant 0 : i32
      %dma_start3A_136 = tpu.memref_slice %arg10[%dma_start3A_134, %dma_start3A_135] : memref<10240x128xf32, #tpu.memory_space<vmem_shared>> -> memref<10240x128xf32, #tpu.memory_space<vmem_shared>>
      tpu.enqueue_indirect_dma source(%arg9 : memref<128x128xf32, #tpu.memory_space<vmem>>) target(%dma_start3A_136 : memref<10240x128xf32, #tpu.memory_space<vmem_shared>>) offsets(%dma_start3A_133 : memref<128xi32, #tpu.memory_space<vmem>>) semaphore(%arg14 : memref<!tpu.dma_semaphore, #tpu.memory_space<semaphore_mem>>) {add = true}
    }
    %scan3A_62 = arith.constant 8 : i32
    %dma_wait3A_63 = arith.constant 15 : i32
    %dma_wait3A_64 = arith.constant 0 : i32
    %dma_wait3A_65 = tpu.memref_slice %arg7[%dma_wait3A_63, %dma_wait3A_64] : memref<24x128xi32, #tpu.memory_space<vmem>> -> memref<1x128xi32, #tpu.memory_space<vmem>>
    %dma_wait3A_66 = tpu.memref_squeeze %dma_wait3A_65 : memref<1x128xi32, #tpu.memory_space<vmem>> -> memref<128xi32, #tpu.memory_space<vmem>>
    %dma_wait3A_67 = arith.constant 0 : i32
    %dma_wait3A_68 = arith.constant 0 : i32
    %dma_wait3A_69 = tpu.memref_slice %arg10[%dma_wait3A_67, %dma_wait3A_68] : memref<10240x128xf32, #tpu.memory_space<vmem_shared>> -> memref<10240x128xf32, #tpu.memory_space<vmem_shared>>
    tpu.wait_indirect_dma semaphore(%arg14 : memref<!tpu.dma_semaphore, #tpu.memory_space<semaphore_mem>>) src(%arg9 : memref<128x128xf32, #tpu.memory_space<vmem>>) dst(%dma_wait3A_69 : memref<10240x128xf32, #tpu.memory_space<vmem_shared>>)
    %barrier3A_70 = arith.constant 0 : index
    tpu.barrier barrier_id(%barrier3A_70)
    %lt3A_71 = arith.constant 15 : i32
    %lt3A_72 = arith.cmpi slt, %arg1, %lt3A_71 : i32
    %convert_element_type3A_73 = arith.extui %lt3A_72 : i1 to i32
    %cond3A_74 = arith.constant 0 : i32
    %cond3A_75 = arith.cmpi ne, %convert_element_type3A_73, %cond3A_74 : i32
    scf.if %cond3A_75 {
      %mul3A_81 = arith.constant 632 : i32
      %mul3A_82 = arith.muli %arg1, %mul3A_81 : i32
      %mul3A_83 = arith.constant 10000 : i32
      %mul3A_84 = arith.muli %arg0, %mul3A_83 : i32
      %add3A_85 = arith.addi %mul3A_84, %mul3A_82 : i32
      "tpu.region"() ({
        %run_scoped3A = tpu.sem_alloc : memref<!tpu.dma_semaphore, #tpu.memory_space<semaphore_mem>>
        %dma_start3A_86 = arith.constant 0 : i32
        %dma_start3A_87 = tpu.memref_slice %arg5[%add3A_85, %dma_start3A_86] : memref<20000x128xf32, #tpu.memory_space<hbm>> -> memref<632x128xf32, #tpu.memory_space<hbm>>
        %dma_start3A_88 = arith.constant 0 : i32
        %dma_start3A_89 = tpu.memref_slice %arg10[%mul3A_82, %dma_start3A_88] : memref<10240x128xf32, #tpu.memory_space<vmem_shared>> -> memref<632x128xf32, #tpu.memory_space<vmem_shared>>
        tpu.enqueue_dma source(%dma_start3A_89 : memref<632x128xf32, #tpu.memory_space<vmem_shared>>) target(%dma_start3A_87 : memref<632x128xf32, #tpu.memory_space<hbm>>) target_semaphore(%run_scoped3A : memref<!tpu.dma_semaphore, #tpu.memory_space<semaphore_mem>>)
        %dma_wait3A_90 = arith.constant 0 : i32
        %dma_wait3A_91 = tpu.memref_slice %arg5[%add3A_85, %dma_wait3A_90] : memref<20000x128xf32, #tpu.memory_space<hbm>> -> memref<632x128xf32, #tpu.memory_space<hbm>>
        %dma_wait3A_92 = arith.constant 0 : i32
        %dma_wait3A_93 = tpu.memref_slice %arg10[%mul3A_82, %dma_wait3A_92] : memref<10240x128xf32, #tpu.memory_space<vmem_shared>> -> memref<632x128xf32, #tpu.memory_space<vmem_shared>>
        tpu.wait_dma2 semaphore(%run_scoped3A : memref<!tpu.dma_semaphore, #tpu.memory_space<semaphore_mem>>) src(%dma_wait3A_93 : memref<632x128xf32, #tpu.memory_space<vmem_shared>>) dst(%dma_wait3A_91 : memref<632x128xf32, #tpu.memory_space<hbm>>)
        tpu.yield
      }) : () -> ()
    } else {
    }
    %eq3A_76 = arith.constant 15 : i32
    %eq3A_77 = arith.cmpi eq, %arg1, %eq3A_76 : i32
    %convert_element_type3A_78 = arith.extui %eq3A_77 : i1 to i32
    %cond3A_79 = arith.constant 0 : i32
    %cond3A_80 = arith.cmpi ne, %convert_element_type3A_78, %cond3A_79 : i32
    scf.if %cond3A_80 {
      %mul3A_81 = arith.constant 10000 : i32
      %mul3A_82 = arith.muli %arg0, %mul3A_81 : i32
      %add3A_83 = arith.constant 9480 : i32
      %add3A_84 = arith.addi %mul3A_82, %add3A_83 : i32
      "tpu.region"() ({
        %run_scoped3A = tpu.sem_alloc : memref<!tpu.dma_semaphore, #tpu.memory_space<semaphore_mem>>
        %dma_start3A_85 = arith.constant 0 : i32
        %dma_start3A_86 = tpu.memref_slice %arg5[%add3A_84, %dma_start3A_85] : memref<20000x128xf32, #tpu.memory_space<hbm>> -> memref<520x128xf32, #tpu.memory_space<hbm>>
        %dma_start3A_87 = arith.constant 9480 : i32
        %dma_start3A_88 = arith.constant 0 : i32
        %dma_start3A_89 = tpu.memref_slice %arg10[%dma_start3A_87, %dma_start3A_88] : memref<10240x128xf32, #tpu.memory_space<vmem_shared>> -> memref<520x128xf32, #tpu.memory_space<vmem_shared>>
        tpu.enqueue_dma source(%dma_start3A_89 : memref<520x128xf32, #tpu.memory_space<vmem_shared>>) target(%dma_start3A_86 : memref<520x128xf32, #tpu.memory_space<hbm>>) target_semaphore(%run_scoped3A : memref<!tpu.dma_semaphore, #tpu.memory_space<semaphore_mem>>)
        %dma_wait3A_90 = arith.constant 0 : i32
        %dma_wait3A_91 = tpu.memref_slice %arg5[%add3A_84, %dma_wait3A_90] : memref<20000x128xf32, #tpu.memory_space<hbm>> -> memref<520x128xf32, #tpu.memory_space<hbm>>
        %dma_wait3A_92 = arith.constant 9480 : i32
        %dma_wait3A_93 = arith.constant 0 : i32
        %dma_wait3A_94 = tpu.memref_slice %arg10[%dma_wait3A_92, %dma_wait3A_93] : memref<10240x128xf32, #tpu.memory_space<vmem_shared>> -> memref<520x128xf32, #tpu.memory_space<vmem_shared>>
        tpu.wait_dma2 semaphore(%run_scoped3A : memref<!tpu.dma_semaphore, #tpu.memory_space<semaphore_mem>>) src(%dma_wait3A_94 : memref<520x128xf32, #tpu.memory_space<vmem_shared>>) dst(%dma_wait3A_91 : memref<520x128xf32, #tpu.memory_space<hbm>>)
        tpu.yield
      }) : () -> ()
    } else {
    }
    return
  }
}

#map = affine_map<(d0, d1) -> (0, 0)>
module attributes {stable_mosaic.version = 14 : i64} {
  func.func @body(%arg0: i32, %arg1: i32, %arg2: memref<10000x128xf32, #tpu.memory_space<hbm>>, %arg3: memref<1280x128xi32, #tpu.memory_space<hbm>>, %arg4: memref<1280x128xi32, #tpu.memory_space<hbm>>, %arg5: memref<20000x128xf32, #tpu.memory_space<hbm>>, %arg6: memref<24x128xi32, #tpu.memory_space<vmem>>, %arg7: memref<24x128xi32, #tpu.memory_space<vmem>>, %arg8: memref<128x128xf32, #tpu.memory_space<vmem>>, %arg9: memref<128x128xf32, #tpu.memory_space<vmem>>, %arg10: memref<10240x128xf32, #tpu.memory_space<vmem_shared>>, %arg11: memref<!tpu.dma_semaphore, #tpu.memory_space<semaphore_mem>>, %arg12: memref<!tpu.dma_semaphore, #tpu.memory_space<semaphore_mem>>, %arg13: memref<!tpu.dma_semaphore, #tpu.memory_space<semaphore_mem>>, %arg14: memref<!tpu.dma_semaphore, #tpu.memory_space<semaphore_mem>>) attributes {dimension_semantics = [#tpu.dimension_semantics<core_parallel>, #tpu.dimension_semantics<subcore_parallel>], iteration_bounds = array<i64: 2, 16>, scalar_prefetch = 0 : i64, scratch_operands = 9 : i64, tpu.core_type = #tpu.core_type<sc_vector_subcore>, window_params = [{transform_indices = #map}, {transform_indices = #map}, {transform_indices = #map}, {transform_indices = #map}]} {
    %mul3A = arith.constant 16 : i32
    %mul3A_0 = arith.muli %arg0, %mul3A : i32
    %add3A = arith.addi %mul3A_0, %arg1 : i32
    %mul3A_1 = arith.constant 40 : i32
    %mul3A_2 = arith.muli %add3A, %mul3A_1 : i32
    %scan3A = arith.constant 0 : i32
    %scan3A_3 = arith.constant 0 : i32
    %scan3A_4 = arith.constant 1024 : i32
    %scan3A_5 = arith.addi %scan3A_3, %scan3A_4 : i32
    %scan3A_6 = arith.constant 1 : i32
    scf.for %scan3A_81 = %scan3A_3 to %scan3A_5 step %scan3A_6  : i32 {
      %broadcast_in_dim3A = arith.constant 0.000000e+00 : f32
      %broadcast_in_dim3A_82 = vector.broadcast %broadcast_in_dim3A : f32 to vector<16xf32>
      %jit3A = arith.constant 8 : i32
      %div3A = arith.divsi %scan3A_81, %jit3A : i32
      %sign3A = arith.constant 0 : i32
      %sign3A_83 = arith.cmpi sgt, %scan3A_81, %sign3A : i32
      %sign3A_84 = arith.extui %sign3A_83 : i1 to i32
      %sign3A_85 = arith.constant 0 : i32
      %sign3A_86 = arith.cmpi slt, %scan3A_81, %sign3A_85 : i32
      %sign3A_87 = arith.extui %sign3A_86 : i1 to i32
      %sign3A_88 = arith.subi %sign3A_84, %sign3A_87 : i32
      %sign3A_89 = arith.constant 0 : i32
      %sign3A_90 = arith.cmpi sgt, %jit3A, %sign3A_89 : i32
      %sign3A_91 = arith.extui %sign3A_90 : i1 to i32
      %sign3A_92 = arith.constant 0 : i32
      %sign3A_93 = arith.cmpi slt, %jit3A, %sign3A_92 : i32
      %sign3A_94 = arith.extui %sign3A_93 : i1 to i32
      %sign3A_95 = arith.subi %sign3A_91, %sign3A_94 : i32
      %ne3A = arith.cmpi ne, %sign3A_88, %sign3A_95 : i32
      %rem3A = arith.remsi %scan3A_81, %jit3A : i32
      %ne3A_96 = arith.constant 0 : i32
      %ne3A_97 = arith.cmpi ne, %rem3A, %ne3A_96 : i32
      %and3A = arith.andi %ne3A, %ne3A_97 : i1
      %sub3A = arith.constant 1 : i32
      %sub3A_98 = arith.subi %div3A, %sub3A : i32
      %select_n3A = arith.select %and3A, %sub3A_98, %div3A : i32
      %jit3A_99 = arith.constant 8 : i32
      %eq3A_100 = arith.constant 0 : i32
      %eq3A_101 = arith.cmpi eq, %jit3A_99, %eq3A_100 : i32
      %jit3A_102 = arith.constant 1 : i32
      %select_n3A_103 = arith.select %eq3A_101, %jit3A_102, %jit3A_99 : i32
      %rem3A_104 = arith.remsi %scan3A_81, %select_n3A_103 : i32
      %ne3A_105 = arith.constant 0 : i32
      %ne3A_106 = arith.cmpi ne, %rem3A_104, %ne3A_105 : i32
      %lt3A_107 = arith.constant 0 : i32
      %lt3A_108 = arith.cmpi slt, %rem3A_104, %lt3A_107 : i32
      %lt3A_109 = arith.constant 0 : i32
      %lt3A_110 = arith.cmpi slt, %select_n3A_103, %lt3A_109 : i32
      %ne3A_111 = arith.xori %lt3A_108, %lt3A_110 : i1
      %and3A_112 = arith.andi %ne3A_111, %ne3A_106 : i1
      %add3A_113 = arith.addi %rem3A_104, %select_n3A_103 : i32
      %select_n3A_114 = arith.select %and3A_112, %add3A_113, %rem3A_104 : i32
      %mul3A_115 = arith.constant 16 : i32
      %mul3A_116 = arith.muli %select_n3A_114, %mul3A_115 : i32
      %swap3A = arith.index_cast %select_n3A : i32 to index
      %swap3A_117 = arith.index_cast %mul3A_116 : i32 to index
      %swap3A_118 = tpu.vector_load %arg9[%swap3A, %swap3A_117] {strides = array<i32>} : memref<128x128xf32, #tpu.memory_space<vmem>>, vector<1x16xf32>,
      %swap3A_119 = vector.shape_cast %swap3A_118 : vector<1x16xf32> to vector<16xf32>
      %swap3A_120 = vector.shape_cast %broadcast_in_dim3A_82 : vector<16xf32> to vector<1x16xf32>
      tpu.vector_store %arg9[%swap3A, %swap3A_117], %swap3A_120 {strides = array<i32>} : memref<128x128xf32, #tpu.memory_space<vmem>>, vector<1x16xf32>,
    }
    %scan3A_7 = arith.constant 1024 : i32
    %lt3A = arith.constant 15 : i32
    %lt3A_8 = arith.cmpi slt, %arg1, %lt3A : i32
    %convert_element_type3A = arith.extui %lt3A_8 : i1 to i32
    %cond3A = arith.constant 0 : i32
    %cond3A_9 = arith.cmpi ne, %convert_element_type3A, %cond3A : i32
    scf.if %cond3A_9 {
      %mul3A_81 = arith.constant 632 : i32
      %mul3A_82 = arith.muli %arg1, %mul3A_81 : i32
      %add3A_83 = arith.constant 0 : i32
      %add3A_84 = arith.addi %mul3A_82, %add3A_83 : i32
      %dma_start3A_85 = arith.constant 0 : i32
      %dma_start3A_86 = tpu.memref_slice %arg10[%add3A_84, %dma_start3A_85] : memref<10240x128xf32, #tpu.memory_space<vmem_shared>> -> memref<128x128xf32, #tpu.memory_space<vmem_shared>>
      %dma_start3A_87 = arith.constant 0 : i32
      %dma_start3A_88 = tpu.memref_slice %arg10[%add3A_84, %dma_start3A_87] : memref<10240x128xf32, #tpu.memory_space<vmem_shared>> -> memref<128x128xf32, #tpu.memory_space<vmem_shared>>
      tpu.enqueue_dma source(%arg9 : memref<128x128xf32, #tpu.memory_space<vmem>>) target(%dma_start3A_88 : memref<128x128xf32, #tpu.memory_space<vmem_shared>>) target_semaphore(%arg13 : memref<!tpu.dma_semaphore, #tpu.memory_space<semaphore_mem>>)
      %add3A_89 = arith.constant 128 : i32
      %add3A_90 = arith.addi %mul3A_82, %add3A_89 : i32
      %dma_start3A_91 = arith.constant 0 : i32
      %dma_start3A_92 = tpu.memref_slice %arg10[%add3A_90, %dma_start3A_91] : memref<10240x128xf32, #tpu.memory_space<vmem_shared>> -> memref<128x128xf32, #tpu.memory_space<vmem_shared>>
      %dma_start3A_93 = arith.constant 0 : i32
      %dma_start3A_94 = tpu.memref_slice %arg10[%add3A_90, %dma_start3A_93] : memref<10240x128xf32, #tpu.memory_space<vmem_shared>> -> memref<128x128xf32, #tpu.memory_space<vmem_shared>>
      tpu.enqueue_dma source(%arg9 : memref<128x128xf32, #tpu.memory_space<vmem>>) target(%dma_start3A_94 : memref<128x128xf32, #tpu.memory_space<vmem_shared>>) target_semaphore(%arg13 : memref<!tpu.dma_semaphore, #tpu.memory_space<semaphore_mem>>)
      %add3A_95 = arith.constant 256 : i32
      %add3A_96 = arith.addi %mul3A_82, %add3A_95 : i32
      %dma_start3A_97 = arith.constant 0 : i32
      %dma_start3A_98 = tpu.memref_slice %arg10[%add3A_96, %dma_start3A_97] : memref<10240x128xf32, #tpu.memory_space<vmem_shared>> -> memref<128x128xf32, #tpu.memory_space<vmem_shared>>
      %dma_start3A_99 = arith.constant 0 : i32
      %dma_start3A_100 = tpu.memref_slice %arg10[%add3A_96, %dma_start3A_99] : memref<10240x128xf32, #tpu.memory_space<vmem_shared>> -> memref<128x128xf32, #tpu.memory_space<vmem_shared>>
      tpu.enqueue_dma source(%arg9 : memref<128x128xf32, #tpu.memory_space<vmem>>) target(%dma_start3A_100 : memref<128x128xf32, #tpu.memory_space<vmem_shared>>) target_semaphore(%arg13 : memref<!tpu.dma_semaphore, #tpu.memory_space<semaphore_mem>>)
      %add3A_101 = arith.constant 384 : i32
      %add3A_102 = arith.addi %mul3A_82, %add3A_101 : i32
      %dma_start3A_103 = arith.constant 0 : i32
      %dma_start3A_104 = tpu.memref_slice %arg10[%add3A_102, %dma_start3A_103] : memref<10240x128xf32, #tpu.memory_space<vmem_shared>> -> memref<128x128xf32, #tpu.memory_space<vmem_shared>>
      %dma_start3A_105 = arith.constant 0 : i32
      %dma_start3A_106 = tpu.memref_slice %arg10[%add3A_102, %dma_start3A_105] : memref<10240x128xf32, #tpu.memory_space<vmem_shared>> -> memref<128x128xf32, #tpu.memory_space<vmem_shared>>
      tpu.enqueue_dma source(%arg9 : memref<128x128xf32, #tpu.memory_space<vmem>>) target(%dma_start3A_106 : memref<128x128xf32, #tpu.memory_space<vmem_shared>>) target_semaphore(%arg13 : memref<!tpu.dma_semaphore, #tpu.memory_space<semaphore_mem>>)
      %add3A_107 = arith.constant 512 : i32
      %add3A_108 = arith.addi %mul3A_82, %add3A_107 : i32
      %dma_start3A_109 = arith.constant 0 : i32
      %dma_start3A_110 = arith.constant 0 : i32
      %dma_start3A_111 = tpu.memref_slice %arg9[%dma_start3A_109, %dma_start3A_110] : memref<128x128xf32, #tpu.memory_space<vmem>> -> memref<120x128xf32, #tpu.memory_space<vmem>>
      %dma_start3A_112 = arith.constant 0 : i32
      %dma_start3A_113 = tpu.memref_slice %arg10[%add3A_108, %dma_start3A_112] : memref<10240x128xf32, #tpu.memory_space<vmem_shared>> -> memref<120x128xf32, #tpu.memory_space<vmem_shared>>
      %dma_start3A_114 = arith.constant 0 : i32
      %dma_start3A_115 = tpu.memref_slice %arg10[%add3A_108, %dma_start3A_114] : memref<10240x128xf32, #tpu.memory_space<vmem_shared>> -> memref<120x128xf32, #tpu.memory_space<vmem_shared>>
      %dma_start3A_116 = arith.constant 0 : i32
      %dma_start3A_117 = arith.constant 0 : i32
      %dma_start3A_118 = tpu.memref_slice %arg9[%dma_start3A_116, %dma_start3A_117] : memref<128x128xf32, #tpu.memory_space<vmem>> -> memref<120x128xf32, #tpu.memory_space<vmem>>
      tpu.enqueue_dma source(%dma_start3A_118 : memref<120x128xf32, #tpu.memory_space<vmem>>) target(%dma_start3A_115 : memref<120x128xf32, #tpu.memory_space<vmem_shared>>) target_semaphore(%arg13 : memref<!tpu.dma_semaphore, #tpu.memory_space<semaphore_mem>>)
    } else {
    }
    %eq3A = arith.constant 15 : i32
    %eq3A_10 = arith.cmpi eq, %arg1, %eq3A : i32
    %convert_element_type3A_11 = arith.extui %eq3A_10 : i1 to i32
    %cond3A_12 = arith.constant 0 : i32
    %cond3A_13 = arith.cmpi ne, %convert_element_type3A_11, %cond3A_12 : i32
    scf.if %cond3A_13 {
      %dma_start3A_81 = arith.constant 9480 : i32
      %dma_start3A_82 = arith.constant 0 : i32
      %dma_start3A_83 = tpu.memref_slice %arg10[%dma_start3A_81, %dma_start3A_82] : memref<10240x128xf32, #tpu.memory_space<vmem_shared>> -> memref<128x128xf32, #tpu.memory_space<vmem_shared>>
      %dma_start3A_84 = arith.constant 9480 : i32
      %dma_start3A_85 = arith.constant 0 : i32
      %dma_start3A_86 = tpu.memref_slice %arg10[%dma_start3A_84, %dma_start3A_85] : memref<10240x128xf32, #tpu.memory_space<vmem_shared>> -> memref<128x128xf32, #tpu.memory_space<vmem_shared>>
      tpu.enqueue_dma source(%arg9 : memref<128x128xf32, #tpu.memory_space<vmem>>) target(%dma_start3A_86 : memref<128x128xf32, #tpu.memory_space<vmem_shared>>) target_semaphore(%arg13 : memref<!tpu.dma_semaphore, #tpu.memory_space<semaphore_mem>>)
      %dma_start3A_87 = arith.constant 9608 : i32
      %dma_start3A_88 = arith.constant 0 : i32
      %dma_start3A_89 = tpu.memref_slice %arg10[%dma_start3A_87, %dma_start3A_88] : memref<10240x128xf32, #tpu.memory_space<vmem_shared>> -> memref<128x128xf32, #tpu.memory_space<vmem_shared>>
      %dma_start3A_90 = arith.constant 9608 : i32
      %dma_start3A_91 = arith.constant 0 : i32
      %dma_start3A_92 = tpu.memref_slice %arg10[%dma_start3A_90, %dma_start3A_91] : memref<10240x128xf32, #tpu.memory_space<vmem_shared>> -> memref<128x128xf32, #tpu.memory_space<vmem_shared>>
      tpu.enqueue_dma source(%arg9 : memref<128x128xf32, #tpu.memory_space<vmem>>) target(%dma_start3A_92 : memref<128x128xf32, #tpu.memory_space<vmem_shared>>) target_semaphore(%arg13 : memref<!tpu.dma_semaphore, #tpu.memory_space<semaphore_mem>>)
      %dma_start3A_93 = arith.constant 9736 : i32
      %dma_start3A_94 = arith.constant 0 : i32
      %dma_start3A_95 = tpu.memref_slice %arg10[%dma_start3A_93, %dma_start3A_94] : memref<10240x128xf32, #tpu.memory_space<vmem_shared>> -> memref<128x128xf32, #tpu.memory_space<vmem_shared>>
      %dma_start3A_96 = arith.constant 9736 : i32
      %dma_start3A_97 = arith.constant 0 : i32
      %dma_start3A_98 = tpu.memref_slice %arg10[%dma_start3A_96, %dma_start3A_97] : memref<10240x128xf32, #tpu.memory_space<vmem_shared>> -> memref<128x128xf32, #tpu.memory_space<vmem_shared>>
      tpu.enqueue_dma source(%arg9 : memref<128x128xf32, #tpu.memory_space<vmem>>) target(%dma_start3A_98 : memref<128x128xf32, #tpu.memory_space<vmem_shared>>) target_semaphore(%arg13 : memref<!tpu.dma_semaphore, #tpu.memory_space<semaphore_mem>>)
      %dma_start3A_99 = arith.constant 9864 : i32
      %dma_start3A_100 = arith.constant 0 : i32
      %dma_start3A_101 = tpu.memref_slice %arg10[%dma_start3A_99, %dma_start3A_100] : memref<10240x128xf32, #tpu.memory_space<vmem_shared>> -> memref<128x128xf32, #tpu.memory_space<vmem_shared>>
      %dma_start3A_102 = arith.constant 9864 : i32
      %dma_start3A_103 = arith.constant 0 : i32
      %dma_start3A_104 = tpu.memref_slice %arg10[%dma_start3A_102, %dma_start3A_103] : memref<10240x128xf32, #tpu.memory_space<vmem_shared>> -> memref<128x128xf32, #tpu.memory_space<vmem_shared>>
      tpu.enqueue_dma source(%arg9 : memref<128x128xf32, #tpu.memory_space<vmem>>) target(%dma_start3A_104 : memref<128x128xf32, #tpu.memory_space<vmem_shared>>) target_semaphore(%arg13 : memref<!tpu.dma_semaphore, #tpu.memory_space<semaphore_mem>>)
      %dma_start3A_105 = arith.constant 0 : i32
      %dma_start3A_106 = arith.constant 0 : i32
      %dma_start3A_107 = tpu.memref_slice %arg9[%dma_start3A_105, %dma_start3A_106] : memref<128x128xf32, #tpu.memory_space<vmem>> -> memref<8x128xf32, #tpu.memory_space<vmem>>
      %dma_start3A_108 = arith.constant 9992 : i32
      %dma_start3A_109 = arith.constant 0 : i32
      %dma_start3A_110 = tpu.memref_slice %arg10[%dma_start3A_108, %dma_start3A_109] : memref<10240x128xf32, #tpu.memory_space<vmem_shared>> -> memref<8x128xf32, #tpu.memory_space<vmem_shared>>
      %dma_start3A_111 = arith.constant 9992 : i32
      %dma_start3A_112 = arith.constant 0 : i32
      %dma_start3A_113 = tpu.memref_slice %arg10[%dma_start3A_111, %dma_start3A_112] : memref<10240x128xf32, #tpu.memory_space<vmem_shared>> -> memref<8x128xf32, #tpu.memory_space<vmem_shared>>
      %dma_start3A_114 = arith.constant 0 : i32
      %dma_start3A_115 = arith.constant 0 : i32
      %dma_start3A_116 = tpu.memref_slice %arg9[%dma_start3A_114, %dma_start3A_115] : memref<128x128xf32, #tpu.memory_space<vmem>> -> memref<8x128xf32, #tpu.memory_space<vmem>>
      tpu.enqueue_dma source(%dma_start3A_116 : memref<8x128xf32, #tpu.memory_space<vmem>>) target(%dma_start3A_113 : memref<8x128xf32, #tpu.memory_space<vmem_shared>>) target_semaphore(%arg13 : memref<!tpu.dma_semaphore, #tpu.memory_space<semaphore_mem>>)
    } else {
    }
    %add3A_14 = arith.constant 0 : i32
    %add3A_15 = arith.addi %mul3A_2, %add3A_14 : i32
    "tpu.region"() ({
      %run_scoped3A = tpu.sem_alloc : memref<!tpu.dma_semaphore, #tpu.memory_space<semaphore_mem>>
      %dma_start3A_81 = arith.constant 0 : i32
      %dma_start3A_82 = arith.constant 0 : i32
      %dma_start3A_83 = tpu.memref_slice %arg6[%dma_start3A_81, %dma_start3A_82] : memref<24x128xi32, #tpu.memory_space<vmem>> -> memref<24x128xi32, #tpu.memory_space<vmem>>
      %dma_start3A_84 = arith.constant 0 : i32
      %dma_start3A_85 = tpu.memref_slice %arg3[%add3A_15, %dma_start3A_84] : memref<1280x128xi32, #tpu.memory_space<hbm>> -> memref<24x128xi32, #tpu.memory_space<hbm>>
      %dma_start3A_86 = arith.constant 0 : i32
      %dma_start3A_87 = arith.constant 0 : i32
      %dma_start3A_88 = tpu.memref_slice %arg6[%dma_start3A_86, %dma_start3A_87] : memref<24x128xi32, #tpu.memory_space<vmem>> -> memref<24x128xi32, #tpu.memory_space<vmem>>
      %dma_start3A_89 = arith.constant 0 : i32
      %dma_start3A_90 = tpu.memref_slice %arg3[%add3A_15, %dma_start3A_89] : memref<1280x128xi32, #tpu.memory_space<hbm>> -> memref<24x128xi32, #tpu.memory_space<hbm>>
      tpu.enqueue_dma source(%dma_start3A_90 : memref<24x128xi32, #tpu.memory_space<hbm>>) target(%dma_start3A_88 : memref<24x128xi32, #tpu.memory_space<vmem>>) target_semaphore(%run_scoped3A : memref<!tpu.dma_semaphore, #tpu.memory_space<semaphore_mem>>)
      %dma_wait3A_91 = arith.constant 0 : i32
      %dma_wait3A_92 = arith.constant 0 : i32
      %dma_wait3A_93 = tpu.memref_slice %arg6[%dma_wait3A_91, %dma_wait3A_92] : memref<24x128xi32, #tpu.memory_space<vmem>> -> memref<24x128xi32, #tpu.memory_space<vmem>>
      %dma_wait3A_94 = arith.constant 0 : i32
      %dma_wait3A_95 = tpu.memref_slice %arg3[%add3A_15, %dma_wait3A_94] : memref<1280x128xi32, #tpu.memory_space<hbm>> -> memref<24x128xi32, #tpu.memory_space<hbm>>
      %dma_wait3A_96 = arith.constant 0 : i32
      %dma_wait3A_97 = arith.constant 0 : i32
      %dma_wait3A_98 = tpu.memref_slice %arg6[%dma_wait3A_96, %dma_wait3A_97] : memref<24x128xi32, #tpu.memory_space<vmem>> -> memref<24x128xi32, #tpu.memory_space<vmem>>
      %dma_wait3A_99 = arith.constant 0 : i32
      %dma_wait3A_100 = tpu.memref_slice %arg3[%add3A_15, %dma_wait3A_99] : memref<1280x128xi32, #tpu.memory_space<hbm>> -> memref<24x128xi32, #tpu.memory_space<hbm>>
      tpu.wait_dma2 semaphore(%run_scoped3A : memref<!tpu.dma_semaphore, #tpu.memory_space<semaphore_mem>>) src(%dma_wait3A_100 : memref<24x128xi32, #tpu.memory_space<hbm>>) dst(%dma_wait3A_98 : memref<24x128xi32, #tpu.memory_space<vmem>>)
      tpu.yield
    }) : () -> ()
    %add3A_16 = arith.constant 0 : i32
    %add3A_17 = arith.addi %mul3A_2, %add3A_16 : i32
    "tpu.region"() ({
      %run_scoped3A = tpu.sem_alloc : memref<!tpu.dma_semaphore, #tpu.memory_space<semaphore_mem>>
      %dma_start3A_81 = arith.constant 0 : i32
      %dma_start3A_82 = arith.constant 0 : i32
      %dma_start3A_83 = tpu.memref_slice %arg7[%dma_start3A_81, %dma_start3A_82] : memref<24x128xi32, #tpu.memory_space<vmem>> -> memref<24x128xi32, #tpu.memory_space<vmem>>
      %dma_start3A_84 = arith.constant 0 : i32
      %dma_start3A_85 = tpu.memref_slice %arg4[%add3A_17, %dma_start3A_84] : memref<1280x128xi32, #tpu.memory_space<hbm>> -> memref<24x128xi32, #tpu.memory_space<hbm>>
      %dma_start3A_86 = arith.constant 0 : i32
      %dma_start3A_87 = arith.constant 0 : i32
      %dma_start3A_88 = tpu.memref_slice %arg7[%dma_start3A_86, %dma_start3A_87] : memref<24x128xi32, #tpu.memory_space<vmem>> -> memref<24x128xi32, #tpu.memory_space<vmem>>
      %dma_start3A_89 = arith.constant 0 : i32
      %dma_start3A_90 = tpu.memref_slice %arg4[%add3A_17, %dma_start3A_89] : memref<1280x128xi32, #tpu.memory_space<hbm>> -> memref<24x128xi32, #tpu.memory_space<hbm>>
      tpu.enqueue_dma source(%dma_start3A_90 : memref<24x128xi32, #tpu.memory_space<hbm>>) target(%dma_start3A_88 : memref<24x128xi32, #tpu.memory_space<vmem>>) target_semaphore(%run_scoped3A : memref<!tpu.dma_semaphore, #tpu.memory_space<semaphore_mem>>)
      %dma_wait3A_91 = arith.constant 0 : i32
      %dma_wait3A_92 = arith.constant 0 : i32
      %dma_wait3A_93 = tpu.memref_slice %arg7[%dma_wait3A_91, %dma_wait3A_92] : memref<24x128xi32, #tpu.memory_space<vmem>> -> memref<24x128xi32, #tpu.memory_space<vmem>>
      %dma_wait3A_94 = arith.constant 0 : i32
      %dma_wait3A_95 = tpu.memref_slice %arg4[%add3A_17, %dma_wait3A_94] : memref<1280x128xi32, #tpu.memory_space<hbm>> -> memref<24x128xi32, #tpu.memory_space<hbm>>
      %dma_wait3A_96 = arith.constant 0 : i32
      %dma_wait3A_97 = arith.constant 0 : i32
      %dma_wait3A_98 = tpu.memref_slice %arg7[%dma_wait3A_96, %dma_wait3A_97] : memref<24x128xi32, #tpu.memory_space<vmem>> -> memref<24x128xi32, #tpu.memory_space<vmem>>
      %dma_wait3A_99 = arith.constant 0 : i32
      %dma_wait3A_100 = tpu.memref_slice %arg4[%add3A_17, %dma_wait3A_99] : memref<1280x128xi32, #tpu.memory_space<hbm>> -> memref<24x128xi32, #tpu.memory_space<hbm>>
      tpu.wait_dma2 semaphore(%run_scoped3A : memref<!tpu.dma_semaphore, #tpu.memory_space<semaphore_mem>>) src(%dma_wait3A_100 : memref<24x128xi32, #tpu.memory_space<hbm>>) dst(%dma_wait3A_98 : memref<24x128xi32, #tpu.memory_space<vmem>>)
      tpu.yield
    }) : () -> ()
    %dma_start3A = arith.constant 0 : i32
    %dma_start3A_18 = arith.constant 0 : i32
    %dma_start3A_19 = tpu.memref_slice %arg6[%dma_start3A, %dma_start3A_18] : memref<24x128xi32, #tpu.memory_space<vmem>> -> memref<1x128xi32, #tpu.memory_space<vmem>>
    %dma_start3A_20 = tpu.memref_squeeze %dma_start3A_19 : memref<1x128xi32, #tpu.memory_space<vmem>> -> memref<128xi32, #tpu.memory_space<vmem>>
    %dma_start3A_21 = arith.constant 0 : i32
    %dma_start3A_22 = arith.constant 0 : i32
    %dma_start3A_23 = tpu.memref_slice %arg2[%dma_start3A_21, %dma_start3A_22] : memref<10000x128xf32, #tpu.memory_space<hbm>> -> memref<10000x128xf32, #tpu.memory_space<hbm>>
    tpu.enqueue_indirect_dma source(%dma_start3A_23 : memref<10000x128xf32, #tpu.memory_space<hbm>>) target(%arg8 : memref<128x128xf32, #tpu.memory_space<vmem>>) offsets(%dma_start3A_20 : memref<128xi32, #tpu.memory_space<vmem>>) semaphore(%arg11 : memref<!tpu.dma_semaphore, #tpu.memory_space<semaphore_mem>>)
    %lt3A_24 = arith.constant 15 : i32
    %lt3A_25 = arith.cmpi slt, %arg1, %lt3A_24 : i32
    %convert_element_type3A_26 = arith.extui %lt3A_25 : i1 to i32
    %cond3A_27 = arith.constant 0 : i32
    %cond3A_28 = arith.cmpi ne, %convert_element_type3A_26, %cond3A_27 : i32
    scf.if %cond3A_28 {
      %mul3A_81 = arith.constant 632 : i32
      %mul3A_82 = arith.muli %arg1, %mul3A_81 : i32
      %add3A_83 = arith.constant 0 : i32
      %add3A_84 = arith.addi %mul3A_82, %add3A_83 : i32
      %dma_wait3A_85 = arith.constant 0 : i32
      %dma_wait3A_86 = tpu.memref_slice %arg10[%add3A_84, %dma_wait3A_85] : memref<10240x128xf32, #tpu.memory_space<vmem_shared>> -> memref<128x128xf32, #tpu.memory_space<vmem_shared>>
      %dma_wait3A_87 = arith.constant 0 : i32
      %dma_wait3A_88 = tpu.memref_slice %arg10[%add3A_84, %dma_wait3A_87] : memref<10240x128xf32, #tpu.memory_space<vmem_shared>> -> memref<128x128xf32, #tpu.memory_space<vmem_shared>>
      tpu.wait_dma2 semaphore(%arg13 : memref<!tpu.dma_semaphore, #tpu.memory_space<semaphore_mem>>) src(%arg9 : memref<128x128xf32, #tpu.memory_space<vmem>>) dst(%dma_wait3A_88 : memref<128x128xf32, #tpu.memory_space<vmem_shared>>)
      %add3A_89 = arith.constant 128 : i32
      %add3A_90 = arith.addi %mul3A_82, %add3A_89 : i32
      %dma_wait3A_91 = arith.constant 0 : i32
      %dma_wait3A_92 = tpu.memref_slice %arg10[%add3A_90, %dma_wait3A_91] : memref<10240x128xf32, #tpu.memory_space<vmem_shared>> -> memref<128x128xf32, #tpu.memory_space<vmem_shared>>
      %dma_wait3A_93 = arith.constant 0 : i32
      %dma_wait3A_94 = tpu.memref_slice %arg10[%add3A_90, %dma_wait3A_93] : memref<10240x128xf32, #tpu.memory_space<vmem_shared>> -> memref<128x128xf32, #tpu.memory_space<vmem_shared>>
      tpu.wait_dma2 semaphore(%arg13 : memref<!tpu.dma_semaphore, #tpu.memory_space<semaphore_mem>>) src(%arg9 : memref<128x128xf32, #tpu.memory_space<vmem>>) dst(%dma_wait3A_94 : memref<128x128xf32, #tpu.memory_space<vmem_shared>>)
      %add3A_95 = arith.constant 256 : i32
      %add3A_96 = arith.addi %mul3A_82, %add3A_95 : i32
      %dma_wait3A_97 = arith.constant 0 : i32
      %dma_wait3A_98 = tpu.memref_slice %arg10[%add3A_96, %dma_wait3A_97] : memref<10240x128xf32, #tpu.memory_space<vmem_shared>> -> memref<128x128xf32, #tpu.memory_space<vmem_shared>>
      %dma_wait3A_99 = arith.constant 0 : i32
      %dma_wait3A_100 = tpu.memref_slice %arg10[%add3A_96, %dma_wait3A_99] : memref<10240x128xf32, #tpu.memory_space<vmem_shared>> -> memref<128x128xf32, #tpu.memory_space<vmem_shared>>
      tpu.wait_dma2 semaphore(%arg13 : memref<!tpu.dma_semaphore, #tpu.memory_space<semaphore_mem>>) src(%arg9 : memref<128x128xf32, #tpu.memory_space<vmem>>) dst(%dma_wait3A_100 : memref<128x128xf32, #tpu.memory_space<vmem_shared>>)
      %add3A_101 = arith.constant 384 : i32
      %add3A_102 = arith.addi %mul3A_82, %add3A_101 : i32
      %dma_wait3A_103 = arith.constant 0 : i32
      %dma_wait3A_104 = tpu.memref_slice %arg10[%add3A_102, %dma_wait3A_103] : memref<10240x128xf32, #tpu.memory_space<vmem_shared>> -> memref<128x128xf32, #tpu.memory_space<vmem_shared>>
      %dma_wait3A_105 = arith.constant 0 : i32
      %dma_wait3A_106 = tpu.memref_slice %arg10[%add3A_102, %dma_wait3A_105] : memref<10240x128xf32, #tpu.memory_space<vmem_shared>> -> memref<128x128xf32, #tpu.memory_space<vmem_shared>>
      tpu.wait_dma2 semaphore(%arg13 : memref<!tpu.dma_semaphore, #tpu.memory_space<semaphore_mem>>) src(%arg9 : memref<128x128xf32, #tpu.memory_space<vmem>>) dst(%dma_wait3A_106 : memref<128x128xf32, #tpu.memory_space<vmem_shared>>)
      %add3A_107 = arith.constant 512 : i32
      %add3A_108 = arith.addi %mul3A_82, %add3A_107 : i32
      %dma_wait3A_109 = arith.constant 0 : i32
      %dma_wait3A_110 = arith.constant 0 : i32
      %dma_wait3A_111 = tpu.memref_slice %arg9[%dma_wait3A_109, %dma_wait3A_110] : memref<128x128xf32, #tpu.memory_space<vmem>> -> memref<120x128xf32, #tpu.memory_space<vmem>>
      %dma_wait3A_112 = arith.constant 0 : i32
      %dma_wait3A_113 = tpu.memref_slice %arg10[%add3A_108, %dma_wait3A_112] : memref<10240x128xf32, #tpu.memory_space<vmem_shared>> -> memref<120x128xf32, #tpu.memory_space<vmem_shared>>
      %dma_wait3A_114 = arith.constant 0 : i32
      %dma_wait3A_115 = tpu.memref_slice %arg10[%add3A_108, %dma_wait3A_114] : memref<10240x128xf32, #tpu.memory_space<vmem_shared>> -> memref<120x128xf32, #tpu.memory_space<vmem_shared>>
      %dma_wait3A_116 = arith.constant 0 : i32
      %dma_wait3A_117 = arith.constant 0 : i32
      %dma_wait3A_118 = tpu.memref_slice %arg9[%dma_wait3A_116, %dma_wait3A_117] : memref<128x128xf32, #tpu.memory_space<vmem>> -> memref<120x128xf32, #tpu.memory_space<vmem>>
      tpu.wait_dma2 semaphore(%arg13 : memref<!tpu.dma_semaphore, #tpu.memory_space<semaphore_mem>>) src(%dma_wait3A_118 : memref<120x128xf32, #tpu.memory_space<vmem>>) dst(%dma_wait3A_115 : memref<120x128xf32, #tpu.memory_space<vmem_shared>>)
    } else {
    }
    %eq3A_29 = arith.constant 15 : i32
    %eq3A_30 = arith.cmpi eq, %arg1, %eq3A_29 : i32
    %convert_element_type3A_31 = arith.extui %eq3A_30 : i1 to i32
    %cond3A_32 = arith.constant 0 : i32
    %cond3A_33 = arith.cmpi ne, %convert_element_type3A_31, %cond3A_32 : i32
    scf.if %cond3A_33 {
      %dma_wait3A_81 = arith.constant 9480 : i32
      %dma_wait3A_82 = arith.constant 0 : i32
      %dma_wait3A_83 = tpu.memref_slice %arg10[%dma_wait3A_81, %dma_wait3A_82] : memref<10240x128xf32, #tpu.memory_space<vmem_shared>> -> memref<128x128xf32, #tpu.memory_space<vmem_shared>>
      %dma_wait3A_84 = arith.constant 9480 : i32
      %dma_wait3A_85 = arith.constant 0 : i32
      %dma_wait3A_86 = tpu.memref_slice %arg10[%dma_wait3A_84, %dma_wait3A_85] : memref<10240x128xf32, #tpu.memory_space<vmem_shared>> -> memref<128x128xf32, #tpu.memory_space<vmem_shared>>
      tpu.wait_dma2 semaphore(%arg13 : memref<!tpu.dma_semaphore, #tpu.memory_space<semaphore_mem>>) src(%arg9 : memref<128x128xf32, #tpu.memory_space<vmem>>) dst(%dma_wait3A_86 : memref<128x128xf32, #tpu.memory_space<vmem_shared>>)
      %dma_wait3A_87 = arith.constant 9608 : i32
      %dma_wait3A_88 = arith.constant 0 : i32
      %dma_wait3A_89 = tpu.memref_slice %arg10[%dma_wait3A_87, %dma_wait3A_88] : memref<10240x128xf32, #tpu.memory_space<vmem_shared>> -> memref<128x128xf32, #tpu.memory_space<vmem_shared>>
      %dma_wait3A_90 = arith.constant 9608 : i32
      %dma_wait3A_91 = arith.constant 0 : i32
      %dma_wait3A_92 = tpu.memref_slice %arg10[%dma_wait3A_90, %dma_wait3A_91] : memref<10240x128xf32, #tpu.memory_space<vmem_shared>> -> memref<128x128xf32, #tpu.memory_space<vmem_shared>>
      tpu.wait_dma2 semaphore(%arg13 : memref<!tpu.dma_semaphore, #tpu.memory_space<semaphore_mem>>) src(%arg9 : memref<128x128xf32, #tpu.memory_space<vmem>>) dst(%dma_wait3A_92 : memref<128x128xf32, #tpu.memory_space<vmem_shared>>)
      %dma_wait3A_93 = arith.constant 9736 : i32
      %dma_wait3A_94 = arith.constant 0 : i32
      %dma_wait3A_95 = tpu.memref_slice %arg10[%dma_wait3A_93, %dma_wait3A_94] : memref<10240x128xf32, #tpu.memory_space<vmem_shared>> -> memref<128x128xf32, #tpu.memory_space<vmem_shared>>
      %dma_wait3A_96 = arith.constant 9736 : i32
      %dma_wait3A_97 = arith.constant 0 : i32
      %dma_wait3A_98 = tpu.memref_slice %arg10[%dma_wait3A_96, %dma_wait3A_97] : memref<10240x128xf32, #tpu.memory_space<vmem_shared>> -> memref<128x128xf32, #tpu.memory_space<vmem_shared>>
      tpu.wait_dma2 semaphore(%arg13 : memref<!tpu.dma_semaphore, #tpu.memory_space<semaphore_mem>>) src(%arg9 : memref<128x128xf32, #tpu.memory_space<vmem>>) dst(%dma_wait3A_98 : memref<128x128xf32, #tpu.memory_space<vmem_shared>>)
      %dma_wait3A_99 = arith.constant 9864 : i32
      %dma_wait3A_100 = arith.constant 0 : i32
      %dma_wait3A_101 = tpu.memref_slice %arg10[%dma_wait3A_99, %dma_wait3A_100] : memref<10240x128xf32, #tpu.memory_space<vmem_shared>> -> memref<128x128xf32, #tpu.memory_space<vmem_shared>>
      %dma_wait3A_102 = arith.constant 9864 : i32
      %dma_wait3A_103 = arith.constant 0 : i32
      %dma_wait3A_104 = tpu.memref_slice %arg10[%dma_wait3A_102, %dma_wait3A_103] : memref<10240x128xf32, #tpu.memory_space<vmem_shared>> -> memref<128x128xf32, #tpu.memory_space<vmem_shared>>
      tpu.wait_dma2 semaphore(%arg13 : memref<!tpu.dma_semaphore, #tpu.memory_space<semaphore_mem>>) src(%arg9 : memref<128x128xf32, #tpu.memory_space<vmem>>) dst(%dma_wait3A_104 : memref<128x128xf32, #tpu.memory_space<vmem_shared>>)
      %dma_wait3A_105 = arith.constant 0 : i32
      %dma_wait3A_106 = arith.constant 0 : i32
      %dma_wait3A_107 = tpu.memref_slice %arg9[%dma_wait3A_105, %dma_wait3A_106] : memref<128x128xf32, #tpu.memory_space<vmem>> -> memref<8x128xf32, #tpu.memory_space<vmem>>
      %dma_wait3A_108 = arith.constant 9992 : i32
      %dma_wait3A_109 = arith.constant 0 : i32
      %dma_wait3A_110 = tpu.memref_slice %arg10[%dma_wait3A_108, %dma_wait3A_109] : memref<10240x128xf32, #tpu.memory_space<vmem_shared>> -> memref<8x128xf32, #tpu.memory_space<vmem_shared>>
      %dma_wait3A_111 = arith.constant 9992 : i32
      %dma_wait3A_112 = arith.constant 0 : i32
      %dma_wait3A_113 = tpu.memref_slice %arg10[%dma_wait3A_111, %dma_wait3A_112] : memref<10240x128xf32, #tpu.memory_space<vmem_shared>> -> memref<8x128xf32, #tpu.memory_space<vmem_shared>>
      %dma_wait3A_114 = arith.constant 0 : i32
      %dma_wait3A_115 = arith.constant 0 : i32
      %dma_wait3A_116 = tpu.memref_slice %arg9[%dma_wait3A_114, %dma_wait3A_115] : memref<128x128xf32, #tpu.memory_space<vmem>> -> memref<8x128xf32, #tpu.memory_space<vmem>>
      tpu.wait_dma2 semaphore(%arg13 : memref<!tpu.dma_semaphore, #tpu.memory_space<semaphore_mem>>) src(%dma_wait3A_116 : memref<8x128xf32, #tpu.memory_space<vmem>>) dst(%dma_wait3A_113 : memref<8x128xf32, #tpu.memory_space<vmem_shared>>)
    } else {
    }
    %barrier3A = arith.constant 0 : index
    tpu.barrier barrier_id(%barrier3A)
    %scan3A_34 = arith.constant 0 : i32
    %scan3A_35 = arith.constant 0 : i32
    %scan3A_36 = arith.constant 12 : i32
    %scan3A_37 = arith.addi %scan3A_35, %scan3A_36 : i32
    %scan3A_38 = arith.constant 1 : i32
    scf.for %scan3A_81 = %scan3A_35 to %scan3A_37 step %scan3A_38  : i32 {
      %mul3A_82 = arith.constant 2 : i32
      %mul3A_83 = arith.muli %scan3A_81, %mul3A_82 : i32
      %add3A_84 = arith.constant 0 : i32
      %add3A_85 = arith.addi %mul3A_83, %add3A_84 : i32
      %ge3A = arith.constant 1 : i32
      %ge3A_86 = arith.cmpi sge, %add3A_85, %ge3A : i32
      %convert_element_type3A_87 = arith.extui %ge3A_86 : i1 to i32
      %cond3A_88 = arith.constant 0 : i32
      %cond3A_89 = arith.cmpi ne, %convert_element_type3A_87, %cond3A_88 : i32
      scf.if %cond3A_89 {
        %sub3A = arith.constant 1 : i32
        %sub3A_137 = arith.subi %add3A_85, %sub3A : i32
        %dma_wait3A_138 = arith.constant 0 : i32
        %dma_wait3A_139 = tpu.memref_slice %arg7[%sub3A_137, %dma_wait3A_138] : memref<24x128xi32, #tpu.memory_space<vmem>> -> memref<1x128xi32, #tpu.memory_space<vmem>>
        %dma_wait3A_140 = tpu.memref_squeeze %dma_wait3A_139 : memref<1x128xi32, #tpu.memory_space<vmem>> -> memref<128xi32, #tpu.memory_space<vmem>>
        %dma_wait3A_141 = arith.constant 0 : i32
        %dma_wait3A_142 = arith.constant 0 : i32
        %dma_wait3A_143 = tpu.memref_slice %arg10[%dma_wait3A_141, %dma_wait3A_142] : memref<10240x128xf32, #tpu.memory_space<vmem_shared>> -> memref<10240x128xf32, #tpu.memory_space<vmem_shared>>
        tpu.wait_indirect_dma semaphore(%arg14 : memref<!tpu.dma_semaphore, #tpu.memory_space<semaphore_mem>>) src(%arg9 : memref<128x128xf32, #tpu.memory_space<vmem>>) dst(%dma_wait3A_143 : memref<10240x128xf32, #tpu.memory_space<vmem_shared>>)
      } else {
      }
      %add3A_90 = arith.constant 1 : i32
      %add3A_91 = arith.addi %add3A_85, %add3A_90 : i32
      %lt3A_92 = arith.constant 24 : i32
      %lt3A_93 = arith.cmpi slt, %add3A_91, %lt3A_92 : i32
      %convert_element_type3A_94 = arith.extui %lt3A_93 : i1 to i32
      %cond3A_95 = arith.constant 0 : i32
      %cond3A_96 = arith.cmpi ne, %convert_element_type3A_94, %cond3A_95 : i32
      scf.if %cond3A_96 {
        %add3A_137 = arith.constant 1 : i32
        %add3A_138 = arith.addi %add3A_85, %add3A_137 : i32
        %dma_start3A_139 = arith.constant 0 : i32
        %dma_start3A_140 = tpu.memref_slice %arg6[%add3A_138, %dma_start3A_139] : memref<24x128xi32, #tpu.memory_space<vmem>> -> memref<1x128xi32, #tpu.memory_space<vmem>>
        %dma_start3A_141 = tpu.memref_squeeze %dma_start3A_140 : memref<1x128xi32, #tpu.memory_space<vmem>> -> memref<128xi32, #tpu.memory_space<vmem>>
        %dma_start3A_142 = arith.constant 0 : i32
        %dma_start3A_143 = arith.constant 0 : i32
        %dma_start3A_144 = tpu.memref_slice %arg2[%dma_start3A_142, %dma_start3A_143] : memref<10000x128xf32, #tpu.memory_space<hbm>> -> memref<10000x128xf32, #tpu.memory_space<hbm>>
        tpu.enqueue_indirect_dma source(%dma_start3A_144 : memref<10000x128xf32, #tpu.memory_space<hbm>>) target(%arg9 : memref<128x128xf32, #tpu.memory_space<vmem>>) offsets(%dma_start3A_141 : memref<128xi32, #tpu.memory_space<vmem>>) semaphore(%arg12 : memref<!tpu.dma_semaphore, #tpu.memory_space<semaphore_mem>>)
      } else {
      }
      %dma_wait3A_97 = arith.constant 0 : i32
      %dma_wait3A_98 = tpu.memref_slice %arg6[%add3A_85, %dma_wait3A_97] : memref<24x128xi32, #tpu.memory_space<vmem>> -> memref<1x128xi32, #tpu.memory_space<vmem>>
      %dma_wait3A_99 = tpu.memref_squeeze %dma_wait3A_98 : memref<1x128xi32, #tpu.memory_space<vmem>> -> memref<128xi32, #tpu.memory_space<vmem>>
      %dma_wait3A_100 = arith.constant 0 : i32
      %dma_wait3A_101 = arith.constant 0 : i32
      %dma_wait3A_102 = tpu.memref_slice %arg2[%dma_wait3A_100, %dma_wait3A_101] : memref<10000x128xf32, #tpu.memory_space<hbm>> -> memref<10000x128xf32, #tpu.memory_space<hbm>>
      tpu.wait_indirect_dma semaphore(%arg11 : memref<!tpu.dma_semaphore, #tpu.memory_space<semaphore_mem>>) src(%dma_wait3A_102 : memref<10000x128xf32, #tpu.memory_space<hbm>>) dst(%arg8 : memref<128x128xf32, #tpu.memory_space<vmem>>)
      %dma_start3A_103 = arith.constant 0 : i32
      %dma_start3A_104 = tpu.memref_slice %arg7[%add3A_85, %dma_start3A_103] : memref<24x128xi32, #tpu.memory_space<vmem>> -> memref<1x128xi32, #tpu.memory_space<vmem>>
      %dma_start3A_105 = tpu.memref_squeeze %dma_start3A_104 : memref<1x128xi32, #tpu.memory_space<vmem>> -> memref<128xi32, #tpu.memory_space<vmem>>
      %dma_start3A_106 = arith.constant 0 : i32
      %dma_start3A_107 = arith.constant 0 : i32
      %dma_start3A_108 = tpu.memref_slice %arg10[%dma_start3A_106, %dma_start3A_107] : memref<10240x128xf32, #tpu.memory_space<vmem_shared>> -> memref<10240x128xf32, #tpu.memory_space<vmem_shared>>
      tpu.enqueue_indirect_dma source(%arg8 : memref<128x128xf32, #tpu.memory_space<vmem>>) target(%dma_start3A_108 : memref<10240x128xf32, #tpu.memory_space<vmem_shared>>) offsets(%dma_start3A_105 : memref<128xi32, #tpu.memory_space<vmem>>) semaphore(%arg13 : memref<!tpu.dma_semaphore, #tpu.memory_space<semaphore_mem>>) {add = true}
      %mul3A_109 = arith.constant 2 : i32
      %mul3A_110 = arith.muli %scan3A_81, %mul3A_109 : i32
      %add3A_111 = arith.constant 1 : i32
      %add3A_112 = arith.addi %mul3A_110, %add3A_111 : i32
      %ge3A_113 = arith.constant 1 : i32
      %ge3A_114 = arith.cmpi sge, %add3A_112, %ge3A_113 : i32
      %convert_element_type3A_115 = arith.extui %ge3A_114 : i1 to i32
      %cond3A_116 = arith.constant 0 : i32
      %cond3A_117 = arith.cmpi ne, %convert_element_type3A_115, %cond3A_116 : i32
      scf.if %cond3A_117 {
        %sub3A = arith.constant 1 : i32
        %sub3A_137 = arith.subi %add3A_112, %sub3A : i32
        %dma_wait3A_138 = arith.constant 0 : i32
        %dma_wait3A_139 = tpu.memref_slice %arg7[%sub3A_137, %dma_wait3A_138] : memref<24x128xi32, #tpu.memory_space<vmem>> -> memref<1x128xi32, #tpu.memory_space<vmem>>
        %dma_wait3A_140 = tpu.memref_squeeze %dma_wait3A_139 : memref<1x128xi32, #tpu.memory_space<vmem>> -> memref<128xi32, #tpu.memory_space<vmem>>
        %dma_wait3A_141 = arith.constant 0 : i32
        %dma_wait3A_142 = arith.constant 0 : i32
        %dma_wait3A_143 = tpu.memref_slice %arg10[%dma_wait3A_141, %dma_wait3A_142] : memref<10240x128xf32, #tpu.memory_space<vmem_shared>> -> memref<10240x128xf32, #tpu.memory_space<vmem_shared>>
        tpu.wait_indirect_dma semaphore(%arg13 : memref<!tpu.dma_semaphore, #tpu.memory_space<semaphore_mem>>) src(%arg8 : memref<128x128xf32, #tpu.memory_space<vmem>>) dst(%dma_wait3A_143 : memref<10240x128xf32, #tpu.memory_space<vmem_shared>>)
      } else {
      }
      %add3A_118 = arith.constant 1 : i32
      %add3A_119 = arith.addi %add3A_112, %add3A_118 : i32
      %lt3A_120 = arith.constant 24 : i32
      %lt3A_121 = arith.cmpi slt, %add3A_119, %lt3A_120 : i32
      %convert_element_type3A_122 = arith.extui %lt3A_121 : i1 to i32
      %cond3A_123 = arith.constant 0 : i32
      %cond3A_124 = arith.cmpi ne, %convert_element_type3A_122, %cond3A_123 : i32
      scf.if %cond3A_124 {
        %add3A_137 = arith.constant 1 : i32
        %add3A_138 = arith.addi %add3A_112, %add3A_137 : i32
        %dma_start3A_139 = arith.constant 0 : i32
        %dma_start3A_140 = tpu.memref_slice %arg6[%add3A_138, %dma_start3A_139] : memref<24x128xi32, #tpu.memory_space<vmem>> -> memref<1x128xi32, #tpu.memory_space<vmem>>
        %dma_start3A_141 = tpu.memref_squeeze %dma_start3A_140 : memref<1x128xi32, #tpu.memory_space<vmem>> -> memref<128xi32, #tpu.memory_space<vmem>>
        %dma_start3A_142 = arith.constant 0 : i32
        %dma_start3A_143 = arith.constant 0 : i32
        %dma_start3A_144 = tpu.memref_slice %arg2[%dma_start3A_142, %dma_start3A_143] : memref<10000x128xf32, #tpu.memory_space<hbm>> -> memref<10000x128xf32, #tpu.memory_space<hbm>>
        tpu.enqueue_indirect_dma source(%dma_start3A_144 : memref<10000x128xf32, #tpu.memory_space<hbm>>) target(%arg8 : memref<128x128xf32, #tpu.memory_space<vmem>>) offsets(%dma_start3A_141 : memref<128xi32, #tpu.memory_space<vmem>>) semaphore(%arg11 : memref<!tpu.dma_semaphore, #tpu.memory_space<semaphore_mem>>)
      } else {
      }
      %dma_wait3A_125 = arith.constant 0 : i32
      %dma_wait3A_126 = tpu.memref_slice %arg6[%add3A_112, %dma_wait3A_125] : memref<24x128xi32, #tpu.memory_space<vmem>> -> memref<1x128xi32, #tpu.memory_space<vmem>>
      %dma_wait3A_127 = tpu.memref_squeeze %dma_wait3A_126 : memref<1x128xi32, #tpu.memory_space<vmem>> -> memref<128xi32, #tpu.memory_space<vmem>>
      %dma_wait3A_128 = arith.constant 0 : i32
      %dma_wait3A_129 = arith.constant 0 : i32
      %dma_wait3A_130 = tpu.memref_slice %arg2[%dma_wait3A_128, %dma_wait3A_129] : memref<10000x128xf32, #tpu.memory_space<hbm>> -> memref<10000x128xf32, #tpu.memory_space<hbm>>
      tpu.wait_indirect_dma semaphore(%arg12 : memref<!tpu.dma_semaphore, #tpu.memory_space<semaphore_mem>>) src(%dma_wait3A_130 : memref<10000x128xf32, #tpu.memory_space<hbm>>) dst(%arg9 : memref<128x128xf32, #tpu.memory_space<vmem>>)
      %dma_start3A_131 = arith.constant 0 : i32
      %dma_start3A_132 = tpu.memref_slice %arg7[%add3A_112, %dma_start3A_131] : memref<24x128xi32, #tpu.memory_space<vmem>> -> memref<1x128xi32, #tpu.memory_space<vmem>>
      %dma_start3A_133 = tpu.memref_squeeze %dma_start3A_132 : memref<1x128xi32, #tpu.memory_space<vmem>> -> memref<128xi32, #tpu.memory_space<vmem>>
      %dma_start3A_134 = arith.constant 0 : i32
      %dma_start3A_135 = arith.constant 0 : i32
      %dma_start3A_136 = tpu.memref_slice %arg10[%dma_start3A_134, %dma_start3A_135] : memref<10240x128xf32, #tpu.memory_space<vmem_shared>> -> memref<10240x128xf32, #tpu.memory_space<vmem_shared>>
      tpu.enqueue_indirect_dma source(%arg9 : memref<128x128xf32, #tpu.memory_space<vmem>>) target(%dma_start3A_136 : memref<10240x128xf32, #tpu.memory_space<vmem_shared>>) offsets(%dma_start3A_133 : memref<128xi32, #tpu.memory_space<vmem>>) semaphore(%arg14 : memref<!tpu.dma_semaphore, #tpu.memory_space<semaphore_mem>>) {add = true}
    }
    %scan3A_39 = arith.constant 12 : i32
    %dma_wait3A = arith.constant 23 : i32
    %dma_wait3A_40 = arith.constant 0 : i32
    %dma_wait3A_41 = tpu.memref_slice %arg7[%dma_wait3A, %dma_wait3A_40] : memref<24x128xi32, #tpu.memory_space<vmem>> -> memref<1x128xi32, #tpu.memory_space<vmem>>
    %dma_wait3A_42 = tpu.memref_squeeze %dma_wait3A_41 : memref<1x128xi32, #tpu.memory_space<vmem>> -> memref<128xi32, #tpu.memory_space<vmem>>
    %dma_wait3A_43 = arith.constant 0 : i32
    %dma_wait3A_44 = arith.constant 0 : i32
    %dma_wait3A_45 = tpu.memref_slice %arg10[%dma_wait3A_43, %dma_wait3A_44] : memref<10240x128xf32, #tpu.memory_space<vmem_shared>> -> memref<10240x128xf32, #tpu.memory_space<vmem_shared>>
    tpu.wait_indirect_dma semaphore(%arg14 : memref<!tpu.dma_semaphore, #tpu.memory_space<semaphore_mem>>) src(%arg9 : memref<128x128xf32, #tpu.memory_space<vmem>>) dst(%dma_wait3A_45 : memref<10240x128xf32, #tpu.memory_space<vmem_shared>>)
    %add3A_46 = arith.constant 24 : i32
    %add3A_47 = arith.addi %mul3A_2, %add3A_46 : i32
    "tpu.region"() ({
      %run_scoped3A = tpu.sem_alloc : memref<!tpu.dma_semaphore, #tpu.memory_space<semaphore_mem>>
      %dma_start3A_81 = arith.constant 0 : i32
      %dma_start3A_82 = arith.constant 0 : i32
      %dma_start3A_83 = tpu.memref_slice %arg6[%dma_start3A_81, %dma_start3A_82] : memref<24x128xi32, #tpu.memory_space<vmem>> -> memref<16x128xi32, #tpu.memory_space<vmem>>
      %dma_start3A_84 = arith.constant 0 : i32
      %dma_start3A_85 = tpu.memref_slice %arg3[%add3A_47, %dma_start3A_84] : memref<1280x128xi32, #tpu.memory_space<hbm>> -> memref<16x128xi32, #tpu.memory_space<hbm>>
      %dma_start3A_86 = arith.constant 0 : i32
      %dma_start3A_87 = arith.constant 0 : i32
      %dma_start3A_88 = tpu.memref_slice %arg6[%dma_start3A_86, %dma_start3A_87] : memref<24x128xi32, #tpu.memory_space<vmem>> -> memref<16x128xi32, #tpu.memory_space<vmem>>
      %dma_start3A_89 = arith.constant 0 : i32
      %dma_start3A_90 = tpu.memref_slice %arg3[%add3A_47, %dma_start3A_89] : memref<1280x128xi32, #tpu.memory_space<hbm>> -> memref<16x128xi32, #tpu.memory_space<hbm>>
      tpu.enqueue_dma source(%dma_start3A_90 : memref<16x128xi32, #tpu.memory_space<hbm>>) target(%dma_start3A_88 : memref<16x128xi32, #tpu.memory_space<vmem>>) target_semaphore(%run_scoped3A : memref<!tpu.dma_semaphore, #tpu.memory_space<semaphore_mem>>)
      %dma_wait3A_91 = arith.constant 0 : i32
      %dma_wait3A_92 = arith.constant 0 : i32
      %dma_wait3A_93 = tpu.memref_slice %arg6[%dma_wait3A_91, %dma_wait3A_92] : memref<24x128xi32, #tpu.memory_space<vmem>> -> memref<16x128xi32, #tpu.memory_space<vmem>>
      %dma_wait3A_94 = arith.constant 0 : i32
      %dma_wait3A_95 = tpu.memref_slice %arg3[%add3A_47, %dma_wait3A_94] : memref<1280x128xi32, #tpu.memory_space<hbm>> -> memref<16x128xi32, #tpu.memory_space<hbm>>
      %dma_wait3A_96 = arith.constant 0 : i32
      %dma_wait3A_97 = arith.constant 0 : i32
      %dma_wait3A_98 = tpu.memref_slice %arg6[%dma_wait3A_96, %dma_wait3A_97] : memref<24x128xi32, #tpu.memory_space<vmem>> -> memref<16x128xi32, #tpu.memory_space<vmem>>
      %dma_wait3A_99 = arith.constant 0 : i32
      %dma_wait3A_100 = tpu.memref_slice %arg3[%add3A_47, %dma_wait3A_99] : memref<1280x128xi32, #tpu.memory_space<hbm>> -> memref<16x128xi32, #tpu.memory_space<hbm>>
      tpu.wait_dma2 semaphore(%run_scoped3A : memref<!tpu.dma_semaphore, #tpu.memory_space<semaphore_mem>>) src(%dma_wait3A_100 : memref<16x128xi32, #tpu.memory_space<hbm>>) dst(%dma_wait3A_98 : memref<16x128xi32, #tpu.memory_space<vmem>>)
      tpu.yield
    }) : () -> ()
    %add3A_48 = arith.constant 24 : i32
    %add3A_49 = arith.addi %mul3A_2, %add3A_48 : i32
    "tpu.region"() ({
      %run_scoped3A = tpu.sem_alloc : memref<!tpu.dma_semaphore, #tpu.memory_space<semaphore_mem>>
      %dma_start3A_81 = arith.constant 0 : i32
      %dma_start3A_82 = arith.constant 0 : i32
      %dma_start3A_83 = tpu.memref_slice %arg7[%dma_start3A_81, %dma_start3A_82] : memref<24x128xi32, #tpu.memory_space<vmem>> -> memref<16x128xi32, #tpu.memory_space<vmem>>
      %dma_start3A_84 = arith.constant 0 : i32
      %dma_start3A_85 = tpu.memref_slice %arg4[%add3A_49, %dma_start3A_84] : memref<1280x128xi32, #tpu.memory_space<hbm>> -> memref<16x128xi32, #tpu.memory_space<hbm>>
      %dma_start3A_86 = arith.constant 0 : i32
      %dma_start3A_87 = arith.constant 0 : i32
      %dma_start3A_88 = tpu.memref_slice %arg7[%dma_start3A_86, %dma_start3A_87] : memref<24x128xi32, #tpu.memory_space<vmem>> -> memref<16x128xi32, #tpu.memory_space<vmem>>
      %dma_start3A_89 = arith.constant 0 : i32
      %dma_start3A_90 = tpu.memref_slice %arg4[%add3A_49, %dma_start3A_89] : memref<1280x128xi32, #tpu.memory_space<hbm>> -> memref<16x128xi32, #tpu.memory_space<hbm>>
      tpu.enqueue_dma source(%dma_start3A_90 : memref<16x128xi32, #tpu.memory_space<hbm>>) target(%dma_start3A_88 : memref<16x128xi32, #tpu.memory_space<vmem>>) target_semaphore(%run_scoped3A : memref<!tpu.dma_semaphore, #tpu.memory_space<semaphore_mem>>)
      %dma_wait3A_91 = arith.constant 0 : i32
      %dma_wait3A_92 = arith.constant 0 : i32
      %dma_wait3A_93 = tpu.memref_slice %arg7[%dma_wait3A_91, %dma_wait3A_92] : memref<24x128xi32, #tpu.memory_space<vmem>> -> memref<16x128xi32, #tpu.memory_space<vmem>>
      %dma_wait3A_94 = arith.constant 0 : i32
      %dma_wait3A_95 = tpu.memref_slice %arg4[%add3A_49, %dma_wait3A_94] : memref<1280x128xi32, #tpu.memory_space<hbm>> -> memref<16x128xi32, #tpu.memory_space<hbm>>
      %dma_wait3A_96 = arith.constant 0 : i32
      %dma_wait3A_97 = arith.constant 0 : i32
      %dma_wait3A_98 = tpu.memref_slice %arg7[%dma_wait3A_96, %dma_wait3A_97] : memref<24x128xi32, #tpu.memory_space<vmem>> -> memref<16x128xi32, #tpu.memory_space<vmem>>
      %dma_wait3A_99 = arith.constant 0 : i32
      %dma_wait3A_100 = tpu.memref_slice %arg4[%add3A_49, %dma_wait3A_99] : memref<1280x128xi32, #tpu.memory_space<hbm>> -> memref<16x128xi32, #tpu.memory_space<hbm>>
      tpu.wait_dma2 semaphore(%run_scoped3A : memref<!tpu.dma_semaphore, #tpu.memory_space<semaphore_mem>>) src(%dma_wait3A_100 : memref<16x128xi32, #tpu.memory_space<hbm>>) dst(%dma_wait3A_98 : memref<16x128xi32, #tpu.memory_space<vmem>>)
      tpu.yield
    }) : () -> ()
    %dma_start3A_50 = arith.constant 0 : i32
    %dma_start3A_51 = arith.constant 0 : i32
    %dma_start3A_52 = tpu.memref_slice %arg6[%dma_start3A_50, %dma_start3A_51] : memref<24x128xi32, #tpu.memory_space<vmem>> -> memref<1x128xi32, #tpu.memory_space<vmem>>
    %dma_start3A_53 = tpu.memref_squeeze %dma_start3A_52 : memref<1x128xi32, #tpu.memory_space<vmem>> -> memref<128xi32, #tpu.memory_space<vmem>>
    %dma_start3A_54 = arith.constant 0 : i32
    %dma_start3A_55 = arith.constant 0 : i32
    %dma_start3A_56 = tpu.memref_slice %arg2[%dma_start3A_54, %dma_start3A_55] : memref<10000x128xf32, #tpu.memory_space<hbm>> -> memref<10000x128xf32, #tpu.memory_space<hbm>>
    tpu.enqueue_indirect_dma source(%dma_start3A_56 : memref<10000x128xf32, #tpu.memory_space<hbm>>) target(%arg8 : memref<128x128xf32, #tpu.memory_space<vmem>>) offsets(%dma_start3A_53 : memref<128xi32, #tpu.memory_space<vmem>>) semaphore(%arg11 : memref<!tpu.dma_semaphore, #tpu.memory_space<semaphore_mem>>)
    %scan3A_57 = arith.constant 0 : i32
    %scan3A_58 = arith.constant 0 : i32
    %scan3A_59 = arith.constant 8 : i32
    %scan3A_60 = arith.addi %scan3A_58, %scan3A_59 : i32
    %scan3A_61 = arith.constant 1 : i32
    scf.for %scan3A_81 = %scan3A_58 to %scan3A_60 step %scan3A_61  : i32 {
      %mul3A_82 = arith.constant 2 : i32
      %mul3A_83 = arith.muli %scan3A_81, %mul3A_82 : i32
      %add3A_84 = arith.constant 0 : i32
      %add3A_85 = arith.addi %mul3A_83, %add3A_84 : i32
      %ge3A = arith.constant 1 : i32
      %ge3A_86 = arith.cmpi sge, %add3A_85, %ge3A : i32
      %convert_element_type3A_87 = arith.extui %ge3A_86 : i1 to i32
      %cond3A_88 = arith.constant 0 : i32
      %cond3A_89 = arith.cmpi ne, %convert_element_type3A_87, %cond3A_88 : i32
      scf.if %cond3A_89 {
        %sub3A = arith.constant 1 : i32
        %sub3A_137 = arith.subi %add3A_85, %sub3A : i32
        %dma_wait3A_138 = arith.constant 0 : i32
        %dma_wait3A_139 = tpu.memref_slice %arg7[%sub3A_137, %dma_wait3A_138] : memref<24x128xi32, #tpu.memory_space<vmem>> -> memref<1x128xi32, #tpu.memory_space<vmem>>
        %dma_wait3A_140 = tpu.memref_squeeze %dma_wait3A_139 : memref<1x128xi32, #tpu.memory_space<vmem>> -> memref<128xi32, #tpu.memory_space<vmem>>
        %dma_wait3A_141 = arith.constant 0 : i32
        %dma_wait3A_142 = arith.constant 0 : i32
        %dma_wait3A_143 = tpu.memref_slice %arg10[%dma_wait3A_141, %dma_wait3A_142] : memref<10240x128xf32, #tpu.memory_space<vmem_shared>> -> memref<10240x128xf32, #tpu.memory_space<vmem_shared>>
        tpu.wait_indirect_dma semaphore(%arg14 : memref<!tpu.dma_semaphore, #tpu.memory_space<semaphore_mem>>) src(%arg9 : memref<128x128xf32, #tpu.memory_space<vmem>>) dst(%dma_wait3A_143 : memref<10240x128xf32, #tpu.memory_space<vmem_shared>>)
      } else {
      }
      %add3A_90 = arith.constant 1 : i32
      %add3A_91 = arith.addi %add3A_85, %add3A_90 : i32
      %lt3A_92 = arith.constant 16 : i32
      %lt3A_93 = arith.cmpi slt, %add3A_91, %lt3A_92 : i32
      %convert_element_type3A_94 = arith.extui %lt3A_93 : i1 to i32
      %cond3A_95 = arith.constant 0 : i32
      %cond3A_96 = arith.cmpi ne, %convert_element_type3A_94, %cond3A_95 : i32
      scf.if %cond3A_96 {
        %add3A_137 = arith.constant 1 : i32
        %add3A_138 = arith.addi %add3A_85, %add3A_137 : i32
        %dma_start3A_139 = arith.constant 0 : i32
        %dma_start3A_140 = tpu.memref_slice %arg6[%add3A_138, %dma_start3A_139] : memref<24x128xi32, #tpu.memory_space<vmem>> -> memref<1x128xi32, #tpu.memory_space<vmem>>
        %dma_start3A_141 = tpu.memref_squeeze %dma_start3A_140 : memref<1x128xi32, #tpu.memory_space<vmem>> -> memref<128xi32, #tpu.memory_space<vmem>>
        %dma_start3A_142 = arith.constant 0 : i32
        %dma_start3A_143 = arith.constant 0 : i32
        %dma_start3A_144 = tpu.memref_slice %arg2[%dma_start3A_142, %dma_start3A_143] : memref<10000x128xf32, #tpu.memory_space<hbm>> -> memref<10000x128xf32, #tpu.memory_space<hbm>>
        tpu.enqueue_indirect_dma source(%dma_start3A_144 : memref<10000x128xf32, #tpu.memory_space<hbm>>) target(%arg9 : memref<128x128xf32, #tpu.memory_space<vmem>>) offsets(%dma_start3A_141 : memref<128xi32, #tpu.memory_space<vmem>>) semaphore(%arg12 : memref<!tpu.dma_semaphore, #tpu.memory_space<semaphore_mem>>)
      } else {
      }
      %dma_wait3A_97 = arith.constant 0 : i32
      %dma_wait3A_98 = tpu.memref_slice %arg6[%add3A_85, %dma_wait3A_97] : memref<24x128xi32, #tpu.memory_space<vmem>> -> memref<1x128xi32, #tpu.memory_space<vmem>>
      %dma_wait3A_99 = tpu.memref_squeeze %dma_wait3A_98 : memref<1x128xi32, #tpu.memory_space<vmem>> -> memref<128xi32, #tpu.memory_space<vmem>>
      %dma_wait3A_100 = arith.constant 0 : i32
      %dma_wait3A_101 = arith.constant 0 : i32
      %dma_wait3A_102 = tpu.memref_slice %arg2[%dma_wait3A_100, %dma_wait3A_101] : memref<10000x128xf32, #tpu.memory_space<hbm>> -> memref<10000x128xf32, #tpu.memory_space<hbm>>
      tpu.wait_indirect_dma semaphore(%arg11 : memref<!tpu.dma_semaphore, #tpu.memory_space<semaphore_mem>>) src(%dma_wait3A_102 : memref<10000x128xf32, #tpu.memory_space<hbm>>) dst(%arg8 : memref<128x128xf32, #tpu.memory_space<vmem>>)
      %dma_start3A_103 = arith.constant 0 : i32
      %dma_start3A_104 = tpu.memref_slice %arg7[%add3A_85, %dma_start3A_103] : memref<24x128xi32, #tpu.memory_space<vmem>> -> memref<1x128xi32, #tpu.memory_space<vmem>>
      %dma_start3A_105 = tpu.memref_squeeze %dma_start3A_104 : memref<1x128xi32, #tpu.memory_space<vmem>> -> memref<128xi32, #tpu.memory_space<vmem>>
      %dma_start3A_106 = arith.constant 0 : i32
      %dma_start3A_107 = arith.constant 0 : i32
      %dma_start3A_108 = tpu.memref_slice %arg10[%dma_start3A_106, %dma_start3A_107] : memref<10240x128xf32, #tpu.memory_space<vmem_shared>> -> memref<10240x128xf32, #tpu.memory_space<vmem_shared>>
      tpu.enqueue_indirect_dma source(%arg8 : memref<128x128xf32, #tpu.memory_space<vmem>>) target(%dma_start3A_108 : memref<10240x128xf32, #tpu.memory_space<vmem_shared>>) offsets(%dma_start3A_105 : memref<128xi32, #tpu.memory_space<vmem>>) semaphore(%arg13 : memref<!tpu.dma_semaphore, #tpu.memory_space<semaphore_mem>>) {add = true}
      %mul3A_109 = arith.constant 2 : i32
      %mul3A_110 = arith.muli %scan3A_81, %mul3A_109 : i32
      %add3A_111 = arith.constant 1 : i32
      %add3A_112 = arith.addi %mul3A_110, %add3A_111 : i32
      %ge3A_113 = arith.constant 1 : i32
      %ge3A_114 = arith.cmpi sge, %add3A_112, %ge3A_113 : i32
      %convert_element_type3A_115 = arith.extui %ge3A_114 : i1 to i32
      %cond3A_116 = arith.constant 0 : i32
      %cond3A_117 = arith.cmpi ne, %convert_element_type3A_115, %cond3A_116 : i32
      scf.if %cond3A_117 {
        %sub3A = arith.constant 1 : i32
        %sub3A_137 = arith.subi %add3A_112, %sub3A : i32
        %dma_wait3A_138 = arith.constant 0 : i32
        %dma_wait3A_139 = tpu.memref_slice %arg7[%sub3A_137, %dma_wait3A_138] : memref<24x128xi32, #tpu.memory_space<vmem>> -> memref<1x128xi32, #tpu.memory_space<vmem>>
        %dma_wait3A_140 = tpu.memref_squeeze %dma_wait3A_139 : memref<1x128xi32, #tpu.memory_space<vmem>> -> memref<128xi32, #tpu.memory_space<vmem>>
        %dma_wait3A_141 = arith.constant 0 : i32
        %dma_wait3A_142 = arith.constant 0 : i32
        %dma_wait3A_143 = tpu.memref_slice %arg10[%dma_wait3A_141, %dma_wait3A_142] : memref<10240x128xf32, #tpu.memory_space<vmem_shared>> -> memref<10240x128xf32, #tpu.memory_space<vmem_shared>>
        tpu.wait_indirect_dma semaphore(%arg13 : memref<!tpu.dma_semaphore, #tpu.memory_space<semaphore_mem>>) src(%arg8 : memref<128x128xf32, #tpu.memory_space<vmem>>) dst(%dma_wait3A_143 : memref<10240x128xf32, #tpu.memory_space<vmem_shared>>)
      } else {
      }
      %add3A_118 = arith.constant 1 : i32
      %add3A_119 = arith.addi %add3A_112, %add3A_118 : i32
      %lt3A_120 = arith.constant 16 : i32
      %lt3A_121 = arith.cmpi slt, %add3A_119, %lt3A_120 : i32
      %convert_element_type3A_122 = arith.extui %lt3A_121 : i1 to i32
      %cond3A_123 = arith.constant 0 : i32
      %cond3A_124 = arith.cmpi ne, %convert_element_type3A_122, %cond3A_123 : i32
      scf.if %cond3A_124 {
        %add3A_137 = arith.constant 1 : i32
        %add3A_138 = arith.addi %add3A_112, %add3A_137 : i32
        %dma_start3A_139 = arith.constant 0 : i32
        %dma_start3A_140 = tpu.memref_slice %arg6[%add3A_138, %dma_start3A_139] : memref<24x128xi32, #tpu.memory_space<vmem>> -> memref<1x128xi32, #tpu.memory_space<vmem>>
        %dma_start3A_141 = tpu.memref_squeeze %dma_start3A_140 : memref<1x128xi32, #tpu.memory_space<vmem>> -> memref<128xi32, #tpu.memory_space<vmem>>
        %dma_start3A_142 = arith.constant 0 : i32
        %dma_start3A_143 = arith.constant 0 : i32
        %dma_start3A_144 = tpu.memref_slice %arg2[%dma_start3A_142, %dma_start3A_143] : memref<10000x128xf32, #tpu.memory_space<hbm>> -> memref<10000x128xf32, #tpu.memory_space<hbm>>
        tpu.enqueue_indirect_dma source(%dma_start3A_144 : memref<10000x128xf32, #tpu.memory_space<hbm>>) target(%arg8 : memref<128x128xf32, #tpu.memory_space<vmem>>) offsets(%dma_start3A_141 : memref<128xi32, #tpu.memory_space<vmem>>) semaphore(%arg11 : memref<!tpu.dma_semaphore, #tpu.memory_space<semaphore_mem>>)
      } else {
      }
      %dma_wait3A_125 = arith.constant 0 : i32
      %dma_wait3A_126 = tpu.memref_slice %arg6[%add3A_112, %dma_wait3A_125] : memref<24x128xi32, #tpu.memory_space<vmem>> -> memref<1x128xi32, #tpu.memory_space<vmem>>
      %dma_wait3A_127 = tpu.memref_squeeze %dma_wait3A_126 : memref<1x128xi32, #tpu.memory_space<vmem>> -> memref<128xi32, #tpu.memory_space<vmem>>
      %dma_wait3A_128 = arith.constant 0 : i32
      %dma_wait3A_129 = arith.constant 0 : i32
      %dma_wait3A_130 = tpu.memref_slice %arg2[%dma_wait3A_128, %dma_wait3A_129] : memref<10000x128xf32, #tpu.memory_space<hbm>> -> memref<10000x128xf32, #tpu.memory_space<hbm>>
      tpu.wait_indirect_dma semaphore(%arg12 : memref<!tpu.dma_semaphore, #tpu.memory_space<semaphore_mem>>) src(%dma_wait3A_130 : memref<10000x128xf32, #tpu.memory_space<hbm>>) dst(%arg9 : memref<128x128xf32, #tpu.memory_space<vmem>>)
      %dma_start3A_131 = arith.constant 0 : i32
      %dma_start3A_132 = tpu.memref_slice %arg7[%add3A_112, %dma_start3A_131] : memref<24x128xi32, #tpu.memory_space<vmem>> -> memref<1x128xi32, #tpu.memory_space<vmem>>
      %dma_start3A_133 = tpu.memref_squeeze %dma_start3A_132 : memref<1x128xi32, #tpu.memory_space<vmem>> -> memref<128xi32, #tpu.memory_space<vmem>>
      %dma_start3A_134 = arith.constant 0 : i32
      %dma_start3A_135 = arith.constant 0 : i32
      %dma_start3A_136 = tpu.memref_slice %arg10[%dma_start3A_134, %dma_start3A_135] : memref<10240x128xf32, #tpu.memory_space<vmem_shared>> -> memref<10240x128xf32, #tpu.memory_space<vmem_shared>>
      tpu.enqueue_indirect_dma source(%arg9 : memref<128x128xf32, #tpu.memory_space<vmem>>) target(%dma_start3A_136 : memref<10240x128xf32, #tpu.memory_space<vmem_shared>>) offsets(%dma_start3A_133 : memref<128xi32, #tpu.memory_space<vmem>>) semaphore(%arg14 : memref<!tpu.dma_semaphore, #tpu.memory_space<semaphore_mem>>) {add = true}
    }
    %scan3A_62 = arith.constant 8 : i32
    %dma_wait3A_63 = arith.constant 15 : i32
    %dma_wait3A_64 = arith.constant 0 : i32
    %dma_wait3A_65 = tpu.memref_slice %arg7[%dma_wait3A_63, %dma_wait3A_64] : memref<24x128xi32, #tpu.memory_space<vmem>> -> memref<1x128xi32, #tpu.memory_space<vmem>>
    %dma_wait3A_66 = tpu.memref_squeeze %dma_wait3A_65 : memref<1x128xi32, #tpu.memory_space<vmem>> -> memref<128xi32, #tpu.memory_space<vmem>>
    %dma_wait3A_67 = arith.constant 0 : i32
    %dma_wait3A_68 = arith.constant 0 : i32
    %dma_wait3A_69 = tpu.memref_slice %arg10[%dma_wait3A_67, %dma_wait3A_68] : memref<10240x128xf32, #tpu.memory_space<vmem_shared>> -> memref<10240x128xf32, #tpu.memory_space<vmem_shared>>
    tpu.wait_indirect_dma semaphore(%arg14 : memref<!tpu.dma_semaphore, #tpu.memory_space<semaphore_mem>>) src(%arg9 : memref<128x128xf32, #tpu.memory_space<vmem>>) dst(%dma_wait3A_69 : memref<10240x128xf32, #tpu.memory_space<vmem_shared>>)
    %barrier3A_70 = arith.constant 0 : index
    tpu.barrier barrier_id(%barrier3A_70)
    %lt3A_71 = arith.constant 15 : i32
    %lt3A_72 = arith.cmpi slt, %arg1, %lt3A_71 : i32
    %convert_element_type3A_73 = arith.extui %lt3A_72 : i1 to i32
    %cond3A_74 = arith.constant 0 : i32
    %cond3A_75 = arith.cmpi ne, %convert_element_type3A_73, %cond3A_74 : i32
    scf.if %cond3A_75 {
      %mul3A_81 = arith.constant 632 : i32
      %mul3A_82 = arith.muli %arg1, %mul3A_81 : i32
      %mul3A_83 = arith.constant 10000 : i32
      %mul3A_84 = arith.muli %arg0, %mul3A_83 : i32
      %add3A_85 = arith.addi %mul3A_84, %mul3A_82 : i32
      "tpu.region"() ({
        %run_scoped3A = tpu.sem_alloc : memref<!tpu.dma_semaphore, #tpu.memory_space<semaphore_mem>>
        %dma_start3A_86 = arith.constant 0 : i32
        %dma_start3A_87 = tpu.memref_slice %arg5[%add3A_85, %dma_start3A_86] : memref<20000x128xf32, #tpu.memory_space<hbm>> -> memref<632x128xf32, #tpu.memory_space<hbm>>
        %dma_start3A_88 = arith.constant 0 : i32
        %dma_start3A_89 = tpu.memref_slice %arg10[%mul3A_82, %dma_start3A_88] : memref<10240x128xf32, #tpu.memory_space<vmem_shared>> -> memref<632x128xf32, #tpu.memory_space<vmem_shared>>
        tpu.enqueue_dma source(%dma_start3A_89 : memref<632x128xf32, #tpu.memory_space<vmem_shared>>) target(%dma_start3A_87 : memref<632x128xf32, #tpu.memory_space<hbm>>) target_semaphore(%run_scoped3A : memref<!tpu.dma_semaphore, #tpu.memory_space<semaphore_mem>>)
        %dma_wait3A_90 = arith.constant 0 : i32
        %dma_wait3A_91 = tpu.memref_slice %arg5[%add3A_85, %dma_wait3A_90] : memref<20000x128xf32, #tpu.memory_space<hbm>> -> memref<632x128xf32, #tpu.memory_space<hbm>>
        %dma_wait3A_92 = arith.constant 0 : i32
        %dma_wait3A_93 = tpu.memref_slice %arg10[%mul3A_82, %dma_wait3A_92] : memref<10240x128xf32, #tpu.memory_space<vmem_shared>> -> memref<632x128xf32, #tpu.memory_space<vmem_shared>>
        tpu.wait_dma2 semaphore(%run_scoped3A : memref<!tpu.dma_semaphore, #tpu.memory_space<semaphore_mem>>) src(%dma_wait3A_93 : memref<632x128xf32, #tpu.memory_space<vmem_shared>>) dst(%dma_wait3A_91 : memref<632x128xf32, #tpu.memory_space<hbm>>)
        tpu.yield
      }) : () -> ()
    } else {
    }
    %eq3A_76 = arith.constant 15 : i32
    %eq3A_77 = arith.cmpi eq, %arg1, %eq3A_76 : i32
    %convert_element_type3A_78 = arith.extui %eq3A_77 : i1 to i32
    %cond3A_79 = arith.constant 0 : i32
    %cond3A_80 = arith.cmpi ne, %convert_element_type3A_78, %cond3A_79 : i32
    scf.if %cond3A_80 {
      %mul3A_81 = arith.constant 10000 : i32
      %mul3A_82 = arith.muli %arg0, %mul3A_81 : i32
      %add3A_83 = arith.constant 9480 : i32
      %add3A_84 = arith.addi %mul3A_82, %add3A_83 : i32
      "tpu.region"() ({
        %run_scoped3A = tpu.sem_alloc : memref<!tpu.dma_semaphore, #tpu.memory_space<semaphore_mem>>
        %dma_start3A_85 = arith.constant 0 : i32
        %dma_start3A_86 = tpu.memref_slice %arg5[%add3A_84, %dma_start3A_85] : memref<20000x128xf32, #tpu.memory_space<hbm>> -> memref<520x128xf32, #tpu.memory_space<hbm>>
        %dma_start3A_87 = arith.constant 9480 : i32
        %dma_start3A_88 = arith.constant 0 : i32
        %dma_start3A_89 = tpu.memref_slice %arg10[%dma_start3A_87, %dma_start3A_88] : memref<10240x128xf32, #tpu.memory_space<vmem_shared>> -> memref<520x128xf32, #tpu.memory_space<vmem_shared>>
        tpu.enqueue_dma source(%dma_start3A_89 : memref<520x128xf32, #tpu.memory_space<vmem_shared>>) target(%dma_start3A_86 : memref<520x128xf32, #tpu.memory_space<hbm>>) target_semaphore(%run_scoped3A : memref<!tpu.dma_semaphore, #tpu.memory_space<semaphore_mem>>)
        %dma_wait3A_90 = arith.constant 0 : i32
        %dma_wait3A_91 = tpu.memref_slice %arg5[%add3A_84, %dma_wait3A_90] : memref<20000x128xf32, #tpu.memory_space<hbm>> -> memref<520x128xf32, #tpu.memory_space<hbm>>
        %dma_wait3A_92 = arith.constant 9480 : i32
        %dma_wait3A_93 = arith.constant 0 : i32
        %dma_wait3A_94 = tpu.memref_slice %arg10[%dma_wait3A_92, %dma_wait3A_93] : memref<10240x128xf32, #tpu.memory_space<vmem_shared>> -> memref<520x128xf32, #tpu.memory_space<vmem_shared>>
        tpu.wait_dma2 semaphore(%run_scoped3A : memref<!tpu.dma_semaphore, #tpu.memory_space<semaphore_mem>>) src(%dma_wait3A_94 : memref<520x128xf32, #tpu.memory_space<vmem_shared>>) dst(%dma_wait3A_91 : memref<520x128xf32, #tpu.memory_space<hbm>>)
        tpu.yield
      }) : () -> ()
    } else {
    }
    return
  }
}

module attributes {stable_mosaic.version = 14 : i64} {
  func.func @_mm1_body(%arg0: i32, %arg1: memref<2000x256xf32, #tpu.memory_space<vmem>>, %arg2: memref<256x256xf32, #tpu.memory_space<vmem>>, %arg3: memref<2x2000x16xf32, #tpu.memory_space<vmem>>, %arg4: memref<2x2000x128xf32, #tpu.memory_space<vmem>>) attributes {dimension_semantics = [#tpu.dimension_semantics<arbitrary>], iteration_bounds = array<i64: 5>, scalar_prefetch = 0 : i64, scratch_operands = 0 : i64, tpu.core_type = #tpu.core_type<tc>, window_params = [{transform_indices = @transform_0, window_bounds = array<i64: 2000, 256>}, {pipeline_mode = #tpu.pipeline_mode<synchronous>, transform_indices = @transform_1, window_bounds = array<i64: 256, 256>}, {transform_indices = @transform_2, window_bounds = array<i64: 2, 2000, 16>}, {transform_indices = @transform_3, window_bounds = array<i64: 2, 2000, 128>}]} {
    %get3A = arith.constant 0 : index
    %get3A_0 = arith.constant 0 : index
    %get3A_1 = arith.constant 0 : index
    %get3A_2 = vector.load %arg3[%get3A, %get3A_0, %get3A_1] : memref<2x2000x16xf32, #tpu.memory_space<vmem>>, vector<1x2000x1xf32>
    %get3A_3 = vector.shape_cast %get3A_2 : vector<1x2000x1xf32> to vector<2000x1xf32>
    %get3A_4 = arith.constant 1 : index
    %get3A_5 = arith.constant 0 : index
    %get3A_6 = arith.constant 0 : index
    %get3A_7 = vector.load %arg3[%get3A_4, %get3A_5, %get3A_6] : memref<2x2000x16xf32, #tpu.memory_space<vmem>>, vector<1x2000x1xf32>
    %get3A_8 = vector.shape_cast %get3A_7 : vector<1x2000x1xf32> to vector<2000x1xf32>
    %add3A = arith.addf %get3A_3, %get3A_8 : vector<2000x1xf32>
    %rsqrt3A = math.rsqrt %add3A : vector<2000x1xf32>
    %get3A_9 = arith.constant 0 : index
    %get3A_10 = arith.constant 0 : index
    %get3A_11 = vector.load %arg1[%get3A_9, %get3A_10] : memref<2000x256xf32, #tpu.memory_space<vmem>>, vector<2000x256xf32>
    %get3A_12 = arith.constant 0 : index
    %get3A_13 = arith.constant 0 : index
    %get3A_14 = vector.load %arg2[%get3A_12, %get3A_13] : memref<256x256xf32, #tpu.memory_space<vmem>>, vector<256x256xf32>
    %dot_general3A = arith.constant dense<0.000000e+00> : vector<2000x256xf32>
    %dot_general3A_15 = tpu.matmul %get3A_11, %get3A_14, %dot_general3A {dimension_numbers = #tpu.dot_dimension_numbers<[1], [0], [0], [1], [0, 0, 1, 1], [], []>, transpose_lhs_hint = false} : vector<2000x256xf32>, vector<256x256xf32>, vector<2000x256xf32> -> vector<2000x256xf32>
    %mul3A = vector.broadcast %rsqrt3A : vector<2000x1xf32> to vector<2000x256xf32>
    %mul3A_16 = arith.mulf %dot_general3A_15, %mul3A : vector<2000x256xf32>
    %slice3A = vector.extract_strided_slice %mul3A_16 {offsets = [0, 0], sizes = [2000, 128], strides = [1, 1]} : vector<2000x256xf32> to vector<2000x128xf32>
    %swap3A = arith.constant 0 : index
    %swap3A_17 = arith.constant 0 : index
    %swap3A_18 = arith.constant 0 : index
    %swap3A_19 = vector.load %arg4[%swap3A, %swap3A_17, %swap3A_18] : memref<2x2000x128xf32, #tpu.memory_space<vmem>>, vector<1x2000x128xf32>
    %swap3A_20 = vector.shape_cast %swap3A_19 : vector<1x2000x128xf32> to vector<2000x128xf32>
    %swap3A_21 = vector.shape_cast %slice3A : vector<2000x128xf32> to vector<1x2000x128xf32>
    tpu.vector_store %arg4[%swap3A, %swap3A_17, %swap3A_18], %swap3A_21 {strides = array<i32>} : memref<2x2000x128xf32, #tpu.memory_space<vmem>>, vector<1x2000x128xf32>,
    %slice3A_22 = vector.extract_strided_slice %mul3A_16 {offsets = [0, 128], sizes = [2000, 128], strides = [1, 1]} : vector<2000x256xf32> to vector<2000x128xf32>
    %swap3A_23 = arith.constant 1 : index
    %swap3A_24 = arith.constant 0 : index
    %swap3A_25 = arith.constant 0 : index
    %swap3A_26 = vector.load %arg4[%swap3A_23, %swap3A_24, %swap3A_25] : memref<2x2000x128xf32, #tpu.memory_space<vmem>>, vector<1x2000x128xf32>
    %swap3A_27 = vector.shape_cast %swap3A_26 : vector<1x2000x128xf32> to vector<2000x128xf32>
    %swap3A_28 = vector.shape_cast %slice3A_22 : vector<2000x128xf32> to vector<1x2000x128xf32>
    tpu.vector_store %arg4[%swap3A_23, %swap3A_24, %swap3A_25], %swap3A_28 {strides = array<i32>} : memref<2x2000x128xf32, #tpu.memory_space<vmem>>, vector<1x2000x128xf32>,
    return
  }
  func.func @transform_0(%arg0: i32) -> (i32, i32) {
    %c0_i32 = arith.constant 0 : i32
    %c0_i32_0 = arith.constant 0 : i32
    return %arg0, %c0_i32 : i32, i32
  }
  func.func @transform_1(%arg0: i32) -> (i32, i32) {
    %c0_i32 = arith.constant 0 : i32
    %c0_i32_0 = arith.constant 0 : i32
    %c0_i32_1 = arith.constant 0 : i32
    return %c0_i32, %c0_i32_0 : i32, i32
  }
  func.func @transform_2(%arg0: i32) -> (i32, i32, i32) {
    %c0_i32 = arith.constant 0 : i32
    %c0_i32_0 = arith.constant 0 : i32
    %c0_i32_1 = arith.constant 0 : i32
    return %c0_i32, %arg0, %c0_i32_0 : i32, i32, i32
  }
  func.func @transform_3(%arg0: i32) -> (i32, i32, i32) {
    %c0_i32 = arith.constant 0 : i32
    %c0_i32_0 = arith.constant 0 : i32
    %c0_i32_1 = arith.constant 0 : i32
    return %c0_i32, %arg0, %c0_i32_0 : i32, i32, i32
  }
}

module attributes {stable_mosaic.version = 14 : i64} {
  func.func @_mm2_body(%arg0: i32, %arg1: memref<2x2000x128xf32, #tpu.memory_space<vmem>>, %arg2: memref<2x2000x128xf32, #tpu.memory_space<vmem>>, %arg3: memref<2x2000x16xf32, #tpu.memory_space<vmem>>, %arg4: memref<1x256xf32, #tpu.memory_space<vmem>>, %arg5: memref<256x128xf32, #tpu.memory_space<vmem>>, %arg6: memref<2000x128xf32, #tpu.memory_space<vmem>>) attributes {dimension_semantics = [#tpu.dimension_semantics<arbitrary>], iteration_bounds = array<i64: 5>, scalar_prefetch = 0 : i64, scratch_operands = 0 : i64, tpu.core_type = #tpu.core_type<tc>, window_params = [{transform_indices = @transform_0, window_bounds = array<i64: 2, 2000, 128>}, {transform_indices = @transform_1, window_bounds = array<i64: 2, 2000, 128>}, {transform_indices = @transform_2, window_bounds = array<i64: 2, 2000, 16>}, {pipeline_mode = #tpu.pipeline_mode<synchronous>, transform_indices = @transform_3, window_bounds = array<i64: 1, 256>}, {pipeline_mode = #tpu.pipeline_mode<synchronous>, transform_indices = @transform_4, window_bounds = array<i64: 256, 128>}, {transform_indices = @transform_5, window_bounds = array<i64: 2000, 128>}]} {
    %get3A = arith.constant 0 : index
    %get3A_0 = arith.constant 0 : index
    %get3A_1 = arith.constant 0 : index
    %get3A_2 = vector.load %arg3[%get3A, %get3A_0, %get3A_1] : memref<2x2000x16xf32, #tpu.memory_space<vmem>>, vector<1x2000x1xf32>
    %get3A_3 = vector.shape_cast %get3A_2 : vector<1x2000x1xf32> to vector<2000x1xf32>
    %get3A_4 = arith.constant 1 : index
    %get3A_5 = arith.constant 0 : index
    %get3A_6 = arith.constant 0 : index
    %get3A_7 = vector.load %arg3[%get3A_4, %get3A_5, %get3A_6] : memref<2x2000x16xf32, #tpu.memory_space<vmem>>, vector<1x2000x1xf32>
    %get3A_8 = vector.shape_cast %get3A_7 : vector<1x2000x1xf32> to vector<2000x1xf32>
    %add3A = arith.addf %get3A_3, %get3A_8 : vector<2000x1xf32>
    %rsqrt3A = math.rsqrt %add3A : vector<2000x1xf32>
    %get3A_9 = arith.constant 0 : index
    %get3A_10 = arith.constant 0 : index
    %get3A_11 = arith.constant 0 : index
    %get3A_12 = vector.load %arg1[%get3A_9, %get3A_10, %get3A_11] : memref<2x2000x128xf32, #tpu.memory_space<vmem>>, vector<1x2000x128xf32>
    %get3A_13 = vector.shape_cast %get3A_12 : vector<1x2000x128xf32> to vector<2000x128xf32>
    %get3A_14 = arith.constant 0 : index
    %get3A_15 = arith.constant 0 : index
    %get3A_16 = arith.constant 0 : index
    %get3A_17 = vector.load %arg2[%get3A_14, %get3A_15, %get3A_16] : memref<2x2000x128xf32, #tpu.memory_space<vmem>>, vector<1x2000x128xf32>
    %get3A_18 = vector.shape_cast %get3A_17 : vector<1x2000x128xf32> to vector<2000x128xf32>
    %add3A_19 = arith.addf %get3A_13, %get3A_18 : vector<2000x128xf32>
    %get3A_20 = arith.constant 1 : index
    %get3A_21 = arith.constant 0 : index
    %get3A_22 = arith.constant 0 : index
    %get3A_23 = vector.load %arg1[%get3A_20, %get3A_21, %get3A_22] : memref<2x2000x128xf32, #tpu.memory_space<vmem>>, vector<1x2000x128xf32>
    %get3A_24 = vector.shape_cast %get3A_23 : vector<1x2000x128xf32> to vector<2000x128xf32>
    %get3A_25 = arith.constant 1 : index
    %get3A_26 = arith.constant 0 : index
    %get3A_27 = arith.constant 0 : index
    %get3A_28 = vector.load %arg2[%get3A_25, %get3A_26, %get3A_27] : memref<2x2000x128xf32, #tpu.memory_space<vmem>>, vector<1x2000x128xf32>
    %get3A_29 = vector.shape_cast %get3A_28 : vector<1x2000x128xf32> to vector<2000x128xf32>
    %add3A_30 = arith.addf %get3A_24, %get3A_29 : vector<2000x128xf32>
    %concatenate3A = tpu.concatenate %add3A_19, %add3A_30 in 1 : vector<2000x128xf32>, vector<2000x128xf32> -> vector<2000x256xf32>
    %mul3A = vector.broadcast %rsqrt3A : vector<2000x1xf32> to vector<2000x256xf32>
    %mul3A_31 = arith.mulf %concatenate3A, %mul3A : vector<2000x256xf32>
    %get3A_32 = arith.constant 0 : index
    %get3A_33 = arith.constant 0 : index
    %get3A_34 = vector.load %arg4[%get3A_32, %get3A_33] : memref<1x256xf32, #tpu.memory_space<vmem>>, vector<1x256xf32>
    %add3A_35 = vector.broadcast %get3A_34 : vector<1x256xf32> to vector<2000x256xf32>
    %add3A_36 = arith.addf %mul3A_31, %add3A_35 : vector<2000x256xf32>
    %max3A = arith.constant 0.000000e+00 : f32
    %max3A_37 = vector.broadcast %max3A : f32 to vector<2000x256xf32>
    %max3A_38 = arith.maximumf %add3A_36, %max3A_37 : vector<2000x256xf32>
    %get3A_39 = arith.constant 0 : index
    %get3A_40 = arith.constant 0 : index
    %get3A_41 = vector.load %arg5[%get3A_39, %get3A_40] : memref<256x128xf32, #tpu.memory_space<vmem>>, vector<256x128xf32>
    %dot_general3A = arith.constant dense<0.000000e+00> : vector<2000x128xf32>
    %dot_general3A_42 = tpu.matmul %max3A_38, %get3A_41, %dot_general3A {dimension_numbers = #tpu.dot_dimension_numbers<[1], [0], [0], [1], [0, 0, 1, 1], [], []>, transpose_lhs_hint = false} : vector<2000x256xf32>, vector<256x128xf32>, vector<2000x128xf32> -> vector<2000x128xf32>
    %mul3A_43 = vector.broadcast %rsqrt3A : vector<2000x1xf32> to vector<2000x128xf32>
    %mul3A_44 = arith.mulf %dot_general3A_42, %mul3A_43 : vector<2000x128xf32>
    %swap3A = arith.constant 0 : index
    %swap3A_45 = arith.constant 0 : index
    %swap3A_46 = vector.load %arg6[%swap3A, %swap3A_45] : memref<2000x128xf32, #tpu.memory_space<vmem>>, vector<2000x128xf32>
    tpu.vector_store %arg6[%swap3A, %swap3A_45], %mul3A_44 {strides = array<i32>} : memref<2000x128xf32, #tpu.memory_space<vmem>>, vector<2000x128xf32>,
    return
  }
  func.func @transform_0(%arg0: i32) -> (i32, i32, i32) {
    %c0_i32 = arith.constant 0 : i32
    %c0_i32_0 = arith.constant 0 : i32
    %c0_i32_1 = arith.constant 0 : i32
    return %c0_i32, %arg0, %c0_i32_0 : i32, i32, i32
  }
  func.func @transform_1(%arg0: i32) -> (i32, i32, i32) {
    %c0_i32 = arith.constant 0 : i32
    %c0_i32_0 = arith.constant 0 : i32
    %c0_i32_1 = arith.constant 0 : i32
    return %c0_i32, %arg0, %c0_i32_0 : i32, i32, i32
  }
  func.func @transform_2(%arg0: i32) -> (i32, i32, i32) {
    %c0_i32 = arith.constant 0 : i32
    %c0_i32_0 = arith.constant 0 : i32
    %c0_i32_1 = arith.constant 0 : i32
    return %c0_i32, %arg0, %c0_i32_0 : i32, i32, i32
  }
  func.func @transform_3(%arg0: i32) -> (i32, i32) {
    %c0_i32 = arith.constant 0 : i32
    %c0_i32_0 = arith.constant 0 : i32
    %c0_i32_1 = arith.constant 0 : i32
    return %c0_i32, %c0_i32_0 : i32, i32
  }
  func.func @transform_4(%arg0: i32) -> (i32, i32) {
    %c0_i32 = arith.constant 0 : i32
    %c0_i32_0 = arith.constant 0 : i32
    %c0_i32_1 = arith.constant 0 : i32
    return %c0_i32, %c0_i32_0 : i32, i32
  }
  func.func @transform_5(%arg0: i32) -> (i32, i32) {
    %c0_i32 = arith.constant 0 : i32
    %c0_i32_0 = arith.constant 0 : i32
    return %arg0, %c0_i32 : i32, i32
  }
}

module attributes {stable_mosaic.version = 14 : i64} {
  func.func @_z_body(%arg0: i32, %arg1: memref<2x2000x128xf32, #tpu.memory_space<vmem>>, %arg2: memref<2000x128xf32, #tpu.memory_space<vmem>>, %arg3: memref<2x2000x16xf32, #tpu.memory_space<vmem>>, %arg4: memref<1x128xf32, #tpu.memory_space<vmem>>, %arg5: memref<2000x128xf32, #tpu.memory_space<vmem>>, %arg6: memref<2000x128xf32, #tpu.memory_space<vmem>>) attributes {dimension_semantics = [#tpu.dimension_semantics<arbitrary>], iteration_bounds = array<i64: 5>, scalar_prefetch = 0 : i64, scratch_operands = 0 : i64, tpu.core_type = #tpu.core_type<tc>, window_params = [{transform_indices = @transform_0, window_bounds = array<i64: 2, 2000, 128>}, {transform_indices = @transform_1, window_bounds = array<i64: 2000, 128>}, {transform_indices = @transform_2, window_bounds = array<i64: 2, 2000, 16>}, {pipeline_mode = #tpu.pipeline_mode<synchronous>, transform_indices = @transform_3, window_bounds = array<i64: 1, 128>}, {transform_indices = @transform_4, window_bounds = array<i64: 2000, 128>}, {transform_indices = @transform_5, window_bounds = array<i64: 2000, 128>}]} {
    %get3A = arith.constant 0 : index
    %get3A_0 = arith.constant 0 : index
    %get3A_1 = arith.constant 0 : index
    %get3A_2 = vector.load %arg3[%get3A, %get3A_0, %get3A_1] : memref<2x2000x16xf32, #tpu.memory_space<vmem>>, vector<1x2000x1xf32>
    %get3A_3 = vector.shape_cast %get3A_2 : vector<1x2000x1xf32> to vector<2000x1xf32>
    %get3A_4 = arith.constant 1 : index
    %get3A_5 = arith.constant 0 : index
    %get3A_6 = arith.constant 0 : index
    %get3A_7 = vector.load %arg3[%get3A_4, %get3A_5, %get3A_6] : memref<2x2000x16xf32, #tpu.memory_space<vmem>>, vector<1x2000x1xf32>
    %get3A_8 = vector.shape_cast %get3A_7 : vector<1x2000x1xf32> to vector<2000x1xf32>
    %add3A = arith.addf %get3A_3, %get3A_8 : vector<2000x1xf32>
    %rsqrt3A = math.rsqrt %add3A : vector<2000x1xf32>
    %get3A_9 = arith.constant 0 : index
    %get3A_10 = arith.constant 0 : index
    %get3A_11 = arith.constant 0 : index
    %get3A_12 = vector.load %arg1[%get3A_9, %get3A_10, %get3A_11] : memref<2x2000x128xf32, #tpu.memory_space<vmem>>, vector<1x2000x128xf32>
    %get3A_13 = vector.shape_cast %get3A_12 : vector<1x2000x128xf32> to vector<2000x128xf32>
    %get3A_14 = arith.constant 1 : index
    %get3A_15 = arith.constant 0 : index
    %get3A_16 = arith.constant 0 : index
    %get3A_17 = vector.load %arg1[%get3A_14, %get3A_15, %get3A_16] : memref<2x2000x128xf32, #tpu.memory_space<vmem>>, vector<1x2000x128xf32>
    %get3A_18 = vector.shape_cast %get3A_17 : vector<1x2000x128xf32> to vector<2000x128xf32>
    %add3A_19 = arith.addf %get3A_13, %get3A_18 : vector<2000x128xf32>
    %get3A_20 = arith.constant 0 : index
    %get3A_21 = arith.constant 0 : index
    %get3A_22 = vector.load %arg2[%get3A_20, %get3A_21] : memref<2000x128xf32, #tpu.memory_space<vmem>>, vector<2000x128xf32>
    %add3A_23 = arith.addf %add3A_19, %get3A_22 : vector<2000x128xf32>
    %mul3A = vector.broadcast %rsqrt3A : vector<2000x1xf32> to vector<2000x128xf32>
    %mul3A_24 = arith.mulf %add3A_23, %mul3A : vector<2000x128xf32>
    %get3A_25 = arith.constant 0 : index
    %get3A_26 = arith.constant 0 : index
    %get3A_27 = vector.load %arg4[%get3A_25, %get3A_26] : memref<1x128xf32, #tpu.memory_space<vmem>>, vector<1x128xf32>
    %add3A_28 = vector.broadcast %get3A_27 : vector<1x128xf32> to vector<2000x128xf32>
    %add3A_29 = arith.addf %mul3A_24, %add3A_28 : vector<2000x128xf32>
    %swap3A = arith.constant 0 : index
    %swap3A_30 = arith.constant 0 : index
    %swap3A_31 = vector.load %arg5[%swap3A, %swap3A_30] : memref<2000x128xf32, #tpu.memory_space<vmem>>, vector<2000x128xf32>
    tpu.vector_store %arg5[%swap3A, %swap3A_30], %add3A_29 {strides = array<i32>} : memref<2000x128xf32, #tpu.memory_space<vmem>>, vector<2000x128xf32>,
    %mul3A_32 = vector.broadcast %rsqrt3A : vector<2000x1xf32> to vector<2000x128xf32>
    %mul3A_33 = arith.mulf %add3A_29, %mul3A_32 : vector<2000x128xf32>
    %swap3A_34 = arith.constant 0 : index
    %swap3A_35 = arith.constant 0 : index
    %swap3A_36 = vector.load %arg6[%swap3A_34, %swap3A_35] : memref<2000x128xf32, #tpu.memory_space<vmem>>, vector<2000x128xf32>
    tpu.vector_store %arg6[%swap3A_34, %swap3A_35], %mul3A_33 {strides = array<i32>} : memref<2000x128xf32, #tpu.memory_space<vmem>>, vector<2000x128xf32>,
    return
  }
  func.func @transform_0(%arg0: i32) -> (i32, i32, i32) {
    %c0_i32 = arith.constant 0 : i32
    %c0_i32_0 = arith.constant 0 : i32
    %c0_i32_1 = arith.constant 0 : i32
    return %c0_i32, %arg0, %c0_i32_0 : i32, i32, i32
  }
  func.func @transform_1(%arg0: i32) -> (i32, i32) {
    %c0_i32 = arith.constant 0 : i32
    %c0_i32_0 = arith.constant 0 : i32
    return %arg0, %c0_i32 : i32, i32
  }
  func.func @transform_2(%arg0: i32) -> (i32, i32, i32) {
    %c0_i32 = arith.constant 0 : i32
    %c0_i32_0 = arith.constant 0 : i32
    %c0_i32_1 = arith.constant 0 : i32
    return %c0_i32, %arg0, %c0_i32_0 : i32, i32, i32
  }
  func.func @transform_3(%arg0: i32) -> (i32, i32) {
    %c0_i32 = arith.constant 0 : i32
    %c0_i32_0 = arith.constant 0 : i32
    %c0_i32_1 = arith.constant 0 : i32
    return %c0_i32, %c0_i32_0 : i32, i32
  }
  func.func @transform_4(%arg0: i32) -> (i32, i32) {
    %c0_i32 = arith.constant 0 : i32
    %c0_i32_0 = arith.constant 0 : i32
    return %arg0, %c0_i32 : i32, i32
  }
  func.func @transform_5(%arg0: i32) -> (i32, i32) {
    %c0_i32 = arith.constant 0 : i32
    %c0_i32_0 = arith.constant 0 : i32
    return %arg0, %c0_i32 : i32, i32
  }
}

module attributes {stable_mosaic.version = 14 : i64} {
  func.func @_out_body(%arg0: i32, %arg1: memref<2x2000x128xf32, #tpu.memory_space<vmem>>, %arg2: memref<2000x128xf32, #tpu.memory_space<vmem>>, %arg3: memref<2x2000x16xf32, #tpu.memory_space<vmem>>, %arg4: memref<128x256xf32, #tpu.memory_space<vmem>>, %arg5: memref<1x256xf32, #tpu.memory_space<vmem>>, %arg6: memref<2000x256xf32, #tpu.memory_space<vmem>>) attributes {dimension_semantics = [#tpu.dimension_semantics<arbitrary>], iteration_bounds = array<i64: 5>, scalar_prefetch = 0 : i64, scratch_operands = 0 : i64, tpu.core_type = #tpu.core_type<tc>, window_params = [{transform_indices = @transform_0, window_bounds = array<i64: 2, 2000, 128>}, {transform_indices = @transform_1, window_bounds = array<i64: 2000, 128>}, {transform_indices = @transform_2, window_bounds = array<i64: 2, 2000, 16>}, {pipeline_mode = #tpu.pipeline_mode<synchronous>, transform_indices = @transform_3, window_bounds = array<i64: 128, 256>}, {pipeline_mode = #tpu.pipeline_mode<synchronous>, transform_indices = @transform_4, window_bounds = array<i64: 1, 256>}, {transform_indices = @transform_5, window_bounds = array<i64: 2000, 256>}]} {
    %get3A = arith.constant 0 : index
    %get3A_0 = arith.constant 0 : index
    %get3A_1 = arith.constant 0 : index
    %get3A_2 = vector.load %arg3[%get3A, %get3A_0, %get3A_1] : memref<2x2000x16xf32, #tpu.memory_space<vmem>>, vector<1x2000x1xf32>
    %get3A_3 = vector.shape_cast %get3A_2 : vector<1x2000x1xf32> to vector<2000x1xf32>
    %get3A_4 = arith.constant 1 : index
    %get3A_5 = arith.constant 0 : index
    %get3A_6 = arith.constant 0 : index
    %get3A_7 = vector.load %arg3[%get3A_4, %get3A_5, %get3A_6] : memref<2x2000x16xf32, #tpu.memory_space<vmem>>, vector<1x2000x1xf32>
    %get3A_8 = vector.shape_cast %get3A_7 : vector<1x2000x1xf32> to vector<2000x1xf32>
    %add3A = arith.addf %get3A_3, %get3A_8 : vector<2000x1xf32>
    %rsqrt3A = math.rsqrt %add3A : vector<2000x1xf32>
    %get3A_9 = arith.constant 0 : index
    %get3A_10 = arith.constant 0 : index
    %get3A_11 = arith.constant 0 : index
    %get3A_12 = vector.load %arg1[%get3A_9, %get3A_10, %get3A_11] : memref<2x2000x128xf32, #tpu.memory_space<vmem>>, vector<1x2000x128xf32>
    %get3A_13 = vector.shape_cast %get3A_12 : vector<1x2000x128xf32> to vector<2000x128xf32>
    %get3A_14 = arith.constant 1 : index
    %get3A_15 = arith.constant 0 : index
    %get3A_16 = arith.constant 0 : index
    %get3A_17 = vector.load %arg1[%get3A_14, %get3A_15, %get3A_16] : memref<2x2000x128xf32, #tpu.memory_space<vmem>>, vector<1x2000x128xf32>
    %get3A_18 = vector.shape_cast %get3A_17 : vector<1x2000x128xf32> to vector<2000x128xf32>
    %add3A_19 = arith.addf %get3A_13, %get3A_18 : vector<2000x128xf32>
    %get3A_20 = arith.constant 0 : index
    %get3A_21 = arith.constant 0 : index
    %get3A_22 = vector.load %arg2[%get3A_20, %get3A_21] : memref<2000x128xf32, #tpu.memory_space<vmem>>, vector<2000x128xf32>
    %add3A_23 = arith.addf %add3A_19, %get3A_22 : vector<2000x128xf32>
    %mul3A = vector.broadcast %rsqrt3A : vector<2000x1xf32> to vector<2000x128xf32>
    %mul3A_24 = arith.mulf %add3A_23, %mul3A : vector<2000x128xf32>
    %get3A_25 = arith.constant 0 : index
    %get3A_26 = arith.constant 0 : index
    %get3A_27 = vector.load %arg4[%get3A_25, %get3A_26] : memref<128x256xf32, #tpu.memory_space<vmem>>, vector<128x256xf32>
    %dot_general3A = arith.constant dense<0.000000e+00> : vector<2000x256xf32>
    %dot_general3A_28 = tpu.matmul %mul3A_24, %get3A_27, %dot_general3A {dimension_numbers = #tpu.dot_dimension_numbers<[1], [0], [0], [1], [0, 0, 1, 1], [], []>, transpose_lhs_hint = false} : vector<2000x128xf32>, vector<128x256xf32>, vector<2000x256xf32> -> vector<2000x256xf32>
    %get3A_29 = arith.constant 0 : index
    %get3A_30 = arith.constant 0 : index
    %get3A_31 = vector.load %arg5[%get3A_29, %get3A_30] : memref<1x256xf32, #tpu.memory_space<vmem>>, vector<1x256xf32>
    %add3A_32 = vector.broadcast %get3A_31 : vector<1x256xf32> to vector<2000x256xf32>
    %add3A_33 = arith.addf %dot_general3A_28, %add3A_32 : vector<2000x256xf32>
    %swap3A = arith.constant 0 : index
    %swap3A_34 = arith.constant 0 : index
    %swap3A_35 = vector.load %arg6[%swap3A, %swap3A_34] : memref<2000x256xf32, #tpu.memory_space<vmem>>, vector<2000x256xf32>
    tpu.vector_store %arg6[%swap3A, %swap3A_34], %add3A_33 {strides = array<i32>} : memref<2000x256xf32, #tpu.memory_space<vmem>>, vector<2000x256xf32>,
    return
  }
  func.func @transform_0(%arg0: i32) -> (i32, i32, i32) {
    %c0_i32 = arith.constant 0 : i32
    %c0_i32_0 = arith.constant 0 : i32
    %c0_i32_1 = arith.constant 0 : i32
    return %c0_i32, %arg0, %c0_i32_0 : i32, i32, i32
  }
  func.func @transform_1(%arg0: i32) -> (i32, i32) {
    %c0_i32 = arith.constant 0 : i32
    %c0_i32_0 = arith.constant 0 : i32
    return %arg0, %c0_i32 : i32, i32
  }
  func.func @transform_2(%arg0: i32) -> (i32, i32, i32) {
    %c0_i32 = arith.constant 0 : i32
    %c0_i32_0 = arith.constant 0 : i32
    %c0_i32_1 = arith.constant 0 : i32
    return %c0_i32, %arg0, %c0_i32_0 : i32, i32, i32
  }
  func.func @transform_3(%arg0: i32) -> (i32, i32) {
    %c0_i32 = arith.constant 0 : i32
    %c0_i32_0 = arith.constant 0 : i32
    %c0_i32_1 = arith.constant 0 : i32
    return %c0_i32, %c0_i32_0 : i32, i32
  }
  func.func @transform_4(%arg0: i32) -> (i32, i32) {
    %c0_i32 = arith.constant 0 : i32
    %c0_i32_0 = arith.constant 0 : i32
    %c0_i32_1 = arith.constant 0 : i32
    return %c0_i32, %c0_i32_0 : i32, i32
  }
  func.func @transform_5(%arg0: i32) -> (i32, i32) {
    %c0_i32 = arith.constant 0 : i32
    %c0_i32_0 = arith.constant 0 : i32
    return %arg0, %c0_i32 : i32, i32
  }
}

</mosaic_0001>

<sc_bundles>
// kernel: kernel.10.cloned.1.call-start
scs
__scs_entry_jumppad:
0x0: {  	(pc) =	sbr.rel $0x88, $3  }
0x1: {  	(tag) =	ssettag $0x0;
	lr =	simm.s32 $0x1  }
0x2: {  	[smem:$0x3F99] =	sst lr;
	_ =	strace $0xD0000000  }
0x3: {  	_ = 	snop  }
0x4: {  	_ = 	snop  }
0x5: {  	_ = 	snop  }
0x6: {  	_ = 	snop  }
0x7: {  	_ = 	snop  }
__scs_overlays_trampoline_lowered:
0x8: {  	[smem:$0x3FA8] =	sst s0  }
0x9: {  	[smem:$0x3FA9] =	sst s1  }
0xa: {  	[smem:$0x3FAA] =	sst s2  }
0xb: {  	[smem:$0x3FAB] =	sst s3  }
0xc: {  	[smem:$0x3FAC] =	sst s4  }
0xd: {  	[smem:$0x3FAD] =	sst s5  }
0xe: {  	[smem:$0x3FAE] =	sst s6  }
0xf: {  	[smem:$0x3FAF] =	sst s7  }
0x10: {  	[smem:$0x3FB0] =	sst s8  }
0x11: {  	[smem:$0x3FB1] =	sst s9;
	s0 =	simm.s32 @!p0 $0x0  }
0x12: {  	s1 =	sld [smem:$0x3F97];
	s0 =	simm.s32 @p0 $0x1  }
0x13: {  	[smem:$0x3FB2] =	sst s0;
	s0 =	simm.s32 @!p1 $0x0  }
0x14: {  	s2 =	sld [smem:$0x3F96];
	s0 =	simm.s32 @p1 $0x1  }
0x15: {  	[smem:$0x3FB3] =	sst s0;
	s0 =	simm.s32 @!p2 $0x0  }
0x16: {  	s3 =	sld [smem:$0x3FDB];
	s0 =	simm.s32 @p2 $0x1  }
0x17: {  	s4 =	simm.s32 $0x1BF5;
	[smem:$0x3FB5] =	sst s0  }
0x18: {  	s0 =	sld [smem:$0x3F98];
	_ =	swait.ge [sflag:s4], $0x0  }
0x19: {  	s7 =	sld [smem:$0x3F99]  }
0x1a: {  	s8 =	sadd.s32 $0xFFFFE003, lr  }
0x1b: {  	s9 =	sadd.s32 $0xFFFFFEF7, lr;
	s5 =	simm.s32 $0xFFFFFFFF;
	p2 =	slt.u32 s8, $0xFFFFF086  }
0x1c: {  	p1 =	slt.u32 s9, $0xF7A;
	s5 =	simm.s32 @!p2 $0x0  }
0x1d: {  	s5 =	simm.s32 @p1 $0x1;
	p0 =	seq.s32 s7, s2  }
0x1e: {  	s7 =	smul.u32 @!p0 $0xF7A, s2;
	p2 =	seq.s32 @!p0 s5, $0x0  }
0x1f: {  	s9 =	smul.u32 $0xF7A, s1;
	s8 =	simm.s32 @!p0 $0x1BF5;
	p2 =	por !p2, p0  }
0x20: {  	[sflag:s8] =	ssyncset.s32 @!p0 $0xFFFFF086;
	s6 =	sadd.s32 @!p0 s3, s7;
	s7 =	simm.s32 @!p0 $0x108  }
0x21: {  	s3 =	sadd.s32 s3, s9;
	s6 =	sadd.s32 @!p0 $0x88, s6;
	s7 =	simm.s32 @p2 $0x1082  }
0x22: {  	[simem:s7], [sflag:s8] =	dma.local @!p0 [hbm:s6], $0xF7A  }
0x23: {  	s9 =	sor.u32 $0xD0000000, s2;
	s6 =	simm.s32 $0x108;
	_ =	swait.ge @!p0 [sflag:s8], $0x0  }
0x24: {  	s3 =	sadd.s32 $0x88, s3;
	s6 =	simm.s32 @!p1 $0x1082;
	[sflag:s4] =	ssyncset.s32 $0xFFFFF086  }
0x25: {  	[simem:s6], [sflag:s4] =	dma.local [hbm:s3], $0xF7A  }
0x26: {  	[smem:$0x3F99] =	sst s1;
	(tag) =	ssettag s2;
	_ =	strace s9  }
0x27: {  	s1 =	sld [smem:$0x3FA9]  }
0x28: {  	s2 =	sld [smem:$0x3FAA]  }
0x29: {  	s4 =	sld [smem:$0x3FAC]  }
0x2a: {  	p0 =	seq.s32 s5, $0x0;
	s5 =	sld [smem:$0x3FAD]  }
0x2b: {  	s6 =	sld [smem:$0x3FAE]  }
0x2c: {  	s7 =	sld [smem:$0x3FAF]  }
0x2d: {  	s3 =	simm.s32 $0x108;
	s8 =	sld [smem:$0x3FB0]  }
0x2e: {  	s3 =	simm.s32 @!p0 $0x1082;
	s9 =	sld [smem:$0x3FB1]  }
0x2f: {  	lr =	sadd.s32 s0, s3;
	s0 =	sld [smem:$0x3FA8]  }
0x30: {  	s3 =	sld [smem:$0x3FAB]  }
0x31: {  	[smem:$0x3FB4] =	sst s10  }
0x32: {  	s10 =	sld [smem:$0x3FB2];
	_ =	sdelay $0x3  }
0x33: {  	p0 =	seq.s32 s10, $0x1;
	s10 =	sld [smem:$0x3FB4];
	_ =	sdelay $0x3  }
0x34: {  	[smem:$0x3FB4] =	sst s10  }
0x35: {  	s10 =	sld [smem:$0x3FB3];
	_ =	sdelay $0x3  }
0x36: {  	p1 =	seq.s32 s10, $0x1;
	s10 =	sld [smem:$0x3FB4];
	_ =	sdelay $0x3  }
0x37: {  	[smem:$0x3FB4] =	sst s10  }
0x38: {  	s10 =	sld [smem:$0x3FB5]  }
0x39: {  	_ = 	snop;
	(pc) =	sbr.ind lr, $3  }
0x3a: {  	_ = 	snop  }
0x3b: {  	_ = 	snop  }
0x3c: {  	p2 =	seq.s32 s10, $0x1;
	s10 =	sld [smem:$0x3FB4]  }
0x3d: {  	_ =	shalt  }
0x3e: {  	_ =	shalt  }
0x3f: {  	_ =	shalt  }
0x40: {  	_ =	shalt  }
0x41: {  	_ =	shalt  }
0x42: {  	_ =	shalt  }
0x43: {  	_ =	shalt  }
0x44: {  	_ =	shalt  }
0x45: {  	_ =	shalt  }
0x46: {  	_ =	shalt  }
0x47: {  	_ =	shalt  }
0x48: {  	_ =	shalt  }
0x49: {  	_ =	shalt  }
0x4a: {  	_ =	shalt  }
0x4b: {  	_ =	shalt  }
0x4c: {  	_ =	shalt  }
0x4d: {  	_ =	shalt  }
0x4e: {  	_ =	shalt  }
0x4f: {  	_ =	shalt  }
0x50: {  	_ =	shalt  }
0x51: {  	_ =	shalt  }
0x52: {  	_ =	shalt  }
0x53: {  	_ =	shalt  }
0x54: {  	_ =	shalt  }
0x55: {  	_ =	shalt  }
0x56: {  	_ =	shalt  }
0x57: {  	_ =	shalt  }
0x58: {  	_ =	shalt  }
0x59: {  	_ =	shalt  }
0x5a: {  	_ =	shalt  }
0x5b: {  	_ =	shalt  }
0x5c: {  	_ =	shalt  }
0x5d: {  	_ =	shalt  }
0x5e: {  	_ =	shalt  }
0x5f: {  	_ =	shalt  }
0x60: {  	_ =	shalt  }
0x61: {  	_ =	shalt  }
0x62: {  	_ =	shalt  }
0x63: {  	_ =	shalt  }
0x64: {  	_ =	shalt  }
0x65: {  	_ =	shalt  }
0x66: {  	_ =	shalt  }
0x67: {  	_ =	shalt  }
0x68: {  	_ =	shalt  }
0x69: {  	_ =	shalt  }
0x6a: {  	_ =	shalt  }
0x6b: {  	_ =	shalt  }
0x6c: {  	_ =	shalt  }
0x6d: {  	_ =	shalt  }
0x6e: {  	_ =	shalt  }
0x6f: {  	_ =	shalt  }
0x70: {  	_ =	shalt  }
0x71: {  	_ =	shalt  }
0x72: {  	_ =	shalt  }
0x73: {  	_ =	shalt  }
0x74: {  	_ =	shalt  }
0x75: {  	_ =	shalt  }
0x76: {  	_ =	shalt  }
0x77: {  	_ =	shalt  }
0x78: {  	_ =	shalt  }
0x79: {  	_ =	shalt  }
0x7a: {  	_ =	shalt  }
0x7b: {  	_ =	shalt  }
0x7c: {  	_ =	shalt  }
0x7d: {  	_ =	shalt  }
0x7e: {  	_ =	shalt  }
0x7f: {  	_ =	shalt  }
0x80: {  	_ =	shalt  }
0x81: {  	_ =	shalt  }
0x82: {  	_ =	shalt  }
0x83: {  	_ =	shalt  }
0x84: {  	_ =	shalt  }
0x85: {  	_ =	shalt  }
0x86: {  	_ =	shalt  }
0x87: {  	_ =	shalt  }
.Lfunc_end0:
.L_simem_size_0:
called_computation_lowered:
.L_overlay_start_0:
0x88: {  	s2 =	sld [smem:$0x3FD9]  }
0x89: {  	s3 =	sld [smem:$0x3FFE];
	_ =	sdelay $0x1  }
0x8a: {  	s1 =	srdreg.scid  }
0x8b: {  	s0 =	sand.u32 $0x1, s1  }
0x8c: {  	s14 =	sshll.u32 s0, $0xA;
	s2 =	sadd.s32 s3, s2  }
0x8d: {  	s2 =	sadd.s32 s2, s14  }
0x8e: {  	[smem:$0x3FC0] =	sst s2  }
0x8f: {  	_ = 	snop  }
0x90: {  	s2 =	sld [smem:$0x3FD0];
	_ =	sdelay $0x2  }
0x91: {  	s15 =	simm.s32 $0xA;
	s4 =	simm.s32 $0x10  }
0x92: {  	[smem:s4], [sflag:s15] =	dma.local [hbm:s2], $0x1  }
0x93: {  	_ =	swait.eq [sflag:s15], $0x1  }
0x94: {  	[sflag:s15] =	ssyncset.done $0x0  }
0x95: {  	[sflag:s15] =	ssyncadd.s32 $0xFFFFFFFF  }
0x96: {  	s16 =	sld [smem:$0x10];
	(tm) =	ssettm $0x1  }
0x97: {  	s17 =	sld [smem:$0x3FFB];
	_ =	sdelay $0x3  }
0x98: {  	_ =	strace s17  }
0x99: {  	s3 =	sld [smem:$0x3FFC];
	_ =	sdelay $0x3  }
0x9a: {  	_ =	strace s3  }
0x9b: {  	s3 =	sld [smem:$0x3FFD];
	_ =	sdelay $0x3  }
0x9c: {  	_ =	strace s3  }
0x9d: {  	_ =	strace $0x8FFFFFFF  }
0x9e: {  	s18 =	sld [smem:$0x3FDB];
	_ =	sdelay $0x1  }
0x9f: {  	s19 =	simm.s32 $_scs_section_size  }
0xa0: {  	s5 =	simm.s32 $_size__tile_overlayer_lowered;
	s6 =	simm.s32 $_tile_overlayer_lowered  }
0xa1: {  	s22 =	simm.s32 $0x1BFF;
	s21 =	sshll.u32 s6, $0x1;
	s3 =	sadd.s32 s19, s18  }
0xa2: {  	s7 =	simm.s32 $0x0;
	s20 =	sshll.u32 s5, $0x1;
	s5 =	sadd.s32 s21, s3  }
0xa3: {  	[timem:s7], [sflag:s22] =	dma.local [hbm:s5], s20  }
0xa4: {  	_ =	swait.ge [sflag:s22], s20  }
0xa5: {  	s4 =	ssub.s32 $0x0, s20;
	[sflag:s22] =	ssyncset.done $0x0  }
0xa6: {  	[sflag:s22] =	ssyncadd.s32 s4;
	_ =	sdelay $0x1  }
0xa7: {  	s23 =	simm.s32 $0x1B8B  }
0xa8: {  	_ =	swait.ge [sflag:s23], $0x1  }
0xa9: {  	[sflag:s23] =	ssyncset.done $0x0  }
0xaa: {  	s25 =	simm.s32 $0x1B8E;
	s24 =	sld [smem:$0x3FFE];
	[sflag:s23] =	ssyncadd.s32 $0xFFFFFFFF  }
0xab: {  	s26 =	simm.s32 $execute0_lowered;
	[smem:$0x3FD2] =	sst s25  }
0xac: {  	s5 =	sshll.u32 s26, $0x1;
	_ =	strace $0x80000046;
	[dreg:$0x1] =	wrdreg $0xFFFFFFFF  }
0xad: {  	s28 =	simm.s32 $_size_execute0_lowered;
	s3 =	sadd.s32 s3, s5;
	[dreg:$0x0] =	wrdreg $0x0  }
0xae: {  	s5 =	sshll.u32 s28, $0x1;
	[dreg:$0x2] =	wrdreg s3  }
0xaf: {  	[dreg:$0x3] =	wrdreg s5  }
0xb0: {  	[dreg:$0x4] =	wrdreg $0xC0  }
0xb1: {  	_ =	task [dreg:s7], $0x5FFFF  }
0xb2: {  	[dreg:$0x1] =	wrdreg $0xFFFFFFFF  }
0xb3: {  	[dreg:$0x0] =	wrdreg $0x60  }
0xb4: {  	[dreg:$0x2] =	wrdreg s24  }
0xb5: {  	[dreg:$0x3] =	wrdreg s16  }
0xb6: {  	[dreg:$0x4] =	wrdreg $0x54000  }
0xb7: {  	[dreg:$0x5] =	wrdreg $0x9  }
0xb8: {  	_ =	task.clear_ibuf [dreg:s7], $0x6FFFF;
	_ =	strace $0x90000046  }
0xb9: {  	s29 =	simm.s32 $0x9;
	_ =	strace $0x80000048  }
0xba: {  	_ =	swait.ge [sflag:s29], $0x1  }
0xbb: {  	[sflag:s29] =	ssyncadd.s32 $0xFFFFFFFF  }
0xbc: {  	_ =	strace $0x90000048  }
0xbd: {  	_ =	sfence  }
0xbe: {  	s30 =	sld [smem:$0x0];
	_ =	sdelay $0x2  }
0xbf: {  	s31 =	sshll.u32 s1, $0xD;
	s1 =	sshrl.u32 s1, $0x2  }
0xc0: {  	s3 =	sand.u32 $0x4000, s31;
	s1 =	sadd.s32 s1, s30  }
0xc1: {  	s0 =	sor.u32 s3, s0;
	s1 =	sshll.u32 s1, $0x11  }
0xc2: {  	s0 =	sor.u32 s1, s0  }
0xc3: {  	s0 =	sadd.s32 $0x8F2B, s0  }
0xc4: {  	[sflag:s0] =	ssyncadd.remote.s32 $0x1  }
0xc5: {  	_ =	sfence.sel $0xFFFF  }
0xc6: {  	[dreg:$0x0] =	wrdreg $0xFFFFFFFF;
	(pc) =	sbr.abs _section_cstart, $3  }
0xc7: {  	[dreg:$0x1] =	wrdreg $0xFFFFFFFF  }
0xc8: {  	_ =	task.clear_ibuf [dreg:s7], $0x2FFFF;
	_ =	strace $0x9FFFFFFF  }
0xc9: {  	(tm) =	ssettm $0x7FFFFFFF  }
tec
execute0_lowered:
.L_overlay_start_1:
0x0: {  	(tag) =	ssettag $0x1  }
0x1: {  	s0 =	srdreg.scid;
	s1 =	rddreg [dreg:$0x0]  }
0x2: {  	s4 =	rddreg [dreg:$0x1];
	s19 =	stileid.u32  }
0x3: {  	s2 =	rddreg [dreg:$0x2];
	s15 =	simm.s32 $0x2;
	s16 =	simm.s32 $0x80  }
0x4: {  	s20 =	simm.s32 $0x1080;
	s21 =	simm.s32 $0x1100;
	s22 =	simm.s32 $0x1180  }
0x5: {  	s23 =	simm.s32 $0x1200;
	s28 =	simm.s32 $0x1300;
	s8 =	smul.u32 $0x50000, s19  }
0x6: {  	s29 =	simm.s32 $0x1380;
	s30 =	simm.s32 $0x1;
	s11 =	smul.u32 $0x4F000, s19  }
0x7: {  	s31 =	simm.s32 $0x0;
	s0 =	sand.u32 $0x1, s0;
	s14 =	smul.u32 $0x2780, s19  }
0x8: {  	s18 =	sadd.s32 $0x128400, s2;
	p0 =	seq.s32 s19, $0xF;
	s3 =	sshll.u32 s0, $0x4  }
0x9: {  	s6 =	ssub.s32 $0x2, s0;
	s24 =	sshll.u32 s0, $0xB;
	s12 =	smul.u32 $0x27100, s0  }
0xa: {  	s0 =	smul.u32 $0x138800, s0;
	s5 =	sor.u32 s19, s3;
	s3 =	simm.s32 $0x0  }
0xb: {  	s7 =	sshrl.u32 s6, $0x1;
	s4 =	sadd.s32 s4, s24;
	s25 =	sshrl.u32 s8, $0x2  }
0xc: {  	s11 =	sshrl.u32 s11, $0x2;
	s24 =	sshrl.u32 @p0 s18, $0x3;
	s18 =	simm.s32 $0xF80  }
0xd: {  	s19 =	simm.s32 $0x1000;
	s5 =	smul.u32 $0x280, s5;
	[smem:$0x7FF] =	sst s3  }
0xe: {  	s13 =	ssub.s32 s6, s7;
	s6 =	sadd.s32 s25, s2;
	s17 =	sadd.s32 s11, s2  }
0xf: {  	s26 =	sadd.s32 s14, s12;
	s0 =	sshrl.u32 s0, $0x3;
	s14 =	simm.s32 $0x1400  }
0x10: {  	_ =	strace $0x80000047;
	s7 =	sadd.s32 $0x4000, s6;
	s8 =	sadd.s32 $0x8000, s6  }
0x11: {  	s9 =	sadd.s32 $0xC000, s6;
	s10 =	sadd.s32 $0x10000, s6;
	s13 =	smax.u32 s13, $0x1  }
0x12: {  	s25 =	sshrl.u32 @!p0 s17, $0x3;
	s5 =	sadd.s32 s5, s1;
	s1 =	sadd.s32 $0x8400, s1  }
0x13: {  	s17 =	simm.s32 $0xF00;
	s5 =	sadd.s32 $0x3400, s5;
	s0 =	sadd.s32 s1, s0  }
0x14: {  	s11 =	sadd.s32 s1, s26;
	s26 =	simm.s32 $0x1280;
	s12 =	sadd.s32 $0x25080, s0  }
.LBB2_1:
0x15: {  	[tilespmem:s14], [sflag:$0x2] =	stream.linear.gather [hbm4b:s4+s3], $0x4000, $0x38;
	[tilespmem:$0x7C00] =	vst v63  }
0x16: {  	_ =	swait.ge [sflag:s15], $0x4000  }
0x17: {  	[sflag:s15] =	ssyncset.done $0x0  }
0x18: {  	[sflag:s15] =	ssyncadd.s32 $0xFFFFC000  }
0x19: {  	[tilespmem:s3], [sflag:$0x2] =	stream.linear.gather [hbm4b:s5+s3], $0x1400, $0x38;
	[tilespmem:$0x7C00] =	vst v63  }
0x1a: {  	_ =	swait.ge [sflag:s15], $0x1400  }
0x1b: {  	[sflag:s15] =	ssyncset.done $0x0  }
0x1c: {  	[sflag:s15] =	ssyncadd.s32 $0xFFFFEC00  }
0x1d: {  	[spmem:s6] =	stream.linear.scatter [tilespmem:s14], [sflag:$0x2], $0x4000, $0x38;
	[tilespmem:$0x7C00] =	vst v63  }
0x1e: {  	_ =	swait.ge [sflag:s15], $0x4000  }
0x1f: {  	[sflag:s15] =	ssyncset.done $0x0  }
0x20: {  	[sflag:s15] =	ssyncadd.s32 $0xFFFFC000  }
0x21: {  	[spmem:s7] =	stream.linear.scatter [tilespmem:s14], [sflag:$0x2], $0x4000, $0x38;
	[tilespmem:$0x7C00] =	vst v63  }
0x22: {  	_ =	swait.ge [sflag:s15], $0x4000  }
0x23: {  	[sflag:s15] =	ssyncset.done $0x0  }
0x24: {  	[sflag:s15] =	ssyncadd.s32 $0xFFFFC000  }
0x25: {  	[spmem:s8] =	stream.linear.scatter [tilespmem:s14], [sflag:$0x2], $0x4000, $0x38;
	[tilespmem:$0x7C00] =	vst v63  }
0x26: {  	_ =	swait.ge [sflag:s15], $0x4000  }
0x27: {  	[sflag:s15] =	ssyncset.done $0x0  }
0x28: {  	[sflag:s15] =	ssyncadd.s32 $0xFFFFC000  }
0x29: {  	[spmem:s9] =	stream.linear.scatter [tilespmem:s14], [sflag:$0x2], $0x4000, $0x38;
	[tilespmem:$0x7C00] =	vst v63  }
0x2a: {  	_ =	swait.ge [sflag:s15], $0x4000  }
0x2b: {  	[sflag:s15] =	ssyncset.done $0x0  }
0x2c: {  	[sflag:s15] =	ssyncadd.s32 $0xFFFFC000  }
0x2d: {  	[spmem:s10] =	stream.linear.scatter [tilespmem:s14], [sflag:$0x2], $0x4000, $0x38;
	[tilespmem:$0x7C00] =	vst v63  }
0x2e: {  	_ =	swait.ge [sflag:s15], $0x4000  }
0x2f: {  	[sflag:s15] =	ssyncset.done $0x0  }
0x30: {  	[sflag:s15] =	ssyncadd.s32 $0xFFFFC000  }
0x31: {  	[bflag:$0x0] =	sbarrier.arrive $0xFFFF  }
0x32: {  	[spmem:s2] =	stream.indirect.scatter.add.f32 [tilespmem:s14], [sflag:$0x1], $0x10, s3, s16, $0xb8;
	[tilespmem:$0x7C00] =	vst v63  }
0x33: {  	_ = 	snop  }
0x34: {  	[spmem:s2] =	stream.indirect.scatter.add.f32 [tilespmem:s14], [sflag:$0x1], $0x10, s16, s16, $0xb8;
	[tilespmem:$0x7C00] =	vst v63  }
0x35: {  	s0 =	simm.s32 $0x100  }
0x36: {  	[spmem:s2] =	stream.indirect.scatter.add.f32 [tilespmem:s14], [sflag:$0x1], $0x10, s0, s16, $0xb8;
	[tilespmem:$0x7C00] =	vst v63  }
0x37: {  	s1 =	simm.s32 $0x180  }
0x38: {  	[spmem:s2] =	stream.indirect.scatter.add.f32 [tilespmem:s14], [sflag:$0x1], $0x10, s1, s16, $0xb8;
	[tilespmem:$0x7C00] =	vst v63  }
0x39: {  	s1 =	simm.s32 $0x200  }
0x3a: {  	[spmem:s2] =	stream.indirect.scatter.add.f32 [tilespmem:s14], [sflag:$0x1], $0x10, s1, s16, $0xb8;
	[tilespmem:$0x7C00] =	vst v63  }
0x3b: {  	s1 =	simm.s32 $0x280  }
0x3c: {  	[spmem:s2] =	stream.indirect.scatter.add.f32 [tilespmem:s14], [sflag:$0x1], $0x10, s1, s16, $0xb8;
	[tilespmem:$0x7C00] =	vst v63  }
0x3d: {  	s1 =	simm.s32 $0x300  }
0x3e: {  	[spmem:s2] =	stream.indirect.scatter.add.f32 [tilespmem:s14], [sflag:$0x1], $0x10, s1, s16, $0xb8;
	[tilespmem:$0x7C00] =	vst v63  }
0x3f: {  	s1 =	simm.s32 $0x380  }
0x40: {  	[spmem:s2] =	stream.indirect.scatter.add.f32 [tilespmem:s14], [sflag:$0x1], $0x10, s1, s16, $0xb8;
	[tilespmem:$0x7C00] =	vst v63  }
0x41: {  	s1 =	simm.s32 $0x400  }
0x42: {  	[spmem:s2] =	stream.indirect.scatter.add.f32 [tilespmem:s14], [sflag:$0x1], $0x10, s1, s16, $0xb8;
	[tilespmem:$0x7C00] =	vst v63  }
0x43: {  	s1 =	simm.s32 $0x480  }
0x44: {  	[spmem:s2] =	stream.indirect.scatter.add.f32 [tilespmem:s14], [sflag:$0x1], $0x10, s1, s16, $0xb8;
	[tilespmem:$0x7C00] =	vst v63  }
0x45: {  	s1 =	simm.s32 $0x500  }
0x46: {  	[spmem:s2] =	stream.indirect.scatter.add.f32 [tilespmem:s14], [sflag:$0x1], $0x10, s1, s16, $0xb8;
	[tilespmem:$0x7C00] =	vst v63  }
0x47: {  	s1 =	simm.s32 $0x580  }
0x48: {  	[spmem:s2] =	stream.indirect.scatter.add.f32 [tilespmem:s14], [sflag:$0x1], $0x10, s1, s16, $0xb8;
	[tilespmem:$0x7C00] =	vst v63  }
0x49: {  	s1 =	simm.s32 $0x600  }
0x4a: {  	[spmem:s2] =	stream.indirect.scatter.add.f32 [tilespmem:s14], [sflag:$0x1], $0x10, s1, s16, $0xb8;
	[tilespmem:$0x7C00] =	vst v63  }
0x4b: {  	s1 =	simm.s32 $0x680  }
0x4c: {  	[spmem:s2] =	stream.indirect.scatter.add.f32 [tilespmem:s14], [sflag:$0x1], $0x10, s1, s16, $0xb8;
	[tilespmem:$0x7C00] =	vst v63  }
0x4d: {  	s1 =	simm.s32 $0x700  }
0x4e: {  	[spmem:s2] =	stream.indirect.scatter.add.f32 [tilespmem:s14], [sflag:$0x1], $0x10, s1, s16, $0xb8;
	[tilespmem:$0x7C00] =	vst v63  }
0x4f: {  	s1 =	simm.s32 $0x780  }
0x50: {  	[spmem:s2] =	stream.indirect.scatter.add.f32 [tilespmem:s14], [sflag:$0x1], $0x10, s1, s16, $0xb8;
	[tilespmem:$0x7C00] =	vst v63  }
0x51: {  	s1 =	simm.s32 $0x800  }
0x52: {  	[spmem:s2] =	stream.indirect.scatter.add.f32 [tilespmem:s14], [sflag:$0x1], $0x10, s1, s16, $0xb8;
	[tilespmem:$0x7C00] =	vst v63  }
0x53: {  	s1 =	simm.s32 $0x880  }
0x54: {  	[spmem:s2] =	stream.indirect.scatter.add.f32 [tilespmem:s14], [sflag:$0x1], $0x10, s1, s16, $0xb8;
	[tilespmem:$0x7C00] =	vst v63  }
0x55: {  	s1 =	simm.s32 $0x900  }
0x56: {  	[spmem:s2] =	stream.indirect.scatter.add.f32 [tilespmem:s14], [sflag:$0x1], $0x10, s1, s16, $0xb8;
	[tilespmem:$0x7C00] =	vst v63  }
0x57: {  	s1 =	simm.s32 $0x980  }
0x58: {  	[spmem:s2] =	stream.indirect.scatter.add.f32 [tilespmem:s14], [sflag:$0x1], $0x10, s1, s16, $0xb8;
	[tilespmem:$0x7C00] =	vst v63  }
0x59: {  	s1 =	simm.s32 $0xA00  }
0x5a: {  	[spmem:s2] =	stream.indirect.scatter.add.f32 [tilespmem:s14], [sflag:$0x1], $0x10, s1, s16, $0xb8;
	[tilespmem:$0x7C00] =	vst v63  }
0x5b: {  	s1 =	simm.s32 $0xA80  }
0x5c: {  	[spmem:s2] =	stream.indirect.scatter.add.f32 [tilespmem:s14], [sflag:$0x1], $0x10, s1, s16, $0xb8;
	[tilespmem:$0x7C00] =	vst v63  }
0x5d: {  	s1 =	simm.s32 $0xB00  }
0x5e: {  	[spmem:s2] =	stream.indirect.scatter.add.f32 [tilespmem:s14], [sflag:$0x1], $0x10, s1, s16, $0xb8;
	[tilespmem:$0x7C00] =	vst v63  }
0x5f: {  	s1 =	simm.s32 $0xB80  }
0x60: {  	[spmem:s2] =	stream.indirect.scatter.add.f32 [tilespmem:s14], [sflag:$0x1], $0x10, s1, s16, $0xb8;
	[tilespmem:$0x7C00] =	vst v63  }
0x61: {  	s1 =	simm.s32 $0xC00  }
0x62: {  	[spmem:s2] =	stream.indirect.scatter.add.f32 [tilespmem:s14], [sflag:$0x1], $0x10, s1, s16, $0xb8;
	[tilespmem:$0x7C00] =	vst v63  }
0x63: {  	s1 =	simm.s32 $0xC80  }
0x64: {  	[spmem:s2] =	stream.indirect.scatter.add.f32 [tilespmem:s14], [sflag:$0x1], $0x10, s1, s16, $0xb8;
	[tilespmem:$0x7C00] =	vst v63  }
0x65: {  	s1 =	simm.s32 $0xD00  }
0x66: {  	[spmem:s2] =	stream.indirect.scatter.add.f32 [tilespmem:s14], [sflag:$0x1], $0x10, s1, s16, $0xb8;
	[tilespmem:$0x7C00] =	vst v63  }
0x67: {  	s1 =	simm.s32 $0xD80  }
0x68: {  	[spmem:s2] =	stream.indirect.scatter.add.f32 [tilespmem:s14], [sflag:$0x1], $0x10, s1, s16, $0xb8;
	[tilespmem:$0x7C00] =	vst v63  }
0x69: {  	s1 =	simm.s32 $0xE00  }
0x6a: {  	[spmem:s2] =	stream.indirect.scatter.add.f32 [tilespmem:s14], [sflag:$0x1], $0x10, s1, s16, $0xb8;
	[tilespmem:$0x7C00] =	vst v63  }
0x6b: {  	s1 =	simm.s32 $0xE80  }
0x6c: {  	[spmem:s2] =	stream.indirect.scatter.add.f32 [tilespmem:s14], [sflag:$0x1], $0x10, s1, s16, $0xb8;
	[tilespmem:$0x7C00] =	vst v63  }
0x6d: {  	_ = 	snop  }
0x6e: {  	[spmem:s2] =	stream.indirect.scatter.add.f32 [tilespmem:s14], [sflag:$0x1], $0x10, s17, s16, $0xb8;
	[tilespmem:$0x7C00] =	vst v63  }
0x6f: {  	_ = 	snop  }
0x70: {  	[spmem:s2] =	stream.indirect.scatter.add.f32 [tilespmem:s14], [sflag:$0x1], $0x10, s18, s16, $0xb8;
	[tilespmem:$0x7C00] =	vst v63  }
0x71: {  	_ = 	snop  }
0x72: {  	[spmem:s2] =	stream.indirect.scatter.add.f32 [tilespmem:s14], [sflag:$0x1], $0x10, s19, s16, $0xb8;
	[tilespmem:$0x7C00] =	vst v63  }
0x73: {  	_ = 	snop  }
0x74: {  	[spmem:s2] =	stream.indirect.scatter.add.f32 [tilespmem:s14], [sflag:$0x1], $0x10, s20, s16, $0xb8;
	[tilespmem:$0x7C00] =	vst v63  }
0x75: {  	_ = 	snop  }
0x76: {  	[spmem:s2] =	stream.indirect.scatter.add.f32 [tilespmem:s14], [sflag:$0x1], $0x10, s21, s16, $0xb8;
	[tilespmem:$0x7C00] =	vst v63  }
0x77: {  	_ = 	snop  }
0x78: {  	[spmem:s2] =	stream.indirect.scatter.add.f32 [tilespmem:s14], [sflag:$0x1], $0x10, s22, s16, $0xb8;
	[tilespmem:$0x7C00] =	vst v63  }
0x79: {  	_ = 	snop  }
0x7a: {  	[spmem:s2] =	stream.indirect.scatter.add.f32 [tilespmem:s14], [sflag:$0x1], $0x10, s23, s16, $0xb8;
	[tilespmem:$0x7C00] =	vst v63  }
0x7b: {  	_ = 	snop  }
0x7c: {  	[spmem:s2] =	stream.indirect.scatter.add.f32 [tilespmem:s14], [sflag:$0x1], $0x10, s26, s16, $0xb8;
	[tilespmem:$0x7C00] =	vst v63  }
0x7d: {  	_ = 	snop  }
0x7e: {  	[spmem:s2] =	stream.indirect.scatter.add.f32 [tilespmem:s14], [sflag:$0x1], $0x10, s28, s16, $0xb8;
	[tilespmem:$0x7C00] =	vst v63  }
0x7f: {  	_ = 	snop  }
0x80: {  	[spmem:s2] =	stream.indirect.scatter.add.f32 [tilespmem:s14], [sflag:$0x1], $0x10, s29, s16, $0xb8;
	[tilespmem:$0x7C00] =	vst v63  }
0x81: {  	_ =	swait.ge [sflag:s30], $0x800  }
0x82: {  	s1 =	simm.s32 $0x27;
	[sflag:s30] =	ssyncset.done $0x0  }
.LBB2_2:
0x83: {  	p1 =	sne.s32 s1, $0x1;
	s1 =	sadd.s32 $0xFFFFFFFF, s1;
	[sflag:s30] =	ssyncadd.s32 $0xFFFFF800  }
.Ltmp0:
0x84: {  	(pc) =	sbr.rel @p1 .LBB2_2-.Ltmp0, $3  }
0x85: {  	_ =	sdelay $0x1  }
0x86: {  	_ =	swait.ge [sflag:s30], $0x800  }
0x87: {  	[sflag:s30] =	ssyncset.done $0x0  }
0x88: {  	[sflag:s30] =	ssyncadd.s32 $0xFFFFF800  }
0x89: {  	s1 =	simm.s32 @p0 $0x1FC2;
	[bflag:$0x0] =	sbarrier.arrive $0xFFFF  }
0x8a: {  	[hbm:s12], [sflag:s1] =	dma.local @p0 [spmem:s24], $0x2080  }
0x8b: {  	s1 =	simm.s32 @p0 $0x2  }
0x8c: {  	s0 =	stileid.u32;
	_ =	swait.ge @p0 [sflag:s1], $0x2080  }
0x8d: {  	s31 =	sadd.s32 $0x1, s31;
	s0 =	sshll.u32 @!p0 s0, $0x6;
	[sflag:s1] =	ssyncset.done @p0 $0x0  }
0x8e: {  	p1 =	sne.s32 s31, s13;
	s0 =	sor.u32 @!p0 $0x1C02, s0;
	[sflag:s1] =	ssyncadd.s32 @p0 $0xFFFFDF80  }
0x8f: {  	[hbm:s11], [sflag:s0] =	dma.local @!p0 [spmem:s25], $0x2780  }
.Ltmp1:
0x90: {  	_ = 	snop;
	(pc) =	sbr.rel @p1 .LBB2_1-.Ltmp1, $4  }
0x91: {  	s0 =	simm.s32 @!p0 $0x2  }
0x92: {  	_ =	swait.ge @!p0 [sflag:s0], $0x2780  }
0x93: {  	[sflag:s0] =	ssyncset.done @!p0 $0x0  }
0x94: {  	[sflag:s0] =	ssyncadd.s32 @!p0 $0xFFFFD880  }
0x95: {  	_ =	sfence.sel $0x180000  }
0x96: {  	[bflag:$0x0] =	sbarrier.arrive $0xFFFF  }
0x97: {  	_ =	strace $0x90000047  }
0x98: {  	s0 =	stileid.u32;
	[bflag:$0x2] =	sbarrier.arrive $0xFFFF  }
0x99: {  	p0 =	sne.s32 s0, $0x0;
	s0 =	rddreg [dreg:$0x3]  }
0x9a: {  	s0 =	sadd.s32 @!p0 $0x100000, s0  }
0x9b: {  	[sflag:s0] =	ssyncadd.tile.s32 @!p0 $0x1;
	_ =	shalt  }
.Lfunc_end2:
_tile_overlayer_lowered:
.L_overlay_start_2:
0x9c: {  	(tag) =	ssettag $0x2  }
0x9d: {  	s0 =	rddreg [dreg:$0x0];
	s2 =	stileid.u32  }
0x9e: {  	s1 =	rddreg [dreg:$0x1];
	p0 =	sne.s32 s2, $0x0  }
0x9f: {  	s3 =	rddreg [dreg:$0x2];
	[bflag:$0x3] =	sbarrier.arrive $0xFFFF;
	s2 =	simm.s32 @!p0 $0x1C02  }
0xa0: {  	[timem:s3], [sflag:s2] =	dma.local @!p0 [hbm:s0], s1  }
0xa1: {  	s0 =	simm.s32 @!p0 $0x2  }
0xa2: {  	_ =	swait.ge @!p0 [sflag:s0], s1  }
0xa3: {  	s1 =	ssub.s32 @!p0 $0x0, s1;
	[sflag:s0] =	ssyncset.done @!p0 $0x0  }
0xa4: {  	[sflag:s0] =	ssyncadd.s32 @!p0 s1  }
0xa5: {  	[bflag:$0x3] =	sbarrier.arrive $0xFFFF  }
0xa6: {  	_ =	shalt  }

// kernel: kernel.13.cloned.1.call-start
scs
__scs_entry_jumppad:
0x0: {  	(pc) =	sbr.rel $0x88, $3  }
0x1: {  	(tag) =	ssettag $0x0;
	lr =	simm.s32 $0x1  }
0x2: {  	[smem:$0x3F99] =	sst lr;
	_ =	strace $0xD0000000  }
0x3: {  	_ = 	snop  }
0x4: {  	_ = 	snop  }
0x5: {  	_ = 	snop  }
0x6: {  	_ = 	snop  }
0x7: {  	_ = 	snop  }
__scs_overlays_trampoline_lowered:
0x8: {  	[smem:$0x3FA8] =	sst s0  }
0x9: {  	[smem:$0x3FA9] =	sst s1  }
0xa: {  	[smem:$0x3FAA] =	sst s2  }
0xb: {  	[smem:$0x3FAB] =	sst s3  }
0xc: {  	[smem:$0x3FAC] =	sst s4  }
0xd: {  	[smem:$0x3FAD] =	sst s5  }
0xe: {  	[smem:$0x3FAE] =	sst s6  }
0xf: {  	[smem:$0x3FAF] =	sst s7  }
0x10: {  	[smem:$0x3FB0] =	sst s8  }
0x11: {  	[smem:$0x3FB1] =	sst s9;
	s0 =	simm.s32 @!p0 $0x0  }
0x12: {  	s1 =	sld [smem:$0x3F97];
	s0 =	simm.s32 @p0 $0x1  }
0x13: {  	[smem:$0x3FB2] =	sst s0;
	s0 =	simm.s32 @!p1 $0x0  }
0x14: {  	s2 =	sld [smem:$0x3F96];
	s0 =	simm.s32 @p1 $0x1  }
0x15: {  	[smem:$0x3FB3] =	sst s0;
	s0 =	simm.s32 @!p2 $0x0  }
0x16: {  	s3 =	sld [smem:$0x3FDB];
	s0 =	simm.s32 @p2 $0x1  }
0x17: {  	s4 =	simm.s32 $0x1BF5;
	[smem:$0x3FB5] =	sst s0  }
0x18: {  	s0 =	sld [smem:$0x3F98];
	_ =	swait.ge [sflag:s4], $0x0  }
0x19: {  	s7 =	sld [smem:$0x3F99]  }
0x1a: {  	s8 =	sadd.s32 $0xFFFFE003, lr  }
0x1b: {  	s9 =	sadd.s32 $0xFFFFFEF7, lr;
	s5 =	simm.s32 $0xFFFFFFFF;
	p2 =	slt.u32 s8, $0xFFFFF086  }
0x1c: {  	p1 =	slt.u32 s9, $0xF7A;
	s5 =	simm.s32 @!p2 $0x0  }
0x1d: {  	s5 =	simm.s32 @p1 $0x1;
	p0 =	seq.s32 s7, s2  }
0x1e: {  	s7 =	smul.u32 @!p0 $0xF7A, s2;
	p2 =	seq.s32 @!p0 s5, $0x0  }
0x1f: {  	s9 =	smul.u32 $0xF7A, s1;
	s8 =	simm.s32 @!p0 $0x1BF5;
	p2 =	por !p2, p0  }
0x20: {  	[sflag:s8] =	ssyncset.s32 @!p0 $0xFFFFF086;
	s6 =	sadd.s32 @!p0 s3, s7;
	s7 =	simm.s32 @!p0 $0x108  }
0x21: {  	s3 =	sadd.s32 s3, s9;
	s6 =	sadd.s32 @!p0 $0x88, s6;
	s7 =	simm.s32 @p2 $0x1082  }
0x22: {  	[simem:s7], [sflag:s8] =	dma.local @!p0 [hbm:s6], $0xF7A  }
0x23: {  	s9 =	sor.u32 $0xD0000000, s2;
	s6 =	simm.s32 $0x108;
	_ =	swait.ge @!p0 [sflag:s8], $0x0  }
0x24: {  	s3 =	sadd.s32 $0x88, s3;
	s6 =	simm.s32 @!p1 $0x1082;
	[sflag:s4] =	ssyncset.s32 $0xFFFFF086  }
0x25: {  	[simem:s6], [sflag:s4] =	dma.local [hbm:s3], $0xF7A  }
0x26: {  	[smem:$0x3F99] =	sst s1;
	(tag) =	ssettag s2;
	_ =	strace s9  }
0x27: {  	s1 =	sld [smem:$0x3FA9]  }
0x28: {  	s2 =	sld [smem:$0x3FAA]  }
0x29: {  	s4 =	sld [smem:$0x3FAC]  }
0x2a: {  	p0 =	seq.s32 s5, $0x0;
	s5 =	sld [smem:$0x3FAD]  }
0x2b: {  	s6 =	sld [smem:$0x3FAE]  }
0x2c: {  	s7 =	sld [smem:$0x3FAF]  }
0x2d: {  	s3 =	simm.s32 $0x108;
	s8 =	sld [smem:$0x3FB0]  }
0x2e: {  	s3 =	simm.s32 @!p0 $0x1082;
	s9 =	sld [smem:$0x3FB1]  }
0x2f: {  	lr =	sadd.s32 s0, s3;
	s0 =	sld [smem:$0x3FA8]  }
0x30: {  	s3 =	sld [smem:$0x3FAB]  }
0x31: {  	[smem:$0x3FB4] =	sst s10  }
0x32: {  	s10 =	sld [smem:$0x3FB2];
	_ =	sdelay $0x3  }
0x33: {  	p0 =	seq.s32 s10, $0x1;
	s10 =	sld [smem:$0x3FB4];
	_ =	sdelay $0x3  }
0x34: {  	[smem:$0x3FB4] =	sst s10  }
0x35: {  	s10 =	sld [smem:$0x3FB3];
	_ =	sdelay $0x3  }
0x36: {  	p1 =	seq.s32 s10, $0x1;
	s10 =	sld [smem:$0x3FB4];
	_ =	sdelay $0x3  }
0x37: {  	[smem:$0x3FB4] =	sst s10  }
0x38: {  	s10 =	sld [smem:$0x3FB5]  }
0x39: {  	_ = 	snop;
	(pc) =	sbr.ind lr, $3  }
0x3a: {  	_ = 	snop  }
0x3b: {  	_ = 	snop  }
0x3c: {  	p2 =	seq.s32 s10, $0x1;
	s10 =	sld [smem:$0x3FB4]  }
0x3d: {  	_ =	shalt  }
0x3e: {  	_ =	shalt  }
0x3f: {  	_ =	shalt  }
0x40: {  	_ =	shalt  }
0x41: {  	_ =	shalt  }
0x42: {  	_ =	shalt  }
0x43: {  	_ =	shalt  }
0x44: {  	_ =	shalt  }
0x45: {  	_ =	shalt  }
0x46: {  	_ =	shalt  }
0x47: {  	_ =	shalt  }
0x48: {  	_ =	shalt  }
0x49: {  	_ =	shalt  }
0x4a: {  	_ =	shalt  }
0x4b: {  	_ =	shalt  }
0x4c: {  	_ =	shalt  }
0x4d: {  	_ =	shalt  }
0x4e: {  	_ =	shalt  }
0x4f: {  	_ =	shalt  }
0x50: {  	_ =	shalt  }
0x51: {  	_ =	shalt  }
0x52: {  	_ =	shalt  }
0x53: {  	_ =	shalt  }
0x54: {  	_ =	shalt  }
0x55: {  	_ =	shalt  }
0x56: {  	_ =	shalt  }
0x57: {  	_ =	shalt  }
0x58: {  	_ =	shalt  }
0x59: {  	_ =	shalt  }
0x5a: {  	_ =	shalt  }
0x5b: {  	_ =	shalt  }
0x5c: {  	_ =	shalt  }
0x5d: {  	_ =	shalt  }
0x5e: {  	_ =	shalt  }
0x5f: {  	_ =	shalt  }
0x60: {  	_ =	shalt  }
0x61: {  	_ =	shalt  }
0x62: {  	_ =	shalt  }
0x63: {  	_ =	shalt  }
0x64: {  	_ =	shalt  }
0x65: {  	_ =	shalt  }
0x66: {  	_ =	shalt  }
0x67: {  	_ =	shalt  }
0x68: {  	_ =	shalt  }
0x69: {  	_ =	shalt  }
0x6a: {  	_ =	shalt  }
0x6b: {  	_ =	shalt  }
0x6c: {  	_ =	shalt  }
0x6d: {  	_ =	shalt  }
0x6e: {  	_ =	shalt  }
0x6f: {  	_ =	shalt  }
0x70: {  	_ =	shalt  }
0x71: {  	_ =	shalt  }
0x72: {  	_ =	shalt  }
0x73: {  	_ =	shalt  }
0x74: {  	_ =	shalt  }
0x75: {  	_ =	shalt  }
0x76: {  	_ =	shalt  }
0x77: {  	_ =	shalt  }
0x78: {  	_ =	shalt  }
0x79: {  	_ =	shalt  }
0x7a: {  	_ =	shalt  }
0x7b: {  	_ =	shalt  }
0x7c: {  	_ =	shalt  }
0x7d: {  	_ =	shalt  }
0x7e: {  	_ =	shalt  }
0x7f: {  	_ =	shalt  }
0x80: {  	_ =	shalt  }
0x81: {  	_ =	shalt  }
0x82: {  	_ =	shalt  }
0x83: {  	_ =	shalt  }
0x84: {  	_ =	shalt  }
0x85: {  	_ =	shalt  }
0x86: {  	_ =	shalt  }
0x87: {  	_ =	shalt  }
.Lfunc_end0:
.L_simem_size_0:
called_computation.1_lowered:
.L_overlay_start_0:
0x88: {  	s2 =	sld [smem:$0x3FD9]  }
0x89: {  	s3 =	sld [smem:$0x3FFE];
	_ =	sdelay $0x1  }
0x8a: {  	s1 =	srdreg.scid  }
0x8b: {  	s0 =	sand.u32 $0x1, s1  }
0x8c: {  	s14 =	sshll.u32 s0, $0xA;
	s2 =	sadd.s32 s3, s2  }
0x8d: {  	s2 =	sadd.s32 s2, s14  }
0x8e: {  	[smem:$0x3FC0] =	sst s2  }
0x8f: {  	_ = 	snop  }
0x90: {  	s2 =	sld [smem:$0x3FD0];
	_ =	sdelay $0x2  }
0x91: {  	s15 =	simm.s32 $0xA;
	s4 =	simm.s32 $0x10  }
0x92: {  	[smem:s4], [sflag:s15] =	dma.local [hbm:s2], $0x1  }
0x93: {  	_ =	swait.eq [sflag:s15], $0x1  }
0x94: {  	[sflag:s15] =	ssyncset.done $0x0  }
0x95: {  	s16 =	sld [smem:$0x10];
	[sflag:s15] =	ssyncadd.s32 $0xFFFFFFFF  }
0x96: {  	s17 =	sld [smem:$0x11];
	(tm) =	ssettm $0x1  }
0x97: {  	s18 =	sld [smem:$0x3FFB];
	_ =	sdelay $0x3  }
0x98: {  	_ =	strace s18  }
0x99: {  	s4 =	sld [smem:$0x3FFC];
	_ =	sdelay $0x3  }
0x9a: {  	_ =	strace s4  }
0x9b: {  	s4 =	sld [smem:$0x3FFD];
	_ =	sdelay $0x3  }
0x9c: {  	_ =	strace s4  }
0x9d: {  	_ =	strace $0x8FFFFFFF  }
0x9e: {  	s19 =	sld [smem:$0x3FDB];
	_ =	sdelay $0x1  }
0x9f: {  	s5 =	simm.s32 $_scs_section_size  }
0xa0: {  	s6 =	simm.s32 $_size__tile_overlayer_lowered;
	s7 =	simm.s32 $_tile_overlayer_lowered  }
0xa1: {  	s22 =	simm.s32 $0x1BFF;
	s21 =	sshll.u32 s7, $0x1;
	s4 =	sadd.s32 s5, s19  }
0xa2: {  	s8 =	simm.s32 $0x0;
	s20 =	sshll.u32 s6, $0x1;
	s6 =	sadd.s32 s21, s4  }
0xa3: {  	[timem:s8], [sflag:s22] =	dma.local [hbm:s6], s20  }
0xa4: {  	_ =	swait.ge [sflag:s22], s20  }
0xa5: {  	s5 =	ssub.s32 $0x0, s20;
	[sflag:s22] =	ssyncset.done $0x0  }
0xa6: {  	[sflag:s22] =	ssyncadd.s32 s5;
	_ =	sdelay $0x1  }
0xa7: {  	s23 =	simm.s32 $0x1B8B  }
0xa8: {  	_ =	swait.ge [sflag:s23], $0x1  }
0xa9: {  	[sflag:s23] =	ssyncset.done $0x0  }
0xaa: {  	s25 =	simm.s32 $0x1B8E;
	s24 =	sld [smem:$0x3FFE];
	[sflag:s23] =	ssyncadd.s32 $0xFFFFFFFF  }
0xab: {  	s26 =	simm.s32 $execute0_lowered;
	[smem:$0x3FD2] =	sst s25  }
0xac: {  	s6 =	sshll.u32 s26, $0x1;
	_ =	strace $0x80000049;
	[dreg:$0x1] =	wrdreg $0xFFFFFFFF  }
0xad: {  	s28 =	simm.s32 $_size_execute0_lowered;
	s4 =	sadd.s32 s4, s6;
	[dreg:$0x0] =	wrdreg $0x0  }
0xae: {  	s6 =	sshll.u32 s28, $0x1;
	[dreg:$0x2] =	wrdreg s4  }
0xaf: {  	[dreg:$0x3] =	wrdreg s6  }
0xb0: {  	[dreg:$0x4] =	wrdreg $0xC0  }
0xb1: {  	_ =	task [dreg:s8], $0x5FFFF  }
0xb2: {  	[dreg:$0x1] =	wrdreg $0xFFFFFFFF  }
0xb3: {  	[dreg:$0x0] =	wrdreg $0x60  }
0xb4: {  	[dreg:$0x2] =	wrdreg s16  }
0xb5: {  	[dreg:$0x3] =	wrdreg s17  }
0xb6: {  	[dreg:$0x4] =	wrdreg s24  }
0xb7: {  	[dreg:$0x5] =	wrdreg $0xA8000  }
0xb8: {  	[dreg:$0x6] =	wrdreg $0x9  }
0xb9: {  	_ =	task.clear_ibuf [dreg:s8], $0x7FFFF;
	_ =	strace $0x90000049  }
0xba: {  	s29 =	simm.s32 $0x9;
	_ =	strace $0x8000004B  }
0xbb: {  	_ =	swait.ge [sflag:s29], $0x1  }
0xbc: {  	[sflag:s29] =	ssyncadd.s32 $0xFFFFFFFF  }
0xbd: {  	_ =	strace $0x9000004B  }
0xbe: {  	_ =	sfence  }
0xbf: {  	s30 =	sld [smem:$0x0];
	_ =	sdelay $0x2  }
0xc0: {  	s31 =	sshll.u32 s1, $0xD;
	s1 =	sshrl.u32 s1, $0x2  }
0xc1: {  	s3 =	sand.u32 $0x4000, s31;
	s1 =	sadd.s32 s1, s30  }
0xc2: {  	s0 =	sor.u32 s3, s0;
	s1 =	sshll.u32 s1, $0x11  }
0xc3: {  	s0 =	sor.u32 s1, s0  }
0xc4: {  	s0 =	sadd.s32 $0x8F2B, s0  }
0xc5: {  	[sflag:s0] =	ssyncadd.remote.s32 $0x1  }
0xc6: {  	_ =	sfence.sel $0xFFFF  }
0xc7: {  	[dreg:$0x0] =	wrdreg $0xFFFFFFFF;
	(pc) =	sbr.abs _section_cstart, $3  }
0xc8: {  	[dreg:$0x1] =	wrdreg $0xFFFFFFFF  }
0xc9: {  	_ =	task.clear_ibuf [dreg:s8], $0x2FFFF;
	_ =	strace $0x9FFFFFFF  }
0xca: {  	(tm) =	ssettm $0x7FFFFFFF  }
0xcb: {  	_ =	shalt  }
tec
execute0_lowered:
.L_overlay_start_1:
0x0: {  	(tag) =	ssettag $0x1  }
0x1: {  	s1 =	rddreg [dreg:$0x0]  }
0x2: {  	s0 =	rddreg [dreg:$0x1]  }
0x3: {  	s3 =	rddreg [dreg:$0x2]  }
0x4: {  	s2 =	rddreg [dreg:$0x3];
	s4 =	simm.s32 $0x0  }
0x5: {  	s5 =	srdreg.scid;
	s14 =	stileid.u32;
	s28 =	simm.s32 $0x6800  }
0x6: {  	s29 =	simm.s32 $0x1;
	s30 =	simm.s32 $0x100;
	s31 =	simm.s32 $0x2  }
0x7: {  	[smem:$0x7FF] =	sst s4;
	s6 =	sadd.s32 $0x3400, s3;
	s16 =	smul.u32 $0x4F000, s14  }
0x8: {  	s8 =	sand.u32 $0x1, s5;
	s12 =	smul.u32 $0x500, s14;
	s18 =	sadd.s32 $0x12C400, s2  }
0x9: {  	s3 =	sadd.s32 $0x5B600, s3;
	s20 =	sadd.s32 $0x130400, s2;
	s21 =	smul.u32 $0x2800, s14  }
0xa: {  	s22 =	sadd.s32 $0x134400, s2;
	_ =	strace $0x8000004A;
	[dreg:$0x7] =	wrdreg s18  }
0xb: {  	s23 =	sadd.s32 $0x138400, s2;
	p0 =	seq.s32 s14, $0xF;
	[dreg:$0x9] =	wrdreg s20  }
0xc: {  	s7 =	ssub.s32 $0x2, s8;
	[dreg:$0xb] =	wrdreg s22;
	s18 =	smul.u32 $0x27100, s8  }
0xd: {  	s9 =	sshll.u32 s8, $0x4;
	[dreg:$0xc] =	wrdreg s23;
	s8 =	smul.u32 $0x138800, s8  }
0xe: {  	s22 =	simm.s32 $0x5;
	s23 =	simm.s32 $0x1400;
	s10 =	sshrl.u32 s7, $0x1  }
0xf: {  	s9 =	sor.u32 s14, s9;
	s5 =	sshrl.u32 s16, $0x2;
	s16 =	sadd.s32 s6, s12  }
0x10: {  	s24 =	sshrl.u32 s21, $0x3;
	s10 =	ssub.s32 s7, s10;
	s11 =	smul.u32 $0x500, s9  }
0x11: {  	s5 =	sadd.s32 s5, s2;
	s7 =	sadd.s32 $0x128400, s2;
	s9 =	smul.u32 $0x2800, s9  }
0x12: {  	s8 =	sshrl.u32 s8, $0x3;
	s17 =	sadd.s32 $0x4000, s5;
	s13 =	sadd.s32 $0x8000, s5  }
0x13: {  	s19 =	sadd.s32 $0xC000, s5;
	s15 =	sadd.s32 $0x10000, s5;
	[dreg:$0x5] =	wrdreg s17  }
0x14: {  	s26 =	sadd.s32 s3, s8;
	s21 =	smax.u32 s10, $0x1;
	[dreg:$0x6] =	wrdreg s13  }
0x15: {  	s8 =	simm.s32 $0x2700;
	s10 =	simm.s32 $0x0;
	[dreg:$0x8] =	wrdreg s19  }
0x16: {  	[dreg:$0xa] =	wrdreg s15;
	s9 =	sshrl.u32 s9, $0x3;
	s19 =	smul.u32 $0x2780, s14  }
0x17: {  	s15 =	sadd.s32 s0, s11;
	s20 =	sadd.s32 $0x25080, s26;
	s0 =	sadd.s32 s0, s9  }
0x18: {  	s26 =	simm.s32 $0x3;
	s9 =	simm.s32 $0x2780;
	s17 =	sadd.s32 $0x280, s0  }
0x19: {  	s0 =	sadd.s32 s6, s24;
	s25 =	sadd.s32 s19, s18;
	s24 =	simm.s32 $0x80  }
0x1a: {  	s6 =	simm.s32 $0x1380;
	s18 =	sadd.s32 $0x280, s0;
	s19 =	sadd.s32 s3, s25  }
0x1b: {  	v0 =	vimm.f32 $0.0e+00;
	s25 =	simm.s32 $0x2800;
	s0 =	simm.s32 $0x1480;
	s3 =	simm.s32 $0x4  }
.LBB2_1:
0x1c: {  	s11 =	sand.u32 $0xFE00, s4  }
0x1d: {  	s12 =	sand.u32 $0x70, s4;
	s13 =	sshrl.u32 s11, $0x2  }
0x1e: {  	s11 =	simm.s32 $0x40;
	s13 =	sor.u32 s12, s13;
	s12 =	simm.s32 $0x0  }
.LBB2_2:
0x1f: {  	p1 =	sne.s32 s11, $0xFFC0  }
0x20: {  	[tilespmem:s13+$0x6800] =	vst v0;
	s12 =	sadd.s32 $0x10, s12;
	s13 =	smov.u32 s11;
	s11 =	sadd.s32 $0x40, s11  }
.Ltmp0:
0x21: {  	(pc) =	sbr.rel @p1 .LBB2_2-.Ltmp0, $4  }
0x22: {  	_ = 	snop  }
0x23: {  	s13 =	sand.u32 $0xFE00, s13  }
0x24: {  	s14 =	sand.u32 $0x70, s12;
	s13 =	sshrl.u32 s13, $0x2  }
0x25: {  	s13 =	sor.u32 s14, s13  }
0x26: {  	[tilespmem:s13+$0x6800] =	vst v0;
	s11 =	simm.s32 @p0 $0x6800  }
0x27: {  	[spmem:s7] =	stream.linear.scatter @p0 [tilespmem:s11], [sflag:$0x3], $0x4000, $0x38;
	[tilespmem:$0x1E800] =	vst v63  }
0x28: {  	s12 =	rddreg [dreg:$0x7]  }
0x29: {  	[spmem:s12] =	stream.linear.scatter @p0 [tilespmem:s11], [sflag:$0x3], $0x4000, $0x38;
	[tilespmem:$0x1E800] =	vst v63  }
0x2a: {  	s12 =	rddreg [dreg:$0x9]  }
0x2b: {  	[spmem:s12] =	stream.linear.scatter @p0 [tilespmem:s11], [sflag:$0x3], $0x4000, $0x38;
	[tilespmem:$0x1E800] =	vst v63  }
0x2c: {  	s12 =	rddreg [dreg:$0xb]  }
0x2d: {  	[spmem:s12] =	stream.linear.scatter @p0 [tilespmem:s11], [sflag:$0x3], $0x4000, $0x38;
	[tilespmem:$0x1E800] =	vst v63  }
0x2e: {  	s12 =	rddreg [dreg:$0xc]  }
0x2f: {  	[spmem:s12] =	stream.linear.scatter @p0 [tilespmem:s11], [sflag:$0x3], $0x400, $0x38;
	[tilespmem:$0x1E800] =	vst v63  }
0x30: {  	s11 =	simm.s32 @!p0 $0x6800  }
0x31: {  	[spmem:s5] =	stream.linear.scatter @!p0 [tilespmem:s11], [sflag:$0x3], $0x4000, $0x38;
	[tilespmem:$0x1E800] =	vst v63  }
0x32: {  	s12 =	rddreg [dreg:$0x5]  }
0x33: {  	[spmem:s12] =	stream.linear.scatter @!p0 [tilespmem:s11], [sflag:$0x3], $0x4000, $0x38;
	[tilespmem:$0x1E800] =	vst v63  }
0x34: {  	s12 =	rddreg [dreg:$0x6]  }
0x35: {  	[spmem:s12] =	stream.linear.scatter @!p0 [tilespmem:s11], [sflag:$0x3], $0x4000, $0x38;
	[tilespmem:$0x1E800] =	vst v63  }
0x36: {  	s12 =	rddreg [dreg:$0x8]  }
0x37: {  	[spmem:s12] =	stream.linear.scatter @!p0 [tilespmem:s11], [sflag:$0x3], $0x4000, $0x38;
	[tilespmem:$0x1E800] =	vst v63  }
0x38: {  	s12 =	rddreg [dreg:$0xa]  }
0x39: {  	[spmem:s12] =	stream.linear.scatter @!p0 [tilespmem:s11], [sflag:$0x3], $0x3C00, $0x38;
	[tilespmem:$0x1E800] =	vst v63  }
0x3a: {  	_ = 	snop  }
0x3b: {  	[tilespmem:s4], [sflag:$0x5] =	stream.linear.gather [hbm4b:s15+s4], $0x1400, $0x38;
	[tilespmem:$0x1E800] =	vst v63  }
0x3c: {  	_ =	swait.ge [sflag:s22], $0x1400  }
0x3d: {  	[sflag:s22] =	ssyncset.done $0x0  }
0x3e: {  	[sflag:s22] =	ssyncadd.s32 $0xFFFFEC00  }
0x3f: {  	[tilespmem:s23], [sflag:$0x5] =	stream.linear.gather [hbm4b:s16+s4], $0x1400, $0x38;
	[tilespmem:$0x1E800] =	vst v63  }
0x40: {  	_ =	swait.ge [sflag:s22], $0x1400  }
0x41: {  	[sflag:s22] =	ssyncset.done $0x0  }
0x42: {  	[sflag:s22] =	ssyncadd.s32 $0xFFFFEC00  }
0x43: {  	[tilespmem:s25], [sflag:$0x1] =	stream.indirect.gather [hbm4b:s1+s24], $0x80, s4, s24, $0xb8;
	[tilespmem:$0x1E800] =	vst v63  }
0x44: {  	_ =	swait.ge [sflag:s26], $0x4000  }
0x45: {  	[sflag:s26] =	ssyncset.done $0x0  }
0x46: {  	[sflag:s26] =	ssyncadd.s32 $0xFFFFC000  }
0x47: {  	_ =	swait.ge [sflag:s26], $0x4000  }
0x48: {  	[sflag:s26] =	ssyncset.done $0x0  }
0x49: {  	[sflag:s26] =	ssyncadd.s32 $0xFFFFC000  }
0x4a: {  	_ =	swait.ge [sflag:s26], $0x4000  }
0x4b: {  	[sflag:s26] =	ssyncset.done $0x0  }
0x4c: {  	[sflag:s26] =	ssyncadd.s32 $0xFFFFC000  }
0x4d: {  	_ =	swait.ge [sflag:s26], $0x4000  }
0x4e: {  	[sflag:s26] =	ssyncset.done $0x0  }
0x4f: {  	s11 =	simm.s32 @p0 $0x3;
	[sflag:s26] =	ssyncadd.s32 $0xFFFFC000  }
0x50: {  	_ =	swait.ge @p0 [sflag:s11], $0x400  }
0x51: {  	[sflag:s11] =	ssyncset.done @p0 $0x0  }
0x52: {  	[sflag:s11] =	ssyncadd.s32 @p0 $0xFFFFFC00;
	s11 =	simm.s32 @!p0 $0x3  }
0x53: {  	_ =	swait.ge @!p0 [sflag:s11], $0x3C00  }
0x54: {  	[sflag:s11] =	ssyncset.done @!p0 $0x0  }
0x55: {  	[sflag:s11] =	ssyncadd.s32 @!p0 $0xFFFFC400  }
0x56: {  	[bflag:$0x0] =	sbarrier.arrive $0xFFFF  }
0x57: {  	[tilespmem:s28], [sflag:$0x2] =	stream.indirect.gather [hbm4b:s1+s24], $0x80, s24, s24, $0xb8;
	[tilespmem:$0x1E800] =	vst v63  }
0x58: {  	_ =	swait.ge [sflag:s29], $0x4000  }
0x59: {  	[sflag:s29] =	ssyncset.done $0x0  }
0x5a: {  	[sflag:s29] =	ssyncadd.s32 $0xFFFFC000  }
0x5b: {  	[spmem:s2] =	stream.indirect.scatter.add.f32 [tilespmem:s25], [sflag:$0x3], $0x80, s23, s24, $0xb8;
	[tilespmem:$0x1E800] =	vst v63  }
0x5c: {  	_ =	swait.ge [sflag:s26], $0x4000  }
0x5d: {  	[sflag:s26] =	ssyncset.done $0x0  }
0x5e: {  	[sflag:s26] =	ssyncadd.s32 $0xFFFFC000  }
0x5f: {  	[tilespmem:s25], [sflag:$0x1] =	stream.indirect.gather [hbm4b:s1+s24], $0x80, s30, s24, $0xb8;
	[tilespmem:$0x1E800] =	vst v63  }
0x60: {  	_ =	swait.ge [sflag:s31], $0x4000  }
0x61: {  	[sflag:s31] =	ssyncset.done $0x0  }
0x62: {  	[sflag:s31] =	ssyncadd.s32 $0xFFFFC000  }
0x63: {  	[spmem:s2] =	stream.indirect.scatter.add.f32 [tilespmem:s28], [sflag:$0x4], $0x80, s0, s24, $0xb8;
	[tilespmem:$0x1E800] =	vst v63  }
0x64: {  	_ =	swait.ge [sflag:s3], $0x4000  }
0x65: {  	[sflag:s3] =	ssyncset.done $0x0  }
0x66: {  	s12 =	simm.s32 $0x180;
	[sflag:s3] =	ssyncadd.s32 $0xFFFFC000  }
0x67: {  	[tilespmem:s28], [sflag:$0x2] =	stream.indirect.gather [hbm4b:s1+s24], $0x80, s12, s24, $0xb8;
	[tilespmem:$0x1E800] =	vst v63  }
0x68: {  	_ =	swait.ge [sflag:s29], $0x4000  }
0x69: {  	[sflag:s29] =	ssyncset.done $0x0  }
0x6a: {  	s13 =	simm.s32 $0x1500;
	[sflag:s29] =	ssyncadd.s32 $0xFFFFC000  }
0x6b: {  	[spmem:s2] =	stream.indirect.scatter.add.f32 [tilespmem:s25], [sflag:$0x3], $0x80, s13, s24, $0xb8;
	[tilespmem:$0x1E800] =	vst v63  }
0x6c: {  	_ =	swait.ge [sflag:s26], $0x4000  }
0x6d: {  	[sflag:s26] =	ssyncset.done $0x0  }
0x6e: {  	s14 =	simm.s32 $0x200;
	[sflag:s26] =	ssyncadd.s32 $0xFFFFC000  }
0x6f: {  	[tilespmem:s25], [sflag:$0x1] =	stream.indirect.gather [hbm4b:s1+s24], $0x80, s14, s24, $0xb8;
	[tilespmem:$0x1E800] =	vst v63  }
0x70: {  	_ =	swait.ge [sflag:s31], $0x4000  }
0x71: {  	[sflag:s31] =	ssyncset.done $0x0  }
0x72: {  	s11 =	simm.s32 $0xFFFFBC00;
	s12 =	simm.s32 $0x1580;
	[sflag:s31] =	ssyncadd.s32 $0xFFFFC000  }
.LBB2_4:
0x73: {  	[spmem:s2] =	stream.indirect.scatter.add.f32 [tilespmem:s28], [sflag:$0x4], $0x80, s12, s24, $0xb8;
	[tilespmem:$0x1E800] =	vst v63  }
0x74: {  	s12 =	smov.u32 s11  }
0x75: {  	p1 =	sne.s32 s11, $0xFFFFFC00;
	s11 =	sadd.s32 $0x400, s11;
	_ =	swait.ge [sflag:s3], $0x4000  }
0x76: {  	s12 =	sshra.s32 s12, $0x2;
	[sflag:s3] =	ssyncset.done $0x0  }
0x77: {  	s13 =	sadd.s32 $0x1380, s12;
	[sflag:s3] =	ssyncadd.s32 $0xFFFFC000  }
0x78: {  	[tilespmem:s28], [sflag:$0x2] =	stream.indirect.gather [hbm4b:s1+s24], $0x80, s13, s24, $0xb8;
	[tilespmem:$0x1E800] =	vst v63  }
0x79: {  	_ =	swait.ge [sflag:s29], $0x4000  }
0x7a: {  	[sflag:s29] =	ssyncset.done $0x0  }
0x7b: {  	s13 =	sadd.s32 $0x2700, s12;
	[sflag:s29] =	ssyncadd.s32 $0xFFFFC000  }
0x7c: {  	[spmem:s2] =	stream.indirect.scatter.add.f32 [tilespmem:s25], [sflag:$0x3], $0x80, s13, s24, $0xb8;
	[tilespmem:$0x1E800] =	vst v63  }
0x7d: {  	_ =	swait.ge [sflag:s26], $0x4000  }
0x7e: {  	[sflag:s26] =	ssyncset.done $0x0  }
.Ltmp1:
0x7f: {  	s13 =	sadd.s32 $0x1400, s12;
	[sflag:s26] =	ssyncadd.s32 $0xFFFFC000;
	(pc) =	sbr.rel @p1 .LBB2_4-.Ltmp1, $4  }
0x80: {  	[tilespmem:s25], [sflag:$0x1] =	stream.indirect.gather [hbm4b:s1+s24], $0x80, s13, s24, $0xb8;
	[tilespmem:$0x1E800] =	vst v63  }
0x81: {  	_ =	swait.ge [sflag:s31], $0x4000  }
0x82: {  	[sflag:s31] =	ssyncset.done $0x0  }
0x83: {  	s12 =	sadd.s32 $0x2780, s12;
	[sflag:s31] =	ssyncadd.s32 $0xFFFFC000  }
0x84: {  	[spmem:s2] =	stream.indirect.scatter.add.f32 [tilespmem:s28], [sflag:$0x4], $0x80, s12, s24, $0xb8;
	[tilespmem:$0x1E800] =	vst v63  }
0x85: {  	_ =	swait.ge [sflag:s3], $0x4000  }
0x86: {  	[sflag:s3] =	ssyncset.done $0x0  }
0x87: {  	[sflag:s3] =	ssyncadd.s32 $0xFFFFC000  }
0x88: {  	[tilespmem:s28], [sflag:$0x2] =	stream.indirect.gather [hbm4b:s1+s24], $0x80, s6, s24, $0xb8;
	[tilespmem:$0x1E800] =	vst v63  }
0x89: {  	_ =	swait.ge [sflag:s29], $0x4000  }
0x8a: {  	[sflag:s29] =	ssyncset.done $0x0  }
0x8b: {  	[sflag:s29] =	ssyncadd.s32 $0xFFFFC000  }
0x8c: {  	[spmem:s2] =	stream.indirect.scatter.add.f32 [tilespmem:s25], [sflag:$0x3], $0x80, s8, s24, $0xb8;
	[tilespmem:$0x1E800] =	vst v63  }
0x8d: {  	_ =	swait.ge [sflag:s26], $0x4000  }
0x8e: {  	[sflag:s26] =	ssyncset.done $0x0  }
0x8f: {  	[sflag:s26] =	ssyncadd.s32 $0xFFFFC000  }
0x90: {  	_ =	swait.ge [sflag:s31], $0x4000  }
0x91: {  	[sflag:s31] =	ssyncset.done $0x0  }
0x92: {  	[sflag:s31] =	ssyncadd.s32 $0xFFFFC000  }
0x93: {  	[spmem:s2] =	stream.indirect.scatter.add.f32 [tilespmem:s28], [sflag:$0x4], $0x80, s9, s24, $0xb8;
	[tilespmem:$0x1E800] =	vst v63  }
0x94: {  	_ =	swait.ge [sflag:s3], $0x4000  }
0x95: {  	[sflag:s3] =	ssyncset.done $0x0  }
0x96: {  	[sflag:s3] =	ssyncadd.s32 $0xFFFFC000  }
0x97: {  	[tilespmem:s4], [sflag:$0x5] =	stream.linear.gather [hbm4b:s17+s4], $0x1400, $0x38;
	[tilespmem:$0x1E800] =	vst v63  }
0x98: {  	_ =	swait.ge [sflag:s22], $0x1400  }
0x99: {  	[sflag:s22] =	ssyncset.done $0x0  }
0x9a: {  	[sflag:s22] =	ssyncadd.s32 $0xFFFFEC00  }
0x9b: {  	[tilespmem:s23], [sflag:$0x5] =	stream.linear.gather [hbm4b:s18+s4], $0x1400, $0x38;
	[tilespmem:$0x1E800] =	vst v63  }
0x9c: {  	_ =	swait.ge [sflag:s22], $0x1400  }
0x9d: {  	[sflag:s22] =	ssyncset.done $0x0  }
0x9e: {  	[sflag:s22] =	ssyncadd.s32 $0xFFFFEC00  }
0x9f: {  	[tilespmem:s25], [sflag:$0x1] =	stream.indirect.gather [hbm4b:s1+s24], $0x80, s4, s24, $0xb8;
	[tilespmem:$0x1E800] =	vst v63  }
0xa0: {  	_ = 	snop  }
0xa1: {  	[tilespmem:s28], [sflag:$0x2] =	stream.indirect.gather [hbm4b:s1+s24], $0x80, s24, s24, $0xb8;
	[tilespmem:$0x1E800] =	vst v63  }
0xa2: {  	_ =	swait.ge [sflag:s29], $0x4000  }
0xa3: {  	[sflag:s29] =	ssyncset.done $0x0  }
0xa4: {  	[sflag:s29] =	ssyncadd.s32 $0xFFFFC000  }
0xa5: {  	[spmem:s2] =	stream.indirect.scatter.add.f32 [tilespmem:s25], [sflag:$0x3], $0x80, s23, s24, $0xb8;
	[tilespmem:$0x1E800] =	vst v63  }
0xa6: {  	_ =	swait.ge [sflag:s26], $0x4000  }
0xa7: {  	[sflag:s26] =	ssyncset.done $0x0  }
0xa8: {  	[sflag:s26] =	ssyncadd.s32 $0xFFFFC000  }
0xa9: {  	[tilespmem:s25], [sflag:$0x1] =	stream.indirect.gather [hbm4b:s1+s24], $0x80, s30, s24, $0xb8;
	[tilespmem:$0x1E800] =	vst v63  }
0xaa: {  	_ =	swait.ge [sflag:s31], $0x4000  }
0xab: {  	[sflag:s31] =	ssyncset.done $0x0  }
0xac: {  	[sflag:s31] =	ssyncadd.s32 $0xFFFFC000  }
0xad: {  	[spmem:s2] =	stream.indirect.scatter.add.f32 [tilespmem:s28], [sflag:$0x4], $0x80, s0, s24, $0xb8;
	[tilespmem:$0x1E800] =	vst v63  }
0xae: {  	_ =	swait.ge [sflag:s3], $0x4000  }
0xaf: {  	[sflag:s3] =	ssyncset.done $0x0  }
0xb0: {  	s11 =	simm.s32 $0x180;
	[sflag:s3] =	ssyncadd.s32 $0xFFFFC000  }
0xb1: {  	[tilespmem:s28], [sflag:$0x2] =	stream.indirect.gather [hbm4b:s1+s24], $0x80, s11, s24, $0xb8;
	[tilespmem:$0x1E800] =	vst v63  }
0xb2: {  	_ =	swait.ge [sflag:s29], $0x4000  }
0xb3: {  	[sflag:s29] =	ssyncset.done $0x0  }
0xb4: {  	s13 =	simm.s32 $0x1500;
	[sflag:s29] =	ssyncadd.s32 $0xFFFFC000  }
0xb5: {  	[spmem:s2] =	stream.indirect.scatter.add.f32 [tilespmem:s25], [sflag:$0x3], $0x80, s13, s24, $0xb8;
	[tilespmem:$0x1E800] =	vst v63  }
0xb6: {  	_ =	swait.ge [sflag:s26], $0x4000  }
0xb7: {  	[sflag:s26] =	ssyncset.done $0x0  }
0xb8: {  	s14 =	simm.s32 $0x200;
	[sflag:s26] =	ssyncadd.s32 $0xFFFFC000  }
0xb9: {  	[tilespmem:s25], [sflag:$0x1] =	stream.indirect.gather [hbm4b:s1+s24], $0x80, s14, s24, $0xb8;
	[tilespmem:$0x1E800] =	vst v63  }
0xba: {  	_ =	swait.ge [sflag:s31], $0x4000  }
0xbb: {  	[sflag:s31] =	ssyncset.done $0x0  }
0xbc: {  	s12 =	simm.s32 $0x1580;
	s11 =	simm.s32 $0xFFFFBC00;
	[sflag:s31] =	ssyncadd.s32 $0xFFFFC000  }
.LBB2_6:
0xbd: {  	[spmem:s2] =	stream.indirect.scatter.add.f32 [tilespmem:s28], [sflag:$0x4], $0x80, s12, s24, $0xb8;
	[tilespmem:$0x1E800] =	vst v63  }
0xbe: {  	s12 =	smov.u32 s11  }
0xbf: {  	p1 =	sne.s32 s11, $0xFFFFFC00;
	s11 =	sadd.s32 $0x400, s11;
	_ =	swait.ge [sflag:s3], $0x4000  }
0xc0: {  	s12 =	sshra.s32 s12, $0x2;
	[sflag:s3] =	ssyncset.done $0x0  }
0xc1: {  	s13 =	sadd.s32 $0x1380, s12;
	[sflag:s3] =	ssyncadd.s32 $0xFFFFC000  }
0xc2: {  	[tilespmem:s28], [sflag:$0x2] =	stream.indirect.gather [hbm4b:s1+s24], $0x80, s13, s24, $0xb8;
	[tilespmem:$0x1E800] =	vst v63  }
0xc3: {  	_ =	swait.ge [sflag:s29], $0x4000  }
0xc4: {  	[sflag:s29] =	ssyncset.done $0x0  }
0xc5: {  	s13 =	sadd.s32 $0x2700, s12;
	[sflag:s29] =	ssyncadd.s32 $0xFFFFC000  }
0xc6: {  	[spmem:s2] =	stream.indirect.scatter.add.f32 [tilespmem:s25], [sflag:$0x3], $0x80, s13, s24, $0xb8;
	[tilespmem:$0x1E800] =	vst v63  }
0xc7: {  	_ =	swait.ge [sflag:s26], $0x4000  }
0xc8: {  	[sflag:s26] =	ssyncset.done $0x0  }
.Ltmp2:
0xc9: {  	s13 =	sadd.s32 $0x1400, s12;
	[sflag:s26] =	ssyncadd.s32 $0xFFFFC000;
	(pc) =	sbr.rel @p1 .LBB2_6-.Ltmp2, $4  }
0xca: {  	[tilespmem:s25], [sflag:$0x1] =	stream.indirect.gather [hbm4b:s1+s24], $0x80, s13, s24, $0xb8;
	[tilespmem:$0x1E800] =	vst v63  }
0xcb: {  	_ =	swait.ge [sflag:s31], $0x4000  }
0xcc: {  	[sflag:s31] =	ssyncset.done $0x0  }
0xcd: {  	s12 =	sadd.s32 $0x2780, s12;
	[sflag:s31] =	ssyncadd.s32 $0xFFFFC000  }
0xce: {  	[spmem:s2] =	stream.indirect.scatter.add.f32 [tilespmem:s28], [sflag:$0x4], $0x80, s12, s24, $0xb8;
	[tilespmem:$0x1E800] =	vst v63  }
0xcf: {  	_ =	swait.ge [sflag:s3], $0x4000  }
0xd0: {  	[sflag:s3] =	ssyncset.done $0x0  }
0xd1: {  	[sflag:s3] =	ssyncadd.s32 $0xFFFFC000  }
0xd2: {  	[tilespmem:s28], [sflag:$0x2] =	stream.indirect.gather [hbm4b:s1+s24], $0x80, s6, s24, $0xb8;
	[tilespmem:$0x1E800] =	vst v63  }
0xd3: {  	_ =	swait.ge [sflag:s29], $0x4000  }
0xd4: {  	[sflag:s29] =	ssyncset.done $0x0  }
0xd5: {  	[sflag:s29] =	ssyncadd.s32 $0xFFFFC000  }
0xd6: {  	[spmem:s2] =	stream.indirect.scatter.add.f32 [tilespmem:s25], [sflag:$0x3], $0x80, s8, s24, $0xb8;
	[tilespmem:$0x1E800] =	vst v63  }
0xd7: {  	_ =	swait.ge [sflag:s26], $0x4000  }
0xd8: {  	[sflag:s26] =	ssyncset.done $0x0  }
0xd9: {  	[sflag:s26] =	ssyncadd.s32 $0xFFFFC000  }
0xda: {  	_ =	swait.ge [sflag:s31], $0x4000  }
0xdb: {  	[sflag:s31] =	ssyncset.done $0x0  }
0xdc: {  	[sflag:s31] =	ssyncadd.s32 $0xFFFFC000  }
0xdd: {  	[spmem:s2] =	stream.indirect.scatter.add.f32 [tilespmem:s28], [sflag:$0x4], $0x80, s9, s24, $0xb8;
	[tilespmem:$0x1E800] =	vst v63  }
0xde: {  	_ =	swait.ge [sflag:s3], $0x4000  }
0xdf: {  	[sflag:s3] =	ssyncset.done $0x0  }
0xe0: {  	[sflag:s3] =	ssyncadd.s32 $0xFFFFC000  }
0xe1: {  	s11 =	sshrl.u32 @p0 s7, $0x3;
	s12 =	simm.s32 @p0 $0x1FC5;
	[bflag:$0x0] =	sbarrier.arrive $0xFFFF  }
0xe2: {  	[hbm:s20], [sflag:s12] =	dma.local @p0 [spmem:s11], $0x2080  }
0xe3: {  	s11 =	simm.s32 @p0 $0x5  }
0xe4: {  	s10 =	sadd.s32 $0x1, s10;
	s12 =	stileid.u32;
	_ =	swait.ge @p0 [sflag:s11], $0x2080  }
0xe5: {  	p1 =	sne.s32 s10, s21;
	s12 =	sshll.u32 @!p0 s12, $0x6;
	[sflag:s11] =	ssyncset.done @p0 $0x0  }
0xe6: {  	[sflag:s11] =	ssyncadd.s32 @p0 $0xFFFFDF80;
	s11 =	sor.u32 @!p0 $0x1C05, s12;
	s12 =	sshrl.u32 @!p0 s5, $0x3  }
0xe7: {  	[hbm:s19], [sflag:s11] =	dma.local @!p0 [spmem:s12], $0x2780  }
.Ltmp3:
0xe8: {  	_ = 	snop;
	(pc) =	sbr.rel @p1 .LBB2_1-.Ltmp3, $4  }
0xe9: {  	s11 =	simm.s32 @!p0 $0x5  }
0xea: {  	_ =	swait.ge @!p0 [sflag:s11], $0x2780  }
0xeb: {  	[sflag:s11] =	ssyncset.done @!p0 $0x0  }
0xec: {  	[sflag:s11] =	ssyncadd.s32 @!p0 $0xFFFFD880  }
0xed: {  	_ =	sfence.sel $0x180000  }
0xee: {  	[bflag:$0x0] =	sbarrier.arrive $0xFFFF  }
0xef: {  	_ =	strace $0x9000004A  }
0xf0: {  	s0 =	stileid.u32;
	[bflag:$0x2] =	sbarrier.arrive $0xFFFF  }
0xf1: {  	p0 =	sne.s32 s0, $0x0;
	s0 =	rddreg [dreg:$0x4]  }
0xf2: {  	s0 =	sadd.s32 @!p0 $0x100000, s0  }
0xf3: {  	[sflag:s0] =	ssyncadd.tile.s32 @!p0 $0x1;
	_ =	shalt  }
.Lfunc_end2:
_tile_overlayer_lowered:
.L_overlay_start_2:
0xf4: {  	(tag) =	ssettag $0x2  }
0xf5: {  	s0 =	rddreg [dreg:$0x0];
	s2 =	stileid.u32  }
0xf6: {  	s1 =	rddreg [dreg:$0x1];
	p0 =	sne.s32 s2, $0x0  }
0xf7: {  	s3 =	rddreg [dreg:$0x2];
	[bflag:$0x3] =	sbarrier.arrive $0xFFFF;
	s2 =	simm.s32 @!p0 $0x1C05  }
0xf8: {  	[timem:s3], [sflag:s2] =	dma.local @!p0 [hbm:s0], s1  }
0xf9: {  	s0 =	simm.s32 @!p0 $0x5  }
0xfa: {  	_ =	swait.ge @!p0 [sflag:s0], s1  }
0xfb: {  	s1 =	ssub.s32 @!p0 $0x0, s1;
	[sflag:s0] =	ssyncset.done @!p0 $0x0  }
0xfc: {  	[sflag:s0] =	ssyncadd.s32 @!p0 s1  }
0xfd: {  	[bflag:$0x3] =	sbarrier.arrive $0xFFFF  }
0xfe: {  	_ =	shalt  }

// kernel: kernel.16.cloned.1.call-start
scs
__scs_entry_jumppad:
0x0: {  	(pc) =	sbr.rel $0x88, $3  }
0x1: {  	(tag) =	ssettag $0x0;
	lr =	simm.s32 $0x1  }
0x2: {  	[smem:$0x3F99] =	sst lr;
	_ =	strace $0xD0000000  }
0x3: {  	_ = 	snop  }
0x4: {  	_ = 	snop  }
0x5: {  	_ = 	snop  }
0x6: {  	_ = 	snop  }
0x7: {  	_ = 	snop  }
__scs_overlays_trampoline_lowered:
0x8: {  	[smem:$0x3FA8] =	sst s0  }
0x9: {  	[smem:$0x3FA9] =	sst s1  }
0xa: {  	[smem:$0x3FAA] =	sst s2  }
0xb: {  	[smem:$0x3FAB] =	sst s3  }
0xc: {  	[smem:$0x3FAC] =	sst s4  }
0xd: {  	[smem:$0x3FAD] =	sst s5  }
0xe: {  	[smem:$0x3FAE] =	sst s6  }
0xf: {  	[smem:$0x3FAF] =	sst s7  }
0x10: {  	[smem:$0x3FB0] =	sst s8  }
0x11: {  	[smem:$0x3FB1] =	sst s9;
	s0 =	simm.s32 @!p0 $0x0  }
0x12: {  	s1 =	sld [smem:$0x3F97];
	s0 =	simm.s32 @p0 $0x1  }
0x13: {  	[smem:$0x3FB2] =	sst s0;
	s0 =	simm.s32 @!p1 $0x0  }
0x14: {  	s2 =	sld [smem:$0x3F96];
	s0 =	simm.s32 @p1 $0x1  }
0x15: {  	[smem:$0x3FB3] =	sst s0;
	s0 =	simm.s32 @!p2 $0x0  }
0x16: {  	s3 =	sld [smem:$0x3FDB];
	s0 =	simm.s32 @p2 $0x1  }
0x17: {  	s4 =	simm.s32 $0x1BF5;
	[smem:$0x3FB5] =	sst s0  }
0x18: {  	s0 =	sld [smem:$0x3F98];
	_ =	swait.ge [sflag:s4], $0x0  }
0x19: {  	s7 =	sld [smem:$0x3F99]  }
0x1a: {  	s8 =	sadd.s32 $0xFFFFE003, lr  }
0x1b: {  	s9 =	sadd.s32 $0xFFFFFEF7, lr;
	s5 =	simm.s32 $0xFFFFFFFF;
	p2 =	slt.u32 s8, $0xFFFFF086  }
0x1c: {  	p1 =	slt.u32 s9, $0xF7A;
	s5 =	simm.s32 @!p2 $0x0  }
0x1d: {  	s5 =	simm.s32 @p1 $0x1;
	p0 =	seq.s32 s7, s2  }
0x1e: {  	s7 =	smul.u32 @!p0 $0xF7A, s2;
	p2 =	seq.s32 @!p0 s5, $0x0  }
0x1f: {  	s9 =	smul.u32 $0xF7A, s1;
	s8 =	simm.s32 @!p0 $0x1BF5;
	p2 =	por !p2, p0  }
0x20: {  	[sflag:s8] =	ssyncset.s32 @!p0 $0xFFFFF086;
	s6 =	sadd.s32 @!p0 s3, s7;
	s7 =	simm.s32 @!p0 $0x108  }
0x21: {  	s3 =	sadd.s32 s3, s9;
	s6 =	sadd.s32 @!p0 $0x88, s6;
	s7 =	simm.s32 @p2 $0x1082  }
0x22: {  	[simem:s7], [sflag:s8] =	dma.local @!p0 [hbm:s6], $0xF7A  }
0x23: {  	s9 =	sor.u32 $0xD0000000, s2;
	s6 =	simm.s32 $0x108;
	_ =	swait.ge @!p0 [sflag:s8], $0x0  }
0x24: {  	s3 =	sadd.s32 $0x88, s3;
	s6 =	simm.s32 @!p1 $0x1082;
	[sflag:s4] =	ssyncset.s32 $0xFFFFF086  }
0x25: {  	[simem:s6], [sflag:s4] =	dma.local [hbm:s3], $0xF7A  }
0x26: {  	[smem:$0x3F99] =	sst s1;
	(tag) =	ssettag s2;
	_ =	strace s9  }
0x27: {  	s1 =	sld [smem:$0x3FA9]  }
0x28: {  	s2 =	sld [smem:$0x3FAA]  }
0x29: {  	s4 =	sld [smem:$0x3FAC]  }
0x2a: {  	p0 =	seq.s32 s5, $0x0;
	s5 =	sld [smem:$0x3FAD]  }
0x2b: {  	s6 =	sld [smem:$0x3FAE]  }
0x2c: {  	s7 =	sld [smem:$0x3FAF]  }
0x2d: {  	s3 =	simm.s32 $0x108;
	s8 =	sld [smem:$0x3FB0]  }
0x2e: {  	s3 =	simm.s32 @!p0 $0x1082;
	s9 =	sld [smem:$0x3FB1]  }
0x2f: {  	lr =	sadd.s32 s0, s3;
	s0 =	sld [smem:$0x3FA8]  }
0x30: {  	s3 =	sld [smem:$0x3FAB]  }
0x31: {  	[smem:$0x3FB4] =	sst s10  }
0x32: {  	s10 =	sld [smem:$0x3FB2];
	_ =	sdelay $0x3  }
0x33: {  	p0 =	seq.s32 s10, $0x1;
	s10 =	sld [smem:$0x3FB4];
	_ =	sdelay $0x3  }
0x34: {  	[smem:$0x3FB4] =	sst s10  }
0x35: {  	s10 =	sld [smem:$0x3FB3];
	_ =	sdelay $0x3  }
0x36: {  	p1 =	seq.s32 s10, $0x1;
	s10 =	sld [smem:$0x3FB4];
	_ =	sdelay $0x3  }
0x37: {  	[smem:$0x3FB4] =	sst s10  }
0x38: {  	s10 =	sld [smem:$0x3FB5]  }
0x39: {  	_ = 	snop;
	(pc) =	sbr.ind lr, $3  }
0x3a: {  	_ = 	snop  }
0x3b: {  	_ = 	snop  }
0x3c: {  	p2 =	seq.s32 s10, $0x1;
	s10 =	sld [smem:$0x3FB4]  }
0x3d: {  	_ =	shalt  }
0x3e: {  	_ =	shalt  }
0x3f: {  	_ =	shalt  }
0x40: {  	_ =	shalt  }
0x41: {  	_ =	shalt  }
0x42: {  	_ =	shalt  }
0x43: {  	_ =	shalt  }
0x44: {  	_ =	shalt  }
0x45: {  	_ =	shalt  }
0x46: {  	_ =	shalt  }
0x47: {  	_ =	shalt  }
0x48: {  	_ =	shalt  }
0x49: {  	_ =	shalt  }
0x4a: {  	_ =	shalt  }
0x4b: {  	_ =	shalt  }
0x4c: {  	_ =	shalt  }
0x4d: {  	_ =	shalt  }
0x4e: {  	_ =	shalt  }
0x4f: {  	_ =	shalt  }
0x50: {  	_ =	shalt  }
0x51: {  	_ =	shalt  }
0x52: {  	_ =	shalt  }
0x53: {  	_ =	shalt  }
0x54: {  	_ =	shalt  }
0x55: {  	_ =	shalt  }
0x56: {  	_ =	shalt  }
0x57: {  	_ =	shalt  }
0x58: {  	_ =	shalt  }
0x59: {  	_ =	shalt  }
0x5a: {  	_ =	shalt  }
0x5b: {  	_ =	shalt  }
0x5c: {  	_ =	shalt  }
0x5d: {  	_ =	shalt  }
0x5e: {  	_ =	shalt  }
0x5f: {  	_ =	shalt  }
0x60: {  	_ =	shalt  }
0x61: {  	_ =	shalt  }
0x62: {  	_ =	shalt  }
0x63: {  	_ =	shalt  }
0x64: {  	_ =	shalt  }
0x65: {  	_ =	shalt  }
0x66: {  	_ =	shalt  }
0x67: {  	_ =	shalt  }
0x68: {  	_ =	shalt  }
0x69: {  	_ =	shalt  }
0x6a: {  	_ =	shalt  }
0x6b: {  	_ =	shalt  }
0x6c: {  	_ =	shalt  }
0x6d: {  	_ =	shalt  }
0x6e: {  	_ =	shalt  }
0x6f: {  	_ =	shalt  }
0x70: {  	_ =	shalt  }
0x71: {  	_ =	shalt  }
0x72: {  	_ =	shalt  }
0x73: {  	_ =	shalt  }
0x74: {  	_ =	shalt  }
0x75: {  	_ =	shalt  }
0x76: {  	_ =	shalt  }
0x77: {  	_ =	shalt  }
0x78: {  	_ =	shalt  }
0x79: {  	_ =	shalt  }
0x7a: {  	_ =	shalt  }
0x7b: {  	_ =	shalt  }
0x7c: {  	_ =	shalt  }
0x7d: {  	_ =	shalt  }
0x7e: {  	_ =	shalt  }
0x7f: {  	_ =	shalt  }
0x80: {  	_ =	shalt  }
0x81: {  	_ =	shalt  }
0x82: {  	_ =	shalt  }
0x83: {  	_ =	shalt  }
0x84: {  	_ =	shalt  }
0x85: {  	_ =	shalt  }
0x86: {  	_ =	shalt  }
0x87: {  	_ =	shalt  }
.Lfunc_end0:
.L_simem_size_0:
called_computation.2_lowered:
.L_overlay_start_0:
0x88: {  	s2 =	sld [smem:$0x3FD9]  }
0x89: {  	s3 =	sld [smem:$0x3FFE];
	_ =	sdelay $0x1  }
0x8a: {  	s1 =	srdreg.scid  }
0x8b: {  	s0 =	sand.u32 $0x1, s1  }
0x8c: {  	s14 =	sshll.u32 s0, $0xA;
	s2 =	sadd.s32 s3, s2  }
0x8d: {  	s2 =	sadd.s32 s2, s14  }
0x8e: {  	[smem:$0x3FC0] =	sst s2  }
0x8f: {  	_ = 	snop  }
0x90: {  	s2 =	sld [smem:$0x3FD0];
	_ =	sdelay $0x2  }
0x91: {  	s15 =	simm.s32 $0xA;
	s4 =	simm.s32 $0x10  }
0x92: {  	[smem:s4], [sflag:s15] =	dma.local [hbm:s2], $0x1  }
0x93: {  	_ =	swait.eq [sflag:s15], $0x1  }
0x94: {  	[sflag:s15] =	ssyncset.done $0x0  }
0x95: {  	s16 =	sld [smem:$0x10];
	[sflag:s15] =	ssyncadd.s32 $0xFFFFFFFF  }
0x96: {  	s17 =	sld [smem:$0x11];
	(tm) =	ssettm $0x1  }
0x97: {  	s18 =	sld [smem:$0x3FFB];
	_ =	sdelay $0x3  }
0x98: {  	_ =	strace s18  }
0x99: {  	s4 =	sld [smem:$0x3FFC];
	_ =	sdelay $0x3  }
0x9a: {  	_ =	strace s4  }
0x9b: {  	s4 =	sld [smem:$0x3FFD];
	_ =	sdelay $0x3  }
0x9c: {  	_ =	strace s4  }
0x9d: {  	_ =	strace $0x8FFFFFFF  }
0x9e: {  	s19 =	sld [smem:$0x3FDB];
	_ =	sdelay $0x1  }
0x9f: {  	s5 =	simm.s32 $_scs_section_size  }
0xa0: {  	s6 =	simm.s32 $_size__tile_overlayer_lowered;
	s7 =	simm.s32 $_tile_overlayer_lowered  }
0xa1: {  	s22 =	simm.s32 $0x1BFF;
	s21 =	sshll.u32 s7, $0x1;
	s4 =	sadd.s32 s5, s19  }
0xa2: {  	s8 =	simm.s32 $0x0;
	s20 =	sshll.u32 s6, $0x1;
	s6 =	sadd.s32 s21, s4  }
0xa3: {  	[timem:s8], [sflag:s22] =	dma.local [hbm:s6], s20  }
0xa4: {  	_ =	swait.ge [sflag:s22], s20  }
0xa5: {  	s5 =	ssub.s32 $0x0, s20;
	[sflag:s22] =	ssyncset.done $0x0  }
0xa6: {  	[sflag:s22] =	ssyncadd.s32 s5;
	_ =	sdelay $0x1  }
0xa7: {  	s23 =	simm.s32 $0x1B8B  }
0xa8: {  	_ =	swait.ge [sflag:s23], $0x1  }
0xa9: {  	[sflag:s23] =	ssyncset.done $0x0  }
0xaa: {  	s25 =	simm.s32 $0x1B8E;
	s24 =	sld [smem:$0x3FFE];
	[sflag:s23] =	ssyncadd.s32 $0xFFFFFFFF  }
0xab: {  	s26 =	simm.s32 $execute0_lowered;
	[smem:$0x3FD2] =	sst s25  }
0xac: {  	s6 =	sshll.u32 s26, $0x1;
	_ =	strace $0x8000004C;
	[dreg:$0x1] =	wrdreg $0xFFFFFFFF  }
0xad: {  	s28 =	simm.s32 $_size_execute0_lowered;
	s4 =	sadd.s32 s4, s6;
	[dreg:$0x0] =	wrdreg $0x0  }
0xae: {  	s6 =	sshll.u32 s28, $0x1;
	[dreg:$0x2] =	wrdreg s4  }
0xaf: {  	[dreg:$0x3] =	wrdreg s6  }
0xb0: {  	[dreg:$0x4] =	wrdreg $0xC0  }
0xb1: {  	_ =	task [dreg:s8], $0x5FFFF  }
0xb2: {  	[dreg:$0x1] =	wrdreg $0xFFFFFFFF  }
0xb3: {  	[dreg:$0x0] =	wrdreg $0x60  }
0xb4: {  	[dreg:$0x2] =	wrdreg s17  }
0xb5: {  	[dreg:$0x3] =	wrdreg s24  }
0xb6: {  	[dreg:$0x4] =	wrdreg s16  }
0xb7: {  	[dreg:$0x5] =	wrdreg $0x98000  }
0xb8: {  	[dreg:$0x6] =	wrdreg $0x9  }
0xb9: {  	_ =	task.clear_ibuf [dreg:s8], $0x7FFFF;
	_ =	strace $0x9000004C  }
0xba: {  	s29 =	simm.s32 $0x9;
	_ =	strace $0x8000004E  }
0xbb: {  	_ =	swait.ge [sflag:s29], $0x1  }
0xbc: {  	[sflag:s29] =	ssyncadd.s32 $0xFFFFFFFF  }
0xbd: {  	_ =	strace $0x9000004E  }
0xbe: {  	_ =	sfence  }
0xbf: {  	s30 =	sld [smem:$0x0];
	_ =	sdelay $0x2  }
0xc0: {  	s31 =	sshll.u32 s1, $0xD;
	s1 =	sshrl.u32 s1, $0x2  }
0xc1: {  	s3 =	sand.u32 $0x4000, s31;
	s1 =	sadd.s32 s1, s30  }
0xc2: {  	s0 =	sor.u32 s3, s0;
	s1 =	sshll.u32 s1, $0x11  }
0xc3: {  	s0 =	sor.u32 s1, s0  }
0xc4: {  	s0 =	sadd.s32 $0x8F2B, s0  }
0xc5: {  	[sflag:s0] =	ssyncadd.remote.s32 $0x1  }
0xc6: {  	_ =	sfence.sel $0xFFFF  }
0xc7: {  	[dreg:$0x0] =	wrdreg $0xFFFFFFFF;
	(pc) =	sbr.abs _section_cstart, $3  }
0xc8: {  	[dreg:$0x1] =	wrdreg $0xFFFFFFFF  }
0xc9: {  	_ =	task.clear_ibuf [dreg:s8], $0x2FFFF;
	_ =	strace $0x9FFFFFFF  }
0xca: {  	(tm) =	ssettm $0x7FFFFFFF  }
0xcb: {  	_ =	shalt  }
tec
execute0_lowered:
.L_overlay_start_1:
0x0: {  	(tag) =	ssettag $0x1  }
0x1: {  	s1 =	rddreg [dreg:$0x0]  }
0x2: {  	s0 =	rddreg [dreg:$0x1]  }
0x3: {  	s3 =	rddreg [dreg:$0x2]  }
0x4: {  	s2 =	rddreg [dreg:$0x3]  }
0x5: {  	s4 =	simm.s32 $0x0;
	s5 =	srdreg.scid;
	s11 =	stileid.u32  }
0x6: {  	s28 =	simm.s32 $0x5800;
	s29 =	simm.s32 $0x1;
	s30 =	simm.s32 $0x100  }
0x7: {  	s31 =	simm.s32 $0x2;
	[smem:$0x7FF] =	sst s4;
	s20 =	smul.u32 $0x4F000, s11  }
0x8: {  	s8 =	sadd.s32 $0x56600, s0;
	s0 =	sadd.s32 $0x3400, s0;
	s22 =	sadd.s32 $0x12C400, s2  }
0x9: {  	s6 =	sand.u32 $0x1, s5;
	s24 =	sadd.s32 $0x130400, s2;
	s13 =	sadd.s32 $0x134400, s2  }
0xa: {  	s19 =	smul.u32 $0x2780, s11;
	s14 =	sadd.s32 $0x138400, s2;
	p0 =	seq.s32 s11, $0xF  }
0xb: {  	_ =	strace $0x8000004D;
	s7 =	ssub.s32 $0x2, s6;
	[dreg:$0x7] =	wrdreg s22  }
0xc: {  	s10 =	sshll.u32 s6, $0x4;
	[dreg:$0x9] =	wrdreg s24;
	s18 =	smul.u32 $0x27100, s6  }
0xd: {  	s6 =	smul.u32 $0x138800, s6;
	s22 =	simm.s32 $0x5;
	s24 =	simm.s32 $0x80  }
0xe: {  	s9 =	sshrl.u32 s7, $0x1;
	s5 =	sshrl.u32 s20, $0x2;
	s10 =	sor.u32 s11, s10  }
0xf: {  	s9 =	ssub.s32 s7, s9;
	s5 =	sadd.s32 s5, s2;
	s16 =	smul.u32 $0x280, s10  }
0x10: {  	s7 =	sadd.s32 $0x128400, s2;
	s10 =	smul.u32 $0x1400, s10;
	s25 =	sadd.s32 s19, s18  }
0x11: {  	s6 =	sshrl.u32 s6, $0x3;
	s21 =	sadd.s32 $0x4000, s5;
	s12 =	sadd.s32 $0x8000, s5  }
0x12: {  	s23 =	sadd.s32 $0xC000, s5;
	s19 =	sadd.s32 s3, s25;
	[dreg:$0x5] =	wrdreg s21  }
0x13: {  	s26 =	sadd.s32 s3, s6;
	s25 =	simm.s32 $0x1800;
	[dreg:$0x6] =	wrdreg s12  }
0x14: {  	s3 =	simm.s32 $0x4;
	s6 =	simm.s32 $0x0;
	[dreg:$0x8] =	wrdreg s23  }
0x15: {  	s12 =	sadd.s32 $0x10000, s5;
	s10 =	sshrl.u32 s10, $0x3;
	s15 =	sadd.s32 s8, s16  }
0x16: {  	s16 =	sadd.s32 s0, s16;
	s20 =	sadd.s32 $0x25080, s26;
	s21 =	smax.u32 s9, $0x1  }
0x17: {  	s23 =	simm.s32 $0xC00;
	s26 =	simm.s32 $0x3;
	s10 =	sadd.s32 $0x180, s10  }
0x18: {  	v0 =	vimm.f32 $0.0e+00;
	s17 =	sadd.s32 s8, s10;
	s18 =	sadd.s32 s0, s10;
	s0 =	simm.s32 $0xC80  }
.LBB2_1:
0x19: {  	s8 =	sand.u32 $0xFE00, s4  }
0x1a: {  	s9 =	sand.u32 $0x70, s4;
	s10 =	sshrl.u32 s8, $0x2  }
0x1b: {  	s8 =	simm.s32 $0x40;
	s10 =	sor.u32 s9, s10;
	s9 =	simm.s32 $0x0  }
.LBB2_2:
0x1c: {  	p1 =	sne.s32 s8, $0xFFC0  }
0x1d: {  	[tilespmem:s10+$0x5800] =	vst v0;
	s9 =	sadd.s32 $0x10, s9;
	s10 =	smov.u32 s8;
	s8 =	sadd.s32 $0x40, s8  }
.Ltmp0:
0x1e: {  	(pc) =	sbr.rel @p1 .LBB2_2-.Ltmp0, $4  }
0x1f: {  	_ = 	snop  }
0x20: {  	s10 =	sand.u32 $0xFE00, s10  }
0x21: {  	s11 =	sand.u32 $0x70, s9;
	s10 =	sshrl.u32 s10, $0x2  }
0x22: {  	s10 =	sor.u32 s11, s10  }
0x23: {  	[tilespmem:s10+$0x5800] =	vst v0;
	s8 =	simm.s32 @p0 $0x5800  }
0x24: {  	[spmem:s7] =	stream.linear.scatter @p0 [tilespmem:s8], [sflag:$0x3], $0x4000, $0x38;
	[tilespmem:$0x1D800] =	vst v63  }
0x25: {  	s9 =	rddreg [dreg:$0x7]  }
0x26: {  	[spmem:s9] =	stream.linear.scatter @p0 [tilespmem:s8], [sflag:$0x3], $0x4000, $0x38;
	[tilespmem:$0x1D800] =	vst v63  }
0x27: {  	s9 =	rddreg [dreg:$0x9]  }
0x28: {  	[spmem:s9] =	stream.linear.scatter @p0 [tilespmem:s8], [sflag:$0x3], $0x4000, $0x38;
	[tilespmem:$0x1D800] =	vst v63  }
0x29: {  	_ = 	snop  }
0x2a: {  	[spmem:s13] =	stream.linear.scatter @p0 [tilespmem:s8], [sflag:$0x3], $0x4000, $0x38;
	[tilespmem:$0x1D800] =	vst v63  }
0x2b: {  	_ = 	snop  }
0x2c: {  	[spmem:s14] =	stream.linear.scatter @p0 [tilespmem:s8], [sflag:$0x3], $0x400, $0x38;
	[tilespmem:$0x1D800] =	vst v63  }
0x2d: {  	s8 =	simm.s32 @!p0 $0x5800  }
0x2e: {  	[spmem:s5] =	stream.linear.scatter @!p0 [tilespmem:s8], [sflag:$0x3], $0x4000, $0x38;
	[tilespmem:$0x1D800] =	vst v63  }
0x2f: {  	s9 =	rddreg [dreg:$0x5]  }
0x30: {  	[spmem:s9] =	stream.linear.scatter @!p0 [tilespmem:s8], [sflag:$0x3], $0x4000, $0x38;
	[tilespmem:$0x1D800] =	vst v63  }
0x31: {  	s9 =	rddreg [dreg:$0x6]  }
0x32: {  	[spmem:s9] =	stream.linear.scatter @!p0 [tilespmem:s8], [sflag:$0x3], $0x4000, $0x38;
	[tilespmem:$0x1D800] =	vst v63  }
0x33: {  	s9 =	rddreg [dreg:$0x8]  }
0x34: {  	[spmem:s9] =	stream.linear.scatter @!p0 [tilespmem:s8], [sflag:$0x3], $0x4000, $0x38;
	[tilespmem:$0x1D800] =	vst v63  }
0x35: {  	_ = 	snop  }
0x36: {  	[spmem:s12] =	stream.linear.scatter @!p0 [tilespmem:s8], [sflag:$0x3], $0x3C00, $0x38;
	[tilespmem:$0x1D800] =	vst v63  }
0x37: {  	_ = 	snop  }
0x38: {  	[tilespmem:s4], [sflag:$0x5] =	stream.linear.gather [hbm4b:s15+s4], $0xC00, $0x38;
	[tilespmem:$0x1D800] =	vst v63  }
0x39: {  	_ =	swait.ge [sflag:s22], $0xC00  }
0x3a: {  	[sflag:s22] =	ssyncset.done $0x0  }
0x3b: {  	[sflag:s22] =	ssyncadd.s32 $0xFFFFF400  }
0x3c: {  	[tilespmem:s23], [sflag:$0x5] =	stream.linear.gather [hbm4b:s16+s4], $0xC00, $0x38;
	[tilespmem:$0x1D800] =	vst v63  }
0x3d: {  	_ =	swait.ge [sflag:s22], $0xC00  }
0x3e: {  	[sflag:s22] =	ssyncset.done $0x0  }
0x3f: {  	[sflag:s22] =	ssyncadd.s32 $0xFFFFF400  }
0x40: {  	[tilespmem:s25], [sflag:$0x1] =	stream.indirect.gather [hbm4b:s1+s24], $0x80, s4, s24, $0xb8;
	[tilespmem:$0x1D800] =	vst v63  }
0x41: {  	_ =	swait.ge [sflag:s26], $0x4000  }
0x42: {  	[sflag:s26] =	ssyncset.done $0x0  }
0x43: {  	[sflag:s26] =	ssyncadd.s32 $0xFFFFC000  }
0x44: {  	_ =	swait.ge [sflag:s26], $0x4000  }
0x45: {  	[sflag:s26] =	ssyncset.done $0x0  }
0x46: {  	[sflag:s26] =	ssyncadd.s32 $0xFFFFC000  }
0x47: {  	_ =	swait.ge [sflag:s26], $0x4000  }
0x48: {  	[sflag:s26] =	ssyncset.done $0x0  }
0x49: {  	[sflag:s26] =	ssyncadd.s32 $0xFFFFC000  }
0x4a: {  	_ =	swait.ge [sflag:s26], $0x4000  }
0x4b: {  	[sflag:s26] =	ssyncset.done $0x0  }
0x4c: {  	s8 =	simm.s32 @p0 $0x3;
	[sflag:s26] =	ssyncadd.s32 $0xFFFFC000  }
0x4d: {  	_ =	swait.ge @p0 [sflag:s8], $0x400  }
0x4e: {  	[sflag:s8] =	ssyncset.done @p0 $0x0  }
0x4f: {  	[sflag:s8] =	ssyncadd.s32 @p0 $0xFFFFFC00;
	s8 =	simm.s32 @!p0 $0x3  }
0x50: {  	_ =	swait.ge @!p0 [sflag:s8], $0x3C00  }
0x51: {  	[sflag:s8] =	ssyncset.done @!p0 $0x0  }
0x52: {  	[sflag:s8] =	ssyncadd.s32 @!p0 $0xFFFFC400  }
0x53: {  	[bflag:$0x0] =	sbarrier.arrive $0xFFFF  }
0x54: {  	[tilespmem:s28], [sflag:$0x2] =	stream.indirect.gather [hbm4b:s1+s24], $0x80, s24, s24, $0xb8;
	[tilespmem:$0x1D800] =	vst v63  }
0x55: {  	_ =	swait.ge [sflag:s29], $0x4000  }
0x56: {  	[sflag:s29] =	ssyncset.done $0x0  }
0x57: {  	[sflag:s29] =	ssyncadd.s32 $0xFFFFC000  }
0x58: {  	[spmem:s2] =	stream.indirect.scatter.add.f32 [tilespmem:s25], [sflag:$0x3], $0x80, s23, s24, $0xb8;
	[tilespmem:$0x1D800] =	vst v63  }
0x59: {  	_ =	swait.ge [sflag:s26], $0x4000  }
0x5a: {  	[sflag:s26] =	ssyncset.done $0x0  }
0x5b: {  	[sflag:s26] =	ssyncadd.s32 $0xFFFFC000  }
0x5c: {  	[tilespmem:s25], [sflag:$0x1] =	stream.indirect.gather [hbm4b:s1+s24], $0x80, s30, s24, $0xb8;
	[tilespmem:$0x1D800] =	vst v63  }
0x5d: {  	_ =	swait.ge [sflag:s31], $0x4000  }
0x5e: {  	[sflag:s31] =	ssyncset.done $0x0  }
0x5f: {  	[sflag:s31] =	ssyncadd.s32 $0xFFFFC000  }
0x60: {  	[spmem:s2] =	stream.indirect.scatter.add.f32 [tilespmem:s28], [sflag:$0x4], $0x80, s0, s24, $0xb8;
	[tilespmem:$0x1D800] =	vst v63  }
0x61: {  	_ =	swait.ge [sflag:s3], $0x4000  }
0x62: {  	[sflag:s3] =	ssyncset.done $0x0  }
0x63: {  	s9 =	simm.s32 $0x180;
	[sflag:s3] =	ssyncadd.s32 $0xFFFFC000  }
0x64: {  	[tilespmem:s28], [sflag:$0x2] =	stream.indirect.gather [hbm4b:s1+s24], $0x80, s9, s24, $0xb8;
	[tilespmem:$0x1D800] =	vst v63  }
0x65: {  	_ =	swait.ge [sflag:s29], $0x4000  }
0x66: {  	[sflag:s29] =	ssyncset.done $0x0  }
0x67: {  	s10 =	simm.s32 $0xD00;
	[sflag:s29] =	ssyncadd.s32 $0xFFFFC000  }
0x68: {  	[spmem:s2] =	stream.indirect.scatter.add.f32 [tilespmem:s25], [sflag:$0x3], $0x80, s10, s24, $0xb8;
	[tilespmem:$0x1D800] =	vst v63  }
0x69: {  	_ =	swait.ge [sflag:s26], $0x4000  }
0x6a: {  	[sflag:s26] =	ssyncset.done $0x0  }
0x6b: {  	s11 =	simm.s32 $0x200;
	[sflag:s26] =	ssyncadd.s32 $0xFFFFC000  }
0x6c: {  	[tilespmem:s25], [sflag:$0x1] =	stream.indirect.gather [hbm4b:s1+s24], $0x80, s11, s24, $0xb8;
	[tilespmem:$0x1D800] =	vst v63  }
0x6d: {  	_ =	swait.ge [sflag:s31], $0x4000  }
0x6e: {  	[sflag:s31] =	ssyncset.done $0x0  }
0x6f: {  	s8 =	simm.s32 $0xFFFFDC00;
	s9 =	simm.s32 $0xD80;
	[sflag:s31] =	ssyncadd.s32 $0xFFFFC000  }
.LBB2_4:
0x70: {  	[spmem:s2] =	stream.indirect.scatter.add.f32 [tilespmem:s28], [sflag:$0x4], $0x80, s9, s24, $0xb8;
	[tilespmem:$0x1D800] =	vst v63  }
0x71: {  	s9 =	smov.u32 s8  }
0x72: {  	p1 =	sne.s32 s8, $0xFFFFFC00;
	s8 =	sadd.s32 $0x400, s8;
	_ =	swait.ge [sflag:s3], $0x4000  }
0x73: {  	s9 =	sshra.s32 s9, $0x2;
	[sflag:s3] =	ssyncset.done $0x0  }
0x74: {  	s10 =	sadd.s32 $0xB80, s9;
	[sflag:s3] =	ssyncadd.s32 $0xFFFFC000  }
0x75: {  	[tilespmem:s28], [sflag:$0x2] =	stream.indirect.gather [hbm4b:s1+s24], $0x80, s10, s24, $0xb8;
	[tilespmem:$0x1D800] =	vst v63  }
0x76: {  	_ =	swait.ge [sflag:s29], $0x4000  }
0x77: {  	[sflag:s29] =	ssyncset.done $0x0  }
0x78: {  	s10 =	sadd.s32 $0x1700, s9;
	[sflag:s29] =	ssyncadd.s32 $0xFFFFC000  }
0x79: {  	[spmem:s2] =	stream.indirect.scatter.add.f32 [tilespmem:s25], [sflag:$0x3], $0x80, s10, s24, $0xb8;
	[tilespmem:$0x1D800] =	vst v63  }
0x7a: {  	_ =	swait.ge [sflag:s26], $0x4000  }
0x7b: {  	[sflag:s26] =	ssyncset.done $0x0  }
.Ltmp1:
0x7c: {  	s10 =	sadd.s32 $0xC00, s9;
	[sflag:s26] =	ssyncadd.s32 $0xFFFFC000;
	(pc) =	sbr.rel @p1 .LBB2_4-.Ltmp1, $4  }
0x7d: {  	[tilespmem:s25], [sflag:$0x1] =	stream.indirect.gather [hbm4b:s1+s24], $0x80, s10, s24, $0xb8;
	[tilespmem:$0x1D800] =	vst v63  }
0x7e: {  	_ =	swait.ge [sflag:s31], $0x4000  }
0x7f: {  	[sflag:s31] =	ssyncset.done $0x0  }
0x80: {  	s9 =	sadd.s32 $0x1780, s9;
	[sflag:s31] =	ssyncadd.s32 $0xFFFFC000  }
0x81: {  	[spmem:s2] =	stream.indirect.scatter.add.f32 [tilespmem:s28], [sflag:$0x4], $0x80, s9, s24, $0xb8;
	[tilespmem:$0x1D800] =	vst v63  }
0x82: {  	_ =	swait.ge [sflag:s3], $0x4000  }
0x83: {  	[sflag:s3] =	ssyncset.done $0x0  }
0x84: {  	s8 =	simm.s32 $0xB80;
	[sflag:s3] =	ssyncadd.s32 $0xFFFFC000  }
0x85: {  	[tilespmem:s28], [sflag:$0x2] =	stream.indirect.gather [hbm4b:s1+s24], $0x80, s8, s24, $0xb8;
	[tilespmem:$0x1D800] =	vst v63  }
0x86: {  	_ =	swait.ge [sflag:s29], $0x4000  }
0x87: {  	[sflag:s29] =	ssyncset.done $0x0  }
0x88: {  	s10 =	simm.s32 $0x1700;
	[sflag:s29] =	ssyncadd.s32 $0xFFFFC000  }
0x89: {  	[spmem:s2] =	stream.indirect.scatter.add.f32 [tilespmem:s25], [sflag:$0x3], $0x80, s10, s24, $0xb8;
	[tilespmem:$0x1D800] =	vst v63  }
0x8a: {  	_ =	swait.ge [sflag:s26], $0x4000  }
0x8b: {  	[sflag:s26] =	ssyncset.done $0x0  }
0x8c: {  	[sflag:s26] =	ssyncadd.s32 $0xFFFFC000  }
0x8d: {  	_ =	swait.ge [sflag:s31], $0x4000  }
0x8e: {  	[sflag:s31] =	ssyncset.done $0x0  }
0x8f: {  	s11 =	simm.s32 $0x1780;
	[sflag:s31] =	ssyncadd.s32 $0xFFFFC000  }
0x90: {  	[spmem:s2] =	stream.indirect.scatter.add.f32 [tilespmem:s28], [sflag:$0x4], $0x80, s11, s24, $0xb8;
	[tilespmem:$0x1D800] =	vst v63  }
0x91: {  	_ =	swait.ge [sflag:s3], $0x4000  }
0x92: {  	[sflag:s3] =	ssyncset.done $0x0  }
0x93: {  	[sflag:s3] =	ssyncadd.s32 $0xFFFFC000  }
0x94: {  	[tilespmem:s4], [sflag:$0x5] =	stream.linear.gather [hbm4b:s17+s4], $0x800, $0x38;
	[tilespmem:$0x1D800] =	vst v63  }
0x95: {  	_ =	swait.ge [sflag:s22], $0x800  }
0x96: {  	[sflag:s22] =	ssyncset.done $0x0  }
0x97: {  	[sflag:s22] =	ssyncadd.s32 $0xFFFFF800  }
0x98: {  	[tilespmem:s23], [sflag:$0x5] =	stream.linear.gather [hbm4b:s18+s4], $0x800, $0x38;
	[tilespmem:$0x1D800] =	vst v63  }
0x99: {  	_ =	swait.ge [sflag:s22], $0x800  }
0x9a: {  	[sflag:s22] =	ssyncset.done $0x0  }
0x9b: {  	[sflag:s22] =	ssyncadd.s32 $0xFFFFF800  }
0x9c: {  	[tilespmem:s25], [sflag:$0x1] =	stream.indirect.gather [hbm4b:s1+s24], $0x80, s4, s24, $0xb8;
	[tilespmem:$0x1D800] =	vst v63  }
0x9d: {  	_ = 	snop  }
0x9e: {  	[tilespmem:s28], [sflag:$0x2] =	stream.indirect.gather [hbm4b:s1+s24], $0x80, s24, s24, $0xb8;
	[tilespmem:$0x1D800] =	vst v63  }
0x9f: {  	_ =	swait.ge [sflag:s29], $0x4000  }
0xa0: {  	[sflag:s29] =	ssyncset.done $0x0  }
0xa1: {  	[sflag:s29] =	ssyncadd.s32 $0xFFFFC000  }
0xa2: {  	[spmem:s2] =	stream.indirect.scatter.add.f32 [tilespmem:s25], [sflag:$0x3], $0x80, s23, s24, $0xb8;
	[tilespmem:$0x1D800] =	vst v63  }
0xa3: {  	_ =	swait.ge [sflag:s26], $0x4000  }
0xa4: {  	[sflag:s26] =	ssyncset.done $0x0  }
0xa5: {  	[sflag:s26] =	ssyncadd.s32 $0xFFFFC000  }
0xa6: {  	[tilespmem:s25], [sflag:$0x1] =	stream.indirect.gather [hbm4b:s1+s24], $0x80, s30, s24, $0xb8;
	[tilespmem:$0x1D800] =	vst v63  }
0xa7: {  	_ =	swait.ge [sflag:s31], $0x4000  }
0xa8: {  	[sflag:s31] =	ssyncset.done $0x0  }
0xa9: {  	[sflag:s31] =	ssyncadd.s32 $0xFFFFC000  }
0xaa: {  	[spmem:s2] =	stream.indirect.scatter.add.f32 [tilespmem:s28], [sflag:$0x4], $0x80, s0, s24, $0xb8;
	[tilespmem:$0x1D800] =	vst v63  }
0xab: {  	_ =	swait.ge [sflag:s3], $0x4000  }
0xac: {  	[sflag:s3] =	ssyncset.done $0x0  }
0xad: {  	s9 =	simm.s32 $0x180;
	[sflag:s3] =	ssyncadd.s32 $0xFFFFC000  }
0xae: {  	[tilespmem:s28], [sflag:$0x2] =	stream.indirect.gather [hbm4b:s1+s24], $0x80, s9, s24, $0xb8;
	[tilespmem:$0x1D800] =	vst v63  }
0xaf: {  	_ =	swait.ge [sflag:s29], $0x4000  }
0xb0: {  	[sflag:s29] =	ssyncset.done $0x0  }
0xb1: {  	s10 =	simm.s32 $0xD00;
	[sflag:s29] =	ssyncadd.s32 $0xFFFFC000  }
0xb2: {  	[spmem:s2] =	stream.indirect.scatter.add.f32 [tilespmem:s25], [sflag:$0x3], $0x80, s10, s24, $0xb8;
	[tilespmem:$0x1D800] =	vst v63  }
0xb3: {  	_ =	swait.ge [sflag:s26], $0x4000  }
0xb4: {  	[sflag:s26] =	ssyncset.done $0x0  }
0xb5: {  	s11 =	simm.s32 $0x200;
	[sflag:s26] =	ssyncadd.s32 $0xFFFFC000  }
0xb6: {  	[tilespmem:s25], [sflag:$0x1] =	stream.indirect.gather [hbm4b:s1+s24], $0x80, s11, s24, $0xb8;
	[tilespmem:$0x1D800] =	vst v63  }
0xb7: {  	_ =	swait.ge [sflag:s31], $0x4000  }
0xb8: {  	[sflag:s31] =	ssyncset.done $0x0  }
0xb9: {  	s9 =	simm.s32 $0xD80;
	[sflag:s31] =	ssyncadd.s32 $0xFFFFC000  }
0xba: {  	[spmem:s2] =	stream.indirect.scatter.add.f32 [tilespmem:s28], [sflag:$0x4], $0x80, s9, s24, $0xb8;
	[tilespmem:$0x1D800] =	vst v63  }
0xbb: {  	_ =	swait.ge [sflag:s3], $0x4000  }
0xbc: {  	[sflag:s3] =	ssyncset.done $0x0  }
0xbd: {  	s10 =	simm.s32 $0x280;
	[sflag:s3] =	ssyncadd.s32 $0xFFFFC000  }
0xbe: {  	[tilespmem:s28], [sflag:$0x2] =	stream.indirect.gather [hbm4b:s1+s24], $0x80, s10, s24, $0xb8;
	[tilespmem:$0x1D800] =	vst v63  }
0xbf: {  	_ =	swait.ge [sflag:s29], $0x4000  }
0xc0: {  	[sflag:s29] =	ssyncset.done $0x0  }
0xc1: {  	s11 =	simm.s32 $0xE00;
	[sflag:s29] =	ssyncadd.s32 $0xFFFFC000  }
0xc2: {  	[spmem:s2] =	stream.indirect.scatter.add.f32 [tilespmem:s25], [sflag:$0x3], $0x80, s11, s24, $0xb8;
	[tilespmem:$0x1D800] =	vst v63  }
0xc3: {  	_ =	swait.ge [sflag:s26], $0x4000  }
0xc4: {  	[sflag:s26] =	ssyncset.done $0x0  }
0xc5: {  	s9 =	simm.s32 $0x300;
	[sflag:s26] =	ssyncadd.s32 $0xFFFFC000  }
0xc6: {  	[tilespmem:s25], [sflag:$0x1] =	stream.indirect.gather [hbm4b:s1+s24], $0x80, s9, s24, $0xb8;
	[tilespmem:$0x1D800] =	vst v63  }
0xc7: {  	_ =	swait.ge [sflag:s31], $0x4000  }
0xc8: {  	[sflag:s31] =	ssyncset.done $0x0  }
0xc9: {  	s10 =	simm.s32 $0xE80;
	[sflag:s31] =	ssyncadd.s32 $0xFFFFC000  }
0xca: {  	[spmem:s2] =	stream.indirect.scatter.add.f32 [tilespmem:s28], [sflag:$0x4], $0x80, s10, s24, $0xb8;
	[tilespmem:$0x1D800] =	vst v63  }
0xcb: {  	_ =	swait.ge [sflag:s3], $0x4000  }
0xcc: {  	[sflag:s3] =	ssyncset.done $0x0  }
0xcd: {  	s11 =	simm.s32 $0x380;
	[sflag:s3] =	ssyncadd.s32 $0xFFFFC000  }
0xce: {  	[tilespmem:s28], [sflag:$0x2] =	stream.indirect.gather [hbm4b:s1+s24], $0x80, s11, s24, $0xb8;
	[tilespmem:$0x1D800] =	vst v63  }
0xcf: {  	_ =	swait.ge [sflag:s29], $0x4000  }
0xd0: {  	[sflag:s29] =	ssyncset.done $0x0  }
0xd1: {  	s9 =	simm.s32 $0xF00;
	[sflag:s29] =	ssyncadd.s32 $0xFFFFC000  }
0xd2: {  	[spmem:s2] =	stream.indirect.scatter.add.f32 [tilespmem:s25], [sflag:$0x3], $0x80, s9, s24, $0xb8;
	[tilespmem:$0x1D800] =	vst v63  }
0xd3: {  	_ =	swait.ge [sflag:s26], $0x4000  }
0xd4: {  	[sflag:s26] =	ssyncset.done $0x0  }
0xd5: {  	s10 =	simm.s32 $0x400;
	[sflag:s26] =	ssyncadd.s32 $0xFFFFC000  }
0xd6: {  	[tilespmem:s25], [sflag:$0x1] =	stream.indirect.gather [hbm4b:s1+s24], $0x80, s10, s24, $0xb8;
	[tilespmem:$0x1D800] =	vst v63  }
0xd7: {  	_ =	swait.ge [sflag:s31], $0x4000  }
0xd8: {  	[sflag:s31] =	ssyncset.done $0x0  }
0xd9: {  	s11 =	simm.s32 $0xF80;
	[sflag:s31] =	ssyncadd.s32 $0xFFFFC000  }
0xda: {  	[spmem:s2] =	stream.indirect.scatter.add.f32 [tilespmem:s28], [sflag:$0x4], $0x80, s11, s24, $0xb8;
	[tilespmem:$0x1D800] =	vst v63  }
0xdb: {  	_ =	swait.ge [sflag:s3], $0x4000  }
0xdc: {  	[sflag:s3] =	ssyncset.done $0x0  }
0xdd: {  	s9 =	simm.s32 $0x480;
	[sflag:s3] =	ssyncadd.s32 $0xFFFFC000  }
0xde: {  	[tilespmem:s28], [sflag:$0x2] =	stream.indirect.gather [hbm4b:s1+s24], $0x80, s9, s24, $0xb8;
	[tilespmem:$0x1D800] =	vst v63  }
0xdf: {  	_ =	swait.ge [sflag:s29], $0x4000  }
0xe0: {  	[sflag:s29] =	ssyncset.done $0x0  }
0xe1: {  	s10 =	simm.s32 $0x1000;
	[sflag:s29] =	ssyncadd.s32 $0xFFFFC000  }
0xe2: {  	[spmem:s2] =	stream.indirect.scatter.add.f32 [tilespmem:s25], [sflag:$0x3], $0x80, s10, s24, $0xb8;
	[tilespmem:$0x1D800] =	vst v63  }
0xe3: {  	_ =	swait.ge [sflag:s26], $0x4000  }
0xe4: {  	[sflag:s26] =	ssyncset.done $0x0  }
0xe5: {  	s11 =	simm.s32 $0x500;
	[sflag:s26] =	ssyncadd.s32 $0xFFFFC000  }
0xe6: {  	[tilespmem:s25], [sflag:$0x1] =	stream.indirect.gather [hbm4b:s1+s24], $0x80, s11, s24, $0xb8;
	[tilespmem:$0x1D800] =	vst v63  }
0xe7: {  	_ =	swait.ge [sflag:s31], $0x4000  }
0xe8: {  	[sflag:s31] =	ssyncset.done $0x0  }
0xe9: {  	s9 =	simm.s32 $0x1080;
	[sflag:s31] =	ssyncadd.s32 $0xFFFFC000  }
0xea: {  	[spmem:s2] =	stream.indirect.scatter.add.f32 [tilespmem:s28], [sflag:$0x4], $0x80, s9, s24, $0xb8;
	[tilespmem:$0x1D800] =	vst v63  }
0xeb: {  	_ =	swait.ge [sflag:s3], $0x4000  }
0xec: {  	[sflag:s3] =	ssyncset.done $0x0  }
0xed: {  	s10 =	simm.s32 $0x580;
	[sflag:s3] =	ssyncadd.s32 $0xFFFFC000  }
0xee: {  	[tilespmem:s28], [sflag:$0x2] =	stream.indirect.gather [hbm4b:s1+s24], $0x80, s10, s24, $0xb8;
	[tilespmem:$0x1D800] =	vst v63  }
0xef: {  	_ =	swait.ge [sflag:s29], $0x4000  }
0xf0: {  	[sflag:s29] =	ssyncset.done $0x0  }
0xf1: {  	s11 =	simm.s32 $0x1100;
	[sflag:s29] =	ssyncadd.s32 $0xFFFFC000  }
0xf2: {  	[spmem:s2] =	stream.indirect.scatter.add.f32 [tilespmem:s25], [sflag:$0x3], $0x80, s11, s24, $0xb8;
	[tilespmem:$0x1D800] =	vst v63  }
0xf3: {  	_ =	swait.ge [sflag:s26], $0x4000  }
0xf4: {  	[sflag:s26] =	ssyncset.done $0x0  }
0xf5: {  	s9 =	simm.s32 $0x600;
	[sflag:s26] =	ssyncadd.s32 $0xFFFFC000  }
0xf6: {  	[tilespmem:s25], [sflag:$0x1] =	stream.indirect.gather [hbm4b:s1+s24], $0x80, s9, s24, $0xb8;
	[tilespmem:$0x1D800] =	vst v63  }
0xf7: {  	_ =	swait.ge [sflag:s31], $0x4000  }
0xf8: {  	[sflag:s31] =	ssyncset.done $0x0  }
0xf9: {  	s10 =	simm.s32 $0x1180;
	[sflag:s31] =	ssyncadd.s32 $0xFFFFC000  }
0xfa: {  	[spmem:s2] =	stream.indirect.scatter.add.f32 [tilespmem:s28], [sflag:$0x4], $0x80, s10, s24, $0xb8;
	[tilespmem:$0x1D800] =	vst v63  }
0xfb: {  	_ =	swait.ge [sflag:s3], $0x4000  }
0xfc: {  	[sflag:s3] =	ssyncset.done $0x0  }
0xfd: {  	s11 =	simm.s32 $0x680;
	[sflag:s3] =	ssyncadd.s32 $0xFFFFC000  }
0xfe: {  	[tilespmem:s28], [sflag:$0x2] =	stream.indirect.gather [hbm4b:s1+s24], $0x80, s11, s24, $0xb8;
	[tilespmem:$0x1D800] =	vst v63  }
0xff: {  	_ =	swait.ge [sflag:s29], $0x4000  }
0x100: {  	[sflag:s29] =	ssyncset.done $0x0  }
0x101: {  	s9 =	simm.s32 $0x1200;
	[sflag:s29] =	ssyncadd.s32 $0xFFFFC000  }
0x102: {  	[spmem:s2] =	stream.indirect.scatter.add.f32 [tilespmem:s25], [sflag:$0x3], $0x80, s9, s24, $0xb8;
	[tilespmem:$0x1D800] =	vst v63  }
0x103: {  	_ =	swait.ge [sflag:s26], $0x4000  }
0x104: {  	[sflag:s26] =	ssyncset.done $0x0  }
0x105: {  	s10 =	simm.s32 $0x700;
	[sflag:s26] =	ssyncadd.s32 $0xFFFFC000  }
0x106: {  	[tilespmem:s25], [sflag:$0x1] =	stream.indirect.gather [hbm4b:s1+s24], $0x80, s10, s24, $0xb8;
	[tilespmem:$0x1D800] =	vst v63  }
0x107: {  	_ =	swait.ge [sflag:s31], $0x4000  }
0x108: {  	[sflag:s31] =	ssyncset.done $0x0  }
0x109: {  	s11 =	simm.s32 $0x1280;
	[sflag:s31] =	ssyncadd.s32 $0xFFFFC000  }
0x10a: {  	[spmem:s2] =	stream.indirect.scatter.add.f32 [tilespmem:s28], [sflag:$0x4], $0x80, s11, s24, $0xb8;
	[tilespmem:$0x1D800] =	vst v63  }
0x10b: {  	_ =	swait.ge [sflag:s3], $0x4000  }
0x10c: {  	[sflag:s3] =	ssyncset.done $0x0  }
0x10d: {  	s9 =	simm.s32 $0x780;
	[sflag:s3] =	ssyncadd.s32 $0xFFFFC000  }
0x10e: {  	[tilespmem:s28], [sflag:$0x2] =	stream.indirect.gather [hbm4b:s1+s24], $0x80, s9, s24, $0xb8;
	[tilespmem:$0x1D800] =	vst v63  }
0x10f: {  	_ =	swait.ge [sflag:s29], $0x4000  }
0x110: {  	[sflag:s29] =	ssyncset.done $0x0  }
0x111: {  	s10 =	simm.s32 $0x1300;
	[sflag:s29] =	ssyncadd.s32 $0xFFFFC000  }
0x112: {  	[spmem:s2] =	stream.indirect.scatter.add.f32 [tilespmem:s25], [sflag:$0x3], $0x80, s10, s24, $0xb8;
	[tilespmem:$0x1D800] =	vst v63  }
0x113: {  	_ =	swait.ge [sflag:s26], $0x4000  }
0x114: {  	[sflag:s26] =	ssyncset.done $0x0  }
0x115: {  	[sflag:s26] =	ssyncadd.s32 $0xFFFFC000  }
0x116: {  	_ =	swait.ge [sflag:s31], $0x4000  }
0x117: {  	[sflag:s31] =	ssyncset.done $0x0  }
0x118: {  	s11 =	simm.s32 $0x1380;
	[sflag:s31] =	ssyncadd.s32 $0xFFFFC000  }
0x119: {  	[spmem:s2] =	stream.indirect.scatter.add.f32 [tilespmem:s28], [sflag:$0x4], $0x80, s11, s24, $0xb8;
	[tilespmem:$0x1D800] =	vst v63  }
0x11a: {  	_ =	swait.ge [sflag:s3], $0x4000  }
0x11b: {  	[sflag:s3] =	ssyncset.done $0x0  }
0x11c: {  	[sflag:s3] =	ssyncadd.s32 $0xFFFFC000  }
0x11d: {  	s8 =	sshrl.u32 @p0 s7, $0x3;
	s9 =	simm.s32 @p0 $0x1FC5;
	[bflag:$0x0] =	sbarrier.arrive $0xFFFF  }
0x11e: {  	[hbm:s20], [sflag:s9] =	dma.local @p0 [spmem:s8], $0x2080  }
0x11f: {  	s8 =	simm.s32 @p0 $0x5  }
0x120: {  	s6 =	sadd.s32 $0x1, s6;
	s9 =	stileid.u32;
	_ =	swait.ge @p0 [sflag:s8], $0x2080  }
0x121: {  	p1 =	sne.s32 s6, s21;
	s9 =	sshll.u32 @!p0 s9, $0x6;
	[sflag:s8] =	ssyncset.done @p0 $0x0  }
0x122: {  	[sflag:s8] =	ssyncadd.s32 @p0 $0xFFFFDF80;
	s8 =	sor.u32 @!p0 $0x1C05, s9;
	s9 =	sshrl.u32 @!p0 s5, $0x3  }
0x123: {  	[hbm:s19], [sflag:s8] =	dma.local @!p0 [spmem:s9], $0x2780  }
.Ltmp2:
0x124: {  	_ = 	snop;
	(pc) =	sbr.rel @p1 .LBB2_1-.Ltmp2, $4  }
0x125: {  	s8 =	simm.s32 @!p0 $0x5  }
0x126: {  	_ =	swait.ge @!p0 [sflag:s8], $0x2780  }
0x127: {  	[sflag:s8] =	ssyncset.done @!p0 $0x0  }
0x128: {  	[sflag:s8] =	ssyncadd.s32 @!p0 $0xFFFFD880  }
0x129: {  	_ =	sfence.sel $0x180000  }
0x12a: {  	[bflag:$0x0] =	sbarrier.arrive $0xFFFF  }
0x12b: {  	_ =	strace $0x9000004D  }
0x12c: {  	s0 =	stileid.u32;
	[bflag:$0x2] =	sbarrier.arrive $0xFFFF  }
0x12d: {  	p0 =	sne.s32 s0, $0x0;
	s0 =	rddreg [dreg:$0x4]  }
0x12e: {  	s0 =	sadd.s32 @!p0 $0x100000, s0  }
0x12f: {  	[sflag:s0] =	ssyncadd.tile.s32 @!p0 $0x1;
	_ =	shalt  }
.Lfunc_end2:
_tile_overlayer_lowered:
.L_overlay_start_2:
0x130: {  	(tag) =	ssettag $0x2  }
0x131: {  	s0 =	rddreg [dreg:$0x0];
	s2 =	stileid.u32  }
0x132: {  	s1 =	rddreg [dreg:$0x1];
	p0 =	sne.s32 s2, $0x0  }
0x133: {  	s3 =	rddreg [dreg:$0x2];
	[bflag:$0x3] =	sbarrier.arrive $0xFFFF;
	s2 =	simm.s32 @!p0 $0x1C05  }
0x134: {  	[timem:s3], [sflag:s2] =	dma.local @!p0 [hbm:s0], s1  }
0x135: {  	s0 =	simm.s32 @!p0 $0x5  }
0x136: {  	_ =	swait.ge @!p0 [sflag:s0], s1  }
0x137: {  	s1 =	ssub.s32 @!p0 $0x0, s1;
	[sflag:s0] =	ssyncset.done @!p0 $0x0  }
0x138: {  	[sflag:s0] =	ssyncadd.s32 @!p0 s1  }
0x139: {  	[bflag:$0x3] =	sbarrier.arrive $0xFFFF  }
0x13a: {  	_ =	shalt  }

// kernel: kernel.19.cloned.1.call-start
scs
__scs_entry_jumppad:
0x0: {  	(pc) =	sbr.rel $0x88, $3  }
0x1: {  	(tag) =	ssettag $0x0;
	lr =	simm.s32 $0x1  }
0x2: {  	[smem:$0x3F99] =	sst lr;
	_ =	strace $0xD0000000  }
0x3: {  	_ = 	snop  }
0x4: {  	_ = 	snop  }
0x5: {  	_ = 	snop  }
0x6: {  	_ = 	snop  }
0x7: {  	_ = 	snop  }
__scs_overlays_trampoline_lowered:
0x8: {  	[smem:$0x3FA8] =	sst s0  }
0x9: {  	[smem:$0x3FA9] =	sst s1  }
0xa: {  	[smem:$0x3FAA] =	sst s2  }
0xb: {  	[smem:$0x3FAB] =	sst s3  }
0xc: {  	[smem:$0x3FAC] =	sst s4  }
0xd: {  	[smem:$0x3FAD] =	sst s5  }
0xe: {  	[smem:$0x3FAE] =	sst s6  }
0xf: {  	[smem:$0x3FAF] =	sst s7  }
0x10: {  	[smem:$0x3FB0] =	sst s8  }
0x11: {  	[smem:$0x3FB1] =	sst s9;
	s0 =	simm.s32 @!p0 $0x0  }
0x12: {  	s1 =	sld [smem:$0x3F97];
	s0 =	simm.s32 @p0 $0x1  }
0x13: {  	[smem:$0x3FB2] =	sst s0;
	s0 =	simm.s32 @!p1 $0x0  }
0x14: {  	s2 =	sld [smem:$0x3F96];
	s0 =	simm.s32 @p1 $0x1  }
0x15: {  	[smem:$0x3FB3] =	sst s0;
	s0 =	simm.s32 @!p2 $0x0  }
0x16: {  	s3 =	sld [smem:$0x3FDB];
	s0 =	simm.s32 @p2 $0x1  }
0x17: {  	s4 =	simm.s32 $0x1BF5;
	[smem:$0x3FB5] =	sst s0  }
0x18: {  	s0 =	sld [smem:$0x3F98];
	_ =	swait.ge [sflag:s4], $0x0  }
0x19: {  	s7 =	sld [smem:$0x3F99]  }
0x1a: {  	s8 =	sadd.s32 $0xFFFFE003, lr  }
0x1b: {  	s9 =	sadd.s32 $0xFFFFFEF7, lr;
	s5 =	simm.s32 $0xFFFFFFFF;
	p2 =	slt.u32 s8, $0xFFFFF086  }
0x1c: {  	p1 =	slt.u32 s9, $0xF7A;
	s5 =	simm.s32 @!p2 $0x0  }
0x1d: {  	s5 =	simm.s32 @p1 $0x1;
	p0 =	seq.s32 s7, s2  }
0x1e: {  	s7 =	smul.u32 @!p0 $0xF7A, s2;
	p2 =	seq.s32 @!p0 s5, $0x0  }
0x1f: {  	s9 =	smul.u32 $0xF7A, s1;
	s8 =	simm.s32 @!p0 $0x1BF5;
	p2 =	por !p2, p0  }
0x20: {  	[sflag:s8] =	ssyncset.s32 @!p0 $0xFFFFF086;
	s6 =	sadd.s32 @!p0 s3, s7;
	s7 =	simm.s32 @!p0 $0x108  }
0x21: {  	s3 =	sadd.s32 s3, s9;
	s6 =	sadd.s32 @!p0 $0x88, s6;
	s7 =	simm.s32 @p2 $0x1082  }
0x22: {  	[simem:s7], [sflag:s8] =	dma.local @!p0 [hbm:s6], $0xF7A  }
0x23: {  	s9 =	sor.u32 $0xD0000000, s2;
	s6 =	simm.s32 $0x108;
	_ =	swait.ge @!p0 [sflag:s8], $0x0  }
0x24: {  	s3 =	sadd.s32 $0x88, s3;
	s6 =	simm.s32 @!p1 $0x1082;
	[sflag:s4] =	ssyncset.s32 $0xFFFFF086  }
0x25: {  	[simem:s6], [sflag:s4] =	dma.local [hbm:s3], $0xF7A  }
0x26: {  	[smem:$0x3F99] =	sst s1;
	(tag) =	ssettag s2;
	_ =	strace s9  }
0x27: {  	s1 =	sld [smem:$0x3FA9]  }
0x28: {  	s2 =	sld [smem:$0x3FAA]  }
0x29: {  	s4 =	sld [smem:$0x3FAC]  }
0x2a: {  	p0 =	seq.s32 s5, $0x0;
	s5 =	sld [smem:$0x3FAD]  }
0x2b: {  	s6 =	sld [smem:$0x3FAE]  }
0x2c: {  	s7 =	sld [smem:$0x3FAF]  }
0x2d: {  	s3 =	simm.s32 $0x108;
	s8 =	sld [smem:$0x3FB0]  }
0x2e: {  	s3 =	simm.s32 @!p0 $0x1082;
	s9 =	sld [smem:$0x3FB1]  }
0x2f: {  	lr =	sadd.s32 s0, s3;
	s0 =	sld [smem:$0x3FA8]  }
0x30: {  	s3 =	sld [smem:$0x3FAB]  }
0x31: {  	[smem:$0x3FB4] =	sst s10  }
0x32: {  	s10 =	sld [smem:$0x3FB2];
	_ =	sdelay $0x3  }
0x33: {  	p0 =	seq.s32 s10, $0x1;
	s10 =	sld [smem:$0x3FB4];
	_ =	sdelay $0x3  }
0x34: {  	[smem:$0x3FB4] =	sst s10  }
0x35: {  	s10 =	sld [smem:$0x3FB3];
	_ =	sdelay $0x3  }
0x36: {  	p1 =	seq.s32 s10, $0x1;
	s10 =	sld [smem:$0x3FB4];
	_ =	sdelay $0x3  }
0x37: {  	[smem:$0x3FB4] =	sst s10  }
0x38: {  	s10 =	sld [smem:$0x3FB5]  }
0x39: {  	_ = 	snop;
	(pc) =	sbr.ind lr, $3  }
0x3a: {  	_ = 	snop  }
0x3b: {  	_ = 	snop  }
0x3c: {  	p2 =	seq.s32 s10, $0x1;
	s10 =	sld [smem:$0x3FB4]  }
0x3d: {  	_ =	shalt  }
0x3e: {  	_ =	shalt  }
0x3f: {  	_ =	shalt  }
0x40: {  	_ =	shalt  }
0x41: {  	_ =	shalt  }
0x42: {  	_ =	shalt  }
0x43: {  	_ =	shalt  }
0x44: {  	_ =	shalt  }
0x45: {  	_ =	shalt  }
0x46: {  	_ =	shalt  }
0x47: {  	_ =	shalt  }
0x48: {  	_ =	shalt  }
0x49: {  	_ =	shalt  }
0x4a: {  	_ =	shalt  }
0x4b: {  	_ =	shalt  }
0x4c: {  	_ =	shalt  }
0x4d: {  	_ =	shalt  }
0x4e: {  	_ =	shalt  }
0x4f: {  	_ =	shalt  }
0x50: {  	_ =	shalt  }
0x51: {  	_ =	shalt  }
0x52: {  	_ =	shalt  }
0x53: {  	_ =	shalt  }
0x54: {  	_ =	shalt  }
0x55: {  	_ =	shalt  }
0x56: {  	_ =	shalt  }
0x57: {  	_ =	shalt  }
0x58: {  	_ =	shalt  }
0x59: {  	_ =	shalt  }
0x5a: {  	_ =	shalt  }
0x5b: {  	_ =	shalt  }
0x5c: {  	_ =	shalt  }
0x5d: {  	_ =	shalt  }
0x5e: {  	_ =	shalt  }
0x5f: {  	_ =	shalt  }
0x60: {  	_ =	shalt  }
0x61: {  	_ =	shalt  }
0x62: {  	_ =	shalt  }
0x63: {  	_ =	shalt  }
0x64: {  	_ =	shalt  }
0x65: {  	_ =	shalt  }
0x66: {  	_ =	shalt  }
0x67: {  	_ =	shalt  }
0x68: {  	_ =	shalt  }
0x69: {  	_ =	shalt  }
0x6a: {  	_ =	shalt  }
0x6b: {  	_ =	shalt  }
0x6c: {  	_ =	shalt  }
0x6d: {  	_ =	shalt  }
0x6e: {  	_ =	shalt  }
0x6f: {  	_ =	shalt  }
0x70: {  	_ =	shalt  }
0x71: {  	_ =	shalt  }
0x72: {  	_ =	shalt  }
0x73: {  	_ =	shalt  }
0x74: {  	_ =	shalt  }
0x75: {  	_ =	shalt  }
0x76: {  	_ =	shalt  }
0x77: {  	_ =	shalt  }
0x78: {  	_ =	shalt  }
0x79: {  	_ =	shalt  }
0x7a: {  	_ =	shalt  }
0x7b: {  	_ =	shalt  }
0x7c: {  	_ =	shalt  }
0x7d: {  	_ =	shalt  }
0x7e: {  	_ =	shalt  }
0x7f: {  	_ =	shalt  }
0x80: {  	_ =	shalt  }
0x81: {  	_ =	shalt  }
0x82: {  	_ =	shalt  }
0x83: {  	_ =	shalt  }
0x84: {  	_ =	shalt  }
0x85: {  	_ =	shalt  }
0x86: {  	_ =	shalt  }
0x87: {  	_ =	shalt  }
.Lfunc_end0:
.L_simem_size_0:
called_computation.3_lowered:
.L_overlay_start_0:
0x88: {  	s2 =	sld [smem:$0x3FD9]  }
0x89: {  	s3 =	sld [smem:$0x3FFE];
	_ =	sdelay $0x1  }
0x8a: {  	s1 =	srdreg.scid  }
0x8b: {  	s0 =	sand.u32 $0x1, s1  }
0x8c: {  	s14 =	sshll.u32 s0, $0xA;
	s2 =	sadd.s32 s3, s2  }
0x8d: {  	s2 =	sadd.s32 s2, s14  }
0x8e: {  	[smem:$0x3FC0] =	sst s2  }
0x8f: {  	_ = 	snop  }
0x90: {  	s2 =	sld [smem:$0x3FD0];
	_ =	sdelay $0x2  }
0x91: {  	s15 =	simm.s32 $0xA;
	s4 =	simm.s32 $0x10  }
0x92: {  	[smem:s4], [sflag:s15] =	dma.local [hbm:s2], $0x1  }
0x93: {  	_ =	swait.eq [sflag:s15], $0x1  }
0x94: {  	[sflag:s15] =	ssyncset.done $0x0  }
0x95: {  	[sflag:s15] =	ssyncadd.s32 $0xFFFFFFFF  }
0x96: {  	s16 =	sld [smem:$0x10];
	(tm) =	ssettm $0x1  }
0x97: {  	s17 =	sld [smem:$0x3FFB];
	_ =	sdelay $0x3  }
0x98: {  	_ =	strace s17  }
0x99: {  	s3 =	sld [smem:$0x3FFC];
	_ =	sdelay $0x3  }
0x9a: {  	_ =	strace s3  }
0x9b: {  	s3 =	sld [smem:$0x3FFD];
	_ =	sdelay $0x3  }
0x9c: {  	_ =	strace s3  }
0x9d: {  	_ =	strace $0x8FFFFFFF  }
0x9e: {  	s18 =	sld [smem:$0x3FDB];
	_ =	sdelay $0x1  }
0x9f: {  	s19 =	simm.s32 $_scs_section_size  }
0xa0: {  	s5 =	simm.s32 $_size__tile_overlayer_lowered;
	s6 =	simm.s32 $_tile_overlayer_lowered  }
0xa1: {  	s22 =	simm.s32 $0x1BFF;
	s21 =	sshll.u32 s6, $0x1;
	s3 =	sadd.s32 s19, s18  }
0xa2: {  	s7 =	simm.s32 $0x0;
	s20 =	sshll.u32 s5, $0x1;
	s5 =	sadd.s32 s21, s3  }
0xa3: {  	[timem:s7], [sflag:s22] =	dma.local [hbm:s5], s20  }
0xa4: {  	_ =	swait.ge [sflag:s22], s20  }
0xa5: {  	s4 =	ssub.s32 $0x0, s20;
	[sflag:s22] =	ssyncset.done $0x0  }
0xa6: {  	[sflag:s22] =	ssyncadd.s32 s4;
	_ =	sdelay $0x1  }
0xa7: {  	s23 =	simm.s32 $0x1B8B  }
0xa8: {  	_ =	swait.ge [sflag:s23], $0x1  }
0xa9: {  	[sflag:s23] =	ssyncset.done $0x0  }
0xaa: {  	s25 =	simm.s32 $0x1B8E;
	s24 =	sld [smem:$0x3FFE];
	[sflag:s23] =	ssyncadd.s32 $0xFFFFFFFF  }
0xab: {  	s26 =	simm.s32 $execute0_lowered;
	[smem:$0x3FD2] =	sst s25  }
0xac: {  	s5 =	sshll.u32 s26, $0x1;
	_ =	strace $0x8000004F;
	[dreg:$0x1] =	wrdreg $0xFFFFFFFF  }
0xad: {  	s28 =	simm.s32 $_size_execute0_lowered;
	s3 =	sadd.s32 s3, s5;
	[dreg:$0x0] =	wrdreg $0x0  }
0xae: {  	s5 =	sshll.u32 s28, $0x1;
	[dreg:$0x2] =	wrdreg s3  }
0xaf: {  	[dreg:$0x3] =	wrdreg s5  }
0xb0: {  	[dreg:$0x4] =	wrdreg $0xC0  }
0xb1: {  	_ =	task [dreg:s7], $0x5FFFF  }
0xb2: {  	[dreg:$0x1] =	wrdreg $0xFFFFFFFF  }
0xb3: {  	[dreg:$0x0] =	wrdreg $0x60  }
0xb4: {  	[dreg:$0x2] =	wrdreg s24  }
0xb5: {  	[dreg:$0x3] =	wrdreg s16  }
0xb6: {  	[dreg:$0x4] =	wrdreg $0x98000  }
0xb7: {  	[dreg:$0x5] =	wrdreg $0x9  }
0xb8: {  	_ =	task.clear_ibuf [dreg:s7], $0x6FFFF;
	_ =	strace $0x9000004F  }
0xb9: {  	s29 =	simm.s32 $0x9;
	_ =	strace $0x80000051  }
0xba: {  	_ =	swait.ge [sflag:s29], $0x1  }
0xbb: {  	[sflag:s29] =	ssyncadd.s32 $0xFFFFFFFF  }
0xbc: {  	_ =	strace $0x90000051  }
0xbd: {  	_ =	sfence  }
0xbe: {  	s30 =	sld [smem:$0x0];
	_ =	sdelay $0x2  }
0xbf: {  	s31 =	sshll.u32 s1, $0xD;
	s1 =	sshrl.u32 s1, $0x2  }
0xc0: {  	s3 =	sand.u32 $0x4000, s31;
	s1 =	sadd.s32 s1, s30  }
0xc1: {  	s0 =	sor.u32 s3, s0;
	s1 =	sshll.u32 s1, $0x11  }
0xc2: {  	s0 =	sor.u32 s1, s0  }
0xc3: {  	s0 =	sadd.s32 $0x8F2B, s0  }
0xc4: {  	[sflag:s0] =	ssyncadd.remote.s32 $0x1  }
0xc5: {  	_ =	sfence.sel $0xFFFF  }
0xc6: {  	[dreg:$0x0] =	wrdreg $0xFFFFFFFF;
	(pc) =	sbr.abs _section_cstart, $3  }
0xc7: {  	[dreg:$0x1] =	wrdreg $0xFFFFFFFF  }
0xc8: {  	_ =	task.clear_ibuf [dreg:s7], $0x2FFFF;
	_ =	strace $0x9FFFFFFF  }
0xc9: {  	(tm) =	ssettm $0x7FFFFFFF  }
tec
execute0_lowered:
.L_overlay_start_1:
0x0: {  	(tag) =	ssettag $0x1  }
0x1: {  	s0 =	rddreg [dreg:$0x0]  }
0x2: {  	s2 =	rddreg [dreg:$0x1]  }
0x3: {  	s1 =	rddreg [dreg:$0x2];
	s3 =	simm.s32 $0x0  }
0x4: {  	s5 =	srdreg.scid;
	s11 =	stileid.u32;
	s28 =	simm.s32 $0x5800  }
0x5: {  	s29 =	simm.s32 $0x1;
	s30 =	simm.s32 $0x100;
	s31 =	simm.s32 $0x2  }
0x6: {  	[smem:$0x7FF] =	sst s3;
	s4 =	sadd.s32 $0x5B600, s0;
	s20 =	smul.u32 $0x4F000, s11  }
0x7: {  	s8 =	sadd.s32 $0x56600, s0;
	s0 =	sadd.s32 $0x3400, s0;
	s22 =	sadd.s32 $0x12C400, s1  }
0x8: {  	s6 =	sand.u32 $0x1, s5;
	s24 =	sadd.s32 $0x130400, s1;
	s13 =	sadd.s32 $0x134400, s1  }
0x9: {  	s19 =	smul.u32 $0x2780, s11;
	s14 =	sadd.s32 $0x138400, s1;
	p0 =	seq.s32 s11, $0xF  }
0xa: {  	_ =	strace $0x80000050;
	s7 =	ssub.s32 $0x2, s6;
	[dreg:$0x6] =	wrdreg s22  }
0xb: {  	s10 =	sshll.u32 s6, $0x4;
	[dreg:$0x8] =	wrdreg s24;
	s18 =	smul.u32 $0x27100, s6  }
0xc: {  	s6 =	smul.u32 $0x138800, s6;
	s22 =	simm.s32 $0x5;
	s24 =	simm.s32 $0x80  }
0xd: {  	s9 =	sshrl.u32 s7, $0x1;
	s5 =	sshrl.u32 s20, $0x2;
	s10 =	sor.u32 s11, s10  }
0xe: {  	s9 =	ssub.s32 s7, s9;
	s5 =	sadd.s32 s5, s1;
	s16 =	smul.u32 $0x280, s10  }
0xf: {  	s7 =	sadd.s32 $0x128400, s1;
	s10 =	smul.u32 $0x1400, s10;
	s25 =	sadd.s32 s19, s18  }
0x10: {  	s6 =	sshrl.u32 s6, $0x3;
	s21 =	sadd.s32 $0x4000, s5;
	s12 =	sadd.s32 $0x8000, s5  }
0x11: {  	s23 =	sadd.s32 $0xC000, s5;
	s19 =	sadd.s32 s2, s25;
	[dreg:$0x4] =	wrdreg s21  }
0x12: {  	s26 =	sadd.s32 s2, s6;
	s25 =	simm.s32 $0x1800;
	[dreg:$0x5] =	wrdreg s12  }
0x13: {  	s2 =	simm.s32 $0x4;
	s6 =	simm.s32 $0x0;
	[dreg:$0x7] =	wrdreg s23  }
0x14: {  	s12 =	sadd.s32 $0x10000, s5;
	s10 =	sshrl.u32 s10, $0x3;
	s15 =	sadd.s32 s8, s16  }
0x15: {  	s16 =	sadd.s32 s0, s16;
	s20 =	sadd.s32 $0x25080, s26;
	s21 =	smax.u32 s9, $0x1  }
0x16: {  	s23 =	simm.s32 $0xC00;
	s26 =	simm.s32 $0x3;
	s10 =	sadd.s32 $0x180, s10  }
0x17: {  	v0 =	vimm.f32 $0.0e+00;
	s17 =	sadd.s32 s8, s10;
	s18 =	sadd.s32 s0, s10;
	s0 =	simm.s32 $0xC80  }
.LBB2_1:
0x18: {  	s8 =	sand.u32 $0xFE00, s3  }
0x19: {  	s9 =	sand.u32 $0x70, s3;
	s10 =	sshrl.u32 s8, $0x2  }
0x1a: {  	s8 =	simm.s32 $0x40;
	s10 =	sor.u32 s9, s10;
	s9 =	simm.s32 $0x0  }
.LBB2_2:
0x1b: {  	p1 =	sne.s32 s8, $0xFFC0  }
0x1c: {  	[tilespmem:s10+$0x5800] =	vst v0;
	s9 =	sadd.s32 $0x10, s9;
	s10 =	smov.u32 s8;
	s8 =	sadd.s32 $0x40, s8  }
.Ltmp0:
0x1d: {  	(pc) =	sbr.rel @p1 .LBB2_2-.Ltmp0, $4  }
0x1e: {  	_ = 	snop  }
0x1f: {  	s10 =	sand.u32 $0xFE00, s10  }
0x20: {  	s11 =	sand.u32 $0x70, s9;
	s10 =	sshrl.u32 s10, $0x2  }
0x21: {  	s10 =	sor.u32 s11, s10  }
0x22: {  	[tilespmem:s10+$0x5800] =	vst v0;
	s8 =	simm.s32 @p0 $0x5800  }
0x23: {  	[spmem:s7] =	stream.linear.scatter @p0 [tilespmem:s8], [sflag:$0x3], $0x4000, $0x38;
	[tilespmem:$0x1D800] =	vst v63  }
0x24: {  	s9 =	rddreg [dreg:$0x6]  }
0x25: {  	[spmem:s9] =	stream.linear.scatter @p0 [tilespmem:s8], [sflag:$0x3], $0x4000, $0x38;
	[tilespmem:$0x1D800] =	vst v63  }
0x26: {  	s9 =	rddreg [dreg:$0x8]  }
0x27: {  	[spmem:s9] =	stream.linear.scatter @p0 [tilespmem:s8], [sflag:$0x3], $0x4000, $0x38;
	[tilespmem:$0x1D800] =	vst v63  }
0x28: {  	_ = 	snop  }
0x29: {  	[spmem:s13] =	stream.linear.scatter @p0 [tilespmem:s8], [sflag:$0x3], $0x4000, $0x38;
	[tilespmem:$0x1D800] =	vst v63  }
0x2a: {  	_ = 	snop  }
0x2b: {  	[spmem:s14] =	stream.linear.scatter @p0 [tilespmem:s8], [sflag:$0x3], $0x400, $0x38;
	[tilespmem:$0x1D800] =	vst v63  }
0x2c: {  	s8 =	simm.s32 @!p0 $0x5800  }
0x2d: {  	[spmem:s5] =	stream.linear.scatter @!p0 [tilespmem:s8], [sflag:$0x3], $0x4000, $0x38;
	[tilespmem:$0x1D800] =	vst v63  }
0x2e: {  	s9 =	rddreg [dreg:$0x4]  }
0x2f: {  	[spmem:s9] =	stream.linear.scatter @!p0 [tilespmem:s8], [sflag:$0x3], $0x4000, $0x38;
	[tilespmem:$0x1D800] =	vst v63  }
0x30: {  	s9 =	rddreg [dreg:$0x5]  }
0x31: {  	[spmem:s9] =	stream.linear.scatter @!p0 [tilespmem:s8], [sflag:$0x3], $0x4000, $0x38;
	[tilespmem:$0x1D800] =	vst v63  }
0x32: {  	s9 =	rddreg [dreg:$0x7]  }
0x33: {  	[spmem:s9] =	stream.linear.scatter @!p0 [tilespmem:s8], [sflag:$0x3], $0x4000, $0x38;
	[tilespmem:$0x1D800] =	vst v63  }
0x34: {  	_ = 	snop  }
0x35: {  	[spmem:s12] =	stream.linear.scatter @!p0 [tilespmem:s8], [sflag:$0x3], $0x3C00, $0x38;
	[tilespmem:$0x1D800] =	vst v63  }
0x36: {  	_ = 	snop  }
0x37: {  	[tilespmem:s3], [sflag:$0x5] =	stream.linear.gather [hbm4b:s15+s3], $0xC00, $0x38;
	[tilespmem:$0x1D800] =	vst v63  }
0x38: {  	_ =	swait.ge [sflag:s22], $0xC00  }
0x39: {  	[sflag:s22] =	ssyncset.done $0x0  }
0x3a: {  	[sflag:s22] =	ssyncadd.s32 $0xFFFFF400  }
0x3b: {  	[tilespmem:s23], [sflag:$0x5] =	stream.linear.gather [hbm4b:s16+s3], $0xC00, $0x38;
	[tilespmem:$0x1D800] =	vst v63  }
0x3c: {  	_ =	swait.ge [sflag:s22], $0xC00  }
0x3d: {  	[sflag:s22] =	ssyncset.done $0x0  }
0x3e: {  	[sflag:s22] =	ssyncadd.s32 $0xFFFFF400  }
0x3f: {  	[tilespmem:s25], [sflag:$0x1] =	stream.indirect.gather [hbm4b:s4+s24], $0x80, s3, s24, $0xb8;
	[tilespmem:$0x1D800] =	vst v63  }
0x40: {  	_ =	swait.ge [sflag:s26], $0x4000  }
0x41: {  	[sflag:s26] =	ssyncset.done $0x0  }
0x42: {  	[sflag:s26] =	ssyncadd.s32 $0xFFFFC000  }
0x43: {  	_ =	swait.ge [sflag:s26], $0x4000  }
0x44: {  	[sflag:s26] =	ssyncset.done $0x0  }
0x45: {  	[sflag:s26] =	ssyncadd.s32 $0xFFFFC000  }
0x46: {  	_ =	swait.ge [sflag:s26], $0x4000  }
0x47: {  	[sflag:s26] =	ssyncset.done $0x0  }
0x48: {  	[sflag:s26] =	ssyncadd.s32 $0xFFFFC000  }
0x49: {  	_ =	swait.ge [sflag:s26], $0x4000  }
0x4a: {  	[sflag:s26] =	ssyncset.done $0x0  }
0x4b: {  	s8 =	simm.s32 @p0 $0x3;
	[sflag:s26] =	ssyncadd.s32 $0xFFFFC000  }
0x4c: {  	_ =	swait.ge @p0 [sflag:s8], $0x400  }
0x4d: {  	[sflag:s8] =	ssyncset.done @p0 $0x0  }
0x4e: {  	[sflag:s8] =	ssyncadd.s32 @p0 $0xFFFFFC00;
	s8 =	simm.s32 @!p0 $0x3  }
0x4f: {  	_ =	swait.ge @!p0 [sflag:s8], $0x3C00  }
0x50: {  	[sflag:s8] =	ssyncset.done @!p0 $0x0  }
0x51: {  	[sflag:s8] =	ssyncadd.s32 @!p0 $0xFFFFC400  }
0x52: {  	[bflag:$0x0] =	sbarrier.arrive $0xFFFF  }
0x53: {  	[tilespmem:s28], [sflag:$0x2] =	stream.indirect.gather [hbm4b:s4+s24], $0x80, s24, s24, $0xb8;
	[tilespmem:$0x1D800] =	vst v63  }
0x54: {  	_ =	swait.ge [sflag:s29], $0x4000  }
0x55: {  	[sflag:s29] =	ssyncset.done $0x0  }
0x56: {  	[sflag:s29] =	ssyncadd.s32 $0xFFFFC000  }
0x57: {  	[spmem:s1] =	stream.indirect.scatter.add.f32 [tilespmem:s25], [sflag:$0x3], $0x80, s23, s24, $0xb8;
	[tilespmem:$0x1D800] =	vst v63  }
0x58: {  	_ =	swait.ge [sflag:s26], $0x4000  }
0x59: {  	[sflag:s26] =	ssyncset.done $0x0  }
0x5a: {  	[sflag:s26] =	ssyncadd.s32 $0xFFFFC000  }
0x5b: {  	[tilespmem:s25], [sflag:$0x1] =	stream.indirect.gather [hbm4b:s4+s24], $0x80, s30, s24, $0xb8;
	[tilespmem:$0x1D800] =	vst v63  }
0x5c: {  	_ =	swait.ge [sflag:s31], $0x4000  }
0x5d: {  	[sflag:s31] =	ssyncset.done $0x0  }
0x5e: {  	[sflag:s31] =	ssyncadd.s32 $0xFFFFC000  }
0x5f: {  	[spmem:s1] =	stream.indirect.scatter.add.f32 [tilespmem:s28], [sflag:$0x4], $0x80, s0, s24, $0xb8;
	[tilespmem:$0x1D800] =	vst v63  }
0x60: {  	_ =	swait.ge [sflag:s2], $0x4000  }
0x61: {  	[sflag:s2] =	ssyncset.done $0x0  }
0x62: {  	s9 =	simm.s32 $0x180;
	[sflag:s2] =	ssyncadd.s32 $0xFFFFC000  }
0x63: {  	[tilespmem:s28], [sflag:$0x2] =	stream.indirect.gather [hbm4b:s4+s24], $0x80, s9, s24, $0xb8;
	[tilespmem:$0x1D800] =	vst v63  }
0x64: {  	_ =	swait.ge [sflag:s29], $0x4000  }
0x65: {  	[sflag:s29] =	ssyncset.done $0x0  }
0x66: {  	s10 =	simm.s32 $0xD00;
	[sflag:s29] =	ssyncadd.s32 $0xFFFFC000  }
0x67: {  	[spmem:s1] =	stream.indirect.scatter.add.f32 [tilespmem:s25], [sflag:$0x3], $0x80, s10, s24, $0xb8;
	[tilespmem:$0x1D800] =	vst v63  }
0x68: {  	_ =	swait.ge [sflag:s26], $0x4000  }
0x69: {  	[sflag:s26] =	ssyncset.done $0x0  }
0x6a: {  	s11 =	simm.s32 $0x200;
	[sflag:s26] =	ssyncadd.s32 $0xFFFFC000  }
0x6b: {  	[tilespmem:s25], [sflag:$0x1] =	stream.indirect.gather [hbm4b:s4+s24], $0x80, s11, s24, $0xb8;
	[tilespmem:$0x1D800] =	vst v63  }
0x6c: {  	_ =	swait.ge [sflag:s31], $0x4000  }
0x6d: {  	[sflag:s31] =	ssyncset.done $0x0  }
0x6e: {  	s8 =	simm.s32 $0xFFFFDC00;
	s9 =	simm.s32 $0xD80;
	[sflag:s31] =	ssyncadd.s32 $0xFFFFC000  }
.LBB2_4:
0x6f: {  	[spmem:s1] =	stream.indirect.scatter.add.f32 [tilespmem:s28], [sflag:$0x4], $0x80, s9, s24, $0xb8;
	[tilespmem:$0x1D800] =	vst v63  }
0x70: {  	s9 =	smov.u32 s8  }
0x71: {  	p1 =	sne.s32 s8, $0xFFFFFC00;
	s8 =	sadd.s32 $0x400, s8;
	_ =	swait.ge [sflag:s2], $0x4000  }
0x72: {  	s9 =	sshra.s32 s9, $0x2;
	[sflag:s2] =	ssyncset.done $0x0  }
0x73: {  	s10 =	sadd.s32 $0xB80, s9;
	[sflag:s2] =	ssyncadd.s32 $0xFFFFC000  }
0x74: {  	[tilespmem:s28], [sflag:$0x2] =	stream.indirect.gather [hbm4b:s4+s24], $0x80, s10, s24, $0xb8;
	[tilespmem:$0x1D800] =	vst v63  }
0x75: {  	_ =	swait.ge [sflag:s29], $0x4000  }
0x76: {  	[sflag:s29] =	ssyncset.done $0x0  }
0x77: {  	s10 =	sadd.s32 $0x1700, s9;
	[sflag:s29] =	ssyncadd.s32 $0xFFFFC000  }
0x78: {  	[spmem:s1] =	stream.indirect.scatter.add.f32 [tilespmem:s25], [sflag:$0x3], $0x80, s10, s24, $0xb8;
	[tilespmem:$0x1D800] =	vst v63  }
0x79: {  	_ =	swait.ge [sflag:s26], $0x4000  }
0x7a: {  	[sflag:s26] =	ssyncset.done $0x0  }
.Ltmp1:
0x7b: {  	s10 =	sadd.s32 $0xC00, s9;
	[sflag:s26] =	ssyncadd.s32 $0xFFFFC000;
	(pc) =	sbr.rel @p1 .LBB2_4-.Ltmp1, $4  }
0x7c: {  	[tilespmem:s25], [sflag:$0x1] =	stream.indirect.gather [hbm4b:s4+s24], $0x80, s10, s24, $0xb8;
	[tilespmem:$0x1D800] =	vst v63  }
0x7d: {  	_ =	swait.ge [sflag:s31], $0x4000  }
0x7e: {  	[sflag:s31] =	ssyncset.done $0x0  }
0x7f: {  	s9 =	sadd.s32 $0x1780, s9;
	[sflag:s31] =	ssyncadd.s32 $0xFFFFC000  }
0x80: {  	[spmem:s1] =	stream.indirect.scatter.add.f32 [tilespmem:s28], [sflag:$0x4], $0x80, s9, s24, $0xb8;
	[tilespmem:$0x1D800] =	vst v63  }
0x81: {  	_ =	swait.ge [sflag:s2], $0x4000  }
0x82: {  	[sflag:s2] =	ssyncset.done $0x0  }
0x83: {  	s8 =	simm.s32 $0xB80;
	[sflag:s2] =	ssyncadd.s32 $0xFFFFC000  }
0x84: {  	[tilespmem:s28], [sflag:$0x2] =	stream.indirect.gather [hbm4b:s4+s24], $0x80, s8, s24, $0xb8;
	[tilespmem:$0x1D800] =	vst v63  }
0x85: {  	_ =	swait.ge [sflag:s29], $0x4000  }
0x86: {  	[sflag:s29] =	ssyncset.done $0x0  }
0x87: {  	s10 =	simm.s32 $0x1700;
	[sflag:s29] =	ssyncadd.s32 $0xFFFFC000  }
0x88: {  	[spmem:s1] =	stream.indirect.scatter.add.f32 [tilespmem:s25], [sflag:$0x3], $0x80, s10, s24, $0xb8;
	[tilespmem:$0x1D800] =	vst v63  }
0x89: {  	_ =	swait.ge [sflag:s26], $0x4000  }
0x8a: {  	[sflag:s26] =	ssyncset.done $0x0  }
0x8b: {  	[sflag:s26] =	ssyncadd.s32 $0xFFFFC000  }
0x8c: {  	_ =	swait.ge [sflag:s31], $0x4000  }
0x8d: {  	[sflag:s31] =	ssyncset.done $0x0  }
0x8e: {  	s11 =	simm.s32 $0x1780;
	[sflag:s31] =	ssyncadd.s32 $0xFFFFC000  }
0x8f: {  	[spmem:s1] =	stream.indirect.scatter.add.f32 [tilespmem:s28], [sflag:$0x4], $0x80, s11, s24, $0xb8;
	[tilespmem:$0x1D800] =	vst v63  }
0x90: {  	_ =	swait.ge [sflag:s2], $0x4000  }
0x91: {  	[sflag:s2] =	ssyncset.done $0x0  }
0x92: {  	[sflag:s2] =	ssyncadd.s32 $0xFFFFC000  }
0x93: {  	[tilespmem:s3], [sflag:$0x5] =	stream.linear.gather [hbm4b:s17+s3], $0x800, $0x38;
	[tilespmem:$0x1D800] =	vst v63  }
0x94: {  	_ =	swait.ge [sflag:s22], $0x800  }
0x95: {  	[sflag:s22] =	ssyncset.done $0x0  }
0x96: {  	[sflag:s22] =	ssyncadd.s32 $0xFFFFF800  }
0x97: {  	[tilespmem:s23], [sflag:$0x5] =	stream.linear.gather [hbm4b:s18+s3], $0x800, $0x38;
	[tilespmem:$0x1D800] =	vst v63  }
0x98: {  	_ =	swait.ge [sflag:s22], $0x800  }
0x99: {  	[sflag:s22] =	ssyncset.done $0x0  }
0x9a: {  	[sflag:s22] =	ssyncadd.s32 $0xFFFFF800  }
0x9b: {  	[tilespmem:s25], [sflag:$0x1] =	stream.indirect.gather [hbm4b:s4+s24], $0x80, s3, s24, $0xb8;
	[tilespmem:$0x1D800] =	vst v63  }
0x9c: {  	_ = 	snop  }
0x9d: {  	[tilespmem:s28], [sflag:$0x2] =	stream.indirect.gather [hbm4b:s4+s24], $0x80, s24, s24, $0xb8;
	[tilespmem:$0x1D800] =	vst v63  }
0x9e: {  	_ =	swait.ge [sflag:s29], $0x4000  }
0x9f: {  	[sflag:s29] =	ssyncset.done $0x0  }
0xa0: {  	[sflag:s29] =	ssyncadd.s32 $0xFFFFC000  }
0xa1: {  	[spmem:s1] =	stream.indirect.scatter.add.f32 [tilespmem:s25], [sflag:$0x3], $0x80, s23, s24, $0xb8;
	[tilespmem:$0x1D800] =	vst v63  }
0xa2: {  	_ =	swait.ge [sflag:s26], $0x4000  }
0xa3: {  	[sflag:s26] =	ssyncset.done $0x0  }
0xa4: {  	[sflag:s26] =	ssyncadd.s32 $0xFFFFC000  }
0xa5: {  	[tilespmem:s25], [sflag:$0x1] =	stream.indirect.gather [hbm4b:s4+s24], $0x80, s30, s24, $0xb8;
	[tilespmem:$0x1D800] =	vst v63  }
0xa6: {  	_ =	swait.ge [sflag:s31], $0x4000  }
0xa7: {  	[sflag:s31] =	ssyncset.done $0x0  }
0xa8: {  	[sflag:s31] =	ssyncadd.s32 $0xFFFFC000  }
0xa9: {  	[spmem:s1] =	stream.indirect.scatter.add.f32 [tilespmem:s28], [sflag:$0x4], $0x80, s0, s24, $0xb8;
	[tilespmem:$0x1D800] =	vst v63  }
0xaa: {  	_ =	swait.ge [sflag:s2], $0x4000  }
0xab: {  	[sflag:s2] =	ssyncset.done $0x0  }
0xac: {  	s9 =	simm.s32 $0x180;
	[sflag:s2] =	ssyncadd.s32 $0xFFFFC000  }
0xad: {  	[tilespmem:s28], [sflag:$0x2] =	stream.indirect.gather [hbm4b:s4+s24], $0x80, s9, s24, $0xb8;
	[tilespmem:$0x1D800] =	vst v63  }
0xae: {  	_ =	swait.ge [sflag:s29], $0x4000  }
0xaf: {  	[sflag:s29] =	ssyncset.done $0x0  }
0xb0: {  	s10 =	simm.s32 $0xD00;
	[sflag:s29] =	ssyncadd.s32 $0xFFFFC000  }
0xb1: {  	[spmem:s1] =	stream.indirect.scatter.add.f32 [tilespmem:s25], [sflag:$0x3], $0x80, s10, s24, $0xb8;
	[tilespmem:$0x1D800] =	vst v63  }
0xb2: {  	_ =	swait.ge [sflag:s26], $0x4000  }
0xb3: {  	[sflag:s26] =	ssyncset.done $0x0  }
0xb4: {  	s11 =	simm.s32 $0x200;
	[sflag:s26] =	ssyncadd.s32 $0xFFFFC000  }
0xb5: {  	[tilespmem:s25], [sflag:$0x1] =	stream.indirect.gather [hbm4b:s4+s24], $0x80, s11, s24, $0xb8;
	[tilespmem:$0x1D800] =	vst v63  }
0xb6: {  	_ =	swait.ge [sflag:s31], $0x4000  }
0xb7: {  	[sflag:s31] =	ssyncset.done $0x0  }
0xb8: {  	s9 =	simm.s32 $0xD80;
	[sflag:s31] =	ssyncadd.s32 $0xFFFFC000  }
0xb9: {  	[spmem:s1] =	stream.indirect.scatter.add.f32 [tilespmem:s28], [sflag:$0x4], $0x80, s9, s24, $0xb8;
	[tilespmem:$0x1D800] =	vst v63  }
0xba: {  	_ =	swait.ge [sflag:s2], $0x4000  }
0xbb: {  	[sflag:s2] =	ssyncset.done $0x0  }
0xbc: {  	s10 =	simm.s32 $0x280;
	[sflag:s2] =	ssyncadd.s32 $0xFFFFC000  }
0xbd: {  	[tilespmem:s28], [sflag:$0x2] =	stream.indirect.gather [hbm4b:s4+s24], $0x80, s10, s24, $0xb8;
	[tilespmem:$0x1D800] =	vst v63  }
0xbe: {  	_ =	swait.ge [sflag:s29], $0x4000  }
0xbf: {  	[sflag:s29] =	ssyncset.done $0x0  }
0xc0: {  	s11 =	simm.s32 $0xE00;
	[sflag:s29] =	ssyncadd.s32 $0xFFFFC000  }
0xc1: {  	[spmem:s1] =	stream.indirect.scatter.add.f32 [tilespmem:s25], [sflag:$0x3], $0x80, s11, s24, $0xb8;
	[tilespmem:$0x1D800] =	vst v63  }
0xc2: {  	_ =	swait.ge [sflag:s26], $0x4000  }
0xc3: {  	[sflag:s26] =	ssyncset.done $0x0  }
0xc4: {  	s9 =	simm.s32 $0x300;
	[sflag:s26] =	ssyncadd.s32 $0xFFFFC000  }
0xc5: {  	[tilespmem:s25], [sflag:$0x1] =	stream.indirect.gather [hbm4b:s4+s24], $0x80, s9, s24, $0xb8;
	[tilespmem:$0x1D800] =	vst v63  }
0xc6: {  	_ =	swait.ge [sflag:s31], $0x4000  }
0xc7: {  	[sflag:s31] =	ssyncset.done $0x0  }
0xc8: {  	s10 =	simm.s32 $0xE80;
	[sflag:s31] =	ssyncadd.s32 $0xFFFFC000  }
0xc9: {  	[spmem:s1] =	stream.indirect.scatter.add.f32 [tilespmem:s28], [sflag:$0x4], $0x80, s10, s24, $0xb8;
	[tilespmem:$0x1D800] =	vst v63  }
0xca: {  	_ =	swait.ge [sflag:s2], $0x4000  }
0xcb: {  	[sflag:s2] =	ssyncset.done $0x0  }
0xcc: {  	s11 =	simm.s32 $0x380;
	[sflag:s2] =	ssyncadd.s32 $0xFFFFC000  }
0xcd: {  	[tilespmem:s28], [sflag:$0x2] =	stream.indirect.gather [hbm4b:s4+s24], $0x80, s11, s24, $0xb8;
	[tilespmem:$0x1D800] =	vst v63  }
0xce: {  	_ =	swait.ge [sflag:s29], $0x4000  }
0xcf: {  	[sflag:s29] =	ssyncset.done $0x0  }
0xd0: {  	s9 =	simm.s32 $0xF00;
	[sflag:s29] =	ssyncadd.s32 $0xFFFFC000  }
0xd1: {  	[spmem:s1] =	stream.indirect.scatter.add.f32 [tilespmem:s25], [sflag:$0x3], $0x80, s9, s24, $0xb8;
	[tilespmem:$0x1D800] =	vst v63  }
0xd2: {  	_ =	swait.ge [sflag:s26], $0x4000  }
0xd3: {  	[sflag:s26] =	ssyncset.done $0x0  }
0xd4: {  	s10 =	simm.s32 $0x400;
	[sflag:s26] =	ssyncadd.s32 $0xFFFFC000  }
0xd5: {  	[tilespmem:s25], [sflag:$0x1] =	stream.indirect.gather [hbm4b:s4+s24], $0x80, s10, s24, $0xb8;
	[tilespmem:$0x1D800] =	vst v63  }
0xd6: {  	_ =	swait.ge [sflag:s31], $0x4000  }
0xd7: {  	[sflag:s31] =	ssyncset.done $0x0  }
0xd8: {  	s11 =	simm.s32 $0xF80;
	[sflag:s31] =	ssyncadd.s32 $0xFFFFC000  }
0xd9: {  	[spmem:s1] =	stream.indirect.scatter.add.f32 [tilespmem:s28], [sflag:$0x4], $0x80, s11, s24, $0xb8;
	[tilespmem:$0x1D800] =	vst v63  }
0xda: {  	_ =	swait.ge [sflag:s2], $0x4000  }
0xdb: {  	[sflag:s2] =	ssyncset.done $0x0  }
0xdc: {  	s9 =	simm.s32 $0x480;
	[sflag:s2] =	ssyncadd.s32 $0xFFFFC000  }
0xdd: {  	[tilespmem:s28], [sflag:$0x2] =	stream.indirect.gather [hbm4b:s4+s24], $0x80, s9, s24, $0xb8;
	[tilespmem:$0x1D800] =	vst v63  }
0xde: {  	_ =	swait.ge [sflag:s29], $0x4000  }
0xdf: {  	[sflag:s29] =	ssyncset.done $0x0  }
0xe0: {  	s10 =	simm.s32 $0x1000;
	[sflag:s29] =	ssyncadd.s32 $0xFFFFC000  }
0xe1: {  	[spmem:s1] =	stream.indirect.scatter.add.f32 [tilespmem:s25], [sflag:$0x3], $0x80, s10, s24, $0xb8;
	[tilespmem:$0x1D800] =	vst v63  }
0xe2: {  	_ =	swait.ge [sflag:s26], $0x4000  }
0xe3: {  	[sflag:s26] =	ssyncset.done $0x0  }
0xe4: {  	s11 =	simm.s32 $0x500;
	[sflag:s26] =	ssyncadd.s32 $0xFFFFC000  }
0xe5: {  	[tilespmem:s25], [sflag:$0x1] =	stream.indirect.gather [hbm4b:s4+s24], $0x80, s11, s24, $0xb8;
	[tilespmem:$0x1D800] =	vst v63  }
0xe6: {  	_ =	swait.ge [sflag:s31], $0x4000  }
0xe7: {  	[sflag:s31] =	ssyncset.done $0x0  }
0xe8: {  	s9 =	simm.s32 $0x1080;
	[sflag:s31] =	ssyncadd.s32 $0xFFFFC000  }
0xe9: {  	[spmem:s1] =	stream.indirect.scatter.add.f32 [tilespmem:s28], [sflag:$0x4], $0x80, s9, s24, $0xb8;
	[tilespmem:$0x1D800] =	vst v63  }
0xea: {  	_ =	swait.ge [sflag:s2], $0x4000  }
0xeb: {  	[sflag:s2] =	ssyncset.done $0x0  }
0xec: {  	s10 =	simm.s32 $0x580;
	[sflag:s2] =	ssyncadd.s32 $0xFFFFC000  }
0xed: {  	[tilespmem:s28], [sflag:$0x2] =	stream.indirect.gather [hbm4b:s4+s24], $0x80, s10, s24, $0xb8;
	[tilespmem:$0x1D800] =	vst v63  }
0xee: {  	_ =	swait.ge [sflag:s29], $0x4000  }
0xef: {  	[sflag:s29] =	ssyncset.done $0x0  }
0xf0: {  	s11 =	simm.s32 $0x1100;
	[sflag:s29] =	ssyncadd.s32 $0xFFFFC000  }
0xf1: {  	[spmem:s1] =	stream.indirect.scatter.add.f32 [tilespmem:s25], [sflag:$0x3], $0x80, s11, s24, $0xb8;
	[tilespmem:$0x1D800] =	vst v63  }
0xf2: {  	_ =	swait.ge [sflag:s26], $0x4000  }
0xf3: {  	[sflag:s26] =	ssyncset.done $0x0  }
0xf4: {  	s9 =	simm.s32 $0x600;
	[sflag:s26] =	ssyncadd.s32 $0xFFFFC000  }
0xf5: {  	[tilespmem:s25], [sflag:$0x1] =	stream.indirect.gather [hbm4b:s4+s24], $0x80, s9, s24, $0xb8;
	[tilespmem:$0x1D800] =	vst v63  }
0xf6: {  	_ =	swait.ge [sflag:s31], $0x4000  }
0xf7: {  	[sflag:s31] =	ssyncset.done $0x0  }
0xf8: {  	s10 =	simm.s32 $0x1180;
	[sflag:s31] =	ssyncadd.s32 $0xFFFFC000  }
0xf9: {  	[spmem:s1] =	stream.indirect.scatter.add.f32 [tilespmem:s28], [sflag:$0x4], $0x80, s10, s24, $0xb8;
	[tilespmem:$0x1D800] =	vst v63  }
0xfa: {  	_ =	swait.ge [sflag:s2], $0x4000  }
0xfb: {  	[sflag:s2] =	ssyncset.done $0x0  }
0xfc: {  	s11 =	simm.s32 $0x680;
	[sflag:s2] =	ssyncadd.s32 $0xFFFFC000  }
0xfd: {  	[tilespmem:s28], [sflag:$0x2] =	stream.indirect.gather [hbm4b:s4+s24], $0x80, s11, s24, $0xb8;
	[tilespmem:$0x1D800] =	vst v63  }
0xfe: {  	_ =	swait.ge [sflag:s29], $0x4000  }
0xff: {  	[sflag:s29] =	ssyncset.done $0x0  }
0x100: {  	s9 =	simm.s32 $0x1200;
	[sflag:s29] =	ssyncadd.s32 $0xFFFFC000  }
0x101: {  	[spmem:s1] =	stream.indirect.scatter.add.f32 [tilespmem:s25], [sflag:$0x3], $0x80, s9, s24, $0xb8;
	[tilespmem:$0x1D800] =	vst v63  }
0x102: {  	_ =	swait.ge [sflag:s26], $0x4000  }
0x103: {  	[sflag:s26] =	ssyncset.done $0x0  }
0x104: {  	s10 =	simm.s32 $0x700;
	[sflag:s26] =	ssyncadd.s32 $0xFFFFC000  }
0x105: {  	[tilespmem:s25], [sflag:$0x1] =	stream.indirect.gather [hbm4b:s4+s24], $0x80, s10, s24, $0xb8;
	[tilespmem:$0x1D800] =	vst v63  }
0x106: {  	_ =	swait.ge [sflag:s31], $0x4000  }
0x107: {  	[sflag:s31] =	ssyncset.done $0x0  }
0x108: {  	s11 =	simm.s32 $0x1280;
	[sflag:s31] =	ssyncadd.s32 $0xFFFFC000  }
0x109: {  	[spmem:s1] =	stream.indirect.scatter.add.f32 [tilespmem:s28], [sflag:$0x4], $0x80, s11, s24, $0xb8;
	[tilespmem:$0x1D800] =	vst v63  }
0x10a: {  	_ =	swait.ge [sflag:s2], $0x4000  }
0x10b: {  	[sflag:s2] =	ssyncset.done $0x0  }
0x10c: {  	s9 =	simm.s32 $0x780;
	[sflag:s2] =	ssyncadd.s32 $0xFFFFC000  }
0x10d: {  	[tilespmem:s28], [sflag:$0x2] =	stream.indirect.gather [hbm4b:s4+s24], $0x80, s9, s24, $0xb8;
	[tilespmem:$0x1D800] =	vst v63  }
0x10e: {  	_ =	swait.ge [sflag:s29], $0x4000  }
0x10f: {  	[sflag:s29] =	ssyncset.done $0x0  }
0x110: {  	s10 =	simm.s32 $0x1300;
	[sflag:s29] =	ssyncadd.s32 $0xFFFFC000  }
0x111: {  	[spmem:s1] =	stream.indirect.scatter.add.f32 [tilespmem:s25], [sflag:$0x3], $0x80, s10, s24, $0xb8;
	[tilespmem:$0x1D800] =	vst v63  }
0x112: {  	_ =	swait.ge [sflag:s26], $0x4000  }
0x113: {  	[sflag:s26] =	ssyncset.done $0x0  }
0x114: {  	[sflag:s26] =	ssyncadd.s32 $0xFFFFC000  }
0x115: {  	_ =	swait.ge [sflag:s31], $0x4000  }
0x116: {  	[sflag:s31] =	ssyncset.done $0x0  }
0x117: {  	s11 =	simm.s32 $0x1380;
	[sflag:s31] =	ssyncadd.s32 $0xFFFFC000  }
0x118: {  	[spmem:s1] =	stream.indirect.scatter.add.f32 [tilespmem:s28], [sflag:$0x4], $0x80, s11, s24, $0xb8;
	[tilespmem:$0x1D800] =	vst v63  }
0x119: {  	_ =	swait.ge [sflag:s2], $0x4000  }
0x11a: {  	[sflag:s2] =	ssyncset.done $0x0  }
0x11b: {  	[sflag:s2] =	ssyncadd.s32 $0xFFFFC000  }
0x11c: {  	s8 =	sshrl.u32 @p0 s7, $0x3;
	s9 =	simm.s32 @p0 $0x1FC5;
	[bflag:$0x0] =	sbarrier.arrive $0xFFFF  }
0x11d: {  	[hbm:s20], [sflag:s9] =	dma.local @p0 [spmem:s8], $0x2080  }
0x11e: {  	s8 =	simm.s32 @p0 $0x5  }
0x11f: {  	s6 =	sadd.s32 $0x1, s6;
	s9 =	stileid.u32;
	_ =	swait.ge @p0 [sflag:s8], $0x2080  }
0x120: {  	p1 =	sne.s32 s6, s21;
	s9 =	sshll.u32 @!p0 s9, $0x6;
	[sflag:s8] =	ssyncset.done @p0 $0x0  }
0x121: {  	[sflag:s8] =	ssyncadd.s32 @p0 $0xFFFFDF80;
	s8 =	sor.u32 @!p0 $0x1C05, s9;
	s9 =	sshrl.u32 @!p0 s5, $0x3  }
0x122: {  	[hbm:s19], [sflag:s8] =	dma.local @!p0 [spmem:s9], $0x2780  }
.Ltmp2:
0x123: {  	_ = 	snop;
	(pc) =	sbr.rel @p1 .LBB2_1-.Ltmp2, $4  }
0x124: {  	s8 =	simm.s32 @!p0 $0x5  }
0x125: {  	_ =	swait.ge @!p0 [sflag:s8], $0x2780  }
0x126: {  	[sflag:s8] =	ssyncset.done @!p0 $0x0  }
0x127: {  	[sflag:s8] =	ssyncadd.s32 @!p0 $0xFFFFD880  }
0x128: {  	_ =	sfence.sel $0x180000  }
0x129: {  	[bflag:$0x0] =	sbarrier.arrive $0xFFFF  }
0x12a: {  	_ =	strace $0x90000050  }
0x12b: {  	s0 =	stileid.u32;
	[bflag:$0x2] =	sbarrier.arrive $0xFFFF  }
0x12c: {  	p0 =	sne.s32 s0, $0x0;
	s0 =	rddreg [dreg:$0x3]  }
0x12d: {  	s0 =	sadd.s32 @!p0 $0x100000, s0  }
0x12e: {  	[sflag:s0] =	ssyncadd.tile.s32 @!p0 $0x1;
	_ =	shalt  }
.Lfunc_end2:
_tile_overlayer_lowered:
.L_overlay_start_2:
0x12f: {  	(tag) =	ssettag $0x2  }
0x130: {  	s0 =	rddreg [dreg:$0x0];
	s2 =	stileid.u32  }
0x131: {  	s1 =	rddreg [dreg:$0x1];
	p0 =	sne.s32 s2, $0x0  }
0x132: {  	s3 =	rddreg [dreg:$0x2];
	[bflag:$0x3] =	sbarrier.arrive $0xFFFF;
	s2 =	simm.s32 @!p0 $0x1C05  }
0x133: {  	[timem:s3], [sflag:s2] =	dma.local @!p0 [hbm:s0], s1  }
0x134: {  	s0 =	simm.s32 @!p0 $0x5  }
0x135: {  	_ =	swait.ge @!p0 [sflag:s0], s1  }
0x136: {  	s1 =	ssub.s32 @!p0 $0x0, s1;
	[sflag:s0] =	ssyncset.done @!p0 $0x0  }
0x137: {  	[sflag:s0] =	ssyncadd.s32 @!p0 s1  }
0x138: {  	[bflag:$0x3] =	sbarrier.arrive $0xFFFF  }
0x139: {  	_ =	shalt  }

</sc_bundles>
